<compile_context>
chip_gen: v7x
topology: tpu7x:2x2x1
jax: 0.10.2.dev20260603
libtpu: 0.0.44.dev20260713+nightly
codegen_flags: <defaults>
</compile_context>

<pallas_src>
import functools

import jax
import jax.numpy as jnp
from jax import lax
from jax.experimental import pallas as pl
from jax.experimental.pallas import tpu as pltpu
from jax.experimental.pallas import tpu_sc as plsc

_N = 4096
_K = 9
_NCH = 4
_E = _N * _K
_EOUT = _E + 256
_EMBED = 128
_NUM_AA = 21
_BIG = 1e10
_ROWS = 256
_ET = _E // 8



def _sub3(u, v):
    return (u[0] - v[0], u[1] - v[1], u[2] - v[2])


def _cross3(u, v):
    return (u[1] * v[2] - u[2] * v[1],
            u[2] * v[0] - u[0] * v[2],
            u[0] * v[1] - u[1] * v[0])


def _dot3(u, v):
    return u[0] * v[0] + u[1] * v[1] + u[2] * v[2]


def _dihedral3(p0, p1, p2, p3, eps=1e-8):
    b1 = _sub3(p1, p0)
    b2 = _sub3(p2, p1)
    b3 = _sub3(p3, p2)
    n1 = _cross3(b1, b2)
    n2 = _cross3(b2, b3)
    b2n = jnp.sqrt(_dot3(b2, b2))
    b2u = tuple(c / (b2n + eps) for c in b2)
    m1 = _cross3(n1, b2u)
    x = _dot3(n1, n2)
    y = _dot3(m1, n2)
    return jnp.arctan2(y, x + eps)



def _hsin_body(s_ref, rp_ref, emb_ref, inv_ref, h_ref):
    oh = (jax.lax.broadcasted_iota(jnp.int32, (_ROWS, _NUM_AA), 1)
          == s_ref[...]).astype(jnp.float32)
    H = jnp.dot(oh, emb_ref[...], preferred_element_type=jnp.float32)
    arg = rp_ref[...].astype(jnp.float32) * inv_ref[...]
    par = jax.lax.broadcasted_iota(jnp.int32, (_ROWS, _EMBED), 1) % 2 == 0
    h_ref[...] = H + jnp.where(par, jnp.sin(arg), jnp.cos(arg))


def _hsin(S, RP, emb_table):
    j = jnp.arange(_EMBED, dtype=jnp.float32) // 2
    inv = jnp.power(10000.0, -2.0 * j / _EMBED).reshape(1, _EMBED)
    row = lambda i: (i, 0)
    fix = lambda i: (0, 0)
    return pl.pallas_call(
        _hsin_body,
        grid=(_N // _ROWS,),
        in_specs=[
            pl.BlockSpec((_ROWS, 1), row),
            pl.BlockSpec((_ROWS, 1), row),
            pl.BlockSpec((_NUM_AA, _EMBED), fix),
            pl.BlockSpec((1, _EMBED), fix),
        ],
        out_specs=pl.BlockSpec((_ROWS, _EMBED), row),
        out_shape=jax.ShapeDtypeStruct((_N, _EMBED), jnp.float32),
    )(S.reshape(_N, 1), RP.reshape(_N, 1), emb_table, inv)


def _geo_body(xf_ref, xp_ref, xn_ref, ang_ref, frm_ref):
    xf = xf_ref[...]
    xp = xp_ref[...]
    xn = xn_ref[...]

    def r3(arr, k):
        return (arr[k:k + 1, :], arr[k + 1:k + 2, :], arr[k + 2:k + 3, :])

    n0, ca, cc = r3(xf, 0), r3(xf, 3), r3(xf, 6)
    prev_c = r3(xp, 6)
    next_n, next_ca = r3(xn, 0), r3(xn, 3)

    a0 = _dihedral3(prev_c, n0, ca, cc)
    a1 = _dihedral3(n0, ca, cc, next_n)
    a2 = _dihedral3(ca, cc, next_n, next_ca)
    rid = jax.lax.broadcasted_iota(jnp.int32, (1, _N), 1)
    ang_ref[0:1, :] = jnp.where(rid == 0, 0.0, a0)
    ang_ref[1:2, :] = jnp.where(rid == _N - 1, 0.0, a1)
    ang_ref[2:3, :] = jnp.where(rid == _N - 1, 0.0, a2)

    eps = 1e-8
    e1 = _sub3(cc, ca)
    n1 = jnp.sqrt(_dot3(e1, e1))
    e1 = tuple(c / (n1 + eps) for c in e1)
    u = _sub3(n0, ca)
    du = _dot3(u, e1)
    u = (u[0] - du * e1[0], u[1] - du * e1[1], u[2] - du * e1[2])
    nu = jnp.sqrt(_dot3(u, u))
    e2 = tuple(c / (nu + eps) for c in u)
    e3 = _cross3(e1, e2)
    for k, e in enumerate((e1, e2, e3)):
        for c in range(3):
            frm_ref[3 * k + c:3 * k + c + 1, :] = e[c]


def _geometry(XfT):
    XpT = jnp.roll(XfT, 1, axis=1)
    XnT = jnp.roll(XfT, -1, axis=1)
    return pl.pallas_call(
        _geo_body,
        out_shape=[
            jax.ShapeDtypeStruct((3, _N), jnp.float32),
            jax.ShapeDtypeStruct((9, _N), jnp.float32),
        ],
    )(XfT, XpT, XnT)



def _dist_topk_body(xr_ref, xj_ref, xt_ref, bidr_ref, segr_ref, bidc_ref,
                    segc_ref, vals_ref, idx_ref, cnt_ref):
    i = pl.program_id(0)
    Xi = xr_ref[...]
    Xj = xj_ref[...]
    XT = xt_ref[...]
    nb = jnp.sum(XT * XT, axis=0, keepdims=True)
    d2 = jnp.full((_ROWS, _N), jnp.inf, dtype=jnp.float32)
    for a in range(_NCH):
        Xa = Xi[:, 3 * a:3 * a + 3]
        na = jnp.sum(Xa * Xa, axis=1, keepdims=True)
        for b in range(_NCH):
            XTb = XT[:, b * _N:(b + 1) * _N]
            P = jnp.dot(Xa, XTb, preferred_element_type=jnp.float32)
            cur = na + (nb[:, b * _N:(b + 1) * _N] - 2.0 * P)
            d2 = jnp.minimum(d2, cur)
    dist = jnp.sqrt(jnp.maximum(d2, 0.0))
    mask = (bidr_ref[...] == bidc_ref[...]) & (segr_ref[...] == segc_ref[...])
    dist = jnp.where(mask, dist, _BIG)
    colid = jax.lax.broadcasted_iota(jnp.int32, (_ROWS, _N), 1)
    rowid = jax.lax.broadcasted_iota(jnp.int32, (_ROWS, _N), 0) + i * _ROWS
    dist = jnp.where(colid == rowid, dist + _BIG, dist)
    cnt = jnp.zeros((_ROWS, 1), jnp.int32)
    for r in range(_K):
        m = jnp.min(dist, axis=1, keepdims=True)
        idx = jnp.min(jnp.where(dist == m, colid, _N), axis=1, keepdims=True)
        vals_ref[:, r:r + 1] = m
        idx_ref[:, r:r + 1] = idx
        cnt += (m < _BIG).astype(jnp.int32)
        dist = jnp.where(colid == idx, jnp.inf, dist)
    cnt_ref[...] = cnt


def _dist_topk(X, bid, Seg):
    Xf = X.reshape(_N, 12)
    XT = jnp.transpose(X, (2, 1, 0)).reshape(3, _NCH * _N)
    row = lambda i: (i, 0)
    fix = lambda i: (0, 0)
    return pl.pallas_call(
        _dist_topk_body,
        grid=(_N // _ROWS,),
        in_specs=[
            pl.BlockSpec((_ROWS, 12), row),
            pl.BlockSpec((_N, 12), fix),
            pl.BlockSpec((3, _NCH * _N), fix),
            pl.BlockSpec((_ROWS, 1), row),
            pl.BlockSpec((_ROWS, 1), row),
            pl.BlockSpec((1, _N), fix),
            pl.BlockSpec((1, _N), fix),
        ],
        out_specs=[
            pl.BlockSpec((_ROWS, _K), row),
            pl.BlockSpec((_ROWS, _K), row),
            pl.BlockSpec((_ROWS, 1), row),
        ],
        out_shape=[
            jax.ShapeDtypeStruct((_N, _K), jnp.float32),
            jax.ShapeDtypeStruct((_N, _K), jnp.int32),
            jax.ShapeDtypeStruct((_N, 1), jnp.int32),
        ],
    )(Xf, Xf, XT, bid.reshape(_N, 1), Seg.reshape(_N, 1),
      bid.reshape(1, _N), Seg.reshape(1, _N))



def _pos_body(cntc_ref, cntr_ref, idx_ref, pos_ref, ipay_ref, spay_ref,
              tot_ref):
    i = pl.program_id(0)
    cnt = cntc_ref[...]
    cntrow = cntr_ref[...]
    colid = jax.lax.broadcasted_iota(jnp.int32, (_ROWS, _N), 1)
    rid2 = jax.lax.broadcasted_iota(jnp.int32, (_ROWS, _N), 0) + i * _ROWS
    off = jnp.sum(jnp.where(colid < rid2, cntrow, 0), axis=1, keepdims=True)
    rid = jax.lax.broadcasted_iota(jnp.int32, (_ROWS, 1), 0) + i * _ROWS
    zero14 = jnp.zeros((_ROWS, 14), jnp.int32)
    for r in range(_K):
        valid_r = cnt > r
        pos_ref[:, r:r + 1] = jnp.where(valid_r, off + r, _E + r)
        ipay_ref[:, 16 * r:16 * r + 1] = idx_ref[:, r:r + 1]
        ipay_ref[:, 16 * r + 1:16 * r + 2] = rid
        ipay_ref[:, 16 * r + 2:16 * (r + 1)] = zero14
        spay_ref[:, 16 * r:16 * r + 1] = rid * _K + r
        spay_ref[:, 16 * r + 1:16 * (r + 1)] = jnp.zeros((_ROWS, 15), jnp.int32)
    tot = off[_ROWS - 1:_ROWS, :] + cnt[_ROWS - 1:_ROWS, :]
    tot_ref[...] = jnp.broadcast_to(tot, (1, 16))


def _positions(cnt, idxs):
    row = lambda i: (i, 0)
    fix = lambda i: (0, 0)
    return pl.pallas_call(
        _pos_body,
        grid=(_N // _ROWS,),
        in_specs=[
            pl.BlockSpec((_ROWS, 1), row),
            pl.BlockSpec((1, _N), fix),
            pl.BlockSpec((_ROWS, _K), row),
        ],
        out_specs=[
            pl.BlockSpec((_ROWS, _K), row),
            pl.BlockSpec((_ROWS, 16 * _K), row),
            pl.BlockSpec((_ROWS, 16 * _K), row),
            pl.BlockSpec((1, 16), fix),
        ],
        out_shape=[
            jax.ShapeDtypeStruct((_N, _K), jnp.int32),
            jax.ShapeDtypeStruct((_N, 16 * _K), jnp.int32),
            jax.ShapeDtypeStruct((_N, 16 * _K), jnp.int32),
            jax.ShapeDtypeStruct((1, 16), jnp.int32),
        ],
    )(cnt, cnt.reshape(1, _N), idxs)



def _edge_geom_body(gd_ref, gs_ref, vals_ref, attr_ref, v_ref):
    gd = gd_ref[...]
    gs = gs_ref[...]

    def r3(arr, k):
        return (arr[k:k + 1, :], arr[k + 1:k + 2, :], arr[k + 2:k + 3, :])

    xd_n, xd_ca, xd_c = r3(gd, 0), r3(gd, 3), r3(gd, 6)
    xs_n, xs_ca, xs_c = r3(gs, 0), r3(gs, 3), r3(gs, 6)
    phi = _dihedral3(xs_c, xd_n, xd_ca, xd_c)
    psi = _dihedral3(xs_n, xs_ca, xs_c, xd_n)
    attr_ref[0:1, :] = phi
    attr_ref[1:2, :] = psi

    ed = [r3(gd, 12 + 3 * k) for k in range(3)]
    es = [r3(gs, 12 + 3 * k) for k in range(3)]
    u = _sub3(xs_ca, xd_ca)
    for i in range(3):
        attr_ref[2 + i:3 + i, :] = _dot3(ed[i], u)
    for i in range(3):
        for k in range(3):
            attr_ref[5 + 3 * i + k:6 + 3 * i + k, :] = _dot3(ed[i], es[k])

    diff = _sub3(xd_ca, xs_ca)
    dsq = _dot3(diff, diff)
    d_rad = jnp.sqrt(dsq + 1e-8)
    for s in range(15):
        attr_ref[14 + s:15 + s, :] = jnp.exp(-(d_rad - float(s)) ** 2)
    attr_ref[29:32, :] = jnp.zeros((3, _ET), jnp.float32)

    dn = jnp.sqrt(dsq) + 1e-8
    valid = (vals_ref[...] < _BIG).astype(jnp.float32)
    inv2 = 1.0 / (dn * dn)
    inv3 = inv2 / dn
    inv4 = inv2 * inv2
    for o, invo in enumerate((inv2, inv3, inv4)):
        for c in range(3):
            v_ref[3 * o + c:3 * o + c + 1, :] = diff[c] * invo * valid
    v_ref[9:16, :] = jnp.zeros((7, _ET), jnp.float32)


def _edge_geom(gdT, gsT, vals_row):
    col = lambda i: (0, i)
    return pl.pallas_call(
        _edge_geom_body,
        grid=(_E // _ET,),
        in_specs=[
            pl.BlockSpec((32, _ET), col),
            pl.BlockSpec((32, _ET), col),
            pl.BlockSpec((1, _ET), col),
        ],
        out_specs=[
            pl.BlockSpec((32, _ET), col),
            pl.BlockSpec((16, _ET), col),
        ],
        out_shape=[
            jax.ShapeDtypeStruct((32, _E), jnp.float32),
            jax.ShapeDtypeStruct((16, _E), jnp.float32),
        ],
    )(gdT, gsT, vals_row)



def _nforce_body(p0_ref, p1_ref, tot_ref, g0_ref, k0_ref, d00_ref, nv_ref):
    agg = p0_ref[...] + p1_ref[...]
    npad = (_E - tot_ref[0, 0]).astype(jnp.float32)
    g0 = g0_ref[...]
    k0 = k0_ref[...]
    diff0 = [g0[:, 3 + c:4 + c] - k0[:, 3 + c:4 + c] for c in range(3)]
    dsq0 = diff0[0] * diff0[0] + diff0[1] * diff0[1] + diff0[2] * diff0[2]
    dn0 = jnp.sqrt(dsq0) + 1e-8
    i2 = 1.0 / (dn0 * dn0)
    i3 = i2 / dn0
    i4 = i2 * i2
    rowmask = (jax.lax.broadcasted_iota(jnp.int32, (_N, 1), 0) == d00_ref[0, 0])
    cols = []
    for o, invo in enumerate((i2, i3, i4)):
        ac = [agg[:, 3 * o + c:3 * o + c + 1]
              + jnp.where(rowmask, npad * diff0[c] * invo, 0.0)
              for c in range(3)]
        nrm = jnp.sqrt(ac[0] * ac[0] + ac[1] * ac[1] + ac[2] * ac[2]) + 1e-8
        cols.extend([a / nrm for a in ac])
    for c, col in enumerate(cols):
        nv_ref[:, c:c + 1] = col
    nv_ref[:, 9:16] = jnp.zeros((_N, 7), jnp.float32)


def _nforce_finish(part0, part1, tot16, gath0, pack0, dst00):
    return pl.pallas_call(
        _nforce_body,
        out_shape=jax.ShapeDtypeStruct((_N, 16), jnp.float32),
    )(part0, part1, tot16, gath0, pack0, dst00)



def _assemble_body(attr_ref, nd_ref, ns_ref, pay_ref):
    pay_ref[0:29, :] = attr_ref[0:29, :]
    nd = nd_ref[...]
    ns = ns_ref[...]
    for o in range(3):
        prod = (nd[3 * o:3 * o + 1, :] * ns[3 * o:3 * o + 1, :]
                + nd[3 * o + 1:3 * o + 2, :] * ns[3 * o + 1:3 * o + 2, :]
                + nd[3 * o + 2:3 * o + 3, :] * ns[3 * o + 2:3 * o + 3, :])
        pay_ref[29 + o:30 + o, :] = prod


def _assemble(attrT, ndT, nsT):
    col = lambda i: (0, i)
    return pl.pallas_call(
        _assemble_body,
        grid=(_E // _ET,),
        in_specs=[
            pl.BlockSpec((32, _ET), col),
            pl.BlockSpec((16, _ET), col),
            pl.BlockSpec((16, _ET), col),
        ],
        out_specs=pl.BlockSpec((32, _ET), col),
        out_shape=jax.ShapeDtypeStruct((32, _E), jnp.float32),
    )(attrT, ndT, nsT)



_NW = 32
_BW = _E // _NW
_SC_MESH = dict(core_axis_name="c", subcore_axis_name="s")
_SC_PARAMS = pltpu.CompilerParams(use_tc_tiling_on_sc=False)


def _wid():
    return lax.axis_index("s") * 2 + lax.axis_index("c")


def _sc_gather(table, idx):
    D = table.shape[1]

    @functools.partial(
        pl.kernel,
        out_type=jax.ShapeDtypeStruct((_E, D), table.dtype),
        mesh=plsc.VectorSubcoreMesh(**_SC_MESH),
        compiler_params=_SC_PARAMS,
        scratch_types=[
            pltpu.VMEM((_BW,), jnp.int32),
            pltpu.VMEM((_BW, D), table.dtype),
            pltpu.SemaphoreType.DMA,
        ],
    )
    def k(table_hbm, idx_hbm, out_hbm, idx_v, rows_v, sem):
        base = _wid() * _BW
        pltpu.sync_copy(idx_hbm.at[pl.ds(base, _BW)], idx_v)
        pltpu.async_copy(table_hbm.at[idx_v], rows_v, sem).wait()
        pltpu.sync_copy(rows_v, out_hbm.at[pl.ds(base, _BW)])

    return k(table, idx)


def _sc_scatter_add(v, dst):
    zeros = jnp.zeros((_N, 16), jnp.float32)
    rows_per_s = _N // 16

    @functools.partial(
        pl.kernel,
        out_type=jax.ShapeDtypeStruct((2 * _N, 16), jnp.float32),
        mesh=plsc.VectorSubcoreMesh(**_SC_MESH),
        compiler_params=_SC_PARAMS,
        scratch_types=[
            pltpu.VMEM_SHARED((_N, 16), jnp.float32),
            pltpu.VMEM((_BW, 16), jnp.float32),
            pltpu.VMEM((_BW,), jnp.int32),
        ],
    )
    def k(v_hbm, dst_hbm, z_hbm, out_hbm, shared, v_v, idx_v):
        cid = lax.axis_index("c")
        sid = lax.axis_index("s")
        srow = sid * rows_per_s
        pltpu.sync_copy(z_hbm.at[pl.ds(srow, rows_per_s)],
                        shared.at[pl.ds(srow, rows_per_s)])
        plsc.subcore_barrier()
        base = _wid() * _BW
        pltpu.sync_copy(dst_hbm.at[pl.ds(base, _BW)], idx_v)
        pltpu.sync_copy(v_hbm.at[pl.ds(base, _BW)], v_v)
        pltpu.sync_copy(v_v, shared.at[idx_v], add=True)
        plsc.subcore_barrier()
        pltpu.sync_copy(shared.at[pl.ds(srow, rows_per_s)],
                        out_hbm.at[pl.ds(cid * _N + srow, rows_per_s)])

    out = k(v, dst, zeros)
    return out[:_N], out[_N:]


def _sc_scatter_slots(spay2d, pos_flat):

    @functools.partial(
        pl.kernel,
        out_type=jax.ShapeDtypeStruct((_EOUT, 16), jnp.int32),
        mesh=plsc.VectorSubcoreMesh(**_SC_MESH),
        compiler_params=_SC_PARAMS,
        scratch_types=[
            pltpu.VMEM((_BW,), jnp.int32),
            pltpu.VMEM((_BW, 16), jnp.int32),
        ],
    )
    def k(pay_hbm, pos_hbm, out_hbm, pos_v, rows_v):
        base = _wid() * _BW
        pltpu.sync_copy(pos_hbm.at[pl.ds(base, _BW)], pos_v)
        pltpu.sync_copy(pay_hbm.at[pl.ds(base, _BW)], rows_v)
        pltpu.sync_copy(rows_v, out_hbm.at[pos_v])

    return k(spay2d, pos_flat)


def _sel_body(scat_ref, tot_ref, sel_ref):
    i = pl.program_id(0)
    rows = scat_ref.shape[0]
    p = jax.lax.broadcasted_iota(jnp.int32, (rows, 1), 0) + i * rows
    sel_ref[...] = jnp.where(p < tot_ref[0, 0], scat_ref[:, 0:1], 0)


def _sel_from_scat(scat, tot16):
    rows = _E // 16
    return pl.pallas_call(
        _sel_body,
        grid=(16,),
        in_specs=[
            pl.BlockSpec((rows, 16), lambda i: (i, 0)),
            pl.BlockSpec((1, 16), lambda i: (0, 0)),
        ],
        out_specs=pl.BlockSpec((rows, 1), lambda i: (i, 0)),
        out_shape=jax.ShapeDtypeStruct((_E, 1), jnp.int32),
    )(scat[:_E], tot16)



def kernel(X, S, RP, Seg, bid, emb_table):
    Xf = X.reshape(_N, 12)
    H = _hsin(S, RP, emb_table)
    ang, frm = _geometry(Xf.T)
    node_attr = jnp.concatenate([H, ang.T], axis=1)
    pack = jnp.concatenate([Xf, frm.T, jnp.zeros((_N, 11), jnp.float32)],
                           axis=1)
    vals, idxs, cnt = _dist_topk(X, bid, Seg)
    pos, ipay, spay, tot16 = _positions(cnt, idxs)

    dst_flat = idxs.reshape(_E)
    gath = _sc_gather(pack, dst_flat)

    gdT = gath.T
    gsT = jnp.broadcast_to(pack.T[:, :, None], (32, _N, _K)).reshape(32, _E)
    vals_row = vals.reshape(1, _E)
    attrT, vT = _edge_geom(gdT, gsT, vals_row)

    part0, part1 = _sc_scatter_add(vT.T, dst_flat)
    nvecs = _nforce_finish(part0, part1, tot16,
                           gath[0:1, :], pack[0:1, :], idxs[0:1, 0:1])

    nvd = _sc_gather(nvecs, dst_flat)
    nvdT = nvd.T
    nvsT = jnp.broadcast_to(nvecs.T[:, :, None], (16, _N, _K)).reshape(16, _E)
    payT = _assemble(attrT, nvdT, nvsT)

    gpay = payT.T
    ipay2d = ipay.reshape(_E, 16)
    spay2d = spay.reshape(_E, 16)
    scat = _sc_scatter_slots(spay2d, pos.reshape(_E))
    sel = _sel_from_scat(scat, tot16).reshape(_E)
    edge_attr = _sc_gather(gpay, sel)
    ints = _sc_gather(ipay2d, sel)
    edges = jnp.stack([ints[:, 0], ints[:, 1]], axis=0)
    return (node_attr, edges, edge_attr)

# --- scband reference (transcript-rebuilt; emitter-appended) ---
"""Pipeline reference for scband-complex-graph-13271448944742 (READ-ONLY COPY).

The authoritative reference and input builder live on the scoring server;
editing this copy changes nothing except your own understanding.
"""

import jax, jax.numpy as jnp
import numpy as np

EMBED_SIZE = 128
K_NEIGHBORS = 9
NUM_AA = 21
N_NODES = 4096
N_CHANNEL = 4
CA_INDEX = 1
BIGINT = 1e10


def _dihedral(p0, p1, p2, p3, eps=1e-8):
    b1 = p1 - p0
    b2 = p2 - p1
    b3 = p3 - p2
    n1 = jnp.cross(b1, b2)
    n2 = jnp.cross(b2, b3)
    b2n = b2 / (jnp.linalg.norm(b2, axis=-1, keepdims=True) + eps)
    m1 = jnp.cross(n1, b2n)
    x = jnp.sum(n1 * n2, axis=-1)
    y = jnp.sum(m1 * n2, axis=-1)
    return jnp.arctan2(y, x + eps)


def get_backbone_dihedral_angles(X):
    # X: [N, n_channel, 3], channels = (N, CA, C, O); use first 3 atoms
    coord = X[:, :3].reshape(-1, 3)  # [3N, 3]
    ang = _dihedral(coord[:-3], coord[1:-2], coord[2:-1], coord[3:])  # [3N-3]
    ang = jnp.concatenate([jnp.zeros((1,), ang.dtype), ang, jnp.zeros((2,), ang.dtype)])
    return ang.reshape(-1, 3)  # [N, 3] (phi, psi, omega)


def sinusoidal_pos_embed(pos, dim):
    idx = jnp.arange(dim // 2, dtype=jnp.float32)
    inv = jnp.power(10000.0, -2.0 * idx / dim)
    emb = pos.astype(jnp.float32)[:, None] * inv[None, :]
    emb = jnp.stack([jnp.sin(emb), jnp.cos(emb)], axis=-1)
    return emb.reshape(-1, dim)


def construct_knn(X, rule_mat, k):
    # min-over-atom-pairs distance matrix, mask invalid, top-k smallest per row
    N = X.shape[0]
    d2 = jnp.full((N, N), jnp.inf, dtype=jnp.float32)
    for a in range(X.shape[1]):
        for b in range(X.shape[1]):
            xa, xb = X[:, a], X[:, b]
            na = jnp.sum(xa * xa, axis=1)
            nb = jnp.sum(xb * xb, axis=1)
            cur = na[:, None] + nb[None, :] - 2.0 * (xa @ xb.T)
            d2 = jnp.minimum(d2, cur)
    dist = jnp.sqrt(jnp.clip(d2, 0.0, None))
    dist = jnp.where(rule_mat, dist, BIGINT)
    dist = dist + jnp.eye(N, dtype=dist.dtype) * BIGINT  # kill self edges
    neg_vals, dst = jax.lax.top_k(-dist, k)
    dist_nb = (-neg_vals).reshape(-1)
    src = jnp.repeat(jnp.arange(N), k)
    dst = dst.reshape(-1)
    valid = dist_nb < BIGINT
    (sel,) = jnp.nonzero(valid, size=src.shape[0], fill_value=0)
    src = src[sel]
    dst = dst[sel]
    return jnp.stack([dst, src], axis=0)


def pairwise_dihedrals(X, edges):
    dst, src = edges[0], edges[1]
    Na, CA, C = 0, 1, 2
    ir_phi = _dihedral(X[src, C], X[dst, Na], X[dst, CA], X[dst, C])
    ir_psi = _dihedral(X[src, Na], X[src, CA], X[src, C], X[dst, Na])
    return jnp.stack([ir_phi, ir_psi], axis=1)  # [E, 2]


def _local_frame(X, eps=1e-8):
    n, ca, c = X[:, 0], X[:, 1], X[:, 2]
    e1 = c - ca
    e1 = e1 / (jnp.linalg.norm(e1, axis=-1, keepdims=True) + eps)
    u = n - ca
    u = u - jnp.sum(u * e1, axis=-1, keepdims=True) * e1
    e2 = u / (jnp.linalg.norm(u, axis=-1, keepdims=True) + eps)
    e3 = jnp.cross(e1, e2)
    R = jnp.stack([e1, e2, e3], axis=-1)  # [N, 3, 3]
    return R, ca


def reletive_position_orientation(X, edges):
    dst, src = edges[0], edges[1]
    R, ca = _local_frame(X)
    Rd, Rs = R[dst], R[src]
    rel_pos = jnp.einsum('eji,ej->ei', Rd, ca[src] - ca[dst])  # [E, 3] in dst frame
    rel_ori = jnp.einsum('eji,ejk->eik', Rd, Rs).reshape(-1, 9)  # [E, 9]
    return jnp.concatenate([rel_pos, rel_ori], axis=1)  # [E, 12]


def coord2radialplus(edges, X_ca, scale):
    dst, src = edges[0], edges[1]
    diff = X_ca[dst] - X_ca[src]
    d = jnp.sqrt(jnp.sum(diff * diff, axis=-1) + 1e-8)
    feats = jnp.stack([jnp.exp(-(d - float(s)) ** 2) for s in scale], axis=1)
    return feats, diff  # [E, len(scale)]


def coord2nforce(edges, X_ca, order):
    dst, src = edges[0], edges[1]
    diff = X_ca[dst] - X_ca[src]
    d = jnp.linalg.norm(diff, axis=-1, keepdims=True) + 1e-8
    vecs = []
    for o in order:
        v = diff / (d ** o)
        agg = jax.ops.segment_sum(v, dst, num_segments=X_ca.shape[0])
        agg = agg / (jnp.linalg.norm(agg, axis=-1, keepdims=True) + 1e-8)
        vecs.append(agg)
    return jnp.stack(vecs, axis=1)  # [N, len(order), 3]


def vec2product(edges, nvecs):
    dst, src = edges[0], edges[1]
    return jnp.sum(nvecs[dst] * nvecs[src], axis=-1)  # [E, len(order)]


def pairwise_embedding(X, edges):
    dihed = pairwise_dihedrals(X, edges)  # [E, 2]
    rpo = reletive_position_orientation(X, edges)  # [E, 12]
    radialplus, _ = coord2radialplus(edges, X[:, CA_INDEX], scale=list(range(15)))  # [E, 15]
    nvecs = coord2nforce(edges, X[:, CA_INDEX], order=[2, 3, 4])
    nprod = vec2product(edges, nvecs)  # [E, 3]
    return jnp.concatenate([dihed, rpo, radialplus, nprod], axis=1)  # [E, 32]


def setup_inputs(seed: int = 0) -> dict:
    key = jax.random.key(seed)
    k1, k2, k3, k4, k5, k6 = jax.random.split(key, 6)
    X = jax.random.normal(k1, (N_NODES, N_CHANNEL, 3), dtype=jnp.float32)
    S = jax.random.randint(k2, (N_NODES,), 0, NUM_AA)
    RP = jax.random.randint(k3, (N_NODES,), 0, 512)
    Seg = jnp.sort(jax.random.randint(k4, (N_NODES,), 0, 3))
    bid = jnp.sort(jax.random.randint(k5, (N_NODES,), 0, 8))
    emb_table = jax.random.normal(k6, (NUM_AA, EMBED_SIZE), dtype=jnp.float32)
    return {"X": X, "S": S, "RP": RP, "Seg": Seg, "bid": bid, "emb_table": emb_table}


def reference(X, S, RP, Seg, bid, emb_table):
    H = jnp.take(emb_table, S, axis=0) + sinusoidal_pos_embed(RP, EMBED_SIZE)
    node_attr = jnp.concatenate([H, get_backbone_dihedral_angles(X)], axis=-1)
    same_bid = bid[:, None] == bid[None, :]
    same_seg = Seg[:, None] == Seg[None, :]
    edges = construct_knn(X, jnp.logical_and(same_bid, same_seg), K_NEIGHBORS)
    edge_attr = pairwise_embedding(X, edges)
    return (node_attr, edges, edge_attr)

if __name__ == "__main__":
    import jax
    _d = setup_inputs()
    print(jax.jit(kernel)(*tuple(_d.values())))

</pallas_src>

<mosaic_0001>
#map = affine_map<(d0, d1) -> (0, 0)>
#map1 = affine_map<(d0, d1) -> (0)>
module attributes {stable_mosaic.version = 14 : i64} {
  func.func @k(%arg0: i32, %arg1: i32, %arg2: memref<4096x32xf32, #tpu.memory_space<hbm>>, %arg3: memref<36864xi32, #tpu.memory_space<hbm>>, %arg4: memref<36864x32xf32, #tpu.memory_space<hbm>>, %arg5: memref<1152xi32, #tpu.memory_space<vmem>>, %arg6: memref<1152x32xf32, #tpu.memory_space<vmem>>, %arg7: memref<!tpu.dma_semaphore, #tpu.memory_space<semaphore_mem>>) attributes {dimension_semantics = [#tpu.dimension_semantics<core_parallel>, #tpu.dimension_semantics<subcore_parallel>], iteration_bounds = array<i64: 2, 16>, scalar_prefetch = 0 : i64, scratch_operands = 3 : i64, tpu.core_type = #tpu.core_type<sc_vector_subcore>, window_params = [{transform_indices = #map}, {transform_indices = #map1}, {transform_indices = #map}]} {
    %mul3A = arith.constant 2 : i32
    %mul3A_0 = arith.muli %arg1, %mul3A : i32
    %add3A = arith.addi %mul3A_0, %arg0 : i32
    %mul3A_1 = arith.constant 1152 : i32
    %mul3A_2 = arith.muli %add3A, %mul3A_1 : i32
    "tpu.region"() ({
      %run_scoped3A = tpu.sem_alloc : memref<!tpu.dma_semaphore, #tpu.memory_space<semaphore_mem>>
      %dma_start3A_7 = tpu.memref_slice %arg3[%mul3A_2] : memref<36864xi32, #tpu.memory_space<hbm>> -> memref<1152xi32, #tpu.memory_space<hbm>>
      %dma_start3A_8 = tpu.memref_slice %arg3[%mul3A_2] : memref<36864xi32, #tpu.memory_space<hbm>> -> memref<1152xi32, #tpu.memory_space<hbm>>
      tpu.enqueue_dma source(%dma_start3A_8 : memref<1152xi32, #tpu.memory_space<hbm>>) target(%arg5 : memref<1152xi32, #tpu.memory_space<vmem>>) target_semaphore(%run_scoped3A : memref<!tpu.dma_semaphore, #tpu.memory_space<semaphore_mem>>)
      %dma_wait3A_9 = tpu.memref_slice %arg3[%mul3A_2] : memref<36864xi32, #tpu.memory_space<hbm>> -> memref<1152xi32, #tpu.memory_space<hbm>>
      %dma_wait3A_10 = tpu.memref_slice %arg3[%mul3A_2] : memref<36864xi32, #tpu.memory_space<hbm>> -> memref<1152xi32, #tpu.memory_space<hbm>>
      tpu.wait_dma2 semaphore(%run_scoped3A : memref<!tpu.dma_semaphore, #tpu.memory_space<semaphore_mem>>) src(%dma_wait3A_10 : memref<1152xi32, #tpu.memory_space<hbm>>) dst(%arg5 : memref<1152xi32, #tpu.memory_space<vmem>>)
      tpu.yield
    }) : () -> ()
    %dma_start3A = arith.constant 0 : i32
    %dma_start3A_3 = arith.constant 0 : i32
    %dma_start3A_4 = tpu.memref_slice %arg2[%dma_start3A, %dma_start3A_3] : memref<4096x32xf32, #tpu.memory_space<hbm>> -> memref<4096x32xf32, #tpu.memory_space<hbm>>
    tpu.enqueue_indirect_dma source(%dma_start3A_4 : memref<4096x32xf32, #tpu.memory_space<hbm>>) target(%arg6 : memref<1152x32xf32, #tpu.memory_space<vmem>>) offsets(%arg5 : memref<1152xi32, #tpu.memory_space<vmem>>) semaphore(%arg7 : memref<!tpu.dma_semaphore, #tpu.memory_space<semaphore_mem>>)
    %dma_wait3A = arith.constant 0 : i32
    %dma_wait3A_5 = arith.constant 0 : i32
    %dma_wait3A_6 = tpu.memref_slice %arg2[%dma_wait3A, %dma_wait3A_5] : memref<4096x32xf32, #tpu.memory_space<hbm>> -> memref<4096x32xf32, #tpu.memory_space<hbm>>
    tpu.wait_indirect_dma semaphore(%arg7 : memref<!tpu.dma_semaphore, #tpu.memory_space<semaphore_mem>>) src(%dma_wait3A_6 : memref<4096x32xf32, #tpu.memory_space<hbm>>) dst(%arg6 : memref<1152x32xf32, #tpu.memory_space<vmem>>)
    "tpu.region"() ({
      %run_scoped3A = tpu.sem_alloc : memref<!tpu.dma_semaphore, #tpu.memory_space<semaphore_mem>>
      %dma_start3A_7 = arith.constant 0 : i32
      %dma_start3A_8 = tpu.memref_slice %arg4[%mul3A_2, %dma_start3A_7] : memref<36864x32xf32, #tpu.memory_space<hbm>> -> memref<1152x32xf32, #tpu.memory_space<hbm>>
      %dma_start3A_9 = arith.constant 0 : i32
      %dma_start3A_10 = tpu.memref_slice %arg4[%mul3A_2, %dma_start3A_9] : memref<36864x32xf32, #tpu.memory_space<hbm>> -> memref<1152x32xf32, #tpu.memory_space<hbm>>
      tpu.enqueue_dma source(%arg6 : memref<1152x32xf32, #tpu.memory_space<vmem>>) target(%dma_start3A_10 : memref<1152x32xf32, #tpu.memory_space<hbm>>) target_semaphore(%run_scoped3A : memref<!tpu.dma_semaphore, #tpu.memory_space<semaphore_mem>>)
      %dma_wait3A_11 = arith.constant 0 : i32
      %dma_wait3A_12 = tpu.memref_slice %arg4[%mul3A_2, %dma_wait3A_11] : memref<36864x32xf32, #tpu.memory_space<hbm>> -> memref<1152x32xf32, #tpu.memory_space<hbm>>
      %dma_wait3A_13 = arith.constant 0 : i32
      %dma_wait3A_14 = tpu.memref_slice %arg4[%mul3A_2, %dma_wait3A_13] : memref<36864x32xf32, #tpu.memory_space<hbm>> -> memref<1152x32xf32, #tpu.memory_space<hbm>>
      tpu.wait_dma2 semaphore(%run_scoped3A : memref<!tpu.dma_semaphore, #tpu.memory_space<semaphore_mem>>) src(%arg6 : memref<1152x32xf32, #tpu.memory_space<vmem>>) dst(%dma_wait3A_14 : memref<1152x32xf32, #tpu.memory_space<hbm>>)
      tpu.yield
    }) : () -> ()
    return
  }
}

#map = affine_map<(d0, d1) -> (0, 0)>
#map1 = affine_map<(d0, d1) -> (0)>
module attributes {stable_mosaic.version = 14 : i64} {
  func.func @k(%arg0: i32, %arg1: i32, %arg2: memref<36864x16xf32, #tpu.memory_space<hbm>>, %arg3: memref<36864xi32, #tpu.memory_space<hbm>>, %arg4: memref<4096x16xf32, #tpu.memory_space<hbm>>, %arg5: memref<8192x16xf32, #tpu.memory_space<hbm>>, %arg6: memref<4096x16xf32, #tpu.memory_space<vmem_shared>>, %arg7: memref<1152x16xf32, #tpu.memory_space<vmem>>, %arg8: memref<1152xi32, #tpu.memory_space<vmem>>) attributes {dimension_semantics = [#tpu.dimension_semantics<core_parallel>, #tpu.dimension_semantics<subcore_parallel>], iteration_bounds = array<i64: 2, 16>, scalar_prefetch = 0 : i64, scratch_operands = 3 : i64, tpu.core_type = #tpu.core_type<sc_vector_subcore>, window_params = [{transform_indices = #map}, {transform_indices = #map1}, {transform_indices = #map}, {transform_indices = #map}]} {
    %mul3A = arith.constant 256 : i32
    %mul3A_0 = arith.muli %arg1, %mul3A : i32
    "tpu.region"() ({
      %run_scoped3A = tpu.sem_alloc : memref<!tpu.dma_semaphore, #tpu.memory_space<semaphore_mem>>
      %dma_start3A = arith.constant 0 : i32
      %dma_start3A_9 = tpu.memref_slice %arg6[%mul3A_0, %dma_start3A] : memref<4096x16xf32, #tpu.memory_space<vmem_shared>> -> memref<256x16xf32, #tpu.memory_space<vmem_shared>>
      %dma_start3A_10 = arith.constant 0 : i32
      %dma_start3A_11 = tpu.memref_slice %arg4[%mul3A_0, %dma_start3A_10] : memref<4096x16xf32, #tpu.memory_space<hbm>> -> memref<256x16xf32, #tpu.memory_space<hbm>>
      tpu.enqueue_dma source(%dma_start3A_11 : memref<256x16xf32, #tpu.memory_space<hbm>>) target(%dma_start3A_9 : memref<256x16xf32, #tpu.memory_space<vmem_shared>>) target_semaphore(%run_scoped3A : memref<!tpu.dma_semaphore, #tpu.memory_space<semaphore_mem>>)
      %dma_wait3A = arith.constant 0 : i32
      %dma_wait3A_12 = tpu.memref_slice %arg6[%mul3A_0, %dma_wait3A] : memref<4096x16xf32, #tpu.memory_space<vmem_shared>> -> memref<256x16xf32, #tpu.memory_space<vmem_shared>>
      %dma_wait3A_13 = arith.constant 0 : i32
      %dma_wait3A_14 = tpu.memref_slice %arg4[%mul3A_0, %dma_wait3A_13] : memref<4096x16xf32, #tpu.memory_space<hbm>> -> memref<256x16xf32, #tpu.memory_space<hbm>>
      tpu.wait_dma2 semaphore(%run_scoped3A : memref<!tpu.dma_semaphore, #tpu.memory_space<semaphore_mem>>) src(%dma_wait3A_14 : memref<256x16xf32, #tpu.memory_space<hbm>>) dst(%dma_wait3A_12 : memref<256x16xf32, #tpu.memory_space<vmem_shared>>)
      tpu.yield
    }) : () -> ()
    %barrier3A = arith.constant 0 : index
    tpu.barrier barrier_id(%barrier3A)
    %mul3A_1 = arith.constant 2 : i32
    %mul3A_2 = arith.muli %arg1, %mul3A_1 : i32
    %add3A = arith.addi %mul3A_2, %arg0 : i32
    %mul3A_3 = arith.constant 1152 : i32
    %mul3A_4 = arith.muli %add3A, %mul3A_3 : i32
    "tpu.region"() ({
      %run_scoped3A = tpu.sem_alloc : memref<!tpu.dma_semaphore, #tpu.memory_space<semaphore_mem>>
      %dma_start3A = tpu.memref_slice %arg3[%mul3A_4] : memref<36864xi32, #tpu.memory_space<hbm>> -> memref<1152xi32, #tpu.memory_space<hbm>>
      %dma_start3A_9 = tpu.memref_slice %arg3[%mul3A_4] : memref<36864xi32, #tpu.memory_space<hbm>> -> memref<1152xi32, #tpu.memory_space<hbm>>
      tpu.enqueue_dma source(%dma_start3A_9 : memref<1152xi32, #tpu.memory_space<hbm>>) target(%arg8 : memref<1152xi32, #tpu.memory_space<vmem>>) target_semaphore(%run_scoped3A : memref<!tpu.dma_semaphore, #tpu.memory_space<semaphore_mem>>)
      %dma_wait3A = tpu.memref_slice %arg3[%mul3A_4] : memref<36864xi32, #tpu.memory_space<hbm>> -> memref<1152xi32, #tpu.memory_space<hbm>>
      %dma_wait3A_10 = tpu.memref_slice %arg3[%mul3A_4] : memref<36864xi32, #tpu.memory_space<hbm>> -> memref<1152xi32, #tpu.memory_space<hbm>>
      tpu.wait_dma2 semaphore(%run_scoped3A : memref<!tpu.dma_semaphore, #tpu.memory_space<semaphore_mem>>) src(%dma_wait3A_10 : memref<1152xi32, #tpu.memory_space<hbm>>) dst(%arg8 : memref<1152xi32, #tpu.memory_space<vmem>>)
      tpu.yield
    }) : () -> ()
    "tpu.region"() ({
      %run_scoped3A = tpu.sem_alloc : memref<!tpu.dma_semaphore, #tpu.memory_space<semaphore_mem>>
      %dma_start3A = arith.constant 0 : i32
      %dma_start3A_9 = tpu.memref_slice %arg2[%mul3A_4, %dma_start3A] : memref<36864x16xf32, #tpu.memory_space<hbm>> -> memref<1152x16xf32, #tpu.memory_space<hbm>>
      %dma_start3A_10 = arith.constant 0 : i32
      %dma_start3A_11 = tpu.memref_slice %arg2[%mul3A_4, %dma_start3A_10] : memref<36864x16xf32, #tpu.memory_space<hbm>> -> memref<1152x16xf32, #tpu.memory_space<hbm>>
      tpu.enqueue_dma source(%dma_start3A_11 : memref<1152x16xf32, #tpu.memory_space<hbm>>) target(%arg7 : memref<1152x16xf32, #tpu.memory_space<vmem>>) target_semaphore(%run_scoped3A : memref<!tpu.dma_semaphore, #tpu.memory_space<semaphore_mem>>)
      %dma_wait3A = arith.constant 0 : i32
      %dma_wait3A_12 = tpu.memref_slice %arg2[%mul3A_4, %dma_wait3A] : memref<36864x16xf32, #tpu.memory_space<hbm>> -> memref<1152x16xf32, #tpu.memory_space<hbm>>
      %dma_wait3A_13 = arith.constant 0 : i32
      %dma_wait3A_14 = tpu.memref_slice %arg2[%mul3A_4, %dma_wait3A_13] : memref<36864x16xf32, #tpu.memory_space<hbm>> -> memref<1152x16xf32, #tpu.memory_space<hbm>>
      tpu.wait_dma2 semaphore(%run_scoped3A : memref<!tpu.dma_semaphore, #tpu.memory_space<semaphore_mem>>) src(%dma_wait3A_14 : memref<1152x16xf32, #tpu.memory_space<hbm>>) dst(%arg7 : memref<1152x16xf32, #tpu.memory_space<vmem>>)
      tpu.yield
    }) : () -> ()
    "tpu.region"() ({
      %run_scoped3A = tpu.sem_alloc : memref<!tpu.dma_semaphore, #tpu.memory_space<semaphore_mem>>
      %dma_start3A = arith.constant 0 : i32
      %dma_start3A_9 = arith.constant 0 : i32
      %dma_start3A_10 = tpu.memref_slice %arg6[%dma_start3A, %dma_start3A_9] : memref<4096x16xf32, #tpu.memory_space<vmem_shared>> -> memref<4096x16xf32, #tpu.memory_space<vmem_shared>>
      tpu.enqueue_indirect_dma source(%arg7 : memref<1152x16xf32, #tpu.memory_space<vmem>>) target(%dma_start3A_10 : memref<4096x16xf32, #tpu.memory_space<vmem_shared>>) offsets(%arg8 : memref<1152xi32, #tpu.memory_space<vmem>>) semaphore(%run_scoped3A : memref<!tpu.dma_semaphore, #tpu.memory_space<semaphore_mem>>) {add = true}
      %dma_wait3A = arith.constant 0 : i32
      %dma_wait3A_11 = arith.constant 0 : i32
      %dma_wait3A_12 = tpu.memref_slice %arg6[%dma_wait3A, %dma_wait3A_11] : memref<4096x16xf32, #tpu.memory_space<vmem_shared>> -> memref<4096x16xf32, #tpu.memory_space<vmem_shared>>
      tpu.wait_indirect_dma semaphore(%run_scoped3A : memref<!tpu.dma_semaphore, #tpu.memory_space<semaphore_mem>>) src(%arg7 : memref<1152x16xf32, #tpu.memory_space<vmem>>) dst(%dma_wait3A_12 : memref<4096x16xf32, #tpu.memory_space<vmem_shared>>)
      tpu.yield
    }) : () -> ()
    %barrier3A_5 = arith.constant 0 : index
    tpu.barrier barrier_id(%barrier3A_5)
    %mul3A_6 = arith.constant 4096 : i32
    %mul3A_7 = arith.muli %arg0, %mul3A_6 : i32
    %add3A_8 = arith.addi %mul3A_7, %mul3A_0 : i32
    "tpu.region"() ({
      %run_scoped3A = tpu.sem_alloc : memref<!tpu.dma_semaphore, #tpu.memory_space<semaphore_mem>>
      %dma_start3A = arith.constant 0 : i32
      %dma_start3A_9 = tpu.memref_slice %arg5[%add3A_8, %dma_start3A] : memref<8192x16xf32, #tpu.memory_space<hbm>> -> memref<256x16xf32, #tpu.memory_space<hbm>>
      %dma_start3A_10 = arith.constant 0 : i32
      %dma_start3A_11 = tpu.memref_slice %arg6[%mul3A_0, %dma_start3A_10] : memref<4096x16xf32, #tpu.memory_space<vmem_shared>> -> memref<256x16xf32, #tpu.memory_space<vmem_shared>>
      tpu.enqueue_dma source(%dma_start3A_11 : memref<256x16xf32, #tpu.memory_space<vmem_shared>>) target(%dma_start3A_9 : memref<256x16xf32, #tpu.memory_space<hbm>>) target_semaphore(%run_scoped3A : memref<!tpu.dma_semaphore, #tpu.memory_space<semaphore_mem>>)
      %dma_wait3A = arith.constant 0 : i32
      %dma_wait3A_12 = tpu.memref_slice %arg5[%add3A_8, %dma_wait3A] : memref<8192x16xf32, #tpu.memory_space<hbm>> -> memref<256x16xf32, #tpu.memory_space<hbm>>
      %dma_wait3A_13 = arith.constant 0 : i32
      %dma_wait3A_14 = tpu.memref_slice %arg6[%mul3A_0, %dma_wait3A_13] : memref<4096x16xf32, #tpu.memory_space<vmem_shared>> -> memref<256x16xf32, #tpu.memory_space<vmem_shared>>
      tpu.wait_dma2 semaphore(%run_scoped3A : memref<!tpu.dma_semaphore, #tpu.memory_space<semaphore_mem>>) src(%dma_wait3A_14 : memref<256x16xf32, #tpu.memory_space<vmem_shared>>) dst(%dma_wait3A_12 : memref<256x16xf32, #tpu.memory_space<hbm>>)
      tpu.yield
    }) : () -> ()
    return
  }
}

#map = affine_map<(d0, d1) -> (0, 0)>
#map1 = affine_map<(d0, d1) -> (0)>
module attributes {stable_mosaic.version = 14 : i64} {
  func.func @k(%arg0: i32, %arg1: i32, %arg2: memref<36864x16xi32, #tpu.memory_space<hbm>>, %arg3: memref<36864xi32, #tpu.memory_space<hbm>>, %arg4: memref<37120x16xi32, #tpu.memory_space<hbm>>, %arg5: memref<1152xi32, #tpu.memory_space<vmem>>, %arg6: memref<1152x16xi32, #tpu.memory_space<vmem>>) attributes {dimension_semantics = [#tpu.dimension_semantics<core_parallel>, #tpu.dimension_semantics<subcore_parallel>], iteration_bounds = array<i64: 2, 16>, scalar_prefetch = 0 : i64, scratch_operands = 2 : i64, tpu.core_type = #tpu.core_type<sc_vector_subcore>, window_params = [{transform_indices = #map}, {transform_indices = #map1}, {transform_indices = #map}]} {
    %mul3A = arith.constant 2 : i32
    %mul3A_0 = arith.muli %arg1, %mul3A : i32
    %add3A = arith.addi %mul3A_0, %arg0 : i32
    %mul3A_1 = arith.constant 1152 : i32
    %mul3A_2 = arith.muli %add3A, %mul3A_1 : i32
    "tpu.region"() ({
      %run_scoped3A = tpu.sem_alloc : memref<!tpu.dma_semaphore, #tpu.memory_space<semaphore_mem>>
      %dma_start3A = tpu.memref_slice %arg3[%mul3A_2] : memref<36864xi32, #tpu.memory_space<hbm>> -> memref<1152xi32, #tpu.memory_space<hbm>>
      %dma_start3A_3 = tpu.memref_slice %arg3[%mul3A_2] : memref<36864xi32, #tpu.memory_space<hbm>> -> memref<1152xi32, #tpu.memory_space<hbm>>
      tpu.enqueue_dma source(%dma_start3A_3 : memref<1152xi32, #tpu.memory_space<hbm>>) target(%arg5 : memref<1152xi32, #tpu.memory_space<vmem>>) target_semaphore(%run_scoped3A : memref<!tpu.dma_semaphore, #tpu.memory_space<semaphore_mem>>)
      %dma_wait3A = tpu.memref_slice %arg3[%mul3A_2] : memref<36864xi32, #tpu.memory_space<hbm>> -> memref<1152xi32, #tpu.memory_space<hbm>>
      %dma_wait3A_4 = tpu.memref_slice %arg3[%mul3A_2] : memref<36864xi32, #tpu.memory_space<hbm>> -> memref<1152xi32, #tpu.memory_space<hbm>>
      tpu.wait_dma2 semaphore(%run_scoped3A : memref<!tpu.dma_semaphore, #tpu.memory_space<semaphore_mem>>) src(%dma_wait3A_4 : memref<1152xi32, #tpu.memory_space<hbm>>) dst(%arg5 : memref<1152xi32, #tpu.memory_space<vmem>>)
      tpu.yield
    }) : () -> ()
    "tpu.region"() ({
      %run_scoped3A = tpu.sem_alloc : memref<!tpu.dma_semaphore, #tpu.memory_space<semaphore_mem>>
      %dma_start3A = arith.constant 0 : i32
      %dma_start3A_3 = tpu.memref_slice %arg2[%mul3A_2, %dma_start3A] : memref<36864x16xi32, #tpu.memory_space<hbm>> -> memref<1152x16xi32, #tpu.memory_space<hbm>>
      %dma_start3A_4 = arith.constant 0 : i32
      %dma_start3A_5 = tpu.memref_slice %arg2[%mul3A_2, %dma_start3A_4] : memref<36864x16xi32, #tpu.memory_space<hbm>> -> memref<1152x16xi32, #tpu.memory_space<hbm>>
      tpu.enqueue_dma source(%dma_start3A_5 : memref<1152x16xi32, #tpu.memory_space<hbm>>) target(%arg6 : memref<1152x16xi32, #tpu.memory_space<vmem>>) target_semaphore(%run_scoped3A : memref<!tpu.dma_semaphore, #tpu.memory_space<semaphore_mem>>)
      %dma_wait3A = arith.constant 0 : i32
      %dma_wait3A_6 = tpu.memref_slice %arg2[%mul3A_2, %dma_wait3A] : memref<36864x16xi32, #tpu.memory_space<hbm>> -> memref<1152x16xi32, #tpu.memory_space<hbm>>
      %dma_wait3A_7 = arith.constant 0 : i32
      %dma_wait3A_8 = tpu.memref_slice %arg2[%mul3A_2, %dma_wait3A_7] : memref<36864x16xi32, #tpu.memory_space<hbm>> -> memref<1152x16xi32, #tpu.memory_space<hbm>>
      tpu.wait_dma2 semaphore(%run_scoped3A : memref<!tpu.dma_semaphore, #tpu.memory_space<semaphore_mem>>) src(%dma_wait3A_8 : memref<1152x16xi32, #tpu.memory_space<hbm>>) dst(%arg6 : memref<1152x16xi32, #tpu.memory_space<vmem>>)
      tpu.yield
    }) : () -> ()
    "tpu.region"() ({
      %run_scoped3A = tpu.sem_alloc : memref<!tpu.dma_semaphore, #tpu.memory_space<semaphore_mem>>
      %dma_start3A = arith.constant 0 : i32
      %dma_start3A_3 = arith.constant 0 : i32
      %dma_start3A_4 = tpu.memref_slice %arg4[%dma_start3A, %dma_start3A_3] : memref<37120x16xi32, #tpu.memory_space<hbm>> -> memref<37120x16xi32, #tpu.memory_space<hbm>>
      tpu.enqueue_indirect_dma source(%arg6 : memref<1152x16xi32, #tpu.memory_space<vmem>>) target(%dma_start3A_4 : memref<37120x16xi32, #tpu.memory_space<hbm>>) offsets(%arg5 : memref<1152xi32, #tpu.memory_space<vmem>>) semaphore(%run_scoped3A : memref<!tpu.dma_semaphore, #tpu.memory_space<semaphore_mem>>)
      %dma_wait3A = arith.constant 0 : i32
      %dma_wait3A_5 = arith.constant 0 : i32
      %dma_wait3A_6 = tpu.memref_slice %arg4[%dma_wait3A, %dma_wait3A_5] : memref<37120x16xi32, #tpu.memory_space<hbm>> -> memref<37120x16xi32, #tpu.memory_space<hbm>>
      tpu.wait_indirect_dma semaphore(%run_scoped3A : memref<!tpu.dma_semaphore, #tpu.memory_space<semaphore_mem>>) src(%arg6 : memref<1152x16xi32, #tpu.memory_space<vmem>>) dst(%dma_wait3A_6 : memref<37120x16xi32, #tpu.memory_space<hbm>>)
      tpu.yield
    }) : () -> ()
    return
  }
}

#map = affine_map<(d0, d1) -> (0, 0)>
#map1 = affine_map<(d0, d1) -> (0)>
module attributes {stable_mosaic.version = 14 : i64} {
  func.func @k(%arg0: i32, %arg1: i32, %arg2: memref<4096x16xf32, #tpu.memory_space<hbm>>, %arg3: memref<36864xi32, #tpu.memory_space<hbm>>, %arg4: memref<36864x16xf32, #tpu.memory_space<hbm>>, %arg5: memref<1152xi32, #tpu.memory_space<vmem>>, %arg6: memref<1152x16xf32, #tpu.memory_space<vmem>>, %arg7: memref<!tpu.dma_semaphore, #tpu.memory_space<semaphore_mem>>) attributes {dimension_semantics = [#tpu.dimension_semantics<core_parallel>, #tpu.dimension_semantics<subcore_parallel>], iteration_bounds = array<i64: 2, 16>, scalar_prefetch = 0 : i64, scratch_operands = 3 : i64, tpu.core_type = #tpu.core_type<sc_vector_subcore>, window_params = [{transform_indices = #map}, {transform_indices = #map1}, {transform_indices = #map}]} {
    %mul3A = arith.constant 2 : i32
    %mul3A_0 = arith.muli %arg1, %mul3A : i32
    %add3A = arith.addi %mul3A_0, %arg0 : i32
    %mul3A_1 = arith.constant 1152 : i32
    %mul3A_2 = arith.muli %add3A, %mul3A_1 : i32
    "tpu.region"() ({
      %run_scoped3A = tpu.sem_alloc : memref<!tpu.dma_semaphore, #tpu.memory_space<semaphore_mem>>
      %dma_start3A_7 = tpu.memref_slice %arg3[%mul3A_2] : memref<36864xi32, #tpu.memory_space<hbm>> -> memref<1152xi32, #tpu.memory_space<hbm>>
      %dma_start3A_8 = tpu.memref_slice %arg3[%mul3A_2] : memref<36864xi32, #tpu.memory_space<hbm>> -> memref<1152xi32, #tpu.memory_space<hbm>>
      tpu.enqueue_dma source(%dma_start3A_8 : memref<1152xi32, #tpu.memory_space<hbm>>) target(%arg5 : memref<1152xi32, #tpu.memory_space<vmem>>) target_semaphore(%run_scoped3A : memref<!tpu.dma_semaphore, #tpu.memory_space<semaphore_mem>>)
      %dma_wait3A_9 = tpu.memref_slice %arg3[%mul3A_2] : memref<36864xi32, #tpu.memory_space<hbm>> -> memref<1152xi32, #tpu.memory_space<hbm>>
      %dma_wait3A_10 = tpu.memref_slice %arg3[%mul3A_2] : memref<36864xi32, #tpu.memory_space<hbm>> -> memref<1152xi32, #tpu.memory_space<hbm>>
      tpu.wait_dma2 semaphore(%run_scoped3A : memref<!tpu.dma_semaphore, #tpu.memory_space<semaphore_mem>>) src(%dma_wait3A_10 : memref<1152xi32, #tpu.memory_space<hbm>>) dst(%arg5 : memref<1152xi32, #tpu.memory_space<vmem>>)
      tpu.yield
    }) : () -> ()
    %dma_start3A = arith.constant 0 : i32
    %dma_start3A_3 = arith.constant 0 : i32
    %dma_start3A_4 = tpu.memref_slice %arg2[%dma_start3A, %dma_start3A_3] : memref<4096x16xf32, #tpu.memory_space<hbm>> -> memref<4096x16xf32, #tpu.memory_space<hbm>>
    tpu.enqueue_indirect_dma source(%dma_start3A_4 : memref<4096x16xf32, #tpu.memory_space<hbm>>) target(%arg6 : memref<1152x16xf32, #tpu.memory_space<vmem>>) offsets(%arg5 : memref<1152xi32, #tpu.memory_space<vmem>>) semaphore(%arg7 : memref<!tpu.dma_semaphore, #tpu.memory_space<semaphore_mem>>)
    %dma_wait3A = arith.constant 0 : i32
    %dma_wait3A_5 = arith.constant 0 : i32
    %dma_wait3A_6 = tpu.memref_slice %arg2[%dma_wait3A, %dma_wait3A_5] : memref<4096x16xf32, #tpu.memory_space<hbm>> -> memref<4096x16xf32, #tpu.memory_space<hbm>>
    tpu.wait_indirect_dma semaphore(%arg7 : memref<!tpu.dma_semaphore, #tpu.memory_space<semaphore_mem>>) src(%dma_wait3A_6 : memref<4096x16xf32, #tpu.memory_space<hbm>>) dst(%arg6 : memref<1152x16xf32, #tpu.memory_space<vmem>>)
    "tpu.region"() ({
      %run_scoped3A = tpu.sem_alloc : memref<!tpu.dma_semaphore, #tpu.memory_space<semaphore_mem>>
      %dma_start3A_7 = arith.constant 0 : i32
      %dma_start3A_8 = tpu.memref_slice %arg4[%mul3A_2, %dma_start3A_7] : memref<36864x16xf32, #tpu.memory_space<hbm>> -> memref<1152x16xf32, #tpu.memory_space<hbm>>
      %dma_start3A_9 = arith.constant 0 : i32
      %dma_start3A_10 = tpu.memref_slice %arg4[%mul3A_2, %dma_start3A_9] : memref<36864x16xf32, #tpu.memory_space<hbm>> -> memref<1152x16xf32, #tpu.memory_space<hbm>>
      tpu.enqueue_dma source(%arg6 : memref<1152x16xf32, #tpu.memory_space<vmem>>) target(%dma_start3A_10 : memref<1152x16xf32, #tpu.memory_space<hbm>>) target_semaphore(%run_scoped3A : memref<!tpu.dma_semaphore, #tpu.memory_space<semaphore_mem>>)
      %dma_wait3A_11 = arith.constant 0 : i32
      %dma_wait3A_12 = tpu.memref_slice %arg4[%mul3A_2, %dma_wait3A_11] : memref<36864x16xf32, #tpu.memory_space<hbm>> -> memref<1152x16xf32, #tpu.memory_space<hbm>>
      %dma_wait3A_13 = arith.constant 0 : i32
      %dma_wait3A_14 = tpu.memref_slice %arg4[%mul3A_2, %dma_wait3A_13] : memref<36864x16xf32, #tpu.memory_space<hbm>> -> memref<1152x16xf32, #tpu.memory_space<hbm>>
      tpu.wait_dma2 semaphore(%run_scoped3A : memref<!tpu.dma_semaphore, #tpu.memory_space<semaphore_mem>>) src(%arg6 : memref<1152x16xf32, #tpu.memory_space<vmem>>) dst(%dma_wait3A_14 : memref<1152x16xf32, #tpu.memory_space<hbm>>)
      tpu.yield
    }) : () -> ()
    return
  }
}

#map = affine_map<(d0, d1) -> (0, 0)>
#map1 = affine_map<(d0, d1) -> (0)>
module attributes {stable_mosaic.version = 14 : i64} {
  func.func @k(%arg0: i32, %arg1: i32, %arg2: memref<36864x16xi32, #tpu.memory_space<hbm>>, %arg3: memref<36864xi32, #tpu.memory_space<hbm>>, %arg4: memref<36864x16xi32, #tpu.memory_space<hbm>>, %arg5: memref<1152xi32, #tpu.memory_space<vmem>>, %arg6: memref<1152x16xi32, #tpu.memory_space<vmem>>, %arg7: memref<!tpu.dma_semaphore, #tpu.memory_space<semaphore_mem>>) attributes {dimension_semantics = [#tpu.dimension_semantics<core_parallel>, #tpu.dimension_semantics<subcore_parallel>], iteration_bounds = array<i64: 2, 16>, scalar_prefetch = 0 : i64, scratch_operands = 3 : i64, tpu.core_type = #tpu.core_type<sc_vector_subcore>, window_params = [{transform_indices = #map}, {transform_indices = #map1}, {transform_indices = #map}]} {
    %mul3A = arith.constant 2 : i32
    %mul3A_0 = arith.muli %arg1, %mul3A : i32
    %add3A = arith.addi %mul3A_0, %arg0 : i32
    %mul3A_1 = arith.constant 1152 : i32
    %mul3A_2 = arith.muli %add3A, %mul3A_1 : i32
    "tpu.region"() ({
      %run_scoped3A = tpu.sem_alloc : memref<!tpu.dma_semaphore, #tpu.memory_space<semaphore_mem>>
      %dma_start3A_7 = tpu.memref_slice %arg3[%mul3A_2] : memref<36864xi32, #tpu.memory_space<hbm>> -> memref<1152xi32, #tpu.memory_space<hbm>>
      %dma_start3A_8 = tpu.memref_slice %arg3[%mul3A_2] : memref<36864xi32, #tpu.memory_space<hbm>> -> memref<1152xi32, #tpu.memory_space<hbm>>
      tpu.enqueue_dma source(%dma_start3A_8 : memref<1152xi32, #tpu.memory_space<hbm>>) target(%arg5 : memref<1152xi32, #tpu.memory_space<vmem>>) target_semaphore(%run_scoped3A : memref<!tpu.dma_semaphore, #tpu.memory_space<semaphore_mem>>)
      %dma_wait3A_9 = tpu.memref_slice %arg3[%mul3A_2] : memref<36864xi32, #tpu.memory_space<hbm>> -> memref<1152xi32, #tpu.memory_space<hbm>>
      %dma_wait3A_10 = tpu.memref_slice %arg3[%mul3A_2] : memref<36864xi32, #tpu.memory_space<hbm>> -> memref<1152xi32, #tpu.memory_space<hbm>>
      tpu.wait_dma2 semaphore(%run_scoped3A : memref<!tpu.dma_semaphore, #tpu.memory_space<semaphore_mem>>) src(%dma_wait3A_10 : memref<1152xi32, #tpu.memory_space<hbm>>) dst(%arg5 : memref<1152xi32, #tpu.memory_space<vmem>>)
      tpu.yield
    }) : () -> ()
    %dma_start3A = arith.constant 0 : i32
    %dma_start3A_3 = arith.constant 0 : i32
    %dma_start3A_4 = tpu.memref_slice %arg2[%dma_start3A, %dma_start3A_3] : memref<36864x16xi32, #tpu.memory_space<hbm>> -> memref<36864x16xi32, #tpu.memory_space<hbm>>
    tpu.enqueue_indirect_dma source(%dma_start3A_4 : memref<36864x16xi32, #tpu.memory_space<hbm>>) target(%arg6 : memref<1152x16xi32, #tpu.memory_space<vmem>>) offsets(%arg5 : memref<1152xi32, #tpu.memory_space<vmem>>) semaphore(%arg7 : memref<!tpu.dma_semaphore, #tpu.memory_space<semaphore_mem>>)
    %dma_wait3A = arith.constant 0 : i32
    %dma_wait3A_5 = arith.constant 0 : i32
    %dma_wait3A_6 = tpu.memref_slice %arg2[%dma_wait3A, %dma_wait3A_5] : memref<36864x16xi32, #tpu.memory_space<hbm>> -> memref<36864x16xi32, #tpu.memory_space<hbm>>
    tpu.wait_indirect_dma semaphore(%arg7 : memref<!tpu.dma_semaphore, #tpu.memory_space<semaphore_mem>>) src(%dma_wait3A_6 : memref<36864x16xi32, #tpu.memory_space<hbm>>) dst(%arg6 : memref<1152x16xi32, #tpu.memory_space<vmem>>)
    "tpu.region"() ({
      %run_scoped3A = tpu.sem_alloc : memref<!tpu.dma_semaphore, #tpu.memory_space<semaphore_mem>>
      %dma_start3A_7 = arith.constant 0 : i32
      %dma_start3A_8 = tpu.memref_slice %arg4[%mul3A_2, %dma_start3A_7] : memref<36864x16xi32, #tpu.memory_space<hbm>> -> memref<1152x16xi32, #tpu.memory_space<hbm>>
      %dma_start3A_9 = arith.constant 0 : i32
      %dma_start3A_10 = tpu.memref_slice %arg4[%mul3A_2, %dma_start3A_9] : memref<36864x16xi32, #tpu.memory_space<hbm>> -> memref<1152x16xi32, #tpu.memory_space<hbm>>
      tpu.enqueue_dma source(%arg6 : memref<1152x16xi32, #tpu.memory_space<vmem>>) target(%dma_start3A_10 : memref<1152x16xi32, #tpu.memory_space<hbm>>) target_semaphore(%run_scoped3A : memref<!tpu.dma_semaphore, #tpu.memory_space<semaphore_mem>>)
      %dma_wait3A_11 = arith.constant 0 : i32
      %dma_wait3A_12 = tpu.memref_slice %arg4[%mul3A_2, %dma_wait3A_11] : memref<36864x16xi32, #tpu.memory_space<hbm>> -> memref<1152x16xi32, #tpu.memory_space<hbm>>
      %dma_wait3A_13 = arith.constant 0 : i32
      %dma_wait3A_14 = tpu.memref_slice %arg4[%mul3A_2, %dma_wait3A_13] : memref<36864x16xi32, #tpu.memory_space<hbm>> -> memref<1152x16xi32, #tpu.memory_space<hbm>>
      tpu.wait_dma2 semaphore(%run_scoped3A : memref<!tpu.dma_semaphore, #tpu.memory_space<semaphore_mem>>) src(%arg6 : memref<1152x16xi32, #tpu.memory_space<vmem>>) dst(%dma_wait3A_14 : memref<1152x16xi32, #tpu.memory_space<hbm>>)
      tpu.yield
    }) : () -> ()
    return
  }
}

#map = affine_map<(d0, d1) -> (0, 0)>
#map1 = affine_map<(d0, d1) -> (0)>
module attributes {stable_mosaic.version = 14 : i64} {
  func.func @k(%arg0: i32, %arg1: i32, %arg2: memref<36864x32xf32, #tpu.memory_space<hbm>>, %arg3: memref<36864xi32, #tpu.memory_space<hbm>>, %arg4: memref<36864x32xf32, #tpu.memory_space<hbm>>, %arg5: memref<1152xi32, #tpu.memory_space<vmem>>, %arg6: memref<1152x32xf32, #tpu.memory_space<vmem>>, %arg7: memref<!tpu.dma_semaphore, #tpu.memory_space<semaphore_mem>>) attributes {dimension_semantics = [#tpu.dimension_semantics<core_parallel>, #tpu.dimension_semantics<subcore_parallel>], iteration_bounds = array<i64: 2, 16>, scalar_prefetch = 0 : i64, scratch_operands = 3 : i64, tpu.core_type = #tpu.core_type<sc_vector_subcore>, window_params = [{transform_indices = #map}, {transform_indices = #map1}, {transform_indices = #map}]} {
    %mul3A = arith.constant 2 : i32
    %mul3A_0 = arith.muli %arg1, %mul3A : i32
    %add3A = arith.addi %mul3A_0, %arg0 : i32
    %mul3A_1 = arith.constant 1152 : i32
    %mul3A_2 = arith.muli %add3A, %mul3A_1 : i32
    "tpu.region"() ({
      %run_scoped3A = tpu.sem_alloc : memref<!tpu.dma_semaphore, #tpu.memory_space<semaphore_mem>>
      %dma_start3A_7 = tpu.memref_slice %arg3[%mul3A_2] : memref<36864xi32, #tpu.memory_space<hbm>> -> memref<1152xi32, #tpu.memory_space<hbm>>
      %dma_start3A_8 = tpu.memref_slice %arg3[%mul3A_2] : memref<36864xi32, #tpu.memory_space<hbm>> -> memref<1152xi32, #tpu.memory_space<hbm>>
      tpu.enqueue_dma source(%dma_start3A_8 : memref<1152xi32, #tpu.memory_space<hbm>>) target(%arg5 : memref<1152xi32, #tpu.memory_space<vmem>>) target_semaphore(%run_scoped3A : memref<!tpu.dma_semaphore, #tpu.memory_space<semaphore_mem>>)
      %dma_wait3A_9 = tpu.memref_slice %arg3[%mul3A_2] : memref<36864xi32, #tpu.memory_space<hbm>> -> memref<1152xi32, #tpu.memory_space<hbm>>
      %dma_wait3A_10 = tpu.memref_slice %arg3[%mul3A_2] : memref<36864xi32, #tpu.memory_space<hbm>> -> memref<1152xi32, #tpu.memory_space<hbm>>
      tpu.wait_dma2 semaphore(%run_scoped3A : memref<!tpu.dma_semaphore, #tpu.memory_space<semaphore_mem>>) src(%dma_wait3A_10 : memref<1152xi32, #tpu.memory_space<hbm>>) dst(%arg5 : memref<1152xi32, #tpu.memory_space<vmem>>)
      tpu.yield
    }) : () -> ()
    %dma_start3A = arith.constant 0 : i32
    %dma_start3A_3 = arith.constant 0 : i32
    %dma_start3A_4 = tpu.memref_slice %arg2[%dma_start3A, %dma_start3A_3] : memref<36864x32xf32, #tpu.memory_space<hbm>> -> memref<36864x32xf32, #tpu.memory_space<hbm>>
    tpu.enqueue_indirect_dma source(%dma_start3A_4 : memref<36864x32xf32, #tpu.memory_space<hbm>>) target(%arg6 : memref<1152x32xf32, #tpu.memory_space<vmem>>) offsets(%arg5 : memref<1152xi32, #tpu.memory_space<vmem>>) semaphore(%arg7 : memref<!tpu.dma_semaphore, #tpu.memory_space<semaphore_mem>>)
    %dma_wait3A = arith.constant 0 : i32
    %dma_wait3A_5 = arith.constant 0 : i32
    %dma_wait3A_6 = tpu.memref_slice %arg2[%dma_wait3A, %dma_wait3A_5] : memref<36864x32xf32, #tpu.memory_space<hbm>> -> memref<36864x32xf32, #tpu.memory_space<hbm>>
    tpu.wait_indirect_dma semaphore(%arg7 : memref<!tpu.dma_semaphore, #tpu.memory_space<semaphore_mem>>) src(%dma_wait3A_6 : memref<36864x32xf32, #tpu.memory_space<hbm>>) dst(%arg6 : memref<1152x32xf32, #tpu.memory_space<vmem>>)
    "tpu.region"() ({
      %run_scoped3A = tpu.sem_alloc : memref<!tpu.dma_semaphore, #tpu.memory_space<semaphore_mem>>
      %dma_start3A_7 = arith.constant 0 : i32
      %dma_start3A_8 = tpu.memref_slice %arg4[%mul3A_2, %dma_start3A_7] : memref<36864x32xf32, #tpu.memory_space<hbm>> -> memref<1152x32xf32, #tpu.memory_space<hbm>>
      %dma_start3A_9 = arith.constant 0 : i32
      %dma_start3A_10 = tpu.memref_slice %arg4[%mul3A_2, %dma_start3A_9] : memref<36864x32xf32, #tpu.memory_space<hbm>> -> memref<1152x32xf32, #tpu.memory_space<hbm>>
      tpu.enqueue_dma source(%arg6 : memref<1152x32xf32, #tpu.memory_space<vmem>>) target(%dma_start3A_10 : memref<1152x32xf32, #tpu.memory_space<hbm>>) target_semaphore(%run_scoped3A : memref<!tpu.dma_semaphore, #tpu.memory_space<semaphore_mem>>)
      %dma_wait3A_11 = arith.constant 0 : i32
      %dma_wait3A_12 = tpu.memref_slice %arg4[%mul3A_2, %dma_wait3A_11] : memref<36864x32xf32, #tpu.memory_space<hbm>> -> memref<1152x32xf32, #tpu.memory_space<hbm>>
      %dma_wait3A_13 = arith.constant 0 : i32
      %dma_wait3A_14 = tpu.memref_slice %arg4[%mul3A_2, %dma_wait3A_13] : memref<36864x32xf32, #tpu.memory_space<hbm>> -> memref<1152x32xf32, #tpu.memory_space<hbm>>
      tpu.wait_dma2 semaphore(%run_scoped3A : memref<!tpu.dma_semaphore, #tpu.memory_space<semaphore_mem>>) src(%arg6 : memref<1152x32xf32, #tpu.memory_space<vmem>>) dst(%dma_wait3A_14 : memref<1152x32xf32, #tpu.memory_space<hbm>>)
      tpu.yield
    }) : () -> ()
    return
  }
}

module attributes {stable_mosaic.version = 14 : i64} {
  func.func @_geo_body(%arg0: memref<12x4096xf32, #tpu.memory_space<vmem>>, %arg1: memref<12x4096xf32, #tpu.memory_space<vmem>>, %arg2: memref<12x4096xf32, #tpu.memory_space<vmem>>, %arg3: memref<3x4096xf32, #tpu.memory_space<vmem>>, %arg4: memref<9x4096xf32, #tpu.memory_space<vmem>>) attributes {dimension_semantics = [], scalar_prefetch = 0 : i64, scratch_operands = 0 : i64, tpu.core_type = #tpu.core_type<tc>} {
    %get3A = arith.constant 0 : index
    %get3A_0 = arith.constant 0 : index
    %get3A_1 = vector.load %arg0[%get3A, %get3A_0] : memref<12x4096xf32, #tpu.memory_space<vmem>>, vector<12x4096xf32>
    %get3A_2 = arith.constant 0 : index
    %get3A_3 = arith.constant 0 : index
    %get3A_4 = vector.load %arg1[%get3A_2, %get3A_3] : memref<12x4096xf32, #tpu.memory_space<vmem>>, vector<12x4096xf32>
    %get3A_5 = arith.constant 0 : index
    %get3A_6 = arith.constant 0 : index
    %get3A_7 = vector.load %arg2[%get3A_5, %get3A_6] : memref<12x4096xf32, #tpu.memory_space<vmem>>, vector<12x4096xf32>
    %slice3A = vector.extract_strided_slice %get3A_1 {offsets = [0, 0], sizes = [1, 4096], strides = [1, 1]} : vector<12x4096xf32> to vector<1x4096xf32>
    %slice3A_8 = vector.extract_strided_slice %get3A_1 {offsets = [1, 0], sizes = [1, 4096], strides = [1, 1]} : vector<12x4096xf32> to vector<1x4096xf32>
    %slice3A_9 = vector.extract_strided_slice %get3A_1 {offsets = [2, 0], sizes = [1, 4096], strides = [1, 1]} : vector<12x4096xf32> to vector<1x4096xf32>
    %slice3A_10 = vector.extract_strided_slice %get3A_1 {offsets = [3, 0], sizes = [1, 4096], strides = [1, 1]} : vector<12x4096xf32> to vector<1x4096xf32>
    %slice3A_11 = vector.extract_strided_slice %get3A_1 {offsets = [4, 0], sizes = [1, 4096], strides = [1, 1]} : vector<12x4096xf32> to vector<1x4096xf32>
    %slice3A_12 = vector.extract_strided_slice %get3A_1 {offsets = [5, 0], sizes = [1, 4096], strides = [1, 1]} : vector<12x4096xf32> to vector<1x4096xf32>
    %slice3A_13 = vector.extract_strided_slice %get3A_1 {offsets = [6, 0], sizes = [1, 4096], strides = [1, 1]} : vector<12x4096xf32> to vector<1x4096xf32>
    %slice3A_14 = vector.extract_strided_slice %get3A_1 {offsets = [7, 0], sizes = [1, 4096], strides = [1, 1]} : vector<12x4096xf32> to vector<1x4096xf32>
    %slice3A_15 = vector.extract_strided_slice %get3A_1 {offsets = [8, 0], sizes = [1, 4096], strides = [1, 1]} : vector<12x4096xf32> to vector<1x4096xf32>
    %slice3A_16 = vector.extract_strided_slice %get3A_4 {offsets = [6, 0], sizes = [1, 4096], strides = [1, 1]} : vector<12x4096xf32> to vector<1x4096xf32>
    %slice3A_17 = vector.extract_strided_slice %get3A_4 {offsets = [7, 0], sizes = [1, 4096], strides = [1, 1]} : vector<12x4096xf32> to vector<1x4096xf32>
    %slice3A_18 = vector.extract_strided_slice %get3A_4 {offsets = [8, 0], sizes = [1, 4096], strides = [1, 1]} : vector<12x4096xf32> to vector<1x4096xf32>
    %slice3A_19 = vector.extract_strided_slice %get3A_7 {offsets = [0, 0], sizes = [1, 4096], strides = [1, 1]} : vector<12x4096xf32> to vector<1x4096xf32>
    %slice3A_20 = vector.extract_strided_slice %get3A_7 {offsets = [1, 0], sizes = [1, 4096], strides = [1, 1]} : vector<12x4096xf32> to vector<1x4096xf32>
    %slice3A_21 = vector.extract_strided_slice %get3A_7 {offsets = [2, 0], sizes = [1, 4096], strides = [1, 1]} : vector<12x4096xf32> to vector<1x4096xf32>
    %slice3A_22 = vector.extract_strided_slice %get3A_7 {offsets = [3, 0], sizes = [1, 4096], strides = [1, 1]} : vector<12x4096xf32> to vector<1x4096xf32>
    %slice3A_23 = vector.extract_strided_slice %get3A_7 {offsets = [4, 0], sizes = [1, 4096], strides = [1, 1]} : vector<12x4096xf32> to vector<1x4096xf32>
    %slice3A_24 = vector.extract_strided_slice %get3A_7 {offsets = [5, 0], sizes = [1, 4096], strides = [1, 1]} : vector<12x4096xf32> to vector<1x4096xf32>
    %sub3A = arith.subf %slice3A, %slice3A_16 : vector<1x4096xf32>
    %sub3A_25 = arith.subf %slice3A_8, %slice3A_17 : vector<1x4096xf32>
    %sub3A_26 = arith.subf %slice3A_9, %slice3A_18 : vector<1x4096xf32>
    %sub3A_27 = arith.subf %slice3A_10, %slice3A : vector<1x4096xf32>
    %sub3A_28 = arith.subf %slice3A_11, %slice3A_8 : vector<1x4096xf32>
    %sub3A_29 = arith.subf %slice3A_12, %slice3A_9 : vector<1x4096xf32>
    %sub3A_30 = arith.subf %slice3A_13, %slice3A_10 : vector<1x4096xf32>
    %sub3A_31 = arith.subf %slice3A_14, %slice3A_11 : vector<1x4096xf32>
    %sub3A_32 = arith.subf %slice3A_15, %slice3A_12 : vector<1x4096xf32>
    %mul3A = arith.mulf %sub3A_25, %sub3A_29 : vector<1x4096xf32>
    %mul3A_33 = arith.mulf %sub3A_26, %sub3A_28 : vector<1x4096xf32>
    %sub3A_34 = arith.subf %mul3A, %mul3A_33 : vector<1x4096xf32>
    %mul3A_35 = arith.mulf %sub3A_26, %sub3A_27 : vector<1x4096xf32>
    %mul3A_36 = arith.mulf %sub3A, %sub3A_29 : vector<1x4096xf32>
    %sub3A_37 = arith.subf %mul3A_35, %mul3A_36 : vector<1x4096xf32>
    %mul3A_38 = arith.mulf %sub3A, %sub3A_28 : vector<1x4096xf32>
    %mul3A_39 = arith.mulf %sub3A_25, %sub3A_27 : vector<1x4096xf32>
    %sub3A_40 = arith.subf %mul3A_38, %mul3A_39 : vector<1x4096xf32>
    %mul3A_41 = arith.mulf %sub3A_28, %sub3A_32 : vector<1x4096xf32>
    %mul3A_42 = arith.mulf %sub3A_29, %sub3A_31 : vector<1x4096xf32>
    %sub3A_43 = arith.subf %mul3A_41, %mul3A_42 : vector<1x4096xf32>
    %mul3A_44 = arith.mulf %sub3A_29, %sub3A_30 : vector<1x4096xf32>
    %mul3A_45 = arith.mulf %sub3A_27, %sub3A_32 : vector<1x4096xf32>
    %sub3A_46 = arith.subf %mul3A_44, %mul3A_45 : vector<1x4096xf32>
    %mul3A_47 = arith.mulf %sub3A_27, %sub3A_31 : vector<1x4096xf32>
    %mul3A_48 = arith.mulf %sub3A_28, %sub3A_30 : vector<1x4096xf32>
    %sub3A_49 = arith.subf %mul3A_47, %mul3A_48 : vector<1x4096xf32>
    %mul3A_50 = arith.mulf %sub3A_27, %sub3A_27 : vector<1x4096xf32>
    %mul3A_51 = arith.mulf %sub3A_28, %sub3A_28 : vector<1x4096xf32>
    %add3A = arith.addf %mul3A_50, %mul3A_51 : vector<1x4096xf32>
    %mul3A_52 = arith.mulf %sub3A_29, %sub3A_29 : vector<1x4096xf32>
    %add3A_53 = arith.addf %add3A, %mul3A_52 : vector<1x4096xf32>
    %sqrt3A = math.sqrt %add3A_53 : vector<1x4096xf32>
    %add3A_54 = arith.constant 9.99999993E-9 : f32
    %add3A_55 = vector.broadcast %add3A_54 : f32 to vector<1x4096xf32>
    %add3A_56 = arith.addf %sqrt3A, %add3A_55 : vector<1x4096xf32>
    %div3A = arith.divf %sub3A_27, %add3A_56 : vector<1x4096xf32>
    %add3A_57 = arith.constant 9.99999993E-9 : f32
    %add3A_58 = vector.broadcast %add3A_57 : f32 to vector<1x4096xf32>
    %add3A_59 = arith.addf %sqrt3A, %add3A_58 : vector<1x4096xf32>
    %div3A_60 = arith.divf %sub3A_28, %add3A_59 : vector<1x4096xf32>
    %add3A_61 = arith.constant 9.99999993E-9 : f32
    %add3A_62 = vector.broadcast %add3A_61 : f32 to vector<1x4096xf32>
    %add3A_63 = arith.addf %sqrt3A, %add3A_62 : vector<1x4096xf32>
    %div3A_64 = arith.divf %sub3A_29, %add3A_63 : vector<1x4096xf32>
    %mul3A_65 = arith.mulf %sub3A_37, %div3A_64 : vector<1x4096xf32>
    %mul3A_66 = arith.mulf %sub3A_40, %div3A_60 : vector<1x4096xf32>
    %sub3A_67 = arith.subf %mul3A_65, %mul3A_66 : vector<1x4096xf32>
    %mul3A_68 = arith.mulf %sub3A_40, %div3A : vector<1x4096xf32>
    %mul3A_69 = arith.mulf %sub3A_34, %div3A_64 : vector<1x4096xf32>
    %sub3A_70 = arith.subf %mul3A_68, %mul3A_69 : vector<1x4096xf32>
    %mul3A_71 = arith.mulf %sub3A_34, %div3A_60 : vector<1x4096xf32>
    %mul3A_72 = arith.mulf %sub3A_37, %div3A : vector<1x4096xf32>
    %sub3A_73 = arith.subf %mul3A_71, %mul3A_72 : vector<1x4096xf32>
    %mul3A_74 = arith.mulf %sub3A_34, %sub3A_43 : vector<1x4096xf32>
    %mul3A_75 = arith.mulf %sub3A_37, %sub3A_46 : vector<1x4096xf32>
    %add3A_76 = arith.addf %mul3A_74, %mul3A_75 : vector<1x4096xf32>
    %mul3A_77 = arith.mulf %sub3A_40, %sub3A_49 : vector<1x4096xf32>
    %add3A_78 = arith.addf %add3A_76, %mul3A_77 : vector<1x4096xf32>
    %mul3A_79 = arith.mulf %sub3A_67, %sub3A_43 : vector<1x4096xf32>
    %mul3A_80 = arith.mulf %sub3A_70, %sub3A_46 : vector<1x4096xf32>
    %add3A_81 = arith.addf %mul3A_79, %mul3A_80 : vector<1x4096xf32>
    %mul3A_82 = arith.mulf %sub3A_73, %sub3A_49 : vector<1x4096xf32>
    %add3A_83 = arith.addf %add3A_81, %mul3A_82 : vector<1x4096xf32>
    %add3A_84 = arith.constant 9.99999993E-9 : f32
    %add3A_85 = vector.broadcast %add3A_84 : f32 to vector<1x4096xf32>
    %add3A_86 = arith.addf %add3A_78, %add3A_85 : vector<1x4096xf32>
    %atan23A = math.atan2 %add3A_83, %add3A_86 : vector<1x4096xf32>
    %sub3A_87 = arith.subf %slice3A_10, %slice3A : vector<1x4096xf32>
    %sub3A_88 = arith.subf %slice3A_11, %slice3A_8 : vector<1x4096xf32>
    %sub3A_89 = arith.subf %slice3A_12, %slice3A_9 : vector<1x4096xf32>
    %sub3A_90 = arith.subf %slice3A_13, %slice3A_10 : vector<1x4096xf32>
    %sub3A_91 = arith.subf %slice3A_14, %slice3A_11 : vector<1x4096xf32>
    %sub3A_92 = arith.subf %slice3A_15, %slice3A_12 : vector<1x4096xf32>
    %sub3A_93 = arith.subf %slice3A_19, %slice3A_13 : vector<1x4096xf32>
    %sub3A_94 = arith.subf %slice3A_20, %slice3A_14 : vector<1x4096xf32>
    %sub3A_95 = arith.subf %slice3A_21, %slice3A_15 : vector<1x4096xf32>
    %mul3A_96 = arith.mulf %sub3A_88, %sub3A_92 : vector<1x4096xf32>
    %mul3A_97 = arith.mulf %sub3A_89, %sub3A_91 : vector<1x4096xf32>
    %sub3A_98 = arith.subf %mul3A_96, %mul3A_97 : vector<1x4096xf32>
    %mul3A_99 = arith.mulf %sub3A_89, %sub3A_90 : vector<1x4096xf32>
    %mul3A_100 = arith.mulf %sub3A_87, %sub3A_92 : vector<1x4096xf32>
    %sub3A_101 = arith.subf %mul3A_99, %mul3A_100 : vector<1x4096xf32>
    %mul3A_102 = arith.mulf %sub3A_87, %sub3A_91 : vector<1x4096xf32>
    %mul3A_103 = arith.mulf %sub3A_88, %sub3A_90 : vector<1x4096xf32>
    %sub3A_104 = arith.subf %mul3A_102, %mul3A_103 : vector<1x4096xf32>
    %mul3A_105 = arith.mulf %sub3A_91, %sub3A_95 : vector<1x4096xf32>
    %mul3A_106 = arith.mulf %sub3A_92, %sub3A_94 : vector<1x4096xf32>
    %sub3A_107 = arith.subf %mul3A_105, %mul3A_106 : vector<1x4096xf32>
    %mul3A_108 = arith.mulf %sub3A_92, %sub3A_93 : vector<1x4096xf32>
    %mul3A_109 = arith.mulf %sub3A_90, %sub3A_95 : vector<1x4096xf32>
    %sub3A_110 = arith.subf %mul3A_108, %mul3A_109 : vector<1x4096xf32>
    %mul3A_111 = arith.mulf %sub3A_90, %sub3A_94 : vector<1x4096xf32>
    %mul3A_112 = arith.mulf %sub3A_91, %sub3A_93 : vector<1x4096xf32>
    %sub3A_113 = arith.subf %mul3A_111, %mul3A_112 : vector<1x4096xf32>
    %mul3A_114 = arith.mulf %sub3A_90, %sub3A_90 : vector<1x4096xf32>
    %mul3A_115 = arith.mulf %sub3A_91, %sub3A_91 : vector<1x4096xf32>
    %add3A_116 = arith.addf %mul3A_114, %mul3A_115 : vector<1x4096xf32>
    %mul3A_117 = arith.mulf %sub3A_92, %sub3A_92 : vector<1x4096xf32>
    %add3A_118 = arith.addf %add3A_116, %mul3A_117 : vector<1x4096xf32>
    %sqrt3A_119 = math.sqrt %add3A_118 : vector<1x4096xf32>
    %add3A_120 = arith.constant 9.99999993E-9 : f32
    %add3A_121 = vector.broadcast %add3A_120 : f32 to vector<1x4096xf32>
    %add3A_122 = arith.addf %sqrt3A_119, %add3A_121 : vector<1x4096xf32>
    %div3A_123 = arith.divf %sub3A_90, %add3A_122 : vector<1x4096xf32>
    %add3A_124 = arith.constant 9.99999993E-9 : f32
    %add3A_125 = vector.broadcast %add3A_124 : f32 to vector<1x4096xf32>
    %add3A_126 = arith.addf %sqrt3A_119, %add3A_125 : vector<1x4096xf32>
    %div3A_127 = arith.divf %sub3A_91, %add3A_126 : vector<1x4096xf32>
    %add3A_128 = arith.constant 9.99999993E-9 : f32
    %add3A_129 = vector.broadcast %add3A_128 : f32 to vector<1x4096xf32>
    %add3A_130 = arith.addf %sqrt3A_119, %add3A_129 : vector<1x4096xf32>
    %div3A_131 = arith.divf %sub3A_92, %add3A_130 : vector<1x4096xf32>
    %mul3A_132 = arith.mulf %sub3A_101, %div3A_131 : vector<1x4096xf32>
    %mul3A_133 = arith.mulf %sub3A_104, %div3A_127 : vector<1x4096xf32>
    %sub3A_134 = arith.subf %mul3A_132, %mul3A_133 : vector<1x4096xf32>
    %mul3A_135 = arith.mulf %sub3A_104, %div3A_123 : vector<1x4096xf32>
    %mul3A_136 = arith.mulf %sub3A_98, %div3A_131 : vector<1x4096xf32>
    %sub3A_137 = arith.subf %mul3A_135, %mul3A_136 : vector<1x4096xf32>
    %mul3A_138 = arith.mulf %sub3A_98, %div3A_127 : vector<1x4096xf32>
    %mul3A_139 = arith.mulf %sub3A_101, %div3A_123 : vector<1x4096xf32>
    %sub3A_140 = arith.subf %mul3A_138, %mul3A_139 : vector<1x4096xf32>
    %mul3A_141 = arith.mulf %sub3A_98, %sub3A_107 : vector<1x4096xf32>
    %mul3A_142 = arith.mulf %sub3A_101, %sub3A_110 : vector<1x4096xf32>
    %add3A_143 = arith.addf %mul3A_141, %mul3A_142 : vector<1x4096xf32>
    %mul3A_144 = arith.mulf %sub3A_104, %sub3A_113 : vector<1x4096xf32>
    %add3A_145 = arith.addf %add3A_143, %mul3A_144 : vector<1x4096xf32>
    %mul3A_146 = arith.mulf %sub3A_134, %sub3A_107 : vector<1x4096xf32>
    %mul3A_147 = arith.mulf %sub3A_137, %sub3A_110 : vector<1x4096xf32>
    %add3A_148 = arith.addf %mul3A_146, %mul3A_147 : vector<1x4096xf32>
    %mul3A_149 = arith.mulf %sub3A_140, %sub3A_113 : vector<1x4096xf32>
    %add3A_150 = arith.addf %add3A_148, %mul3A_149 : vector<1x4096xf32>
    %add3A_151 = arith.constant 9.99999993E-9 : f32
    %add3A_152 = vector.broadcast %add3A_151 : f32 to vector<1x4096xf32>
    %add3A_153 = arith.addf %add3A_145, %add3A_152 : vector<1x4096xf32>
    %atan23A_154 = math.atan2 %add3A_150, %add3A_153 : vector<1x4096xf32>
    %sub3A_155 = arith.subf %slice3A_13, %slice3A_10 : vector<1x4096xf32>
    %sub3A_156 = arith.subf %slice3A_14, %slice3A_11 : vector<1x4096xf32>
    %sub3A_157 = arith.subf %slice3A_15, %slice3A_12 : vector<1x4096xf32>
    %sub3A_158 = arith.subf %slice3A_19, %slice3A_13 : vector<1x4096xf32>
    %sub3A_159 = arith.subf %slice3A_20, %slice3A_14 : vector<1x4096xf32>
    %sub3A_160 = arith.subf %slice3A_21, %slice3A_15 : vector<1x4096xf32>
    %sub3A_161 = arith.subf %slice3A_22, %slice3A_19 : vector<1x4096xf32>
    %sub3A_162 = arith.subf %slice3A_23, %slice3A_20 : vector<1x4096xf32>
    %sub3A_163 = arith.subf %slice3A_24, %slice3A_21 : vector<1x4096xf32>
    %mul3A_164 = arith.mulf %sub3A_156, %sub3A_160 : vector<1x4096xf32>
    %mul3A_165 = arith.mulf %sub3A_157, %sub3A_159 : vector<1x4096xf32>
    %sub3A_166 = arith.subf %mul3A_164, %mul3A_165 : vector<1x4096xf32>
    %mul3A_167 = arith.mulf %sub3A_157, %sub3A_158 : vector<1x4096xf32>
    %mul3A_168 = arith.mulf %sub3A_155, %sub3A_160 : vector<1x4096xf32>
    %sub3A_169 = arith.subf %mul3A_167, %mul3A_168 : vector<1x4096xf32>
    %mul3A_170 = arith.mulf %sub3A_155, %sub3A_159 : vector<1x4096xf32>
    %mul3A_171 = arith.mulf %sub3A_156, %sub3A_158 : vector<1x4096xf32>
    %sub3A_172 = arith.subf %mul3A_170, %mul3A_171 : vector<1x4096xf32>
    %mul3A_173 = arith.mulf %sub3A_159, %sub3A_163 : vector<1x4096xf32>
    %mul3A_174 = arith.mulf %sub3A_160, %sub3A_162 : vector<1x4096xf32>
    %sub3A_175 = arith.subf %mul3A_173, %mul3A_174 : vector<1x4096xf32>
    %mul3A_176 = arith.mulf %sub3A_160, %sub3A_161 : vector<1x4096xf32>
    %mul3A_177 = arith.mulf %sub3A_158, %sub3A_163 : vector<1x4096xf32>
    %sub3A_178 = arith.subf %mul3A_176, %mul3A_177 : vector<1x4096xf32>
    %mul3A_179 = arith.mulf %sub3A_158, %sub3A_162 : vector<1x4096xf32>
    %mul3A_180 = arith.mulf %sub3A_159, %sub3A_161 : vector<1x4096xf32>
    %sub3A_181 = arith.subf %mul3A_179, %mul3A_180 : vector<1x4096xf32>
    %mul3A_182 = arith.mulf %sub3A_158, %sub3A_158 : vector<1x4096xf32>
    %mul3A_183 = arith.mulf %sub3A_159, %sub3A_159 : vector<1x4096xf32>
    %add3A_184 = arith.addf %mul3A_182, %mul3A_183 : vector<1x4096xf32>
    %mul3A_185 = arith.mulf %sub3A_160, %sub3A_160 : vector<1x4096xf32>
    %add3A_186 = arith.addf %add3A_184, %mul3A_185 : vector<1x4096xf32>
    %sqrt3A_187 = math.sqrt %add3A_186 : vector<1x4096xf32>
    %add3A_188 = arith.constant 9.99999993E-9 : f32
    %add3A_189 = vector.broadcast %add3A_188 : f32 to vector<1x4096xf32>
    %add3A_190 = arith.addf %sqrt3A_187, %add3A_189 : vector<1x4096xf32>
    %div3A_191 = arith.divf %sub3A_158, %add3A_190 : vector<1x4096xf32>
    %add3A_192 = arith.constant 9.99999993E-9 : f32
    %add3A_193 = vector.broadcast %add3A_192 : f32 to vector<1x4096xf32>
    %add3A_194 = arith.addf %sqrt3A_187, %add3A_193 : vector<1x4096xf32>
    %div3A_195 = arith.divf %sub3A_159, %add3A_194 : vector<1x4096xf32>
    %add3A_196 = arith.constant 9.99999993E-9 : f32
    %add3A_197 = vector.broadcast %add3A_196 : f32 to vector<1x4096xf32>
    %add3A_198 = arith.addf %sqrt3A_187, %add3A_197 : vector<1x4096xf32>
    %div3A_199 = arith.divf %sub3A_160, %add3A_198 : vector<1x4096xf32>
    %mul3A_200 = arith.mulf %sub3A_169, %div3A_199 : vector<1x4096xf32>
    %mul3A_201 = arith.mulf %sub3A_172, %div3A_195 : vector<1x4096xf32>
    %sub3A_202 = arith.subf %mul3A_200, %mul3A_201 : vector<1x4096xf32>
    %mul3A_203 = arith.mulf %sub3A_172, %div3A_191 : vector<1x4096xf32>
    %mul3A_204 = arith.mulf %sub3A_166, %div3A_199 : vector<1x4096xf32>
    %sub3A_205 = arith.subf %mul3A_203, %mul3A_204 : vector<1x4096xf32>
    %mul3A_206 = arith.mulf %sub3A_166, %div3A_195 : vector<1x4096xf32>
    %mul3A_207 = arith.mulf %sub3A_169, %div3A_191 : vector<1x4096xf32>
    %sub3A_208 = arith.subf %mul3A_206, %mul3A_207 : vector<1x4096xf32>
    %mul3A_209 = arith.mulf %sub3A_166, %sub3A_175 : vector<1x4096xf32>
    %mul3A_210 = arith.mulf %sub3A_169, %sub3A_178 : vector<1x4096xf32>
    %add3A_211 = arith.addf %mul3A_209, %mul3A_210 : vector<1x4096xf32>
    %mul3A_212 = arith.mulf %sub3A_172, %sub3A_181 : vector<1x4096xf32>
    %add3A_213 = arith.addf %add3A_211, %mul3A_212 : vector<1x4096xf32>
    %mul3A_214 = arith.mulf %sub3A_202, %sub3A_175 : vector<1x4096xf32>
    %mul3A_215 = arith.mulf %sub3A_205, %sub3A_178 : vector<1x4096xf32>
    %add3A_216 = arith.addf %mul3A_214, %mul3A_215 : vector<1x4096xf32>
    %mul3A_217 = arith.mulf %sub3A_208, %sub3A_181 : vector<1x4096xf32>
    %add3A_218 = arith.addf %add3A_216, %mul3A_217 : vector<1x4096xf32>
    %add3A_219 = arith.constant 9.99999993E-9 : f32
    %add3A_220 = vector.broadcast %add3A_219 : f32 to vector<1x4096xf32>
    %add3A_221 = arith.addf %add3A_213, %add3A_220 : vector<1x4096xf32>
    %atan23A_222 = math.atan2 %add3A_218, %add3A_221 : vector<1x4096xf32>
    %iota3A = tpu.iota {dimensions = array<i32: 1>} : vector<1x4096xi32>
    %eq3A = arith.constant 0 : i32
    %eq3A_223 = vector.broadcast %eq3A : i32 to vector<1x4096xi32>
    %eq3A_224 = arith.cmpi eq, %iota3A, %eq3A_223 : vector<1x4096xi32>
    %jit3A = arith.constant 0.000000e+00 : f32
    %broadcast_in_dim3A = vector.broadcast %jit3A : f32 to vector<1x4096xf32>
    %select_n3A = arith.select %eq3A_224, %broadcast_in_dim3A, %atan23A : vector<1x4096xi1>, vector<1x4096xf32>
    %swap3A = arith.constant 0 : index
    %swap3A_225 = arith.constant 0 : index
    %swap3A_226 = vector.load %arg3[%swap3A, %swap3A_225] : memref<3x4096xf32, #tpu.memory_space<vmem>>, vector<1x4096xf32>
    tpu.vector_store %arg3[%swap3A, %swap3A_225], %select_n3A {strides = array<i32>} : memref<3x4096xf32, #tpu.memory_space<vmem>>, vector<1x4096xf32>,
    %eq3A_227 = arith.constant 4095 : i32
    %eq3A_228 = vector.broadcast %eq3A_227 : i32 to vector<1x4096xi32>
    %eq3A_229 = arith.cmpi eq, %iota3A, %eq3A_228 : vector<1x4096xi32>
    %jit3A_230 = arith.constant 0.000000e+00 : f32
    %broadcast_in_dim3A_231 = vector.broadcast %jit3A_230 : f32 to vector<1x4096xf32>
    %select_n3A_232 = arith.select %eq3A_229, %broadcast_in_dim3A_231, %atan23A_154 : vector<1x4096xi1>, vector<1x4096xf32>
    %swap3A_233 = arith.constant 1 : index
    %swap3A_234 = arith.constant 0 : index
    %swap3A_235 = vector.load %arg3[%swap3A_233, %swap3A_234] : memref<3x4096xf32, #tpu.memory_space<vmem>>, vector<1x4096xf32>
    tpu.vector_store %arg3[%swap3A_233, %swap3A_234], %select_n3A_232 {strides = array<i32>} : memref<3x4096xf32, #tpu.memory_space<vmem>>, vector<1x4096xf32>,
    %eq3A_236 = arith.constant 4095 : i32
    %eq3A_237 = vector.broadcast %eq3A_236 : i32 to vector<1x4096xi32>
    %eq3A_238 = arith.cmpi eq, %iota3A, %eq3A_237 : vector<1x4096xi32>
    %jit3A_239 = arith.constant 0.000000e+00 : f32
    %broadcast_in_dim3A_240 = vector.broadcast %jit3A_239 : f32 to vector<1x4096xf32>
    %select_n3A_241 = arith.select %eq3A_238, %broadcast_in_dim3A_240, %atan23A_222 : vector<1x4096xi1>, vector<1x4096xf32>
    %swap3A_242 = arith.constant 2 : index
    %swap3A_243 = arith.constant 0 : index
    %swap3A_244 = vector.load %arg3[%swap3A_242, %swap3A_243] : memref<3x4096xf32, #tpu.memory_space<vmem>>, vector<1x4096xf32>
    tpu.vector_store %arg3[%swap3A_242, %swap3A_243], %select_n3A_241 {strides = array<i32>} : memref<3x4096xf32, #tpu.memory_space<vmem>>, vector<1x4096xf32>,
    %sub3A_245 = arith.subf %slice3A_13, %slice3A_10 : vector<1x4096xf32>
    %sub3A_246 = arith.subf %slice3A_14, %slice3A_11 : vector<1x4096xf32>
    %sub3A_247 = arith.subf %slice3A_15, %slice3A_12 : vector<1x4096xf32>
    %mul3A_248 = arith.mulf %sub3A_245, %sub3A_245 : vector<1x4096xf32>
    %mul3A_249 = arith.mulf %sub3A_246, %sub3A_246 : vector<1x4096xf32>
    %add3A_250 = arith.addf %mul3A_248, %mul3A_249 : vector<1x4096xf32>
    %mul3A_251 = arith.mulf %sub3A_247, %sub3A_247 : vector<1x4096xf32>
    %add3A_252 = arith.addf %add3A_250, %mul3A_251 : vector<1x4096xf32>
    %sqrt3A_253 = math.sqrt %add3A_252 : vector<1x4096xf32>
    %add3A_254 = arith.constant 9.99999993E-9 : f32
    %add3A_255 = vector.broadcast %add3A_254 : f32 to vector<1x4096xf32>
    %add3A_256 = arith.addf %sqrt3A_253, %add3A_255 : vector<1x4096xf32>
    %div3A_257 = arith.divf %sub3A_245, %add3A_256 : vector<1x4096xf32>
    %add3A_258 = arith.constant 9.99999993E-9 : f32
    %add3A_259 = vector.broadcast %add3A_258 : f32 to vector<1x4096xf32>
    %add3A_260 = arith.addf %sqrt3A_253, %add3A_259 : vector<1x4096xf32>
    %div3A_261 = arith.divf %sub3A_246, %add3A_260 : vector<1x4096xf32>
    %add3A_262 = arith.constant 9.99999993E-9 : f32
    %add3A_263 = vector.broadcast %add3A_262 : f32 to vector<1x4096xf32>
    %add3A_264 = arith.addf %sqrt3A_253, %add3A_263 : vector<1x4096xf32>
    %div3A_265 = arith.divf %sub3A_247, %add3A_264 : vector<1x4096xf32>
    %sub3A_266 = arith.subf %slice3A, %slice3A_10 : vector<1x4096xf32>
    %sub3A_267 = arith.subf %slice3A_8, %slice3A_11 : vector<1x4096xf32>
    %sub3A_268 = arith.subf %slice3A_9, %slice3A_12 : vector<1x4096xf32>
    %mul3A_269 = arith.mulf %sub3A_266, %div3A_257 : vector<1x4096xf32>
    %mul3A_270 = arith.mulf %sub3A_267, %div3A_261 : vector<1x4096xf32>
    %add3A_271 = arith.addf %mul3A_269, %mul3A_270 : vector<1x4096xf32>
    %mul3A_272 = arith.mulf %sub3A_268, %div3A_265 : vector<1x4096xf32>
    %add3A_273 = arith.addf %add3A_271, %mul3A_272 : vector<1x4096xf32>
    %mul3A_274 = arith.mulf %add3A_273, %div3A_257 : vector<1x4096xf32>
    %sub3A_275 = arith.subf %sub3A_266, %mul3A_274 : vector<1x4096xf32>
    %mul3A_276 = arith.mulf %add3A_273, %div3A_261 : vector<1x4096xf32>
    %sub3A_277 = arith.subf %sub3A_267, %mul3A_276 : vector<1x4096xf32>
    %mul3A_278 = arith.mulf %add3A_273, %div3A_265 : vector<1x4096xf32>
    %sub3A_279 = arith.subf %sub3A_268, %mul3A_278 : vector<1x4096xf32>
    %mul3A_280 = arith.mulf %sub3A_275, %sub3A_275 : vector<1x4096xf32>
    %mul3A_281 = arith.mulf %sub3A_277, %sub3A_277 : vector<1x4096xf32>
    %add3A_282 = arith.addf %mul3A_280, %mul3A_281 : vector<1x4096xf32>
    %mul3A_283 = arith.mulf %sub3A_279, %sub3A_279 : vector<1x4096xf32>
    %add3A_284 = arith.addf %add3A_282, %mul3A_283 : vector<1x4096xf32>
    %sqrt3A_285 = math.sqrt %add3A_284 : vector<1x4096xf32>
    %add3A_286 = arith.constant 9.99999993E-9 : f32
    %add3A_287 = vector.broadcast %add3A_286 : f32 to vector<1x4096xf32>
    %add3A_288 = arith.addf %sqrt3A_285, %add3A_287 : vector<1x4096xf32>
    %div3A_289 = arith.divf %sub3A_275, %add3A_288 : vector<1x4096xf32>
    %add3A_290 = arith.constant 9.99999993E-9 : f32
    %add3A_291 = vector.broadcast %add3A_290 : f32 to vector<1x4096xf32>
    %add3A_292 = arith.addf %sqrt3A_285, %add3A_291 : vector<1x4096xf32>
    %div3A_293 = arith.divf %sub3A_277, %add3A_292 : vector<1x4096xf32>
    %add3A_294 = arith.constant 9.99999993E-9 : f32
    %add3A_295 = vector.broadcast %add3A_294 : f32 to vector<1x4096xf32>
    %add3A_296 = arith.addf %sqrt3A_285, %add3A_295 : vector<1x4096xf32>
    %div3A_297 = arith.divf %sub3A_279, %add3A_296 : vector<1x4096xf32>
    %mul3A_298 = arith.mulf %div3A_261, %div3A_297 : vector<1x4096xf32>
    %mul3A_299 = arith.mulf %div3A_265, %div3A_293 : vector<1x4096xf32>
    %sub3A_300 = arith.subf %mul3A_298, %mul3A_299 : vector<1x4096xf32>
    %mul3A_301 = arith.mulf %div3A_265, %div3A_289 : vector<1x4096xf32>
    %mul3A_302 = arith.mulf %div3A_257, %div3A_297 : vector<1x4096xf32>
    %sub3A_303 = arith.subf %mul3A_301, %mul3A_302 : vector<1x4096xf32>
    %mul3A_304 = arith.mulf %div3A_257, %div3A_293 : vector<1x4096xf32>
    %mul3A_305 = arith.mulf %div3A_261, %div3A_289 : vector<1x4096xf32>
    %sub3A_306 = arith.subf %mul3A_304, %mul3A_305 : vector<1x4096xf32>
    %swap3A_307 = arith.constant 0 : index
    %swap3A_308 = arith.constant 0 : index
    %swap3A_309 = vector.load %arg4[%swap3A_307, %swap3A_308] : memref<9x4096xf32, #tpu.memory_space<vmem>>, vector<1x4096xf32>
    tpu.vector_store %arg4[%swap3A_307, %swap3A_308], %div3A_257 {strides = array<i32>} : memref<9x4096xf32, #tpu.memory_space<vmem>>, vector<1x4096xf32>,
    %swap3A_310 = arith.constant 1 : index
    %swap3A_311 = arith.constant 0 : index
    %swap3A_312 = vector.load %arg4[%swap3A_310, %swap3A_311] : memref<9x4096xf32, #tpu.memory_space<vmem>>, vector<1x4096xf32>
    tpu.vector_store %arg4[%swap3A_310, %swap3A_311], %div3A_261 {strides = array<i32>} : memref<9x4096xf32, #tpu.memory_space<vmem>>, vector<1x4096xf32>,
    %swap3A_313 = arith.constant 2 : index
    %swap3A_314 = arith.constant 0 : index
    %swap3A_315 = vector.load %arg4[%swap3A_313, %swap3A_314] : memref<9x4096xf32, #tpu.memory_space<vmem>>, vector<1x4096xf32>
    tpu.vector_store %arg4[%swap3A_313, %swap3A_314], %div3A_265 {strides = array<i32>} : memref<9x4096xf32, #tpu.memory_space<vmem>>, vector<1x4096xf32>,
    %swap3A_316 = arith.constant 3 : index
    %swap3A_317 = arith.constant 0 : index
    %swap3A_318 = vector.load %arg4[%swap3A_316, %swap3A_317] : memref<9x4096xf32, #tpu.memory_space<vmem>>, vector<1x4096xf32>
    tpu.vector_store %arg4[%swap3A_316, %swap3A_317], %div3A_289 {strides = array<i32>} : memref<9x4096xf32, #tpu.memory_space<vmem>>, vector<1x4096xf32>,
    %swap3A_319 = arith.constant 4 : index
    %swap3A_320 = arith.constant 0 : index
    %swap3A_321 = vector.load %arg4[%swap3A_319, %swap3A_320] : memref<9x4096xf32, #tpu.memory_space<vmem>>, vector<1x4096xf32>
    tpu.vector_store %arg4[%swap3A_319, %swap3A_320], %div3A_293 {strides = array<i32>} : memref<9x4096xf32, #tpu.memory_space<vmem>>, vector<1x4096xf32>,
    %swap3A_322 = arith.constant 5 : index
    %swap3A_323 = arith.constant 0 : index
    %swap3A_324 = vector.load %arg4[%swap3A_322, %swap3A_323] : memref<9x4096xf32, #tpu.memory_space<vmem>>, vector<1x4096xf32>
    tpu.vector_store %arg4[%swap3A_322, %swap3A_323], %div3A_297 {strides = array<i32>} : memref<9x4096xf32, #tpu.memory_space<vmem>>, vector<1x4096xf32>,
    %swap3A_325 = arith.constant 6 : index
    %swap3A_326 = arith.constant 0 : index
    %swap3A_327 = vector.load %arg4[%swap3A_325, %swap3A_326] : memref<9x4096xf32, #tpu.memory_space<vmem>>, vector<1x4096xf32>
    tpu.vector_store %arg4[%swap3A_325, %swap3A_326], %sub3A_300 {strides = array<i32>} : memref<9x4096xf32, #tpu.memory_space<vmem>>, vector<1x4096xf32>,
    %swap3A_328 = arith.constant 7 : index
    %swap3A_329 = arith.constant 0 : index
    %swap3A_330 = vector.load %arg4[%swap3A_328, %swap3A_329] : memref<9x4096xf32, #tpu.memory_space<vmem>>, vector<1x4096xf32>
    tpu.vector_store %arg4[%swap3A_328, %swap3A_329], %sub3A_303 {strides = array<i32>} : memref<9x4096xf32, #tpu.memory_space<vmem>>, vector<1x4096xf32>,
    %swap3A_331 = arith.constant 8 : index
    %swap3A_332 = arith.constant 0 : index
    %swap3A_333 = vector.load %arg4[%swap3A_331, %swap3A_332] : memref<9x4096xf32, #tpu.memory_space<vmem>>, vector<1x4096xf32>
    tpu.vector_store %arg4[%swap3A_331, %swap3A_332], %sub3A_306 {strides = array<i32>} : memref<9x4096xf32, #tpu.memory_space<vmem>>, vector<1x4096xf32>,
    return
  }
}

module attributes {stable_mosaic.version = 14 : i64} {
  func.func @_dist_topk_body(%arg0: i32, %arg1: memref<256x12xf32, #tpu.memory_space<vmem>>, %arg2: memref<4096x12xf32, #tpu.memory_space<vmem>>, %arg3: memref<3x16384xf32, #tpu.memory_space<vmem>>, %arg4: memref<256x1xi32, #tpu.memory_space<vmem>>, %arg5: memref<256x1xi32, #tpu.memory_space<vmem>>, %arg6: memref<1x4096xi32, #tpu.memory_space<vmem>>, %arg7: memref<1x4096xi32, #tpu.memory_space<vmem>>, %arg8: memref<256x9xf32, #tpu.memory_space<vmem>>, %arg9: memref<256x9xi32, #tpu.memory_space<vmem>>, %arg10: memref<256x1xi32, #tpu.memory_space<vmem>>) attributes {dimension_semantics = [#tpu.dimension_semantics<arbitrary>], iteration_bounds = array<i64: 16>, scalar_prefetch = 0 : i64, scratch_operands = 0 : i64, tpu.core_type = #tpu.core_type<tc>, window_params = [{transform_indices = @transform_0, window_bounds = array<i64: 256, 12>}, {pipeline_mode = #tpu.pipeline_mode<synchronous>, transform_indices = @transform_1, window_bounds = array<i64: 4096, 12>}, {pipeline_mode = #tpu.pipeline_mode<synchronous>, transform_indices = @transform_2, window_bounds = array<i64: 3, 16384>}, {transform_indices = @transform_3, window_bounds = array<i64: 256, 1>}, {transform_indices = @transform_4, window_bounds = array<i64: 256, 1>}, {pipeline_mode = #tpu.pipeline_mode<synchronous>, transform_indices = @transform_5, window_bounds = array<i64: 1, 4096>}, {pipeline_mode = #tpu.pipeline_mode<synchronous>, transform_indices = @transform_6, window_bounds = array<i64: 1, 4096>}, {transform_indices = @transform_7, window_bounds = array<i64: 256, 9>}, {transform_indices = @transform_8, window_bounds = array<i64: 256, 9>}, {transform_indices = @transform_9, window_bounds = array<i64: 256, 1>}]} {
    %get3A = arith.constant 0 : index
    %get3A_0 = arith.constant 0 : index
    %get3A_1 = vector.load %arg1[%get3A, %get3A_0] : memref<256x12xf32, #tpu.memory_space<vmem>>, vector<256x12xf32>
    %get3A_2 = arith.constant 0 : index
    %get3A_3 = arith.constant 0 : index
    %get3A_4 = vector.load %arg3[%get3A_2, %get3A_3] : memref<3x16384xf32, #tpu.memory_space<vmem>>, vector<3x16384xf32>
    %mul3A = arith.mulf %get3A_4, %get3A_4 : vector<3x16384xf32>
    %reduce_sum3A = arith.constant dense<0.000000e+00> : vector<16384xf32>
    %reduce_sum3A_5 = vector.multi_reduction <add>, %mul3A, %reduce_sum3A [0] : vector<3x16384xf32> to vector<16384xf32>
    %broadcast_in_dim3A = vector.shape_cast %reduce_sum3A_5 : vector<16384xf32> to vector<1x16384xf32>
    %broadcast_in_dim3A_6 = arith.constant 0x7F800000 : f32
    %broadcast_in_dim3A_7 = vector.broadcast %broadcast_in_dim3A_6 : f32 to vector<256x4096xf32>
    %slice3A = vector.extract_strided_slice %get3A_1 {offsets = [0, 0], sizes = [256, 3], strides = [1, 1]} : vector<256x12xf32> to vector<256x3xf32>
    %mul3A_8 = arith.mulf %slice3A, %slice3A : vector<256x3xf32>
    %reduce_sum3A_9 = arith.constant dense<0.000000e+00> : vector<256xf32>
    %reduce_sum3A_10 = vector.multi_reduction <add>, %mul3A_8, %reduce_sum3A_9 [1] : vector<256x3xf32> to vector<256xf32>
    %broadcast_in_dim3A_11 = vector.shape_cast %reduce_sum3A_10 : vector<256xf32> to vector<256x1xf32>
    %slice3A_12 = vector.extract_strided_slice %get3A_4 {offsets = [0, 0], sizes = [3, 4096], strides = [1, 1]} : vector<3x16384xf32> to vector<3x4096xf32>
    %dot_general3A = arith.constant dense<0.000000e+00> : vector<256x4096xf32>
    %dot_general3A_13 = tpu.matmul %slice3A, %slice3A_12, %dot_general3A {dimension_numbers = #tpu.dot_dimension_numbers<[1], [0], [0], [1], [0, 0, 1, 1], [], []>, transpose_lhs_hint = false} : vector<256x3xf32>, vector<3x4096xf32>, vector<256x4096xf32> -> vector<256x4096xf32>
    %slice3A_14 = vector.extract_strided_slice %broadcast_in_dim3A {offsets = [0, 0], sizes = [1, 4096], strides = [1, 1]} : vector<1x16384xf32> to vector<1x4096xf32>
    %mul3A_15 = arith.constant 2.000000e+00 : f32
    %mul3A_16 = vector.broadcast %mul3A_15 : f32 to vector<256x4096xf32>
    %mul3A_17 = arith.mulf %mul3A_16, %dot_general3A_13 : vector<256x4096xf32>
    %sub3A = vector.broadcast %slice3A_14 : vector<1x4096xf32> to vector<256x4096xf32>
    %sub3A_18 = arith.subf %sub3A, %mul3A_17 : vector<256x4096xf32>
    %add3A = vector.broadcast %broadcast_in_dim3A_11 : vector<256x1xf32> to vector<256x4096xf32>
    %add3A_19 = arith.addf %add3A, %sub3A_18 : vector<256x4096xf32>
    %min3A = arith.minimumf %broadcast_in_dim3A_7, %add3A_19 : vector<256x4096xf32>
    %slice3A_20 = vector.extract_strided_slice %get3A_4 {offsets = [0, 4096], sizes = [3, 4096], strides = [1, 1]} : vector<3x16384xf32> to vector<3x4096xf32>
    %dot_general3A_21 = arith.constant dense<0.000000e+00> : vector<256x4096xf32>
    %dot_general3A_22 = tpu.matmul %slice3A, %slice3A_20, %dot_general3A_21 {dimension_numbers = #tpu.dot_dimension_numbers<[1], [0], [0], [1], [0, 0, 1, 1], [], []>, transpose_lhs_hint = false} : vector<256x3xf32>, vector<3x4096xf32>, vector<256x4096xf32> -> vector<256x4096xf32>
    %slice3A_23 = vector.extract_strided_slice %broadcast_in_dim3A {offsets = [0, 4096], sizes = [1, 4096], strides = [1, 1]} : vector<1x16384xf32> to vector<1x4096xf32>
    %mul3A_24 = arith.constant 2.000000e+00 : f32
    %mul3A_25 = vector.broadcast %mul3A_24 : f32 to vector<256x4096xf32>
    %mul3A_26 = arith.mulf %mul3A_25, %dot_general3A_22 : vector<256x4096xf32>
    %sub3A_27 = vector.broadcast %slice3A_23 : vector<1x4096xf32> to vector<256x4096xf32>
    %sub3A_28 = arith.subf %sub3A_27, %mul3A_26 : vector<256x4096xf32>
    %add3A_29 = vector.broadcast %broadcast_in_dim3A_11 : vector<256x1xf32> to vector<256x4096xf32>
    %add3A_30 = arith.addf %add3A_29, %sub3A_28 : vector<256x4096xf32>
    %min3A_31 = arith.minimumf %min3A, %add3A_30 : vector<256x4096xf32>
    %slice3A_32 = vector.extract_strided_slice %get3A_4 {offsets = [0, 8192], sizes = [3, 4096], strides = [1, 1]} : vector<3x16384xf32> to vector<3x4096xf32>
    %dot_general3A_33 = arith.constant dense<0.000000e+00> : vector<256x4096xf32>
    %dot_general3A_34 = tpu.matmul %slice3A, %slice3A_32, %dot_general3A_33 {dimension_numbers = #tpu.dot_dimension_numbers<[1], [0], [0], [1], [0, 0, 1, 1], [], []>, transpose_lhs_hint = false} : vector<256x3xf32>, vector<3x4096xf32>, vector<256x4096xf32> -> vector<256x4096xf32>
    %slice3A_35 = vector.extract_strided_slice %broadcast_in_dim3A {offsets = [0, 8192], sizes = [1, 4096], strides = [1, 1]} : vector<1x16384xf32> to vector<1x4096xf32>
    %mul3A_36 = arith.constant 2.000000e+00 : f32
    %mul3A_37 = vector.broadcast %mul3A_36 : f32 to vector<256x4096xf32>
    %mul3A_38 = arith.mulf %mul3A_37, %dot_general3A_34 : vector<256x4096xf32>
    %sub3A_39 = vector.broadcast %slice3A_35 : vector<1x4096xf32> to vector<256x4096xf32>
    %sub3A_40 = arith.subf %sub3A_39, %mul3A_38 : vector<256x4096xf32>
    %add3A_41 = vector.broadcast %broadcast_in_dim3A_11 : vector<256x1xf32> to vector<256x4096xf32>
    %add3A_42 = arith.addf %add3A_41, %sub3A_40 : vector<256x4096xf32>
    %min3A_43 = arith.minimumf %min3A_31, %add3A_42 : vector<256x4096xf32>
    %slice3A_44 = vector.extract_strided_slice %get3A_4 {offsets = [0, 12288], sizes = [3, 4096], strides = [1, 1]} : vector<3x16384xf32> to vector<3x4096xf32>
    %dot_general3A_45 = arith.constant dense<0.000000e+00> : vector<256x4096xf32>
    %dot_general3A_46 = tpu.matmul %slice3A, %slice3A_44, %dot_general3A_45 {dimension_numbers = #tpu.dot_dimension_numbers<[1], [0], [0], [1], [0, 0, 1, 1], [], []>, transpose_lhs_hint = false} : vector<256x3xf32>, vector<3x4096xf32>, vector<256x4096xf32> -> vector<256x4096xf32>
    %slice3A_47 = vector.extract_strided_slice %broadcast_in_dim3A {offsets = [0, 12288], sizes = [1, 4096], strides = [1, 1]} : vector<1x16384xf32> to vector<1x4096xf32>
    %mul3A_48 = arith.constant 2.000000e+00 : f32
    %mul3A_49 = vector.broadcast %mul3A_48 : f32 to vector<256x4096xf32>
    %mul3A_50 = arith.mulf %mul3A_49, %dot_general3A_46 : vector<256x4096xf32>
    %sub3A_51 = vector.broadcast %slice3A_47 : vector<1x4096xf32> to vector<256x4096xf32>
    %sub3A_52 = arith.subf %sub3A_51, %mul3A_50 : vector<256x4096xf32>
    %add3A_53 = vector.broadcast %broadcast_in_dim3A_11 : vector<256x1xf32> to vector<256x4096xf32>
    %add3A_54 = arith.addf %add3A_53, %sub3A_52 : vector<256x4096xf32>
    %min3A_55 = arith.minimumf %min3A_43, %add3A_54 : vector<256x4096xf32>
    %slice3A_56 = vector.extract_strided_slice %get3A_1 {offsets = [0, 3], sizes = [256, 3], strides = [1, 1]} : vector<256x12xf32> to vector<256x3xf32>
    %mul3A_57 = arith.mulf %slice3A_56, %slice3A_56 : vector<256x3xf32>
    %reduce_sum3A_58 = arith.constant dense<0.000000e+00> : vector<256xf32>
    %reduce_sum3A_59 = vector.multi_reduction <add>, %mul3A_57, %reduce_sum3A_58 [1] : vector<256x3xf32> to vector<256xf32>
    %broadcast_in_dim3A_60 = vector.shape_cast %reduce_sum3A_59 : vector<256xf32> to vector<256x1xf32>
    %slice3A_61 = vector.extract_strided_slice %get3A_4 {offsets = [0, 0], sizes = [3, 4096], strides = [1, 1]} : vector<3x16384xf32> to vector<3x4096xf32>
    %dot_general3A_62 = arith.constant dense<0.000000e+00> : vector<256x4096xf32>
    %dot_general3A_63 = tpu.matmul %slice3A_56, %slice3A_61, %dot_general3A_62 {dimension_numbers = #tpu.dot_dimension_numbers<[1], [0], [0], [1], [0, 0, 1, 1], [], []>, transpose_lhs_hint = false} : vector<256x3xf32>, vector<3x4096xf32>, vector<256x4096xf32> -> vector<256x4096xf32>
    %slice3A_64 = vector.extract_strided_slice %broadcast_in_dim3A {offsets = [0, 0], sizes = [1, 4096], strides = [1, 1]} : vector<1x16384xf32> to vector<1x4096xf32>
    %mul3A_65 = arith.constant 2.000000e+00 : f32
    %mul3A_66 = vector.broadcast %mul3A_65 : f32 to vector<256x4096xf32>
    %mul3A_67 = arith.mulf %mul3A_66, %dot_general3A_63 : vector<256x4096xf32>
    %sub3A_68 = vector.broadcast %slice3A_64 : vector<1x4096xf32> to vector<256x4096xf32>
    %sub3A_69 = arith.subf %sub3A_68, %mul3A_67 : vector<256x4096xf32>
    %add3A_70 = vector.broadcast %broadcast_in_dim3A_60 : vector<256x1xf32> to vector<256x4096xf32>
    %add3A_71 = arith.addf %add3A_70, %sub3A_69 : vector<256x4096xf32>
    %min3A_72 = arith.minimumf %min3A_55, %add3A_71 : vector<256x4096xf32>
    %slice3A_73 = vector.extract_strided_slice %get3A_4 {offsets = [0, 4096], sizes = [3, 4096], strides = [1, 1]} : vector<3x16384xf32> to vector<3x4096xf32>
    %dot_general3A_74 = arith.constant dense<0.000000e+00> : vector<256x4096xf32>
    %dot_general3A_75 = tpu.matmul %slice3A_56, %slice3A_73, %dot_general3A_74 {dimension_numbers = #tpu.dot_dimension_numbers<[1], [0], [0], [1], [0, 0, 1, 1], [], []>, transpose_lhs_hint = false} : vector<256x3xf32>, vector<3x4096xf32>, vector<256x4096xf32> -> vector<256x4096xf32>
    %slice3A_76 = vector.extract_strided_slice %broadcast_in_dim3A {offsets = [0, 4096], sizes = [1, 4096], strides = [1, 1]} : vector<1x16384xf32> to vector<1x4096xf32>
    %mul3A_77 = arith.constant 2.000000e+00 : f32
    %mul3A_78 = vector.broadcast %mul3A_77 : f32 to vector<256x4096xf32>
    %mul3A_79 = arith.mulf %mul3A_78, %dot_general3A_75 : vector<256x4096xf32>
    %sub3A_80 = vector.broadcast %slice3A_76 : vector<1x4096xf32> to vector<256x4096xf32>
    %sub3A_81 = arith.subf %sub3A_80, %mul3A_79 : vector<256x4096xf32>
    %add3A_82 = vector.broadcast %broadcast_in_dim3A_60 : vector<256x1xf32> to vector<256x4096xf32>
    %add3A_83 = arith.addf %add3A_82, %sub3A_81 : vector<256x4096xf32>
    %min3A_84 = arith.minimumf %min3A_72, %add3A_83 : vector<256x4096xf32>
    %slice3A_85 = vector.extract_strided_slice %get3A_4 {offsets = [0, 8192], sizes = [3, 4096], strides = [1, 1]} : vector<3x16384xf32> to vector<3x4096xf32>
    %dot_general3A_86 = arith.constant dense<0.000000e+00> : vector<256x4096xf32>
    %dot_general3A_87 = tpu.matmul %slice3A_56, %slice3A_85, %dot_general3A_86 {dimension_numbers = #tpu.dot_dimension_numbers<[1], [0], [0], [1], [0, 0, 1, 1], [], []>, transpose_lhs_hint = false} : vector<256x3xf32>, vector<3x4096xf32>, vector<256x4096xf32> -> vector<256x4096xf32>
    %slice3A_88 = vector.extract_strided_slice %broadcast_in_dim3A {offsets = [0, 8192], sizes = [1, 4096], strides = [1, 1]} : vector<1x16384xf32> to vector<1x4096xf32>
    %mul3A_89 = arith.constant 2.000000e+00 : f32
    %mul3A_90 = vector.broadcast %mul3A_89 : f32 to vector<256x4096xf32>
    %mul3A_91 = arith.mulf %mul3A_90, %dot_general3A_87 : vector<256x4096xf32>
    %sub3A_92 = vector.broadcast %slice3A_88 : vector<1x4096xf32> to vector<256x4096xf32>
    %sub3A_93 = arith.subf %sub3A_92, %mul3A_91 : vector<256x4096xf32>
    %add3A_94 = vector.broadcast %broadcast_in_dim3A_60 : vector<256x1xf32> to vector<256x4096xf32>
    %add3A_95 = arith.addf %add3A_94, %sub3A_93 : vector<256x4096xf32>
    %min3A_96 = arith.minimumf %min3A_84, %add3A_95 : vector<256x4096xf32>
    %slice3A_97 = vector.extract_strided_slice %get3A_4 {offsets = [0, 12288], sizes = [3, 4096], strides = [1, 1]} : vector<3x16384xf32> to vector<3x4096xf32>
    %dot_general3A_98 = arith.constant dense<0.000000e+00> : vector<256x4096xf32>
    %dot_general3A_99 = tpu.matmul %slice3A_56, %slice3A_97, %dot_general3A_98 {dimension_numbers = #tpu.dot_dimension_numbers<[1], [0], [0], [1], [0, 0, 1, 1], [], []>, transpose_lhs_hint = false} : vector<256x3xf32>, vector<3x4096xf32>, vector<256x4096xf32> -> vector<256x4096xf32>
    %slice3A_100 = vector.extract_strided_slice %broadcast_in_dim3A {offsets = [0, 12288], sizes = [1, 4096], strides = [1, 1]} : vector<1x16384xf32> to vector<1x4096xf32>
    %mul3A_101 = arith.constant 2.000000e+00 : f32
    %mul3A_102 = vector.broadcast %mul3A_101 : f32 to vector<256x4096xf32>
    %mul3A_103 = arith.mulf %mul3A_102, %dot_general3A_99 : vector<256x4096xf32>
    %sub3A_104 = vector.broadcast %slice3A_100 : vector<1x4096xf32> to vector<256x4096xf32>
    %sub3A_105 = arith.subf %sub3A_104, %mul3A_103 : vector<256x4096xf32>
    %add3A_106 = vector.broadcast %broadcast_in_dim3A_60 : vector<256x1xf32> to vector<256x4096xf32>
    %add3A_107 = arith.addf %add3A_106, %sub3A_105 : vector<256x4096xf32>
    %min3A_108 = arith.minimumf %min3A_96, %add3A_107 : vector<256x4096xf32>
    %slice3A_109 = vector.extract_strided_slice %get3A_1 {offsets = [0, 6], sizes = [256, 3], strides = [1, 1]} : vector<256x12xf32> to vector<256x3xf32>
    %mul3A_110 = arith.mulf %slice3A_109, %slice3A_109 : vector<256x3xf32>
    %reduce_sum3A_111 = arith.constant dense<0.000000e+00> : vector<256xf32>
    %reduce_sum3A_112 = vector.multi_reduction <add>, %mul3A_110, %reduce_sum3A_111 [1] : vector<256x3xf32> to vector<256xf32>
    %broadcast_in_dim3A_113 = vector.shape_cast %reduce_sum3A_112 : vector<256xf32> to vector<256x1xf32>
    %slice3A_114 = vector.extract_strided_slice %get3A_4 {offsets = [0, 0], sizes = [3, 4096], strides = [1, 1]} : vector<3x16384xf32> to vector<3x4096xf32>
    %dot_general3A_115 = arith.constant dense<0.000000e+00> : vector<256x4096xf32>
    %dot_general3A_116 = tpu.matmul %slice3A_109, %slice3A_114, %dot_general3A_115 {dimension_numbers = #tpu.dot_dimension_numbers<[1], [0], [0], [1], [0, 0, 1, 1], [], []>, transpose_lhs_hint = false} : vector<256x3xf32>, vector<3x4096xf32>, vector<256x4096xf32> -> vector<256x4096xf32>
    %slice3A_117 = vector.extract_strided_slice %broadcast_in_dim3A {offsets = [0, 0], sizes = [1, 4096], strides = [1, 1]} : vector<1x16384xf32> to vector<1x4096xf32>
    %mul3A_118 = arith.constant 2.000000e+00 : f32
    %mul3A_119 = vector.broadcast %mul3A_118 : f32 to vector<256x4096xf32>
    %mul3A_120 = arith.mulf %mul3A_119, %dot_general3A_116 : vector<256x4096xf32>
    %sub3A_121 = vector.broadcast %slice3A_117 : vector<1x4096xf32> to vector<256x4096xf32>
    %sub3A_122 = arith.subf %sub3A_121, %mul3A_120 : vector<256x4096xf32>
    %add3A_123 = vector.broadcast %broadcast_in_dim3A_113 : vector<256x1xf32> to vector<256x4096xf32>
    %add3A_124 = arith.addf %add3A_123, %sub3A_122 : vector<256x4096xf32>
    %min3A_125 = arith.minimumf %min3A_108, %add3A_124 : vector<256x4096xf32>
    %slice3A_126 = vector.extract_strided_slice %get3A_4 {offsets = [0, 4096], sizes = [3, 4096], strides = [1, 1]} : vector<3x16384xf32> to vector<3x4096xf32>
    %dot_general3A_127 = arith.constant dense<0.000000e+00> : vector<256x4096xf32>
    %dot_general3A_128 = tpu.matmul %slice3A_109, %slice3A_126, %dot_general3A_127 {dimension_numbers = #tpu.dot_dimension_numbers<[1], [0], [0], [1], [0, 0, 1, 1], [], []>, transpose_lhs_hint = false} : vector<256x3xf32>, vector<3x4096xf32>, vector<256x4096xf32> -> vector<256x4096xf32>
    %slice3A_129 = vector.extract_strided_slice %broadcast_in_dim3A {offsets = [0, 4096], sizes = [1, 4096], strides = [1, 1]} : vector<1x16384xf32> to vector<1x4096xf32>
    %mul3A_130 = arith.constant 2.000000e+00 : f32
    %mul3A_131 = vector.broadcast %mul3A_130 : f32 to vector<256x4096xf32>
    %mul3A_132 = arith.mulf %mul3A_131, %dot_general3A_128 : vector<256x4096xf32>
    %sub3A_133 = vector.broadcast %slice3A_129 : vector<1x4096xf32> to vector<256x4096xf32>
    %sub3A_134 = arith.subf %sub3A_133, %mul3A_132 : vector<256x4096xf32>
    %add3A_135 = vector.broadcast %broadcast_in_dim3A_113 : vector<256x1xf32> to vector<256x4096xf32>
    %add3A_136 = arith.addf %add3A_135, %sub3A_134 : vector<256x4096xf32>
    %min3A_137 = arith.minimumf %min3A_125, %add3A_136 : vector<256x4096xf32>
    %slice3A_138 = vector.extract_strided_slice %get3A_4 {offsets = [0, 8192], sizes = [3, 4096], strides = [1, 1]} : vector<3x16384xf32> to vector<3x4096xf32>
    %dot_general3A_139 = arith.constant dense<0.000000e+00> : vector<256x4096xf32>
    %dot_general3A_140 = tpu.matmul %slice3A_109, %slice3A_138, %dot_general3A_139 {dimension_numbers = #tpu.dot_dimension_numbers<[1], [0], [0], [1], [0, 0, 1, 1], [], []>, transpose_lhs_hint = false} : vector<256x3xf32>, vector<3x4096xf32>, vector<256x4096xf32> -> vector<256x4096xf32>
    %slice3A_141 = vector.extract_strided_slice %broadcast_in_dim3A {offsets = [0, 8192], sizes = [1, 4096], strides = [1, 1]} : vector<1x16384xf32> to vector<1x4096xf32>
    %mul3A_142 = arith.constant 2.000000e+00 : f32
    %mul3A_143 = vector.broadcast %mul3A_142 : f32 to vector<256x4096xf32>
    %mul3A_144 = arith.mulf %mul3A_143, %dot_general3A_140 : vector<256x4096xf32>
    %sub3A_145 = vector.broadcast %slice3A_141 : vector<1x4096xf32> to vector<256x4096xf32>
    %sub3A_146 = arith.subf %sub3A_145, %mul3A_144 : vector<256x4096xf32>
    %add3A_147 = vector.broadcast %broadcast_in_dim3A_113 : vector<256x1xf32> to vector<256x4096xf32>
    %add3A_148 = arith.addf %add3A_147, %sub3A_146 : vector<256x4096xf32>
    %min3A_149 = arith.minimumf %min3A_137, %add3A_148 : vector<256x4096xf32>
    %slice3A_150 = vector.extract_strided_slice %get3A_4 {offsets = [0, 12288], sizes = [3, 4096], strides = [1, 1]} : vector<3x16384xf32> to vector<3x4096xf32>
    %dot_general3A_151 = arith.constant dense<0.000000e+00> : vector<256x4096xf32>
    %dot_general3A_152 = tpu.matmul %slice3A_109, %slice3A_150, %dot_general3A_151 {dimension_numbers = #tpu.dot_dimension_numbers<[1], [0], [0], [1], [0, 0, 1, 1], [], []>, transpose_lhs_hint = false} : vector<256x3xf32>, vector<3x4096xf32>, vector<256x4096xf32> -> vector<256x4096xf32>
    %slice3A_153 = vector.extract_strided_slice %broadcast_in_dim3A {offsets = [0, 12288], sizes = [1, 4096], strides = [1, 1]} : vector<1x16384xf32> to vector<1x4096xf32>
    %mul3A_154 = arith.constant 2.000000e+00 : f32
    %mul3A_155 = vector.broadcast %mul3A_154 : f32 to vector<256x4096xf32>
    %mul3A_156 = arith.mulf %mul3A_155, %dot_general3A_152 : vector<256x4096xf32>
    %sub3A_157 = vector.broadcast %slice3A_153 : vector<1x4096xf32> to vector<256x4096xf32>
    %sub3A_158 = arith.subf %sub3A_157, %mul3A_156 : vector<256x4096xf32>
    %add3A_159 = vector.broadcast %broadcast_in_dim3A_113 : vector<256x1xf32> to vector<256x4096xf32>
    %add3A_160 = arith.addf %add3A_159, %sub3A_158 : vector<256x4096xf32>
    %min3A_161 = arith.minimumf %min3A_149, %add3A_160 : vector<256x4096xf32>
    %slice3A_162 = vector.extract_strided_slice %get3A_1 {offsets = [0, 9], sizes = [256, 3], strides = [1, 1]} : vector<256x12xf32> to vector<256x3xf32>
    %mul3A_163 = arith.mulf %slice3A_162, %slice3A_162 : vector<256x3xf32>
    %reduce_sum3A_164 = arith.constant dense<0.000000e+00> : vector<256xf32>
    %reduce_sum3A_165 = vector.multi_reduction <add>, %mul3A_163, %reduce_sum3A_164 [1] : vector<256x3xf32> to vector<256xf32>
    %broadcast_in_dim3A_166 = vector.shape_cast %reduce_sum3A_165 : vector<256xf32> to vector<256x1xf32>
    %slice3A_167 = vector.extract_strided_slice %get3A_4 {offsets = [0, 0], sizes = [3, 4096], strides = [1, 1]} : vector<3x16384xf32> to vector<3x4096xf32>
    %dot_general3A_168 = arith.constant dense<0.000000e+00> : vector<256x4096xf32>
    %dot_general3A_169 = tpu.matmul %slice3A_162, %slice3A_167, %dot_general3A_168 {dimension_numbers = #tpu.dot_dimension_numbers<[1], [0], [0], [1], [0, 0, 1, 1], [], []>, transpose_lhs_hint = false} : vector<256x3xf32>, vector<3x4096xf32>, vector<256x4096xf32> -> vector<256x4096xf32>
    %slice3A_170 = vector.extract_strided_slice %broadcast_in_dim3A {offsets = [0, 0], sizes = [1, 4096], strides = [1, 1]} : vector<1x16384xf32> to vector<1x4096xf32>
    %mul3A_171 = arith.constant 2.000000e+00 : f32
    %mul3A_172 = vector.broadcast %mul3A_171 : f32 to vector<256x4096xf32>
    %mul3A_173 = arith.mulf %mul3A_172, %dot_general3A_169 : vector<256x4096xf32>
    %sub3A_174 = vector.broadcast %slice3A_170 : vector<1x4096xf32> to vector<256x4096xf32>
    %sub3A_175 = arith.subf %sub3A_174, %mul3A_173 : vector<256x4096xf32>
    %add3A_176 = vector.broadcast %broadcast_in_dim3A_166 : vector<256x1xf32> to vector<256x4096xf32>
    %add3A_177 = arith.addf %add3A_176, %sub3A_175 : vector<256x4096xf32>
    %min3A_178 = arith.minimumf %min3A_161, %add3A_177 : vector<256x4096xf32>
    %slice3A_179 = vector.extract_strided_slice %get3A_4 {offsets = [0, 4096], sizes = [3, 4096], strides = [1, 1]} : vector<3x16384xf32> to vector<3x4096xf32>
    %dot_general3A_180 = arith.constant dense<0.000000e+00> : vector<256x4096xf32>
    %dot_general3A_181 = tpu.matmul %slice3A_162, %slice3A_179, %dot_general3A_180 {dimension_numbers = #tpu.dot_dimension_numbers<[1], [0], [0], [1], [0, 0, 1, 1], [], []>, transpose_lhs_hint = false} : vector<256x3xf32>, vector<3x4096xf32>, vector<256x4096xf32> -> vector<256x4096xf32>
    %slice3A_182 = vector.extract_strided_slice %broadcast_in_dim3A {offsets = [0, 4096], sizes = [1, 4096], strides = [1, 1]} : vector<1x16384xf32> to vector<1x4096xf32>
    %mul3A_183 = arith.constant 2.000000e+00 : f32
    %mul3A_184 = vector.broadcast %mul3A_183 : f32 to vector<256x4096xf32>
    %mul3A_185 = arith.mulf %mul3A_184, %dot_general3A_181 : vector<256x4096xf32>
    %sub3A_186 = vector.broadcast %slice3A_182 : vector<1x4096xf32> to vector<256x4096xf32>
    %sub3A_187 = arith.subf %sub3A_186, %mul3A_185 : vector<256x4096xf32>
    %add3A_188 = vector.broadcast %broadcast_in_dim3A_166 : vector<256x1xf32> to vector<256x4096xf32>
    %add3A_189 = arith.addf %add3A_188, %sub3A_187 : vector<256x4096xf32>
    %min3A_190 = arith.minimumf %min3A_178, %add3A_189 : vector<256x4096xf32>
    %slice3A_191 = vector.extract_strided_slice %get3A_4 {offsets = [0, 8192], sizes = [3, 4096], strides = [1, 1]} : vector<3x16384xf32> to vector<3x4096xf32>
    %dot_general3A_192 = arith.constant dense<0.000000e+00> : vector<256x4096xf32>
    %dot_general3A_193 = tpu.matmul %slice3A_162, %slice3A_191, %dot_general3A_192 {dimension_numbers = #tpu.dot_dimension_numbers<[1], [0], [0], [1], [0, 0, 1, 1], [], []>, transpose_lhs_hint = false} : vector<256x3xf32>, vector<3x4096xf32>, vector<256x4096xf32> -> vector<256x4096xf32>
    %slice3A_194 = vector.extract_strided_slice %broadcast_in_dim3A {offsets = [0, 8192], sizes = [1, 4096], strides = [1, 1]} : vector<1x16384xf32> to vector<1x4096xf32>
    %mul3A_195 = arith.constant 2.000000e+00 : f32
    %mul3A_196 = vector.broadcast %mul3A_195 : f32 to vector<256x4096xf32>
    %mul3A_197 = arith.mulf %mul3A_196, %dot_general3A_193 : vector<256x4096xf32>
    %sub3A_198 = vector.broadcast %slice3A_194 : vector<1x4096xf32> to vector<256x4096xf32>
    %sub3A_199 = arith.subf %sub3A_198, %mul3A_197 : vector<256x4096xf32>
    %add3A_200 = vector.broadcast %broadcast_in_dim3A_166 : vector<256x1xf32> to vector<256x4096xf32>
    %add3A_201 = arith.addf %add3A_200, %sub3A_199 : vector<256x4096xf32>
    %min3A_202 = arith.minimumf %min3A_190, %add3A_201 : vector<256x4096xf32>
    %slice3A_203 = vector.extract_strided_slice %get3A_4 {offsets = [0, 12288], sizes = [3, 4096], strides = [1, 1]} : vector<3x16384xf32> to vector<3x4096xf32>
    %dot_general3A_204 = arith.constant dense<0.000000e+00> : vector<256x4096xf32>
    %dot_general3A_205 = tpu.matmul %slice3A_162, %slice3A_203, %dot_general3A_204 {dimension_numbers = #tpu.dot_dimension_numbers<[1], [0], [0], [1], [0, 0, 1, 1], [], []>, transpose_lhs_hint = false} : vector<256x3xf32>, vector<3x4096xf32>, vector<256x4096xf32> -> vector<256x4096xf32>
    %slice3A_206 = vector.extract_strided_slice %broadcast_in_dim3A {offsets = [0, 12288], sizes = [1, 4096], strides = [1, 1]} : vector<1x16384xf32> to vector<1x4096xf32>
    %mul3A_207 = arith.constant 2.000000e+00 : f32
    %mul3A_208 = vector.broadcast %mul3A_207 : f32 to vector<256x4096xf32>
    %mul3A_209 = arith.mulf %mul3A_208, %dot_general3A_205 : vector<256x4096xf32>
    %sub3A_210 = vector.broadcast %slice3A_206 : vector<1x4096xf32> to vector<256x4096xf32>
    %sub3A_211 = arith.subf %sub3A_210, %mul3A_209 : vector<256x4096xf32>
    %add3A_212 = vector.broadcast %broadcast_in_dim3A_166 : vector<256x1xf32> to vector<256x4096xf32>
    %add3A_213 = arith.addf %add3A_212, %sub3A_211 : vector<256x4096xf32>
    %min3A_214 = arith.minimumf %min3A_202, %add3A_213 : vector<256x4096xf32>
    %max3A = arith.constant 0.000000e+00 : f32
    %max3A_215 = vector.broadcast %max3A : f32 to vector<256x4096xf32>
    %max3A_216 = arith.maximumf %min3A_214, %max3A_215 : vector<256x4096xf32>
    %sqrt3A = math.sqrt %max3A_216 : vector<256x4096xf32>
    %get3A_217 = arith.constant 0 : index
    %get3A_218 = arith.constant 0 : index
    %get3A_219 = vector.load %arg4[%get3A_217, %get3A_218] : memref<256x1xi32, #tpu.memory_space<vmem>>, vector<256x1xi32>
    %get3A_220 = arith.constant 0 : index
    %get3A_221 = arith.constant 0 : index
    %get3A_222 = vector.load %arg6[%get3A_220, %get3A_221] : memref<1x4096xi32, #tpu.memory_space<vmem>>, vector<1x4096xi32>
    %eq3A = vector.broadcast %get3A_219 : vector<256x1xi32> to vector<256x4096xi32>
    %eq3A_223 = vector.broadcast %get3A_222 : vector<1x4096xi32> to vector<256x4096xi32>
    %eq3A_224 = arith.cmpi eq, %eq3A, %eq3A_223 : vector<256x4096xi32>
    %get3A_225 = arith.constant 0 : index
    %get3A_226 = arith.constant 0 : index
    %get3A_227 = vector.load %arg5[%get3A_225, %get3A_226] : memref<256x1xi32, #tpu.memory_space<vmem>>, vector<256x1xi32>
    %get3A_228 = arith.constant 0 : index
    %get3A_229 = arith.constant 0 : index
    %get3A_230 = vector.load %arg7[%get3A_228, %get3A_229] : memref<1x4096xi32, #tpu.memory_space<vmem>>, vector<1x4096xi32>
    %eq3A_231 = vector.broadcast %get3A_227 : vector<256x1xi32> to vector<256x4096xi32>
    %eq3A_232 = vector.broadcast %get3A_230 : vector<1x4096xi32> to vector<256x4096xi32>
    %eq3A_233 = arith.cmpi eq, %eq3A_231, %eq3A_232 : vector<256x4096xi32>
    %and3A = arith.andi %eq3A_224, %eq3A_233 : vector<256x4096xi1>
    %jit3A = arith.constant 1.000000e+10 : f32
    %broadcast_in_dim3A_234 = vector.broadcast %jit3A : f32 to vector<256x4096xf32>
    %select_n3A = arith.select %and3A, %sqrt3A, %broadcast_in_dim3A_234 : vector<256x4096xi1>, vector<256x4096xf32>
    %iota3A = tpu.iota {dimensions = array<i32: 1>} : vector<256x4096xi32>
    %iota3A_235 = tpu.iota {dimensions = array<i32: 0>} : vector<256x4096xi32>
    %mul3A_236 = arith.constant 256 : i32
    %mul3A_237 = arith.muli %arg0, %mul3A_236 : i32
    %add3A_238 = vector.broadcast %mul3A_237 : i32 to vector<256x4096xi32>
    %add3A_239 = arith.addi %iota3A_235, %add3A_238 : vector<256x4096xi32>
    %eq3A_240 = arith.cmpi eq, %iota3A, %add3A_239 : vector<256x4096xi32>
    %add3A_241 = arith.constant 1.000000e+10 : f32
    %add3A_242 = vector.broadcast %add3A_241 : f32 to vector<256x4096xf32>
    %add3A_243 = arith.addf %select_n3A, %add3A_242 : vector<256x4096xf32>
    %select_n3A_244 = arith.select %eq3A_240, %add3A_243, %select_n3A : vector<256x4096xi1>, vector<256x4096xf32>
    %broadcast_in_dim3A_245 = arith.constant 0 : i32
    %broadcast_in_dim3A_246 = vector.broadcast %broadcast_in_dim3A_245 : i32 to vector<256x1xi32>
    %reduce_min3A = arith.constant dense<0x7F800000> : vector<256xf32>
    %reduce_min3A_247 = vector.multi_reduction <minimumf>, %select_n3A_244, %reduce_min3A [1] : vector<256x4096xf32> to vector<256xf32>
    %broadcast_in_dim3A_248 = vector.shape_cast %reduce_min3A_247 : vector<256xf32> to vector<256x1xf32>
    %eq3A_249 = vector.broadcast %broadcast_in_dim3A_248 : vector<256x1xf32> to vector<256x4096xf32>
    %eq3A_250 = arith.cmpf oeq, %select_n3A_244, %eq3A_249 : vector<256x4096xf32>
    %jit3A_251 = arith.constant 4096 : i32
    %broadcast_in_dim3A_252 = vector.broadcast %jit3A_251 : i32 to vector<256x4096xi32>
    %select_n3A_253 = arith.select %eq3A_250, %iota3A, %broadcast_in_dim3A_252 : vector<256x4096xi1>, vector<256x4096xi32>
    %reduce_min3A_254 = arith.constant dense<2147483647> : vector<256xi32>
    %reduce_min3A_255 = vector.multi_reduction <minsi>, %select_n3A_253, %reduce_min3A_254 [1] : vector<256x4096xi32> to vector<256xi32>
    %broadcast_in_dim3A_256 = vector.shape_cast %reduce_min3A_255 : vector<256xi32> to vector<256x1xi32>
    %swap3A = arith.constant 0 : index
    %swap3A_257 = arith.constant 0 : index
    %swap3A_258 = vector.load %arg8[%swap3A, %swap3A_257] : memref<256x9xf32, #tpu.memory_space<vmem>>, vector<256x1xf32>
    tpu.vector_store %arg8[%swap3A, %swap3A_257], %broadcast_in_dim3A_248 {strides = array<i32>} : memref<256x9xf32, #tpu.memory_space<vmem>>, vector<256x1xf32>,
    %swap3A_259 = arith.constant 0 : index
    %swap3A_260 = arith.constant 0 : index
    %swap3A_261 = vector.load %arg9[%swap3A_259, %swap3A_260] : memref<256x9xi32, #tpu.memory_space<vmem>>, vector<256x1xi32>
    tpu.vector_store %arg9[%swap3A_259, %swap3A_260], %broadcast_in_dim3A_256 {strides = array<i32>} : memref<256x9xi32, #tpu.memory_space<vmem>>, vector<256x1xi32>,
    %lt3A = arith.constant 1.000000e+10 : f32
    %lt3A_262 = vector.broadcast %lt3A : f32 to vector<256x1xf32>
    %lt3A_263 = arith.cmpf olt, %broadcast_in_dim3A_248, %lt3A_262 : vector<256x1xf32>
    %convert_element_type3A = arith.extui %lt3A_263 : vector<256x1xi1> to vector<256x1xi32>
    %add3A_264 = arith.addi %broadcast_in_dim3A_246, %convert_element_type3A : vector<256x1xi32>
    %eq3A_265 = vector.broadcast %broadcast_in_dim3A_256 : vector<256x1xi32> to vector<256x4096xi32>
    %eq3A_266 = arith.cmpi eq, %iota3A, %eq3A_265 : vector<256x4096xi32>
    %jit3A_267 = arith.constant 0x7F800000 : f32
    %broadcast_in_dim3A_268 = vector.broadcast %jit3A_267 : f32 to vector<256x4096xf32>
    %select_n3A_269 = arith.select %eq3A_266, %broadcast_in_dim3A_268, %select_n3A_244 : vector<256x4096xi1>, vector<256x4096xf32>
    %reduce_min3A_270 = arith.constant dense<0x7F800000> : vector<256xf32>
    %reduce_min3A_271 = vector.multi_reduction <minimumf>, %select_n3A_269, %reduce_min3A_270 [1] : vector<256x4096xf32> to vector<256xf32>
    %broadcast_in_dim3A_272 = vector.shape_cast %reduce_min3A_271 : vector<256xf32> to vector<256x1xf32>
    %eq3A_273 = vector.broadcast %broadcast_in_dim3A_272 : vector<256x1xf32> to vector<256x4096xf32>
    %eq3A_274 = arith.cmpf oeq, %select_n3A_269, %eq3A_273 : vector<256x4096xf32>
    %jit3A_275 = arith.constant 4096 : i32
    %broadcast_in_dim3A_276 = vector.broadcast %jit3A_275 : i32 to vector<256x4096xi32>
    %select_n3A_277 = arith.select %eq3A_274, %iota3A, %broadcast_in_dim3A_276 : vector<256x4096xi1>, vector<256x4096xi32>
    %reduce_min3A_278 = arith.constant dense<2147483647> : vector<256xi32>
    %reduce_min3A_279 = vector.multi_reduction <minsi>, %select_n3A_277, %reduce_min3A_278 [1] : vector<256x4096xi32> to vector<256xi32>
    %broadcast_in_dim3A_280 = vector.shape_cast %reduce_min3A_279 : vector<256xi32> to vector<256x1xi32>
    %swap3A_281 = arith.constant 0 : index
    %swap3A_282 = arith.constant 1 : index
    %swap3A_283 = vector.load %arg8[%swap3A_281, %swap3A_282] : memref<256x9xf32, #tpu.memory_space<vmem>>, vector<256x1xf32>
    tpu.vector_store %arg8[%swap3A_281, %swap3A_282], %broadcast_in_dim3A_272 {strides = array<i32>} : memref<256x9xf32, #tpu.memory_space<vmem>>, vector<256x1xf32>,
    %swap3A_284 = arith.constant 0 : index
    %swap3A_285 = arith.constant 1 : index
    %swap3A_286 = vector.load %arg9[%swap3A_284, %swap3A_285] : memref<256x9xi32, #tpu.memory_space<vmem>>, vector<256x1xi32>
    tpu.vector_store %arg9[%swap3A_284, %swap3A_285], %broadcast_in_dim3A_280 {strides = array<i32>} : memref<256x9xi32, #tpu.memory_space<vmem>>, vector<256x1xi32>,
    %lt3A_287 = arith.constant 1.000000e+10 : f32
    %lt3A_288 = vector.broadcast %lt3A_287 : f32 to vector<256x1xf32>
    %lt3A_289 = arith.cmpf olt, %broadcast_in_dim3A_272, %lt3A_288 : vector<256x1xf32>
    %convert_element_type3A_290 = arith.extui %lt3A_289 : vector<256x1xi1> to vector<256x1xi32>
    %add3A_291 = arith.addi %add3A_264, %convert_element_type3A_290 : vector<256x1xi32>
    %eq3A_292 = vector.broadcast %broadcast_in_dim3A_280 : vector<256x1xi32> to vector<256x4096xi32>
    %eq3A_293 = arith.cmpi eq, %iota3A, %eq3A_292 : vector<256x4096xi32>
    %jit3A_294 = arith.constant 0x7F800000 : f32
    %broadcast_in_dim3A_295 = vector.broadcast %jit3A_294 : f32 to vector<256x4096xf32>
    %select_n3A_296 = arith.select %eq3A_293, %broadcast_in_dim3A_295, %select_n3A_269 : vector<256x4096xi1>, vector<256x4096xf32>
    %reduce_min3A_297 = arith.constant dense<0x7F800000> : vector<256xf32>
    %reduce_min3A_298 = vector.multi_reduction <minimumf>, %select_n3A_296, %reduce_min3A_297 [1] : vector<256x4096xf32> to vector<256xf32>
    %broadcast_in_dim3A_299 = vector.shape_cast %reduce_min3A_298 : vector<256xf32> to vector<256x1xf32>
    %eq3A_300 = vector.broadcast %broadcast_in_dim3A_299 : vector<256x1xf32> to vector<256x4096xf32>
    %eq3A_301 = arith.cmpf oeq, %select_n3A_296, %eq3A_300 : vector<256x4096xf32>
    %jit3A_302 = arith.constant 4096 : i32
    %broadcast_in_dim3A_303 = vector.broadcast %jit3A_302 : i32 to vector<256x4096xi32>
    %select_n3A_304 = arith.select %eq3A_301, %iota3A, %broadcast_in_dim3A_303 : vector<256x4096xi1>, vector<256x4096xi32>
    %reduce_min3A_305 = arith.constant dense<2147483647> : vector<256xi32>
    %reduce_min3A_306 = vector.multi_reduction <minsi>, %select_n3A_304, %reduce_min3A_305 [1] : vector<256x4096xi32> to vector<256xi32>
    %broadcast_in_dim3A_307 = vector.shape_cast %reduce_min3A_306 : vector<256xi32> to vector<256x1xi32>
    %swap3A_308 = arith.constant 0 : index
    %swap3A_309 = arith.constant 2 : index
    %swap3A_310 = vector.load %arg8[%swap3A_308, %swap3A_309] : memref<256x9xf32, #tpu.memory_space<vmem>>, vector<256x1xf32>
    tpu.vector_store %arg8[%swap3A_308, %swap3A_309], %broadcast_in_dim3A_299 {strides = array<i32>} : memref<256x9xf32, #tpu.memory_space<vmem>>, vector<256x1xf32>,
    %swap3A_311 = arith.constant 0 : index
    %swap3A_312 = arith.constant 2 : index
    %swap3A_313 = vector.load %arg9[%swap3A_311, %swap3A_312] : memref<256x9xi32, #tpu.memory_space<vmem>>, vector<256x1xi32>
    tpu.vector_store %arg9[%swap3A_311, %swap3A_312], %broadcast_in_dim3A_307 {strides = array<i32>} : memref<256x9xi32, #tpu.memory_space<vmem>>, vector<256x1xi32>,
    %lt3A_314 = arith.constant 1.000000e+10 : f32
    %lt3A_315 = vector.broadcast %lt3A_314 : f32 to vector<256x1xf32>
    %lt3A_316 = arith.cmpf olt, %broadcast_in_dim3A_299, %lt3A_315 : vector<256x1xf32>
    %convert_element_type3A_317 = arith.extui %lt3A_316 : vector<256x1xi1> to vector<256x1xi32>
    %add3A_318 = arith.addi %add3A_291, %convert_element_type3A_317 : vector<256x1xi32>
    %eq3A_319 = vector.broadcast %broadcast_in_dim3A_307 : vector<256x1xi32> to vector<256x4096xi32>
    %eq3A_320 = arith.cmpi eq, %iota3A, %eq3A_319 : vector<256x4096xi32>
    %jit3A_321 = arith.constant 0x7F800000 : f32
    %broadcast_in_dim3A_322 = vector.broadcast %jit3A_321 : f32 to vector<256x4096xf32>
    %select_n3A_323 = arith.select %eq3A_320, %broadcast_in_dim3A_322, %select_n3A_296 : vector<256x4096xi1>, vector<256x4096xf32>
    %reduce_min3A_324 = arith.constant dense<0x7F800000> : vector<256xf32>
    %reduce_min3A_325 = vector.multi_reduction <minimumf>, %select_n3A_323, %reduce_min3A_324 [1] : vector<256x4096xf32> to vector<256xf32>
    %broadcast_in_dim3A_326 = vector.shape_cast %reduce_min3A_325 : vector<256xf32> to vector<256x1xf32>
    %eq3A_327 = vector.broadcast %broadcast_in_dim3A_326 : vector<256x1xf32> to vector<256x4096xf32>
    %eq3A_328 = arith.cmpf oeq, %select_n3A_323, %eq3A_327 : vector<256x4096xf32>
    %jit3A_329 = arith.constant 4096 : i32
    %broadcast_in_dim3A_330 = vector.broadcast %jit3A_329 : i32 to vector<256x4096xi32>
    %select_n3A_331 = arith.select %eq3A_328, %iota3A, %broadcast_in_dim3A_330 : vector<256x4096xi1>, vector<256x4096xi32>
    %reduce_min3A_332 = arith.constant dense<2147483647> : vector<256xi32>
    %reduce_min3A_333 = vector.multi_reduction <minsi>, %select_n3A_331, %reduce_min3A_332 [1] : vector<256x4096xi32> to vector<256xi32>
    %broadcast_in_dim3A_334 = vector.shape_cast %reduce_min3A_333 : vector<256xi32> to vector<256x1xi32>
    %swap3A_335 = arith.constant 0 : index
    %swap3A_336 = arith.constant 3 : index
    %swap3A_337 = vector.load %arg8[%swap3A_335, %swap3A_336] : memref<256x9xf32, #tpu.memory_space<vmem>>, vector<256x1xf32>
    tpu.vector_store %arg8[%swap3A_335, %swap3A_336], %broadcast_in_dim3A_326 {strides = array<i32>} : memref<256x9xf32, #tpu.memory_space<vmem>>, vector<256x1xf32>,
    %swap3A_338 = arith.constant 0 : index
    %swap3A_339 = arith.constant 3 : index
    %swap3A_340 = vector.load %arg9[%swap3A_338, %swap3A_339] : memref<256x9xi32, #tpu.memory_space<vmem>>, vector<256x1xi32>
    tpu.vector_store %arg9[%swap3A_338, %swap3A_339], %broadcast_in_dim3A_334 {strides = array<i32>} : memref<256x9xi32, #tpu.memory_space<vmem>>, vector<256x1xi32>,
    %lt3A_341 = arith.constant 1.000000e+10 : f32
    %lt3A_342 = vector.broadcast %lt3A_341 : f32 to vector<256x1xf32>
    %lt3A_343 = arith.cmpf olt, %broadcast_in_dim3A_326, %lt3A_342 : vector<256x1xf32>
    %convert_element_type3A_344 = arith.extui %lt3A_343 : vector<256x1xi1> to vector<256x1xi32>
    %add3A_345 = arith.addi %add3A_318, %convert_element_type3A_344 : vector<256x1xi32>
    %eq3A_346 = vector.broadcast %broadcast_in_dim3A_334 : vector<256x1xi32> to vector<256x4096xi32>
    %eq3A_347 = arith.cmpi eq, %iota3A, %eq3A_346 : vector<256x4096xi32>
    %jit3A_348 = arith.constant 0x7F800000 : f32
    %broadcast_in_dim3A_349 = vector.broadcast %jit3A_348 : f32 to vector<256x4096xf32>
    %select_n3A_350 = arith.select %eq3A_347, %broadcast_in_dim3A_349, %select_n3A_323 : vector<256x4096xi1>, vector<256x4096xf32>
    %reduce_min3A_351 = arith.constant dense<0x7F800000> : vector<256xf32>
    %reduce_min3A_352 = vector.multi_reduction <minimumf>, %select_n3A_350, %reduce_min3A_351 [1] : vector<256x4096xf32> to vector<256xf32>
    %broadcast_in_dim3A_353 = vector.shape_cast %reduce_min3A_352 : vector<256xf32> to vector<256x1xf32>
    %eq3A_354 = vector.broadcast %broadcast_in_dim3A_353 : vector<256x1xf32> to vector<256x4096xf32>
    %eq3A_355 = arith.cmpf oeq, %select_n3A_350, %eq3A_354 : vector<256x4096xf32>
    %jit3A_356 = arith.constant 4096 : i32
    %broadcast_in_dim3A_357 = vector.broadcast %jit3A_356 : i32 to vector<256x4096xi32>
    %select_n3A_358 = arith.select %eq3A_355, %iota3A, %broadcast_in_dim3A_357 : vector<256x4096xi1>, vector<256x4096xi32>
    %reduce_min3A_359 = arith.constant dense<2147483647> : vector<256xi32>
    %reduce_min3A_360 = vector.multi_reduction <minsi>, %select_n3A_358, %reduce_min3A_359 [1] : vector<256x4096xi32> to vector<256xi32>
    %broadcast_in_dim3A_361 = vector.shape_cast %reduce_min3A_360 : vector<256xi32> to vector<256x1xi32>
    %swap3A_362 = arith.constant 0 : index
    %swap3A_363 = arith.constant 4 : index
    %swap3A_364 = vector.load %arg8[%swap3A_362, %swap3A_363] : memref<256x9xf32, #tpu.memory_space<vmem>>, vector<256x1xf32>
    tpu.vector_store %arg8[%swap3A_362, %swap3A_363], %broadcast_in_dim3A_353 {strides = array<i32>} : memref<256x9xf32, #tpu.memory_space<vmem>>, vector<256x1xf32>,
    %swap3A_365 = arith.constant 0 : index
    %swap3A_366 = arith.constant 4 : index
    %swap3A_367 = vector.load %arg9[%swap3A_365, %swap3A_366] : memref<256x9xi32, #tpu.memory_space<vmem>>, vector<256x1xi32>
    tpu.vector_store %arg9[%swap3A_365, %swap3A_366], %broadcast_in_dim3A_361 {strides = array<i32>} : memref<256x9xi32, #tpu.memory_space<vmem>>, vector<256x1xi32>,
    %lt3A_368 = arith.constant 1.000000e+10 : f32
    %lt3A_369 = vector.broadcast %lt3A_368 : f32 to vector<256x1xf32>
    %lt3A_370 = arith.cmpf olt, %broadcast_in_dim3A_353, %lt3A_369 : vector<256x1xf32>
    %convert_element_type3A_371 = arith.extui %lt3A_370 : vector<256x1xi1> to vector<256x1xi32>
    %add3A_372 = arith.addi %add3A_345, %convert_element_type3A_371 : vector<256x1xi32>
    %eq3A_373 = vector.broadcast %broadcast_in_dim3A_361 : vector<256x1xi32> to vector<256x4096xi32>
    %eq3A_374 = arith.cmpi eq, %iota3A, %eq3A_373 : vector<256x4096xi32>
    %jit3A_375 = arith.constant 0x7F800000 : f32
    %broadcast_in_dim3A_376 = vector.broadcast %jit3A_375 : f32 to vector<256x4096xf32>
    %select_n3A_377 = arith.select %eq3A_374, %broadcast_in_dim3A_376, %select_n3A_350 : vector<256x4096xi1>, vector<256x4096xf32>
    %reduce_min3A_378 = arith.constant dense<0x7F800000> : vector<256xf32>
    %reduce_min3A_379 = vector.multi_reduction <minimumf>, %select_n3A_377, %reduce_min3A_378 [1] : vector<256x4096xf32> to vector<256xf32>
    %broadcast_in_dim3A_380 = vector.shape_cast %reduce_min3A_379 : vector<256xf32> to vector<256x1xf32>
    %eq3A_381 = vector.broadcast %broadcast_in_dim3A_380 : vector<256x1xf32> to vector<256x4096xf32>
    %eq3A_382 = arith.cmpf oeq, %select_n3A_377, %eq3A_381 : vector<256x4096xf32>
    %jit3A_383 = arith.constant 4096 : i32
    %broadcast_in_dim3A_384 = vector.broadcast %jit3A_383 : i32 to vector<256x4096xi32>
    %select_n3A_385 = arith.select %eq3A_382, %iota3A, %broadcast_in_dim3A_384 : vector<256x4096xi1>, vector<256x4096xi32>
    %reduce_min3A_386 = arith.constant dense<2147483647> : vector<256xi32>
    %reduce_min3A_387 = vector.multi_reduction <minsi>, %select_n3A_385, %reduce_min3A_386 [1] : vector<256x4096xi32> to vector<256xi32>
    %broadcast_in_dim3A_388 = vector.shape_cast %reduce_min3A_387 : vector<256xi32> to vector<256x1xi32>
    %swap3A_389 = arith.constant 0 : index
    %swap3A_390 = arith.constant 5 : index
    %swap3A_391 = vector.load %arg8[%swap3A_389, %swap3A_390] : memref<256x9xf32, #tpu.memory_space<vmem>>, vector<256x1xf32>
    tpu.vector_store %arg8[%swap3A_389, %swap3A_390], %broadcast_in_dim3A_380 {strides = array<i32>} : memref<256x9xf32, #tpu.memory_space<vmem>>, vector<256x1xf32>,
    %swap3A_392 = arith.constant 0 : index
    %swap3A_393 = arith.constant 5 : index
    %swap3A_394 = vector.load %arg9[%swap3A_392, %swap3A_393] : memref<256x9xi32, #tpu.memory_space<vmem>>, vector<256x1xi32>
    tpu.vector_store %arg9[%swap3A_392, %swap3A_393], %broadcast_in_dim3A_388 {strides = array<i32>} : memref<256x9xi32, #tpu.memory_space<vmem>>, vector<256x1xi32>,
    %lt3A_395 = arith.constant 1.000000e+10 : f32
    %lt3A_396 = vector.broadcast %lt3A_395 : f32 to vector<256x1xf32>
    %lt3A_397 = arith.cmpf olt, %broadcast_in_dim3A_380, %lt3A_396 : vector<256x1xf32>
    %convert_element_type3A_398 = arith.extui %lt3A_397 : vector<256x1xi1> to vector<256x1xi32>
    %add3A_399 = arith.addi %add3A_372, %convert_element_type3A_398 : vector<256x1xi32>
    %eq3A_400 = vector.broadcast %broadcast_in_dim3A_388 : vector<256x1xi32> to vector<256x4096xi32>
    %eq3A_401 = arith.cmpi eq, %iota3A, %eq3A_400 : vector<256x4096xi32>
    %jit3A_402 = arith.constant 0x7F800000 : f32
    %broadcast_in_dim3A_403 = vector.broadcast %jit3A_402 : f32 to vector<256x4096xf32>
    %select_n3A_404 = arith.select %eq3A_401, %broadcast_in_dim3A_403, %select_n3A_377 : vector<256x4096xi1>, vector<256x4096xf32>
    %reduce_min3A_405 = arith.constant dense<0x7F800000> : vector<256xf32>
    %reduce_min3A_406 = vector.multi_reduction <minimumf>, %select_n3A_404, %reduce_min3A_405 [1] : vector<256x4096xf32> to vector<256xf32>
    %broadcast_in_dim3A_407 = vector.shape_cast %reduce_min3A_406 : vector<256xf32> to vector<256x1xf32>
    %eq3A_408 = vector.broadcast %broadcast_in_dim3A_407 : vector<256x1xf32> to vector<256x4096xf32>
    %eq3A_409 = arith.cmpf oeq, %select_n3A_404, %eq3A_408 : vector<256x4096xf32>
    %jit3A_410 = arith.constant 4096 : i32
    %broadcast_in_dim3A_411 = vector.broadcast %jit3A_410 : i32 to vector<256x4096xi32>
    %select_n3A_412 = arith.select %eq3A_409, %iota3A, %broadcast_in_dim3A_411 : vector<256x4096xi1>, vector<256x4096xi32>
    %reduce_min3A_413 = arith.constant dense<2147483647> : vector<256xi32>
    %reduce_min3A_414 = vector.multi_reduction <minsi>, %select_n3A_412, %reduce_min3A_413 [1] : vector<256x4096xi32> to vector<256xi32>
    %broadcast_in_dim3A_415 = vector.shape_cast %reduce_min3A_414 : vector<256xi32> to vector<256x1xi32>
    %swap3A_416 = arith.constant 0 : index
    %swap3A_417 = arith.constant 6 : index
    %swap3A_418 = vector.load %arg8[%swap3A_416, %swap3A_417] : memref<256x9xf32, #tpu.memory_space<vmem>>, vector<256x1xf32>
    tpu.vector_store %arg8[%swap3A_416, %swap3A_417], %broadcast_in_dim3A_407 {strides = array<i32>} : memref<256x9xf32, #tpu.memory_space<vmem>>, vector<256x1xf32>,
    %swap3A_419 = arith.constant 0 : index
    %swap3A_420 = arith.constant 6 : index
    %swap3A_421 = vector.load %arg9[%swap3A_419, %swap3A_420] : memref<256x9xi32, #tpu.memory_space<vmem>>, vector<256x1xi32>
    tpu.vector_store %arg9[%swap3A_419, %swap3A_420], %broadcast_in_dim3A_415 {strides = array<i32>} : memref<256x9xi32, #tpu.memory_space<vmem>>, vector<256x1xi32>,
    %lt3A_422 = arith.constant 1.000000e+10 : f32
    %lt3A_423 = vector.broadcast %lt3A_422 : f32 to vector<256x1xf32>
    %lt3A_424 = arith.cmpf olt, %broadcast_in_dim3A_407, %lt3A_423 : vector<256x1xf32>
    %convert_element_type3A_425 = arith.extui %lt3A_424 : vector<256x1xi1> to vector<256x1xi32>
    %add3A_426 = arith.addi %add3A_399, %convert_element_type3A_425 : vector<256x1xi32>
    %eq3A_427 = vector.broadcast %broadcast_in_dim3A_415 : vector<256x1xi32> to vector<256x4096xi32>
    %eq3A_428 = arith.cmpi eq, %iota3A, %eq3A_427 : vector<256x4096xi32>
    %jit3A_429 = arith.constant 0x7F800000 : f32
    %broadcast_in_dim3A_430 = vector.broadcast %jit3A_429 : f32 to vector<256x4096xf32>
    %select_n3A_431 = arith.select %eq3A_428, %broadcast_in_dim3A_430, %select_n3A_404 : vector<256x4096xi1>, vector<256x4096xf32>
    %reduce_min3A_432 = arith.constant dense<0x7F800000> : vector<256xf32>
    %reduce_min3A_433 = vector.multi_reduction <minimumf>, %select_n3A_431, %reduce_min3A_432 [1] : vector<256x4096xf32> to vector<256xf32>
    %broadcast_in_dim3A_434 = vector.shape_cast %reduce_min3A_433 : vector<256xf32> to vector<256x1xf32>
    %eq3A_435 = vector.broadcast %broadcast_in_dim3A_434 : vector<256x1xf32> to vector<256x4096xf32>
    %eq3A_436 = arith.cmpf oeq, %select_n3A_431, %eq3A_435 : vector<256x4096xf32>
    %jit3A_437 = arith.constant 4096 : i32
    %broadcast_in_dim3A_438 = vector.broadcast %jit3A_437 : i32 to vector<256x4096xi32>
    %select_n3A_439 = arith.select %eq3A_436, %iota3A, %broadcast_in_dim3A_438 : vector<256x4096xi1>, vector<256x4096xi32>
    %reduce_min3A_440 = arith.constant dense<2147483647> : vector<256xi32>
    %reduce_min3A_441 = vector.multi_reduction <minsi>, %select_n3A_439, %reduce_min3A_440 [1] : vector<256x4096xi32> to vector<256xi32>
    %broadcast_in_dim3A_442 = vector.shape_cast %reduce_min3A_441 : vector<256xi32> to vector<256x1xi32>
    %swap3A_443 = arith.constant 0 : index
    %swap3A_444 = arith.constant 7 : index
    %swap3A_445 = vector.load %arg8[%swap3A_443, %swap3A_444] : memref<256x9xf32, #tpu.memory_space<vmem>>, vector<256x1xf32>
    tpu.vector_store %arg8[%swap3A_443, %swap3A_444], %broadcast_in_dim3A_434 {strides = array<i32>} : memref<256x9xf32, #tpu.memory_space<vmem>>, vector<256x1xf32>,
    %swap3A_446 = arith.constant 0 : index
    %swap3A_447 = arith.constant 7 : index
    %swap3A_448 = vector.load %arg9[%swap3A_446, %swap3A_447] : memref<256x9xi32, #tpu.memory_space<vmem>>, vector<256x1xi32>
    tpu.vector_store %arg9[%swap3A_446, %swap3A_447], %broadcast_in_dim3A_442 {strides = array<i32>} : memref<256x9xi32, #tpu.memory_space<vmem>>, vector<256x1xi32>,
    %lt3A_449 = arith.constant 1.000000e+10 : f32
    %lt3A_450 = vector.broadcast %lt3A_449 : f32 to vector<256x1xf32>
    %lt3A_451 = arith.cmpf olt, %broadcast_in_dim3A_434, %lt3A_450 : vector<256x1xf32>
    %convert_element_type3A_452 = arith.extui %lt3A_451 : vector<256x1xi1> to vector<256x1xi32>
    %add3A_453 = arith.addi %add3A_426, %convert_element_type3A_452 : vector<256x1xi32>
    %eq3A_454 = vector.broadcast %broadcast_in_dim3A_442 : vector<256x1xi32> to vector<256x4096xi32>
    %eq3A_455 = arith.cmpi eq, %iota3A, %eq3A_454 : vector<256x4096xi32>
    %jit3A_456 = arith.constant 0x7F800000 : f32
    %broadcast_in_dim3A_457 = vector.broadcast %jit3A_456 : f32 to vector<256x4096xf32>
    %select_n3A_458 = arith.select %eq3A_455, %broadcast_in_dim3A_457, %select_n3A_431 : vector<256x4096xi1>, vector<256x4096xf32>
    %reduce_min3A_459 = arith.constant dense<0x7F800000> : vector<256xf32>
    %reduce_min3A_460 = vector.multi_reduction <minimumf>, %select_n3A_458, %reduce_min3A_459 [1] : vector<256x4096xf32> to vector<256xf32>
    %broadcast_in_dim3A_461 = vector.shape_cast %reduce_min3A_460 : vector<256xf32> to vector<256x1xf32>
    %eq3A_462 = vector.broadcast %broadcast_in_dim3A_461 : vector<256x1xf32> to vector<256x4096xf32>
    %eq3A_463 = arith.cmpf oeq, %select_n3A_458, %eq3A_462 : vector<256x4096xf32>
    %jit3A_464 = arith.constant 4096 : i32
    %broadcast_in_dim3A_465 = vector.broadcast %jit3A_464 : i32 to vector<256x4096xi32>
    %select_n3A_466 = arith.select %eq3A_463, %iota3A, %broadcast_in_dim3A_465 : vector<256x4096xi1>, vector<256x4096xi32>
    %reduce_min3A_467 = arith.constant dense<2147483647> : vector<256xi32>
    %reduce_min3A_468 = vector.multi_reduction <minsi>, %select_n3A_466, %reduce_min3A_467 [1] : vector<256x4096xi32> to vector<256xi32>
    %broadcast_in_dim3A_469 = vector.shape_cast %reduce_min3A_468 : vector<256xi32> to vector<256x1xi32>
    %swap3A_470 = arith.constant 0 : index
    %swap3A_471 = arith.constant 8 : index
    %swap3A_472 = vector.load %arg8[%swap3A_470, %swap3A_471] : memref<256x9xf32, #tpu.memory_space<vmem>>, vector<256x1xf32>
    tpu.vector_store %arg8[%swap3A_470, %swap3A_471], %broadcast_in_dim3A_461 {strides = array<i32>} : memref<256x9xf32, #tpu.memory_space<vmem>>, vector<256x1xf32>,
    %swap3A_473 = arith.constant 0 : index
    %swap3A_474 = arith.constant 8 : index
    %swap3A_475 = vector.load %arg9[%swap3A_473, %swap3A_474] : memref<256x9xi32, #tpu.memory_space<vmem>>, vector<256x1xi32>
    tpu.vector_store %arg9[%swap3A_473, %swap3A_474], %broadcast_in_dim3A_469 {strides = array<i32>} : memref<256x9xi32, #tpu.memory_space<vmem>>, vector<256x1xi32>,
    %lt3A_476 = arith.constant 1.000000e+10 : f32
    %lt3A_477 = vector.broadcast %lt3A_476 : f32 to vector<256x1xf32>
    %lt3A_478 = arith.cmpf olt, %broadcast_in_dim3A_461, %lt3A_477 : vector<256x1xf32>
    %convert_element_type3A_479 = arith.extui %lt3A_478 : vector<256x1xi1> to vector<256x1xi32>
    %add3A_480 = arith.addi %add3A_453, %convert_element_type3A_479 : vector<256x1xi32>
    %swap3A_481 = arith.constant 0 : index
    %swap3A_482 = arith.constant 0 : index
    %swap3A_483 = vector.load %arg10[%swap3A_481, %swap3A_482] : memref<256x1xi32, #tpu.memory_space<vmem>>, vector<256x1xi32>
    tpu.vector_store %arg10[%swap3A_481, %swap3A_482], %add3A_480 {strides = array<i32>} : memref<256x1xi32, #tpu.memory_space<vmem>>, vector<256x1xi32>,
    return
  }
  func.func @transform_0(%arg0: i32) -> (i32, i32) {
    %c0_i32 = arith.constant 0 : i32
    %c0_i32_0 = arith.constant 0 : i32
    return %arg0, %c0_i32 : i32, i32
  }
  func.func @transform_1(%arg0: i32) -> (i32, i32) {
    %c0_i32 = arith.constant 0 : i32
    %c0_i32_0 = arith.constant 0 : i32
    %c0_i32_1 = arith.constant 0 : i32
    return %c0_i32, %c0_i32_0 : i32, i32
  }
  func.func @transform_2(%arg0: i32) -> (i32, i32) {
    %c0_i32 = arith.constant 0 : i32
    %c0_i32_0 = arith.constant 0 : i32
    %c0_i32_1 = arith.constant 0 : i32
    return %c0_i32, %c0_i32_0 : i32, i32
  }
  func.func @transform_3(%arg0: i32) -> (i32, i32) {
    %c0_i32 = arith.constant 0 : i32
    %c0_i32_0 = arith.constant 0 : i32
    return %arg0, %c0_i32 : i32, i32
  }
  func.func @transform_4(%arg0: i32) -> (i32, i32) {
    %c0_i32 = arith.constant 0 : i32
    %c0_i32_0 = arith.constant 0 : i32
    return %arg0, %c0_i32 : i32, i32
  }
  func.func @transform_5(%arg0: i32) -> (i32, i32) {
    %c0_i32 = arith.constant 0 : i32
    %c0_i32_0 = arith.constant 0 : i32
    %c0_i32_1 = arith.constant 0 : i32
    return %c0_i32, %c0_i32_0 : i32, i32
  }
  func.func @transform_6(%arg0: i32) -> (i32, i32) {
    %c0_i32 = arith.constant 0 : i32
    %c0_i32_0 = arith.constant 0 : i32
    %c0_i32_1 = arith.constant 0 : i32
    return %c0_i32, %c0_i32_0 : i32, i32
  }
  func.func @transform_7(%arg0: i32) -> (i32, i32) {
    %c0_i32 = arith.constant 0 : i32
    %c0_i32_0 = arith.constant 0 : i32
    return %arg0, %c0_i32 : i32, i32
  }
  func.func @transform_8(%arg0: i32) -> (i32, i32) {
    %c0_i32 = arith.constant 0 : i32
    %c0_i32_0 = arith.constant 0 : i32
    return %arg0, %c0_i32 : i32, i32
  }
  func.func @transform_9(%arg0: i32) -> (i32, i32) {
    %c0_i32 = arith.constant 0 : i32
    %c0_i32_0 = arith.constant 0 : i32
    return %arg0, %c0_i32 : i32, i32
  }
}

module attributes {stable_mosaic.version = 14 : i64} {
  func.func @_edge_geom_body(%arg0: i32, %arg1: memref<32x4608xf32, #tpu.memory_space<vmem>>, %arg2: memref<32x4608xf32, #tpu.memory_space<vmem>>, %arg3: memref<1x4608xf32, #tpu.memory_space<vmem>>, %arg4: memref<32x4608xf32, #tpu.memory_space<vmem>>, %arg5: memref<16x4608xf32, #tpu.memory_space<vmem>>) attributes {dimension_semantics = [#tpu.dimension_semantics<arbitrary>], iteration_bounds = array<i64: 8>, scalar_prefetch = 0 : i64, scratch_operands = 0 : i64, tpu.core_type = #tpu.core_type<tc>, window_params = [{transform_indices = @transform_0, window_bounds = array<i64: 32, 4608>}, {transform_indices = @transform_1, window_bounds = array<i64: 32, 4608>}, {transform_indices = @transform_2, window_bounds = array<i64: 1, 4608>}, {transform_indices = @transform_3, window_bounds = array<i64: 32, 4608>}, {transform_indices = @transform_4, window_bounds = array<i64: 16, 4608>}]} {
    %get3A = arith.constant 0 : index
    %get3A_0 = arith.constant 0 : index
    %get3A_1 = vector.load %arg1[%get3A, %get3A_0] : memref<32x4608xf32, #tpu.memory_space<vmem>>, vector<32x4608xf32>
    %get3A_2 = arith.constant 0 : index
    %get3A_3 = arith.constant 0 : index
    %get3A_4 = vector.load %arg2[%get3A_2, %get3A_3] : memref<32x4608xf32, #tpu.memory_space<vmem>>, vector<32x4608xf32>
    %slice3A = vector.extract_strided_slice %get3A_1 {offsets = [0, 0], sizes = [1, 4608], strides = [1, 1]} : vector<32x4608xf32> to vector<1x4608xf32>
    %slice3A_5 = vector.extract_strided_slice %get3A_1 {offsets = [1, 0], sizes = [1, 4608], strides = [1, 1]} : vector<32x4608xf32> to vector<1x4608xf32>
    %slice3A_6 = vector.extract_strided_slice %get3A_1 {offsets = [2, 0], sizes = [1, 4608], strides = [1, 1]} : vector<32x4608xf32> to vector<1x4608xf32>
    %slice3A_7 = vector.extract_strided_slice %get3A_1 {offsets = [3, 0], sizes = [1, 4608], strides = [1, 1]} : vector<32x4608xf32> to vector<1x4608xf32>
    %slice3A_8 = vector.extract_strided_slice %get3A_1 {offsets = [4, 0], sizes = [1, 4608], strides = [1, 1]} : vector<32x4608xf32> to vector<1x4608xf32>
    %slice3A_9 = vector.extract_strided_slice %get3A_1 {offsets = [5, 0], sizes = [1, 4608], strides = [1, 1]} : vector<32x4608xf32> to vector<1x4608xf32>
    %slice3A_10 = vector.extract_strided_slice %get3A_1 {offsets = [6, 0], sizes = [1, 4608], strides = [1, 1]} : vector<32x4608xf32> to vector<1x4608xf32>
    %slice3A_11 = vector.extract_strided_slice %get3A_1 {offsets = [7, 0], sizes = [1, 4608], strides = [1, 1]} : vector<32x4608xf32> to vector<1x4608xf32>
    %slice3A_12 = vector.extract_strided_slice %get3A_1 {offsets = [8, 0], sizes = [1, 4608], strides = [1, 1]} : vector<32x4608xf32> to vector<1x4608xf32>
    %slice3A_13 = vector.extract_strided_slice %get3A_4 {offsets = [0, 0], sizes = [1, 4608], strides = [1, 1]} : vector<32x4608xf32> to vector<1x4608xf32>
    %slice3A_14 = vector.extract_strided_slice %get3A_4 {offsets = [1, 0], sizes = [1, 4608], strides = [1, 1]} : vector<32x4608xf32> to vector<1x4608xf32>
    %slice3A_15 = vector.extract_strided_slice %get3A_4 {offsets = [2, 0], sizes = [1, 4608], strides = [1, 1]} : vector<32x4608xf32> to vector<1x4608xf32>
    %slice3A_16 = vector.extract_strided_slice %get3A_4 {offsets = [3, 0], sizes = [1, 4608], strides = [1, 1]} : vector<32x4608xf32> to vector<1x4608xf32>
    %slice3A_17 = vector.extract_strided_slice %get3A_4 {offsets = [4, 0], sizes = [1, 4608], strides = [1, 1]} : vector<32x4608xf32> to vector<1x4608xf32>
    %slice3A_18 = vector.extract_strided_slice %get3A_4 {offsets = [5, 0], sizes = [1, 4608], strides = [1, 1]} : vector<32x4608xf32> to vector<1x4608xf32>
    %slice3A_19 = vector.extract_strided_slice %get3A_4 {offsets = [6, 0], sizes = [1, 4608], strides = [1, 1]} : vector<32x4608xf32> to vector<1x4608xf32>
    %slice3A_20 = vector.extract_strided_slice %get3A_4 {offsets = [7, 0], sizes = [1, 4608], strides = [1, 1]} : vector<32x4608xf32> to vector<1x4608xf32>
    %slice3A_21 = vector.extract_strided_slice %get3A_4 {offsets = [8, 0], sizes = [1, 4608], strides = [1, 1]} : vector<32x4608xf32> to vector<1x4608xf32>
    %sub3A = arith.subf %slice3A, %slice3A_19 : vector<1x4608xf32>
    %sub3A_22 = arith.subf %slice3A_5, %slice3A_20 : vector<1x4608xf32>
    %sub3A_23 = arith.subf %slice3A_6, %slice3A_21 : vector<1x4608xf32>
    %sub3A_24 = arith.subf %slice3A_7, %slice3A : vector<1x4608xf32>
    %sub3A_25 = arith.subf %slice3A_8, %slice3A_5 : vector<1x4608xf32>
    %sub3A_26 = arith.subf %slice3A_9, %slice3A_6 : vector<1x4608xf32>
    %sub3A_27 = arith.subf %slice3A_10, %slice3A_7 : vector<1x4608xf32>
    %sub3A_28 = arith.subf %slice3A_11, %slice3A_8 : vector<1x4608xf32>
    %sub3A_29 = arith.subf %slice3A_12, %slice3A_9 : vector<1x4608xf32>
    %mul3A = arith.mulf %sub3A_22, %sub3A_26 : vector<1x4608xf32>
    %mul3A_30 = arith.mulf %sub3A_23, %sub3A_25 : vector<1x4608xf32>
    %sub3A_31 = arith.subf %mul3A, %mul3A_30 : vector<1x4608xf32>
    %mul3A_32 = arith.mulf %sub3A_23, %sub3A_24 : vector<1x4608xf32>
    %mul3A_33 = arith.mulf %sub3A, %sub3A_26 : vector<1x4608xf32>
    %sub3A_34 = arith.subf %mul3A_32, %mul3A_33 : vector<1x4608xf32>
    %mul3A_35 = arith.mulf %sub3A, %sub3A_25 : vector<1x4608xf32>
    %mul3A_36 = arith.mulf %sub3A_22, %sub3A_24 : vector<1x4608xf32>
    %sub3A_37 = arith.subf %mul3A_35, %mul3A_36 : vector<1x4608xf32>
    %mul3A_38 = arith.mulf %sub3A_25, %sub3A_29 : vector<1x4608xf32>
    %mul3A_39 = arith.mulf %sub3A_26, %sub3A_28 : vector<1x4608xf32>
    %sub3A_40 = arith.subf %mul3A_38, %mul3A_39 : vector<1x4608xf32>
    %mul3A_41 = arith.mulf %sub3A_26, %sub3A_27 : vector<1x4608xf32>
    %mul3A_42 = arith.mulf %sub3A_24, %sub3A_29 : vector<1x4608xf32>
    %sub3A_43 = arith.subf %mul3A_41, %mul3A_42 : vector<1x4608xf32>
    %mul3A_44 = arith.mulf %sub3A_24, %sub3A_28 : vector<1x4608xf32>
    %mul3A_45 = arith.mulf %sub3A_25, %sub3A_27 : vector<1x4608xf32>
    %sub3A_46 = arith.subf %mul3A_44, %mul3A_45 : vector<1x4608xf32>
    %mul3A_47 = arith.mulf %sub3A_24, %sub3A_24 : vector<1x4608xf32>
    %mul3A_48 = arith.mulf %sub3A_25, %sub3A_25 : vector<1x4608xf32>
    %add3A = arith.addf %mul3A_47, %mul3A_48 : vector<1x4608xf32>
    %mul3A_49 = arith.mulf %sub3A_26, %sub3A_26 : vector<1x4608xf32>
    %add3A_50 = arith.addf %add3A, %mul3A_49 : vector<1x4608xf32>
    %sqrt3A = math.sqrt %add3A_50 : vector<1x4608xf32>
    %add3A_51 = arith.constant 9.99999993E-9 : f32
    %add3A_52 = vector.broadcast %add3A_51 : f32 to vector<1x4608xf32>
    %add3A_53 = arith.addf %sqrt3A, %add3A_52 : vector<1x4608xf32>
    %div3A = arith.divf %sub3A_24, %add3A_53 : vector<1x4608xf32>
    %add3A_54 = arith.constant 9.99999993E-9 : f32
    %add3A_55 = vector.broadcast %add3A_54 : f32 to vector<1x4608xf32>
    %add3A_56 = arith.addf %sqrt3A, %add3A_55 : vector<1x4608xf32>
    %div3A_57 = arith.divf %sub3A_25, %add3A_56 : vector<1x4608xf32>
    %add3A_58 = arith.constant 9.99999993E-9 : f32
    %add3A_59 = vector.broadcast %add3A_58 : f32 to vector<1x4608xf32>
    %add3A_60 = arith.addf %sqrt3A, %add3A_59 : vector<1x4608xf32>
    %div3A_61 = arith.divf %sub3A_26, %add3A_60 : vector<1x4608xf32>
    %mul3A_62 = arith.mulf %sub3A_34, %div3A_61 : vector<1x4608xf32>
    %mul3A_63 = arith.mulf %sub3A_37, %div3A_57 : vector<1x4608xf32>
    %sub3A_64 = arith.subf %mul3A_62, %mul3A_63 : vector<1x4608xf32>
    %mul3A_65 = arith.mulf %sub3A_37, %div3A : vector<1x4608xf32>
    %mul3A_66 = arith.mulf %sub3A_31, %div3A_61 : vector<1x4608xf32>
    %sub3A_67 = arith.subf %mul3A_65, %mul3A_66 : vector<1x4608xf32>
    %mul3A_68 = arith.mulf %sub3A_31, %div3A_57 : vector<1x4608xf32>
    %mul3A_69 = arith.mulf %sub3A_34, %div3A : vector<1x4608xf32>
    %sub3A_70 = arith.subf %mul3A_68, %mul3A_69 : vector<1x4608xf32>
    %mul3A_71 = arith.mulf %sub3A_31, %sub3A_40 : vector<1x4608xf32>
    %mul3A_72 = arith.mulf %sub3A_34, %sub3A_43 : vector<1x4608xf32>
    %add3A_73 = arith.addf %mul3A_71, %mul3A_72 : vector<1x4608xf32>
    %mul3A_74 = arith.mulf %sub3A_37, %sub3A_46 : vector<1x4608xf32>
    %add3A_75 = arith.addf %add3A_73, %mul3A_74 : vector<1x4608xf32>
    %mul3A_76 = arith.mulf %sub3A_64, %sub3A_40 : vector<1x4608xf32>
    %mul3A_77 = arith.mulf %sub3A_67, %sub3A_43 : vector<1x4608xf32>
    %add3A_78 = arith.addf %mul3A_76, %mul3A_77 : vector<1x4608xf32>
    %mul3A_79 = arith.mulf %sub3A_70, %sub3A_46 : vector<1x4608xf32>
    %add3A_80 = arith.addf %add3A_78, %mul3A_79 : vector<1x4608xf32>
    %add3A_81 = arith.constant 9.99999993E-9 : f32
    %add3A_82 = vector.broadcast %add3A_81 : f32 to vector<1x4608xf32>
    %add3A_83 = arith.addf %add3A_75, %add3A_82 : vector<1x4608xf32>
    %atan23A = math.atan2 %add3A_80, %add3A_83 : vector<1x4608xf32>
    %sub3A_84 = arith.subf %slice3A_16, %slice3A_13 : vector<1x4608xf32>
    %sub3A_85 = arith.subf %slice3A_17, %slice3A_14 : vector<1x4608xf32>
    %sub3A_86 = arith.subf %slice3A_18, %slice3A_15 : vector<1x4608xf32>
    %sub3A_87 = arith.subf %slice3A_19, %slice3A_16 : vector<1x4608xf32>
    %sub3A_88 = arith.subf %slice3A_20, %slice3A_17 : vector<1x4608xf32>
    %sub3A_89 = arith.subf %slice3A_21, %slice3A_18 : vector<1x4608xf32>
    %sub3A_90 = arith.subf %slice3A, %slice3A_19 : vector<1x4608xf32>
    %sub3A_91 = arith.subf %slice3A_5, %slice3A_20 : vector<1x4608xf32>
    %sub3A_92 = arith.subf %slice3A_6, %slice3A_21 : vector<1x4608xf32>
    %mul3A_93 = arith.mulf %sub3A_85, %sub3A_89 : vector<1x4608xf32>
    %mul3A_94 = arith.mulf %sub3A_86, %sub3A_88 : vector<1x4608xf32>
    %sub3A_95 = arith.subf %mul3A_93, %mul3A_94 : vector<1x4608xf32>
    %mul3A_96 = arith.mulf %sub3A_86, %sub3A_87 : vector<1x4608xf32>
    %mul3A_97 = arith.mulf %sub3A_84, %sub3A_89 : vector<1x4608xf32>
    %sub3A_98 = arith.subf %mul3A_96, %mul3A_97 : vector<1x4608xf32>
    %mul3A_99 = arith.mulf %sub3A_84, %sub3A_88 : vector<1x4608xf32>
    %mul3A_100 = arith.mulf %sub3A_85, %sub3A_87 : vector<1x4608xf32>
    %sub3A_101 = arith.subf %mul3A_99, %mul3A_100 : vector<1x4608xf32>
    %mul3A_102 = arith.mulf %sub3A_88, %sub3A_92 : vector<1x4608xf32>
    %mul3A_103 = arith.mulf %sub3A_89, %sub3A_91 : vector<1x4608xf32>
    %sub3A_104 = arith.subf %mul3A_102, %mul3A_103 : vector<1x4608xf32>
    %mul3A_105 = arith.mulf %sub3A_89, %sub3A_90 : vector<1x4608xf32>
    %mul3A_106 = arith.mulf %sub3A_87, %sub3A_92 : vector<1x4608xf32>
    %sub3A_107 = arith.subf %mul3A_105, %mul3A_106 : vector<1x4608xf32>
    %mul3A_108 = arith.mulf %sub3A_87, %sub3A_91 : vector<1x4608xf32>
    %mul3A_109 = arith.mulf %sub3A_88, %sub3A_90 : vector<1x4608xf32>
    %sub3A_110 = arith.subf %mul3A_108, %mul3A_109 : vector<1x4608xf32>
    %mul3A_111 = arith.mulf %sub3A_87, %sub3A_87 : vector<1x4608xf32>
    %mul3A_112 = arith.mulf %sub3A_88, %sub3A_88 : vector<1x4608xf32>
    %add3A_113 = arith.addf %mul3A_111, %mul3A_112 : vector<1x4608xf32>
    %mul3A_114 = arith.mulf %sub3A_89, %sub3A_89 : vector<1x4608xf32>
    %add3A_115 = arith.addf %add3A_113, %mul3A_114 : vector<1x4608xf32>
    %sqrt3A_116 = math.sqrt %add3A_115 : vector<1x4608xf32>
    %add3A_117 = arith.constant 9.99999993E-9 : f32
    %add3A_118 = vector.broadcast %add3A_117 : f32 to vector<1x4608xf32>
    %add3A_119 = arith.addf %sqrt3A_116, %add3A_118 : vector<1x4608xf32>
    %div3A_120 = arith.divf %sub3A_87, %add3A_119 : vector<1x4608xf32>
    %add3A_121 = arith.constant 9.99999993E-9 : f32
    %add3A_122 = vector.broadcast %add3A_121 : f32 to vector<1x4608xf32>
    %add3A_123 = arith.addf %sqrt3A_116, %add3A_122 : vector<1x4608xf32>
    %div3A_124 = arith.divf %sub3A_88, %add3A_123 : vector<1x4608xf32>
    %add3A_125 = arith.constant 9.99999993E-9 : f32
    %add3A_126 = vector.broadcast %add3A_125 : f32 to vector<1x4608xf32>
    %add3A_127 = arith.addf %sqrt3A_116, %add3A_126 : vector<1x4608xf32>
    %div3A_128 = arith.divf %sub3A_89, %add3A_127 : vector<1x4608xf32>
    %mul3A_129 = arith.mulf %sub3A_98, %div3A_128 : vector<1x4608xf32>
    %mul3A_130 = arith.mulf %sub3A_101, %div3A_124 : vector<1x4608xf32>
    %sub3A_131 = arith.subf %mul3A_129, %mul3A_130 : vector<1x4608xf32>
    %mul3A_132 = arith.mulf %sub3A_101, %div3A_120 : vector<1x4608xf32>
    %mul3A_133 = arith.mulf %sub3A_95, %div3A_128 : vector<1x4608xf32>
    %sub3A_134 = arith.subf %mul3A_132, %mul3A_133 : vector<1x4608xf32>
    %mul3A_135 = arith.mulf %sub3A_95, %div3A_124 : vector<1x4608xf32>
    %mul3A_136 = arith.mulf %sub3A_98, %div3A_120 : vector<1x4608xf32>
    %sub3A_137 = arith.subf %mul3A_135, %mul3A_136 : vector<1x4608xf32>
    %mul3A_138 = arith.mulf %sub3A_95, %sub3A_104 : vector<1x4608xf32>
    %mul3A_139 = arith.mulf %sub3A_98, %sub3A_107 : vector<1x4608xf32>
    %add3A_140 = arith.addf %mul3A_138, %mul3A_139 : vector<1x4608xf32>
    %mul3A_141 = arith.mulf %sub3A_101, %sub3A_110 : vector<1x4608xf32>
    %add3A_142 = arith.addf %add3A_140, %mul3A_141 : vector<1x4608xf32>
    %mul3A_143 = arith.mulf %sub3A_131, %sub3A_104 : vector<1x4608xf32>
    %mul3A_144 = arith.mulf %sub3A_134, %sub3A_107 : vector<1x4608xf32>
    %add3A_145 = arith.addf %mul3A_143, %mul3A_144 : vector<1x4608xf32>
    %mul3A_146 = arith.mulf %sub3A_137, %sub3A_110 : vector<1x4608xf32>
    %add3A_147 = arith.addf %add3A_145, %mul3A_146 : vector<1x4608xf32>
    %add3A_148 = arith.constant 9.99999993E-9 : f32
    %add3A_149 = vector.broadcast %add3A_148 : f32 to vector<1x4608xf32>
    %add3A_150 = arith.addf %add3A_142, %add3A_149 : vector<1x4608xf32>
    %atan23A_151 = math.atan2 %add3A_147, %add3A_150 : vector<1x4608xf32>
    %swap3A = arith.constant 0 : index
    %swap3A_152 = arith.constant 0 : index
    %swap3A_153 = vector.load %arg4[%swap3A, %swap3A_152] : memref<32x4608xf32, #tpu.memory_space<vmem>>, vector<1x4608xf32>
    tpu.vector_store %arg4[%swap3A, %swap3A_152], %atan23A {strides = array<i32>} : memref<32x4608xf32, #tpu.memory_space<vmem>>, vector<1x4608xf32>,
    %swap3A_154 = arith.constant 1 : index
    %swap3A_155 = arith.constant 0 : index
    %swap3A_156 = vector.load %arg4[%swap3A_154, %swap3A_155] : memref<32x4608xf32, #tpu.memory_space<vmem>>, vector<1x4608xf32>
    tpu.vector_store %arg4[%swap3A_154, %swap3A_155], %atan23A_151 {strides = array<i32>} : memref<32x4608xf32, #tpu.memory_space<vmem>>, vector<1x4608xf32>,
    %slice3A_157 = vector.extract_strided_slice %get3A_1 {offsets = [12, 0], sizes = [1, 4608], strides = [1, 1]} : vector<32x4608xf32> to vector<1x4608xf32>
    %slice3A_158 = vector.extract_strided_slice %get3A_1 {offsets = [13, 0], sizes = [1, 4608], strides = [1, 1]} : vector<32x4608xf32> to vector<1x4608xf32>
    %slice3A_159 = vector.extract_strided_slice %get3A_1 {offsets = [14, 0], sizes = [1, 4608], strides = [1, 1]} : vector<32x4608xf32> to vector<1x4608xf32>
    %slice3A_160 = vector.extract_strided_slice %get3A_1 {offsets = [15, 0], sizes = [1, 4608], strides = [1, 1]} : vector<32x4608xf32> to vector<1x4608xf32>
    %slice3A_161 = vector.extract_strided_slice %get3A_1 {offsets = [16, 0], sizes = [1, 4608], strides = [1, 1]} : vector<32x4608xf32> to vector<1x4608xf32>
    %slice3A_162 = vector.extract_strided_slice %get3A_1 {offsets = [17, 0], sizes = [1, 4608], strides = [1, 1]} : vector<32x4608xf32> to vector<1x4608xf32>
    %slice3A_163 = vector.extract_strided_slice %get3A_1 {offsets = [18, 0], sizes = [1, 4608], strides = [1, 1]} : vector<32x4608xf32> to vector<1x4608xf32>
    %slice3A_164 = vector.extract_strided_slice %get3A_1 {offsets = [19, 0], sizes = [1, 4608], strides = [1, 1]} : vector<32x4608xf32> to vector<1x4608xf32>
    %slice3A_165 = vector.extract_strided_slice %get3A_1 {offsets = [20, 0], sizes = [1, 4608], strides = [1, 1]} : vector<32x4608xf32> to vector<1x4608xf32>
    %slice3A_166 = vector.extract_strided_slice %get3A_4 {offsets = [12, 0], sizes = [1, 4608], strides = [1, 1]} : vector<32x4608xf32> to vector<1x4608xf32>
    %slice3A_167 = vector.extract_strided_slice %get3A_4 {offsets = [13, 0], sizes = [1, 4608], strides = [1, 1]} : vector<32x4608xf32> to vector<1x4608xf32>
    %slice3A_168 = vector.extract_strided_slice %get3A_4 {offsets = [14, 0], sizes = [1, 4608], strides = [1, 1]} : vector<32x4608xf32> to vector<1x4608xf32>
    %slice3A_169 = vector.extract_strided_slice %get3A_4 {offsets = [15, 0], sizes = [1, 4608], strides = [1, 1]} : vector<32x4608xf32> to vector<1x4608xf32>
    %slice3A_170 = vector.extract_strided_slice %get3A_4 {offsets = [16, 0], sizes = [1, 4608], strides = [1, 1]} : vector<32x4608xf32> to vector<1x4608xf32>
    %slice3A_171 = vector.extract_strided_slice %get3A_4 {offsets = [17, 0], sizes = [1, 4608], strides = [1, 1]} : vector<32x4608xf32> to vector<1x4608xf32>
    %slice3A_172 = vector.extract_strided_slice %get3A_4 {offsets = [18, 0], sizes = [1, 4608], strides = [1, 1]} : vector<32x4608xf32> to vector<1x4608xf32>
    %slice3A_173 = vector.extract_strided_slice %get3A_4 {offsets = [19, 0], sizes = [1, 4608], strides = [1, 1]} : vector<32x4608xf32> to vector<1x4608xf32>
    %slice3A_174 = vector.extract_strided_slice %get3A_4 {offsets = [20, 0], sizes = [1, 4608], strides = [1, 1]} : vector<32x4608xf32> to vector<1x4608xf32>
    %sub3A_175 = arith.subf %slice3A_16, %slice3A_7 : vector<1x4608xf32>
    %sub3A_176 = arith.subf %slice3A_17, %slice3A_8 : vector<1x4608xf32>
    %sub3A_177 = arith.subf %slice3A_18, %slice3A_9 : vector<1x4608xf32>
    %mul3A_178 = arith.mulf %slice3A_157, %sub3A_175 : vector<1x4608xf32>
    %mul3A_179 = arith.mulf %slice3A_158, %sub3A_176 : vector<1x4608xf32>
    %add3A_180 = arith.addf %mul3A_178, %mul3A_179 : vector<1x4608xf32>
    %mul3A_181 = arith.mulf %slice3A_159, %sub3A_177 : vector<1x4608xf32>
    %add3A_182 = arith.addf %add3A_180, %mul3A_181 : vector<1x4608xf32>
    %swap3A_183 = arith.constant 2 : index
    %swap3A_184 = arith.constant 0 : index
    %swap3A_185 = vector.load %arg4[%swap3A_183, %swap3A_184] : memref<32x4608xf32, #tpu.memory_space<vmem>>, vector<1x4608xf32>
    tpu.vector_store %arg4[%swap3A_183, %swap3A_184], %add3A_182 {strides = array<i32>} : memref<32x4608xf32, #tpu.memory_space<vmem>>, vector<1x4608xf32>,
    %mul3A_186 = arith.mulf %slice3A_160, %sub3A_175 : vector<1x4608xf32>
    %mul3A_187 = arith.mulf %slice3A_161, %sub3A_176 : vector<1x4608xf32>
    %add3A_188 = arith.addf %mul3A_186, %mul3A_187 : vector<1x4608xf32>
    %mul3A_189 = arith.mulf %slice3A_162, %sub3A_177 : vector<1x4608xf32>
    %add3A_190 = arith.addf %add3A_188, %mul3A_189 : vector<1x4608xf32>
    %swap3A_191 = arith.constant 3 : index
    %swap3A_192 = arith.constant 0 : index
    %swap3A_193 = vector.load %arg4[%swap3A_191, %swap3A_192] : memref<32x4608xf32, #tpu.memory_space<vmem>>, vector<1x4608xf32>
    tpu.vector_store %arg4[%swap3A_191, %swap3A_192], %add3A_190 {strides = array<i32>} : memref<32x4608xf32, #tpu.memory_space<vmem>>, vector<1x4608xf32>,
    %mul3A_194 = arith.mulf %slice3A_163, %sub3A_175 : vector<1x4608xf32>
    %mul3A_195 = arith.mulf %slice3A_164, %sub3A_176 : vector<1x4608xf32>
    %add3A_196 = arith.addf %mul3A_194, %mul3A_195 : vector<1x4608xf32>
    %mul3A_197 = arith.mulf %slice3A_165, %sub3A_177 : vector<1x4608xf32>
    %add3A_198 = arith.addf %add3A_196, %mul3A_197 : vector<1x4608xf32>
    %swap3A_199 = arith.constant 4 : index
    %swap3A_200 = arith.constant 0 : index
    %swap3A_201 = vector.load %arg4[%swap3A_199, %swap3A_200] : memref<32x4608xf32, #tpu.memory_space<vmem>>, vector<1x4608xf32>
    tpu.vector_store %arg4[%swap3A_199, %swap3A_200], %add3A_198 {strides = array<i32>} : memref<32x4608xf32, #tpu.memory_space<vmem>>, vector<1x4608xf32>,
    %mul3A_202 = arith.mulf %slice3A_157, %slice3A_166 : vector<1x4608xf32>
    %mul3A_203 = arith.mulf %slice3A_158, %slice3A_167 : vector<1x4608xf32>
    %add3A_204 = arith.addf %mul3A_202, %mul3A_203 : vector<1x4608xf32>
    %mul3A_205 = arith.mulf %slice3A_159, %slice3A_168 : vector<1x4608xf32>
    %add3A_206 = arith.addf %add3A_204, %mul3A_205 : vector<1x4608xf32>
    %swap3A_207 = arith.constant 5 : index
    %swap3A_208 = arith.constant 0 : index
    %swap3A_209 = vector.load %arg4[%swap3A_207, %swap3A_208] : memref<32x4608xf32, #tpu.memory_space<vmem>>, vector<1x4608xf32>
    tpu.vector_store %arg4[%swap3A_207, %swap3A_208], %add3A_206 {strides = array<i32>} : memref<32x4608xf32, #tpu.memory_space<vmem>>, vector<1x4608xf32>,
    %mul3A_210 = arith.mulf %slice3A_157, %slice3A_169 : vector<1x4608xf32>
    %mul3A_211 = arith.mulf %slice3A_158, %slice3A_170 : vector<1x4608xf32>
    %add3A_212 = arith.addf %mul3A_210, %mul3A_211 : vector<1x4608xf32>
    %mul3A_213 = arith.mulf %slice3A_159, %slice3A_171 : vector<1x4608xf32>
    %add3A_214 = arith.addf %add3A_212, %mul3A_213 : vector<1x4608xf32>
    %swap3A_215 = arith.constant 6 : index
    %swap3A_216 = arith.constant 0 : index
    %swap3A_217 = vector.load %arg4[%swap3A_215, %swap3A_216] : memref<32x4608xf32, #tpu.memory_space<vmem>>, vector<1x4608xf32>
    tpu.vector_store %arg4[%swap3A_215, %swap3A_216], %add3A_214 {strides = array<i32>} : memref<32x4608xf32, #tpu.memory_space<vmem>>, vector<1x4608xf32>,
    %mul3A_218 = arith.mulf %slice3A_157, %slice3A_172 : vector<1x4608xf32>
    %mul3A_219 = arith.mulf %slice3A_158, %slice3A_173 : vector<1x4608xf32>
    %add3A_220 = arith.addf %mul3A_218, %mul3A_219 : vector<1x4608xf32>
    %mul3A_221 = arith.mulf %slice3A_159, %slice3A_174 : vector<1x4608xf32>
    %add3A_222 = arith.addf %add3A_220, %mul3A_221 : vector<1x4608xf32>
    %swap3A_223 = arith.constant 7 : index
    %swap3A_224 = arith.constant 0 : index
    %swap3A_225 = vector.load %arg4[%swap3A_223, %swap3A_224] : memref<32x4608xf32, #tpu.memory_space<vmem>>, vector<1x4608xf32>
    tpu.vector_store %arg4[%swap3A_223, %swap3A_224], %add3A_222 {strides = array<i32>} : memref<32x4608xf32, #tpu.memory_space<vmem>>, vector<1x4608xf32>,
    %mul3A_226 = arith.mulf %slice3A_160, %slice3A_166 : vector<1x4608xf32>
    %mul3A_227 = arith.mulf %slice3A_161, %slice3A_167 : vector<1x4608xf32>
    %add3A_228 = arith.addf %mul3A_226, %mul3A_227 : vector<1x4608xf32>
    %mul3A_229 = arith.mulf %slice3A_162, %slice3A_168 : vector<1x4608xf32>
    %add3A_230 = arith.addf %add3A_228, %mul3A_229 : vector<1x4608xf32>
    %swap3A_231 = arith.constant 8 : index
    %swap3A_232 = arith.constant 0 : index
    %swap3A_233 = vector.load %arg4[%swap3A_231, %swap3A_232] : memref<32x4608xf32, #tpu.memory_space<vmem>>, vector<1x4608xf32>
    tpu.vector_store %arg4[%swap3A_231, %swap3A_232], %add3A_230 {strides = array<i32>} : memref<32x4608xf32, #tpu.memory_space<vmem>>, vector<1x4608xf32>,
    %mul3A_234 = arith.mulf %slice3A_160, %slice3A_169 : vector<1x4608xf32>
    %mul3A_235 = arith.mulf %slice3A_161, %slice3A_170 : vector<1x4608xf32>
    %add3A_236 = arith.addf %mul3A_234, %mul3A_235 : vector<1x4608xf32>
    %mul3A_237 = arith.mulf %slice3A_162, %slice3A_171 : vector<1x4608xf32>
    %add3A_238 = arith.addf %add3A_236, %mul3A_237 : vector<1x4608xf32>
    %swap3A_239 = arith.constant 9 : index
    %swap3A_240 = arith.constant 0 : index
    %swap3A_241 = vector.load %arg4[%swap3A_239, %swap3A_240] : memref<32x4608xf32, #tpu.memory_space<vmem>>, vector<1x4608xf32>
    tpu.vector_store %arg4[%swap3A_239, %swap3A_240], %add3A_238 {strides = array<i32>} : memref<32x4608xf32, #tpu.memory_space<vmem>>, vector<1x4608xf32>,
    %mul3A_242 = arith.mulf %slice3A_160, %slice3A_172 : vector<1x4608xf32>
    %mul3A_243 = arith.mulf %slice3A_161, %slice3A_173 : vector<1x4608xf32>
    %add3A_244 = arith.addf %mul3A_242, %mul3A_243 : vector<1x4608xf32>
    %mul3A_245 = arith.mulf %slice3A_162, %slice3A_174 : vector<1x4608xf32>
    %add3A_246 = arith.addf %add3A_244, %mul3A_245 : vector<1x4608xf32>
    %swap3A_247 = arith.constant 10 : index
    %swap3A_248 = arith.constant 0 : index
    %swap3A_249 = vector.load %arg4[%swap3A_247, %swap3A_248] : memref<32x4608xf32, #tpu.memory_space<vmem>>, vector<1x4608xf32>
    tpu.vector_store %arg4[%swap3A_247, %swap3A_248], %add3A_246 {strides = array<i32>} : memref<32x4608xf32, #tpu.memory_space<vmem>>, vector<1x4608xf32>,
    %mul3A_250 = arith.mulf %slice3A_163, %slice3A_166 : vector<1x4608xf32>
    %mul3A_251 = arith.mulf %slice3A_164, %slice3A_167 : vector<1x4608xf32>
    %add3A_252 = arith.addf %mul3A_250, %mul3A_251 : vector<1x4608xf32>
    %mul3A_253 = arith.mulf %slice3A_165, %slice3A_168 : vector<1x4608xf32>
    %add3A_254 = arith.addf %add3A_252, %mul3A_253 : vector<1x4608xf32>
    %swap3A_255 = arith.constant 11 : index
    %swap3A_256 = arith.constant 0 : index
    %swap3A_257 = vector.load %arg4[%swap3A_255, %swap3A_256] : memref<32x4608xf32, #tpu.memory_space<vmem>>, vector<1x4608xf32>
    tpu.vector_store %arg4[%swap3A_255, %swap3A_256], %add3A_254 {strides = array<i32>} : memref<32x4608xf32, #tpu.memory_space<vmem>>, vector<1x4608xf32>,
    %mul3A_258 = arith.mulf %slice3A_163, %slice3A_169 : vector<1x4608xf32>
    %mul3A_259 = arith.mulf %slice3A_164, %slice3A_170 : vector<1x4608xf32>
    %add3A_260 = arith.addf %mul3A_258, %mul3A_259 : vector<1x4608xf32>
    %mul3A_261 = arith.mulf %slice3A_165, %slice3A_171 : vector<1x4608xf32>
    %add3A_262 = arith.addf %add3A_260, %mul3A_261 : vector<1x4608xf32>
    %swap3A_263 = arith.constant 12 : index
    %swap3A_264 = arith.constant 0 : index
    %swap3A_265 = vector.load %arg4[%swap3A_263, %swap3A_264] : memref<32x4608xf32, #tpu.memory_space<vmem>>, vector<1x4608xf32>
    tpu.vector_store %arg4[%swap3A_263, %swap3A_264], %add3A_262 {strides = array<i32>} : memref<32x4608xf32, #tpu.memory_space<vmem>>, vector<1x4608xf32>,
    %mul3A_266 = arith.mulf %slice3A_163, %slice3A_172 : vector<1x4608xf32>
    %mul3A_267 = arith.mulf %slice3A_164, %slice3A_173 : vector<1x4608xf32>
    %add3A_268 = arith.addf %mul3A_266, %mul3A_267 : vector<1x4608xf32>
    %mul3A_269 = arith.mulf %slice3A_165, %slice3A_174 : vector<1x4608xf32>
    %add3A_270 = arith.addf %add3A_268, %mul3A_269 : vector<1x4608xf32>
    %swap3A_271 = arith.constant 13 : index
    %swap3A_272 = arith.constant 0 : index
    %swap3A_273 = vector.load %arg4[%swap3A_271, %swap3A_272] : memref<32x4608xf32, #tpu.memory_space<vmem>>, vector<1x4608xf32>
    tpu.vector_store %arg4[%swap3A_271, %swap3A_272], %add3A_270 {strides = array<i32>} : memref<32x4608xf32, #tpu.memory_space<vmem>>, vector<1x4608xf32>,
    %sub3A_274 = arith.subf %slice3A_7, %slice3A_16 : vector<1x4608xf32>
    %sub3A_275 = arith.subf %slice3A_8, %slice3A_17 : vector<1x4608xf32>
    %sub3A_276 = arith.subf %slice3A_9, %slice3A_18 : vector<1x4608xf32>
    %mul3A_277 = arith.mulf %sub3A_274, %sub3A_274 : vector<1x4608xf32>
    %mul3A_278 = arith.mulf %sub3A_275, %sub3A_275 : vector<1x4608xf32>
    %add3A_279 = arith.addf %mul3A_277, %mul3A_278 : vector<1x4608xf32>
    %mul3A_280 = arith.mulf %sub3A_276, %sub3A_276 : vector<1x4608xf32>
    %add3A_281 = arith.addf %add3A_279, %mul3A_280 : vector<1x4608xf32>
    %add3A_282 = arith.constant 9.99999993E-9 : f32
    %add3A_283 = vector.broadcast %add3A_282 : f32 to vector<1x4608xf32>
    %add3A_284 = arith.addf %add3A_281, %add3A_283 : vector<1x4608xf32>
    %sqrt3A_285 = math.sqrt %add3A_284 : vector<1x4608xf32>
    %sub3A_286 = arith.constant 0.000000e+00 : f32
    %sub3A_287 = vector.broadcast %sub3A_286 : f32 to vector<1x4608xf32>
    %sub3A_288 = arith.subf %sqrt3A_285, %sub3A_287 : vector<1x4608xf32>
    %integer_pow3A = arith.mulf %sub3A_288, %sub3A_288 : vector<1x4608xf32>
    %neg3A = arith.constant 0.000000e+00 : f32
    %neg3A_289 = vector.broadcast %neg3A : f32 to vector<1x4608xf32>
    %neg3A_290 = arith.subf %neg3A_289, %integer_pow3A : vector<1x4608xf32>
    %exp3A = math.exp %neg3A_290 : vector<1x4608xf32>
    %swap3A_291 = arith.constant 14 : index
    %swap3A_292 = arith.constant 0 : index
    %swap3A_293 = vector.load %arg4[%swap3A_291, %swap3A_292] : memref<32x4608xf32, #tpu.memory_space<vmem>>, vector<1x4608xf32>
    tpu.vector_store %arg4[%swap3A_291, %swap3A_292], %exp3A {strides = array<i32>} : memref<32x4608xf32, #tpu.memory_space<vmem>>, vector<1x4608xf32>,
    %sub3A_294 = arith.constant 1.000000e+00 : f32
    %sub3A_295 = vector.broadcast %sub3A_294 : f32 to vector<1x4608xf32>
    %sub3A_296 = arith.subf %sqrt3A_285, %sub3A_295 : vector<1x4608xf32>
    %integer_pow3A_297 = arith.mulf %sub3A_296, %sub3A_296 : vector<1x4608xf32>
    %neg3A_298 = arith.constant 0.000000e+00 : f32
    %neg3A_299 = vector.broadcast %neg3A_298 : f32 to vector<1x4608xf32>
    %neg3A_300 = arith.subf %neg3A_299, %integer_pow3A_297 : vector<1x4608xf32>
    %exp3A_301 = math.exp %neg3A_300 : vector<1x4608xf32>
    %swap3A_302 = arith.constant 15 : index
    %swap3A_303 = arith.constant 0 : index
    %swap3A_304 = vector.load %arg4[%swap3A_302, %swap3A_303] : memref<32x4608xf32, #tpu.memory_space<vmem>>, vector<1x4608xf32>
    tpu.vector_store %arg4[%swap3A_302, %swap3A_303], %exp3A_301 {strides = array<i32>} : memref<32x4608xf32, #tpu.memory_space<vmem>>, vector<1x4608xf32>,
    %sub3A_305 = arith.constant 2.000000e+00 : f32
    %sub3A_306 = vector.broadcast %sub3A_305 : f32 to vector<1x4608xf32>
    %sub3A_307 = arith.subf %sqrt3A_285, %sub3A_306 : vector<1x4608xf32>
    %integer_pow3A_308 = arith.mulf %sub3A_307, %sub3A_307 : vector<1x4608xf32>
    %neg3A_309 = arith.constant 0.000000e+00 : f32
    %neg3A_310 = vector.broadcast %neg3A_309 : f32 to vector<1x4608xf32>
    %neg3A_311 = arith.subf %neg3A_310, %integer_pow3A_308 : vector<1x4608xf32>
    %exp3A_312 = math.exp %neg3A_311 : vector<1x4608xf32>
    %swap3A_313 = arith.constant 16 : index
    %swap3A_314 = arith.constant 0 : index
    %swap3A_315 = vector.load %arg4[%swap3A_313, %swap3A_314] : memref<32x4608xf32, #tpu.memory_space<vmem>>, vector<1x4608xf32>
    tpu.vector_store %arg4[%swap3A_313, %swap3A_314], %exp3A_312 {strides = array<i32>} : memref<32x4608xf32, #tpu.memory_space<vmem>>, vector<1x4608xf32>,
    %sub3A_316 = arith.constant 3.000000e+00 : f32
    %sub3A_317 = vector.broadcast %sub3A_316 : f32 to vector<1x4608xf32>
    %sub3A_318 = arith.subf %sqrt3A_285, %sub3A_317 : vector<1x4608xf32>
    %integer_pow3A_319 = arith.mulf %sub3A_318, %sub3A_318 : vector<1x4608xf32>
    %neg3A_320 = arith.constant 0.000000e+00 : f32
    %neg3A_321 = vector.broadcast %neg3A_320 : f32 to vector<1x4608xf32>
    %neg3A_322 = arith.subf %neg3A_321, %integer_pow3A_319 : vector<1x4608xf32>
    %exp3A_323 = math.exp %neg3A_322 : vector<1x4608xf32>
    %swap3A_324 = arith.constant 17 : index
    %swap3A_325 = arith.constant 0 : index
    %swap3A_326 = vector.load %arg4[%swap3A_324, %swap3A_325] : memref<32x4608xf32, #tpu.memory_space<vmem>>, vector<1x4608xf32>
    tpu.vector_store %arg4[%swap3A_324, %swap3A_325], %exp3A_323 {strides = array<i32>} : memref<32x4608xf32, #tpu.memory_space<vmem>>, vector<1x4608xf32>,
    %sub3A_327 = arith.constant 4.000000e+00 : f32
    %sub3A_328 = vector.broadcast %sub3A_327 : f32 to vector<1x4608xf32>
    %sub3A_329 = arith.subf %sqrt3A_285, %sub3A_328 : vector<1x4608xf32>
    %integer_pow3A_330 = arith.mulf %sub3A_329, %sub3A_329 : vector<1x4608xf32>
    %neg3A_331 = arith.constant 0.000000e+00 : f32
    %neg3A_332 = vector.broadcast %neg3A_331 : f32 to vector<1x4608xf32>
    %neg3A_333 = arith.subf %neg3A_332, %integer_pow3A_330 : vector<1x4608xf32>
    %exp3A_334 = math.exp %neg3A_333 : vector<1x4608xf32>
    %swap3A_335 = arith.constant 18 : index
    %swap3A_336 = arith.constant 0 : index
    %swap3A_337 = vector.load %arg4[%swap3A_335, %swap3A_336] : memref<32x4608xf32, #tpu.memory_space<vmem>>, vector<1x4608xf32>
    tpu.vector_store %arg4[%swap3A_335, %swap3A_336], %exp3A_334 {strides = array<i32>} : memref<32x4608xf32, #tpu.memory_space<vmem>>, vector<1x4608xf32>,
    %sub3A_338 = arith.constant 5.000000e+00 : f32
    %sub3A_339 = vector.broadcast %sub3A_338 : f32 to vector<1x4608xf32>
    %sub3A_340 = arith.subf %sqrt3A_285, %sub3A_339 : vector<1x4608xf32>
    %integer_pow3A_341 = arith.mulf %sub3A_340, %sub3A_340 : vector<1x4608xf32>
    %neg3A_342 = arith.constant 0.000000e+00 : f32
    %neg3A_343 = vector.broadcast %neg3A_342 : f32 to vector<1x4608xf32>
    %neg3A_344 = arith.subf %neg3A_343, %integer_pow3A_341 : vector<1x4608xf32>
    %exp3A_345 = math.exp %neg3A_344 : vector<1x4608xf32>
    %swap3A_346 = arith.constant 19 : index
    %swap3A_347 = arith.constant 0 : index
    %swap3A_348 = vector.load %arg4[%swap3A_346, %swap3A_347] : memref<32x4608xf32, #tpu.memory_space<vmem>>, vector<1x4608xf32>
    tpu.vector_store %arg4[%swap3A_346, %swap3A_347], %exp3A_345 {strides = array<i32>} : memref<32x4608xf32, #tpu.memory_space<vmem>>, vector<1x4608xf32>,
    %sub3A_349 = arith.constant 6.000000e+00 : f32
    %sub3A_350 = vector.broadcast %sub3A_349 : f32 to vector<1x4608xf32>
    %sub3A_351 = arith.subf %sqrt3A_285, %sub3A_350 : vector<1x4608xf32>
    %integer_pow3A_352 = arith.mulf %sub3A_351, %sub3A_351 : vector<1x4608xf32>
    %neg3A_353 = arith.constant 0.000000e+00 : f32
    %neg3A_354 = vector.broadcast %neg3A_353 : f32 to vector<1x4608xf32>
    %neg3A_355 = arith.subf %neg3A_354, %integer_pow3A_352 : vector<1x4608xf32>
    %exp3A_356 = math.exp %neg3A_355 : vector<1x4608xf32>
    %swap3A_357 = arith.constant 20 : index
    %swap3A_358 = arith.constant 0 : index
    %swap3A_359 = vector.load %arg4[%swap3A_357, %swap3A_358] : memref<32x4608xf32, #tpu.memory_space<vmem>>, vector<1x4608xf32>
    tpu.vector_store %arg4[%swap3A_357, %swap3A_358], %exp3A_356 {strides = array<i32>} : memref<32x4608xf32, #tpu.memory_space<vmem>>, vector<1x4608xf32>,
    %sub3A_360 = arith.constant 7.000000e+00 : f32
    %sub3A_361 = vector.broadcast %sub3A_360 : f32 to vector<1x4608xf32>
    %sub3A_362 = arith.subf %sqrt3A_285, %sub3A_361 : vector<1x4608xf32>
    %integer_pow3A_363 = arith.mulf %sub3A_362, %sub3A_362 : vector<1x4608xf32>
    %neg3A_364 = arith.constant 0.000000e+00 : f32
    %neg3A_365 = vector.broadcast %neg3A_364 : f32 to vector<1x4608xf32>
    %neg3A_366 = arith.subf %neg3A_365, %integer_pow3A_363 : vector<1x4608xf32>
    %exp3A_367 = math.exp %neg3A_366 : vector<1x4608xf32>
    %swap3A_368 = arith.constant 21 : index
    %swap3A_369 = arith.constant 0 : index
    %swap3A_370 = vector.load %arg4[%swap3A_368, %swap3A_369] : memref<32x4608xf32, #tpu.memory_space<vmem>>, vector<1x4608xf32>
    tpu.vector_store %arg4[%swap3A_368, %swap3A_369], %exp3A_367 {strides = array<i32>} : memref<32x4608xf32, #tpu.memory_space<vmem>>, vector<1x4608xf32>,
    %sub3A_371 = arith.constant 8.000000e+00 : f32
    %sub3A_372 = vector.broadcast %sub3A_371 : f32 to vector<1x4608xf32>
    %sub3A_373 = arith.subf %sqrt3A_285, %sub3A_372 : vector<1x4608xf32>
    %integer_pow3A_374 = arith.mulf %sub3A_373, %sub3A_373 : vector<1x4608xf32>
    %neg3A_375 = arith.constant 0.000000e+00 : f32
    %neg3A_376 = vector.broadcast %neg3A_375 : f32 to vector<1x4608xf32>
    %neg3A_377 = arith.subf %neg3A_376, %integer_pow3A_374 : vector<1x4608xf32>
    %exp3A_378 = math.exp %neg3A_377 : vector<1x4608xf32>
    %swap3A_379 = arith.constant 22 : index
    %swap3A_380 = arith.constant 0 : index
    %swap3A_381 = vector.load %arg4[%swap3A_379, %swap3A_380] : memref<32x4608xf32, #tpu.memory_space<vmem>>, vector<1x4608xf32>
    tpu.vector_store %arg4[%swap3A_379, %swap3A_380], %exp3A_378 {strides = array<i32>} : memref<32x4608xf32, #tpu.memory_space<vmem>>, vector<1x4608xf32>,
    %sub3A_382 = arith.constant 9.000000e+00 : f32
    %sub3A_383 = vector.broadcast %sub3A_382 : f32 to vector<1x4608xf32>
    %sub3A_384 = arith.subf %sqrt3A_285, %sub3A_383 : vector<1x4608xf32>
    %integer_pow3A_385 = arith.mulf %sub3A_384, %sub3A_384 : vector<1x4608xf32>
    %neg3A_386 = arith.constant 0.000000e+00 : f32
    %neg3A_387 = vector.broadcast %neg3A_386 : f32 to vector<1x4608xf32>
    %neg3A_388 = arith.subf %neg3A_387, %integer_pow3A_385 : vector<1x4608xf32>
    %exp3A_389 = math.exp %neg3A_388 : vector<1x4608xf32>
    %swap3A_390 = arith.constant 23 : index
    %swap3A_391 = arith.constant 0 : index
    %swap3A_392 = vector.load %arg4[%swap3A_390, %swap3A_391] : memref<32x4608xf32, #tpu.memory_space<vmem>>, vector<1x4608xf32>
    tpu.vector_store %arg4[%swap3A_390, %swap3A_391], %exp3A_389 {strides = array<i32>} : memref<32x4608xf32, #tpu.memory_space<vmem>>, vector<1x4608xf32>,
    %sub3A_393 = arith.constant 1.000000e+01 : f32
    %sub3A_394 = vector.broadcast %sub3A_393 : f32 to vector<1x4608xf32>
    %sub3A_395 = arith.subf %sqrt3A_285, %sub3A_394 : vector<1x4608xf32>
    %integer_pow3A_396 = arith.mulf %sub3A_395, %sub3A_395 : vector<1x4608xf32>
    %neg3A_397 = arith.constant 0.000000e+00 : f32
    %neg3A_398 = vector.broadcast %neg3A_397 : f32 to vector<1x4608xf32>
    %neg3A_399 = arith.subf %neg3A_398, %integer_pow3A_396 : vector<1x4608xf32>
    %exp3A_400 = math.exp %neg3A_399 : vector<1x4608xf32>
    %swap3A_401 = arith.constant 24 : index
    %swap3A_402 = arith.constant 0 : index
    %swap3A_403 = vector.load %arg4[%swap3A_401, %swap3A_402] : memref<32x4608xf32, #tpu.memory_space<vmem>>, vector<1x4608xf32>
    tpu.vector_store %arg4[%swap3A_401, %swap3A_402], %exp3A_400 {strides = array<i32>} : memref<32x4608xf32, #tpu.memory_space<vmem>>, vector<1x4608xf32>,
    %sub3A_404 = arith.constant 1.100000e+01 : f32
    %sub3A_405 = vector.broadcast %sub3A_404 : f32 to vector<1x4608xf32>
    %sub3A_406 = arith.subf %sqrt3A_285, %sub3A_405 : vector<1x4608xf32>
    %integer_pow3A_407 = arith.mulf %sub3A_406, %sub3A_406 : vector<1x4608xf32>
    %neg3A_408 = arith.constant 0.000000e+00 : f32
    %neg3A_409 = vector.broadcast %neg3A_408 : f32 to vector<1x4608xf32>
    %neg3A_410 = arith.subf %neg3A_409, %integer_pow3A_407 : vector<1x4608xf32>
    %exp3A_411 = math.exp %neg3A_410 : vector<1x4608xf32>
    %swap3A_412 = arith.constant 25 : index
    %swap3A_413 = arith.constant 0 : index
    %swap3A_414 = vector.load %arg4[%swap3A_412, %swap3A_413] : memref<32x4608xf32, #tpu.memory_space<vmem>>, vector<1x4608xf32>
    tpu.vector_store %arg4[%swap3A_412, %swap3A_413], %exp3A_411 {strides = array<i32>} : memref<32x4608xf32, #tpu.memory_space<vmem>>, vector<1x4608xf32>,
    %sub3A_415 = arith.constant 1.200000e+01 : f32
    %sub3A_416 = vector.broadcast %sub3A_415 : f32 to vector<1x4608xf32>
    %sub3A_417 = arith.subf %sqrt3A_285, %sub3A_416 : vector<1x4608xf32>
    %integer_pow3A_418 = arith.mulf %sub3A_417, %sub3A_417 : vector<1x4608xf32>
    %neg3A_419 = arith.constant 0.000000e+00 : f32
    %neg3A_420 = vector.broadcast %neg3A_419 : f32 to vector<1x4608xf32>
    %neg3A_421 = arith.subf %neg3A_420, %integer_pow3A_418 : vector<1x4608xf32>
    %exp3A_422 = math.exp %neg3A_421 : vector<1x4608xf32>
    %swap3A_423 = arith.constant 26 : index
    %swap3A_424 = arith.constant 0 : index
    %swap3A_425 = vector.load %arg4[%swap3A_423, %swap3A_424] : memref<32x4608xf32, #tpu.memory_space<vmem>>, vector<1x4608xf32>
    tpu.vector_store %arg4[%swap3A_423, %swap3A_424], %exp3A_422 {strides = array<i32>} : memref<32x4608xf32, #tpu.memory_space<vmem>>, vector<1x4608xf32>,
    %sub3A_426 = arith.constant 1.300000e+01 : f32
    %sub3A_427 = vector.broadcast %sub3A_426 : f32 to vector<1x4608xf32>
    %sub3A_428 = arith.subf %sqrt3A_285, %sub3A_427 : vector<1x4608xf32>
    %integer_pow3A_429 = arith.mulf %sub3A_428, %sub3A_428 : vector<1x4608xf32>
    %neg3A_430 = arith.constant 0.000000e+00 : f32
    %neg3A_431 = vector.broadcast %neg3A_430 : f32 to vector<1x4608xf32>
    %neg3A_432 = arith.subf %neg3A_431, %integer_pow3A_429 : vector<1x4608xf32>
    %exp3A_433 = math.exp %neg3A_432 : vector<1x4608xf32>
    %swap3A_434 = arith.constant 27 : index
    %swap3A_435 = arith.constant 0 : index
    %swap3A_436 = vector.load %arg4[%swap3A_434, %swap3A_435] : memref<32x4608xf32, #tpu.memory_space<vmem>>, vector<1x4608xf32>
    tpu.vector_store %arg4[%swap3A_434, %swap3A_435], %exp3A_433 {strides = array<i32>} : memref<32x4608xf32, #tpu.memory_space<vmem>>, vector<1x4608xf32>,
    %sub3A_437 = arith.constant 1.400000e+01 : f32
    %sub3A_438 = vector.broadcast %sub3A_437 : f32 to vector<1x4608xf32>
    %sub3A_439 = arith.subf %sqrt3A_285, %sub3A_438 : vector<1x4608xf32>
    %integer_pow3A_440 = arith.mulf %sub3A_439, %sub3A_439 : vector<1x4608xf32>
    %neg3A_441 = arith.constant 0.000000e+00 : f32
    %neg3A_442 = vector.broadcast %neg3A_441 : f32 to vector<1x4608xf32>
    %neg3A_443 = arith.subf %neg3A_442, %integer_pow3A_440 : vector<1x4608xf32>
    %exp3A_444 = math.exp %neg3A_443 : vector<1x4608xf32>
    %swap3A_445 = arith.constant 28 : index
    %swap3A_446 = arith.constant 0 : index
    %swap3A_447 = vector.load %arg4[%swap3A_445, %swap3A_446] : memref<32x4608xf32, #tpu.memory_space<vmem>>, vector<1x4608xf32>
    tpu.vector_store %arg4[%swap3A_445, %swap3A_446], %exp3A_444 {strides = array<i32>} : memref<32x4608xf32, #tpu.memory_space<vmem>>, vector<1x4608xf32>,
    %broadcast_in_dim3A = arith.constant 0.000000e+00 : f32
    %broadcast_in_dim3A_448 = vector.broadcast %broadcast_in_dim3A : f32 to vector<3x4608xf32>
    %swap3A_449 = arith.constant 29 : index
    %swap3A_450 = arith.constant 0 : index
    %swap3A_451 = vector.load %arg4[%swap3A_449, %swap3A_450] : memref<32x4608xf32, #tpu.memory_space<vmem>>, vector<3x4608xf32>
    tpu.vector_store %arg4[%swap3A_449, %swap3A_450], %broadcast_in_dim3A_448 {strides = array<i32>} : memref<32x4608xf32, #tpu.memory_space<vmem>>, vector<3x4608xf32>,
    %sqrt3A_452 = math.sqrt %add3A_281 : vector<1x4608xf32>
    %add3A_453 = arith.constant 9.99999993E-9 : f32
    %add3A_454 = vector.broadcast %add3A_453 : f32 to vector<1x4608xf32>
    %add3A_455 = arith.addf %sqrt3A_452, %add3A_454 : vector<1x4608xf32>
    %get3A_456 = arith.constant 0 : index
    %get3A_457 = arith.constant 0 : index
    %get3A_458 = vector.load %arg3[%get3A_456, %get3A_457] : memref<1x4608xf32, #tpu.memory_space<vmem>>, vector<1x4608xf32>
    %lt3A = arith.constant 1.000000e+10 : f32
    %lt3A_459 = vector.broadcast %lt3A : f32 to vector<1x4608xf32>
    %lt3A_460 = arith.cmpf olt, %get3A_458, %lt3A_459 : vector<1x4608xf32>
    %convert_element_type3A = arith.extui %lt3A_460 : vector<1x4608xi1> to vector<1x4608xi32>
    %convert_element_type3A_461 = arith.sitofp %convert_element_type3A : vector<1x4608xi32> to vector<1x4608xf32>
    %mul3A_462 = arith.mulf %add3A_455, %add3A_455 : vector<1x4608xf32>
    %div3A_463 = arith.constant 1.000000e+00 : f32
    %div3A_464 = vector.broadcast %div3A_463 : f32 to vector<1x4608xf32>
    %div3A_465 = arith.divf %div3A_464, %mul3A_462 : vector<1x4608xf32>
    %div3A_466 = arith.divf %div3A_465, %add3A_455 : vector<1x4608xf32>
    %mul3A_467 = arith.mulf %div3A_465, %div3A_465 : vector<1x4608xf32>
    %mul3A_468 = arith.mulf %sub3A_274, %div3A_465 : vector<1x4608xf32>
    %mul3A_469 = arith.mulf %mul3A_468, %convert_element_type3A_461 : vector<1x4608xf32>
    %swap3A_470 = arith.constant 0 : index
    %swap3A_471 = arith.constant 0 : index
    %swap3A_472 = vector.load %arg5[%swap3A_470, %swap3A_471] : memref<16x4608xf32, #tpu.memory_space<vmem>>, vector<1x4608xf32>
    tpu.vector_store %arg5[%swap3A_470, %swap3A_471], %mul3A_469 {strides = array<i32>} : memref<16x4608xf32, #tpu.memory_space<vmem>>, vector<1x4608xf32>,
    %mul3A_473 = arith.mulf %sub3A_275, %div3A_465 : vector<1x4608xf32>
    %mul3A_474 = arith.mulf %mul3A_473, %convert_element_type3A_461 : vector<1x4608xf32>
    %swap3A_475 = arith.constant 1 : index
    %swap3A_476 = arith.constant 0 : index
    %swap3A_477 = vector.load %arg5[%swap3A_475, %swap3A_476] : memref<16x4608xf32, #tpu.memory_space<vmem>>, vector<1x4608xf32>
    tpu.vector_store %arg5[%swap3A_475, %swap3A_476], %mul3A_474 {strides = array<i32>} : memref<16x4608xf32, #tpu.memory_space<vmem>>, vector<1x4608xf32>,
    %mul3A_478 = arith.mulf %sub3A_276, %div3A_465 : vector<1x4608xf32>
    %mul3A_479 = arith.mulf %mul3A_478, %convert_element_type3A_461 : vector<1x4608xf32>
    %swap3A_480 = arith.constant 2 : index
    %swap3A_481 = arith.constant 0 : index
    %swap3A_482 = vector.load %arg5[%swap3A_480, %swap3A_481] : memref<16x4608xf32, #tpu.memory_space<vmem>>, vector<1x4608xf32>
    tpu.vector_store %arg5[%swap3A_480, %swap3A_481], %mul3A_479 {strides = array<i32>} : memref<16x4608xf32, #tpu.memory_space<vmem>>, vector<1x4608xf32>,
    %mul3A_483 = arith.mulf %sub3A_274, %div3A_466 : vector<1x4608xf32>
    %mul3A_484 = arith.mulf %mul3A_483, %convert_element_type3A_461 : vector<1x4608xf32>
    %swap3A_485 = arith.constant 3 : index
    %swap3A_486 = arith.constant 0 : index
    %swap3A_487 = vector.load %arg5[%swap3A_485, %swap3A_486] : memref<16x4608xf32, #tpu.memory_space<vmem>>, vector<1x4608xf32>
    tpu.vector_store %arg5[%swap3A_485, %swap3A_486], %mul3A_484 {strides = array<i32>} : memref<16x4608xf32, #tpu.memory_space<vmem>>, vector<1x4608xf32>,
    %mul3A_488 = arith.mulf %sub3A_275, %div3A_466 : vector<1x4608xf32>
    %mul3A_489 = arith.mulf %mul3A_488, %convert_element_type3A_461 : vector<1x4608xf32>
    %swap3A_490 = arith.constant 4 : index
    %swap3A_491 = arith.constant 0 : index
    %swap3A_492 = vector.load %arg5[%swap3A_490, %swap3A_491] : memref<16x4608xf32, #tpu.memory_space<vmem>>, vector<1x4608xf32>
    tpu.vector_store %arg5[%swap3A_490, %swap3A_491], %mul3A_489 {strides = array<i32>} : memref<16x4608xf32, #tpu.memory_space<vmem>>, vector<1x4608xf32>,
    %mul3A_493 = arith.mulf %sub3A_276, %div3A_466 : vector<1x4608xf32>
    %mul3A_494 = arith.mulf %mul3A_493, %convert_element_type3A_461 : vector<1x4608xf32>
    %swap3A_495 = arith.constant 5 : index
    %swap3A_496 = arith.constant 0 : index
    %swap3A_497 = vector.load %arg5[%swap3A_495, %swap3A_496] : memref<16x4608xf32, #tpu.memory_space<vmem>>, vector<1x4608xf32>
    tpu.vector_store %arg5[%swap3A_495, %swap3A_496], %mul3A_494 {strides = array<i32>} : memref<16x4608xf32, #tpu.memory_space<vmem>>, vector<1x4608xf32>,
    %mul3A_498 = arith.mulf %sub3A_274, %mul3A_467 : vector<1x4608xf32>
    %mul3A_499 = arith.mulf %mul3A_498, %convert_element_type3A_461 : vector<1x4608xf32>
    %swap3A_500 = arith.constant 6 : index
    %swap3A_501 = arith.constant 0 : index
    %swap3A_502 = vector.load %arg5[%swap3A_500, %swap3A_501] : memref<16x4608xf32, #tpu.memory_space<vmem>>, vector<1x4608xf32>
    tpu.vector_store %arg5[%swap3A_500, %swap3A_501], %mul3A_499 {strides = array<i32>} : memref<16x4608xf32, #tpu.memory_space<vmem>>, vector<1x4608xf32>,
    %mul3A_503 = arith.mulf %sub3A_275, %mul3A_467 : vector<1x4608xf32>
    %mul3A_504 = arith.mulf %mul3A_503, %convert_element_type3A_461 : vector<1x4608xf32>
    %swap3A_505 = arith.constant 7 : index
    %swap3A_506 = arith.constant 0 : index
    %swap3A_507 = vector.load %arg5[%swap3A_505, %swap3A_506] : memref<16x4608xf32, #tpu.memory_space<vmem>>, vector<1x4608xf32>
    tpu.vector_store %arg5[%swap3A_505, %swap3A_506], %mul3A_504 {strides = array<i32>} : memref<16x4608xf32, #tpu.memory_space<vmem>>, vector<1x4608xf32>,
    %mul3A_508 = arith.mulf %sub3A_276, %mul3A_467 : vector<1x4608xf32>
    %mul3A_509 = arith.mulf %mul3A_508, %convert_element_type3A_461 : vector<1x4608xf32>
    %swap3A_510 = arith.constant 8 : index
    %swap3A_511 = arith.constant 0 : index
    %swap3A_512 = vector.load %arg5[%swap3A_510, %swap3A_511] : memref<16x4608xf32, #tpu.memory_space<vmem>>, vector<1x4608xf32>
    tpu.vector_store %arg5[%swap3A_510, %swap3A_511], %mul3A_509 {strides = array<i32>} : memref<16x4608xf32, #tpu.memory_space<vmem>>, vector<1x4608xf32>,
    %broadcast_in_dim3A_513 = arith.constant 0.000000e+00 : f32
    %broadcast_in_dim3A_514 = vector.broadcast %broadcast_in_dim3A_513 : f32 to vector<7x4608xf32>
    %swap3A_515 = arith.constant 9 : index
    %swap3A_516 = arith.constant 0 : index
    %swap3A_517 = vector.load %arg5[%swap3A_515, %swap3A_516] : memref<16x4608xf32, #tpu.memory_space<vmem>>, vector<7x4608xf32>
    tpu.vector_store %arg5[%swap3A_515, %swap3A_516], %broadcast_in_dim3A_514 {strides = array<i32>} : memref<16x4608xf32, #tpu.memory_space<vmem>>, vector<7x4608xf32>,
    return
  }
  func.func @transform_0(%arg0: i32) -> (i32, i32) {
    %c0_i32 = arith.constant 0 : i32
    %c0_i32_0 = arith.constant 0 : i32
    return %c0_i32, %arg0 : i32, i32
  }
  func.func @transform_1(%arg0: i32) -> (i32, i32) {
    %c0_i32 = arith.constant 0 : i32
    %c0_i32_0 = arith.constant 0 : i32
    return %c0_i32, %arg0 : i32, i32
  }
  func.func @transform_2(%arg0: i32) -> (i32, i32) {
    %c0_i32 = arith.constant 0 : i32
    %c0_i32_0 = arith.constant 0 : i32
    return %c0_i32, %arg0 : i32, i32
  }
  func.func @transform_3(%arg0: i32) -> (i32, i32) {
    %c0_i32 = arith.constant 0 : i32
    %c0_i32_0 = arith.constant 0 : i32
    return %c0_i32, %arg0 : i32, i32
  }
  func.func @transform_4(%arg0: i32) -> (i32, i32) {
    %c0_i32 = arith.constant 0 : i32
    %c0_i32_0 = arith.constant 0 : i32
    return %c0_i32, %arg0 : i32, i32
  }
}

module attributes {stable_mosaic.version = 14 : i64} {
  func.func @_pos_body(%arg0: i32, %arg1: memref<256x1xi32, #tpu.memory_space<vmem>>, %arg2: memref<1x4096xi32, #tpu.memory_space<vmem>>, %arg3: memref<256x9xi32, #tpu.memory_space<vmem>>, %arg4: memref<256x9xi32, #tpu.memory_space<vmem>>, %arg5: memref<256x144xi32, #tpu.memory_space<vmem>>, %arg6: memref<256x144xi32, #tpu.memory_space<vmem>>, %arg7: memref<1x16xi32, #tpu.memory_space<vmem>>) attributes {dimension_semantics = [#tpu.dimension_semantics<arbitrary>], iteration_bounds = array<i64: 16>, scalar_prefetch = 0 : i64, scratch_operands = 0 : i64, tpu.core_type = #tpu.core_type<tc>, window_params = [{transform_indices = @transform_0, window_bounds = array<i64: 256, 1>}, {pipeline_mode = #tpu.pipeline_mode<synchronous>, transform_indices = @transform_1, window_bounds = array<i64: 1, 4096>}, {transform_indices = @transform_2, window_bounds = array<i64: 256, 9>}, {transform_indices = @transform_3, window_bounds = array<i64: 256, 9>}, {transform_indices = @transform_4, window_bounds = array<i64: 256, 144>}, {transform_indices = @transform_5, window_bounds = array<i64: 256, 144>}, {pipeline_mode = #tpu.pipeline_mode<synchronous>, transform_indices = @transform_6, window_bounds = array<i64: 1, 16>}]} {
    %get3A = arith.constant 0 : index
    %get3A_0 = arith.constant 0 : index
    %get3A_1 = vector.load %arg1[%get3A, %get3A_0] : memref<256x1xi32, #tpu.memory_space<vmem>>, vector<256x1xi32>
    %get3A_2 = arith.constant 0 : index
    %get3A_3 = arith.constant 0 : index
    %get3A_4 = vector.load %arg2[%get3A_2, %get3A_3] : memref<1x4096xi32, #tpu.memory_space<vmem>>, vector<1x4096xi32>
    %iota3A = tpu.iota {dimensions = array<i32: 1>} : vector<256x4096xi32>
    %iota3A_5 = tpu.iota {dimensions = array<i32: 0>} : vector<256x4096xi32>
    %mul3A = arith.constant 256 : i32
    %mul3A_6 = arith.muli %arg0, %mul3A : i32
    %add3A = vector.broadcast %mul3A_6 : i32 to vector<256x4096xi32>
    %add3A_7 = arith.addi %iota3A_5, %add3A : vector<256x4096xi32>
    %lt3A = arith.cmpi slt, %iota3A, %add3A_7 : vector<256x4096xi32>
    %jit3A = arith.constant 0 : i32
    %broadcast_in_dim3A = vector.shape_cast %get3A_4 : vector<1x4096xi32> to vector<1x4096xi32>
    %broadcast_in_dim3A_8 = vector.broadcast %broadcast_in_dim3A : vector<1x4096xi32> to vector<256x4096xi32>
    %broadcast_in_dim3A_9 = vector.broadcast %jit3A : i32 to vector<256x4096xi32>
    %select_n3A = arith.select %lt3A, %broadcast_in_dim3A_8, %broadcast_in_dim3A_9 : vector<256x4096xi1>, vector<256x4096xi32>
    %reduce_sum3A = arith.constant dense<0> : vector<256xi32>
    %reduce_sum3A_10 = vector.multi_reduction <add>, %select_n3A, %reduce_sum3A [1] : vector<256x4096xi32> to vector<256xi32>
    %broadcast_in_dim3A_11 = vector.shape_cast %reduce_sum3A_10 : vector<256xi32> to vector<256x1xi32>
    %iota3A_12 = tpu.iota {dimensions = array<i32: 0>} : vector<256x1xi32>
    %mul3A_13 = arith.constant 256 : i32
    %mul3A_14 = arith.muli %arg0, %mul3A_13 : i32
    %add3A_15 = vector.broadcast %mul3A_14 : i32 to vector<256x1xi32>
    %add3A_16 = arith.addi %iota3A_12, %add3A_15 : vector<256x1xi32>
    %broadcast_in_dim3A_17 = arith.constant 0 : i32
    %broadcast_in_dim3A_18 = vector.broadcast %broadcast_in_dim3A_17 : i32 to vector<256x14xi32>
    %gt3A = arith.constant 0 : i32
    %gt3A_19 = vector.broadcast %gt3A : i32 to vector<256x1xi32>
    %gt3A_20 = arith.cmpi sgt, %get3A_1, %gt3A_19 : vector<256x1xi32>
    %add3A_21 = arith.constant 0 : i32
    %add3A_22 = vector.broadcast %add3A_21 : i32 to vector<256x1xi32>
    %add3A_23 = arith.addi %broadcast_in_dim3A_11, %add3A_22 : vector<256x1xi32>
    %jit3A_24 = arith.constant 36864 : i32
    %broadcast_in_dim3A_25 = vector.broadcast %jit3A_24 : i32 to vector<256x1xi32>
    %select_n3A_26 = arith.select %gt3A_20, %add3A_23, %broadcast_in_dim3A_25 : vector<256x1xi1>, vector<256x1xi32>
    %swap3A = arith.constant 0 : index
    %swap3A_27 = arith.constant 0 : index
    %swap3A_28 = vector.load %arg4[%swap3A, %swap3A_27] : memref<256x9xi32, #tpu.memory_space<vmem>>, vector<256x1xi32>
    tpu.vector_store %arg4[%swap3A, %swap3A_27], %select_n3A_26 {strides = array<i32>} : memref<256x9xi32, #tpu.memory_space<vmem>>, vector<256x1xi32>,
    %get3A_29 = arith.constant 0 : index
    %get3A_30 = arith.constant 0 : index
    %get3A_31 = vector.load %arg3[%get3A_29, %get3A_30] : memref<256x9xi32, #tpu.memory_space<vmem>>, vector<256x1xi32>
    %swap3A_32 = arith.constant 0 : index
    %swap3A_33 = arith.constant 0 : index
    %swap3A_34 = vector.load %arg5[%swap3A_32, %swap3A_33] : memref<256x144xi32, #tpu.memory_space<vmem>>, vector<256x1xi32>
    tpu.vector_store %arg5[%swap3A_32, %swap3A_33], %get3A_31 {strides = array<i32>} : memref<256x144xi32, #tpu.memory_space<vmem>>, vector<256x1xi32>,
    %swap3A_35 = arith.constant 0 : index
    %swap3A_36 = arith.constant 1 : index
    %swap3A_37 = vector.load %arg5[%swap3A_35, %swap3A_36] : memref<256x144xi32, #tpu.memory_space<vmem>>, vector<256x1xi32>
    tpu.vector_store %arg5[%swap3A_35, %swap3A_36], %add3A_16 {strides = array<i32>} : memref<256x144xi32, #tpu.memory_space<vmem>>, vector<256x1xi32>,
    %swap3A_38 = arith.constant 0 : index
    %swap3A_39 = arith.constant 2 : index
    %swap3A_40 = vector.load %arg5[%swap3A_38, %swap3A_39] : memref<256x144xi32, #tpu.memory_space<vmem>>, vector<256x14xi32>
    tpu.vector_store %arg5[%swap3A_38, %swap3A_39], %broadcast_in_dim3A_18 {strides = array<i32>} : memref<256x144xi32, #tpu.memory_space<vmem>>, vector<256x14xi32>,
    %mul3A_41 = arith.constant 9 : i32
    %mul3A_42 = vector.broadcast %mul3A_41 : i32 to vector<256x1xi32>
    %mul3A_43 = arith.muli %add3A_16, %mul3A_42 : vector<256x1xi32>
    %add3A_44 = arith.constant 0 : i32
    %add3A_45 = vector.broadcast %add3A_44 : i32 to vector<256x1xi32>
    %add3A_46 = arith.addi %mul3A_43, %add3A_45 : vector<256x1xi32>
    %swap3A_47 = arith.constant 0 : index
    %swap3A_48 = arith.constant 0 : index
    %swap3A_49 = vector.load %arg6[%swap3A_47, %swap3A_48] : memref<256x144xi32, #tpu.memory_space<vmem>>, vector<256x1xi32>
    tpu.vector_store %arg6[%swap3A_47, %swap3A_48], %add3A_46 {strides = array<i32>} : memref<256x144xi32, #tpu.memory_space<vmem>>, vector<256x1xi32>,
    %broadcast_in_dim3A_50 = arith.constant 0 : i32
    %broadcast_in_dim3A_51 = vector.broadcast %broadcast_in_dim3A_50 : i32 to vector<256x15xi32>
    %swap3A_52 = arith.constant 0 : index
    %swap3A_53 = arith.constant 1 : index
    %swap3A_54 = vector.load %arg6[%swap3A_52, %swap3A_53] : memref<256x144xi32, #tpu.memory_space<vmem>>, vector<256x15xi32>
    tpu.vector_store %arg6[%swap3A_52, %swap3A_53], %broadcast_in_dim3A_51 {strides = array<i32>} : memref<256x144xi32, #tpu.memory_space<vmem>>, vector<256x15xi32>,
    %gt3A_55 = arith.constant 1 : i32
    %gt3A_56 = vector.broadcast %gt3A_55 : i32 to vector<256x1xi32>
    %gt3A_57 = arith.cmpi sgt, %get3A_1, %gt3A_56 : vector<256x1xi32>
    %add3A_58 = arith.constant 1 : i32
    %add3A_59 = vector.broadcast %add3A_58 : i32 to vector<256x1xi32>
    %add3A_60 = arith.addi %broadcast_in_dim3A_11, %add3A_59 : vector<256x1xi32>
    %jit3A_61 = arith.constant 36865 : i32
    %broadcast_in_dim3A_62 = vector.broadcast %jit3A_61 : i32 to vector<256x1xi32>
    %select_n3A_63 = arith.select %gt3A_57, %add3A_60, %broadcast_in_dim3A_62 : vector<256x1xi1>, vector<256x1xi32>
    %swap3A_64 = arith.constant 0 : index
    %swap3A_65 = arith.constant 1 : index
    %swap3A_66 = vector.load %arg4[%swap3A_64, %swap3A_65] : memref<256x9xi32, #tpu.memory_space<vmem>>, vector<256x1xi32>
    tpu.vector_store %arg4[%swap3A_64, %swap3A_65], %select_n3A_63 {strides = array<i32>} : memref<256x9xi32, #tpu.memory_space<vmem>>, vector<256x1xi32>,
    %get3A_67 = arith.constant 0 : index
    %get3A_68 = arith.constant 1 : index
    %get3A_69 = vector.load %arg3[%get3A_67, %get3A_68] : memref<256x9xi32, #tpu.memory_space<vmem>>, vector<256x1xi32>
    %swap3A_70 = arith.constant 0 : index
    %swap3A_71 = arith.constant 16 : index
    %swap3A_72 = vector.load %arg5[%swap3A_70, %swap3A_71] : memref<256x144xi32, #tpu.memory_space<vmem>>, vector<256x1xi32>
    tpu.vector_store %arg5[%swap3A_70, %swap3A_71], %get3A_69 {strides = array<i32>} : memref<256x144xi32, #tpu.memory_space<vmem>>, vector<256x1xi32>,
    %swap3A_73 = arith.constant 0 : index
    %swap3A_74 = arith.constant 17 : index
    %swap3A_75 = vector.load %arg5[%swap3A_73, %swap3A_74] : memref<256x144xi32, #tpu.memory_space<vmem>>, vector<256x1xi32>
    tpu.vector_store %arg5[%swap3A_73, %swap3A_74], %add3A_16 {strides = array<i32>} : memref<256x144xi32, #tpu.memory_space<vmem>>, vector<256x1xi32>,
    %swap3A_76 = arith.constant 0 : index
    %swap3A_77 = arith.constant 18 : index
    %swap3A_78 = vector.load %arg5[%swap3A_76, %swap3A_77] : memref<256x144xi32, #tpu.memory_space<vmem>>, vector<256x14xi32>
    tpu.vector_store %arg5[%swap3A_76, %swap3A_77], %broadcast_in_dim3A_18 {strides = array<i32>} : memref<256x144xi32, #tpu.memory_space<vmem>>, vector<256x14xi32>,
    %mul3A_79 = arith.constant 9 : i32
    %mul3A_80 = vector.broadcast %mul3A_79 : i32 to vector<256x1xi32>
    %mul3A_81 = arith.muli %add3A_16, %mul3A_80 : vector<256x1xi32>
    %add3A_82 = arith.constant 1 : i32
    %add3A_83 = vector.broadcast %add3A_82 : i32 to vector<256x1xi32>
    %add3A_84 = arith.addi %mul3A_81, %add3A_83 : vector<256x1xi32>
    %swap3A_85 = arith.constant 0 : index
    %swap3A_86 = arith.constant 16 : index
    %swap3A_87 = vector.load %arg6[%swap3A_85, %swap3A_86] : memref<256x144xi32, #tpu.memory_space<vmem>>, vector<256x1xi32>
    tpu.vector_store %arg6[%swap3A_85, %swap3A_86], %add3A_84 {strides = array<i32>} : memref<256x144xi32, #tpu.memory_space<vmem>>, vector<256x1xi32>,
    %broadcast_in_dim3A_88 = arith.constant 0 : i32
    %broadcast_in_dim3A_89 = vector.broadcast %broadcast_in_dim3A_88 : i32 to vector<256x15xi32>
    %swap3A_90 = arith.constant 0 : index
    %swap3A_91 = arith.constant 17 : index
    %swap3A_92 = vector.load %arg6[%swap3A_90, %swap3A_91] : memref<256x144xi32, #tpu.memory_space<vmem>>, vector<256x15xi32>
    tpu.vector_store %arg6[%swap3A_90, %swap3A_91], %broadcast_in_dim3A_89 {strides = array<i32>} : memref<256x144xi32, #tpu.memory_space<vmem>>, vector<256x15xi32>,
    %gt3A_93 = arith.constant 2 : i32
    %gt3A_94 = vector.broadcast %gt3A_93 : i32 to vector<256x1xi32>
    %gt3A_95 = arith.cmpi sgt, %get3A_1, %gt3A_94 : vector<256x1xi32>
    %add3A_96 = arith.constant 2 : i32
    %add3A_97 = vector.broadcast %add3A_96 : i32 to vector<256x1xi32>
    %add3A_98 = arith.addi %broadcast_in_dim3A_11, %add3A_97 : vector<256x1xi32>
    %jit3A_99 = arith.constant 36866 : i32
    %broadcast_in_dim3A_100 = vector.broadcast %jit3A_99 : i32 to vector<256x1xi32>
    %select_n3A_101 = arith.select %gt3A_95, %add3A_98, %broadcast_in_dim3A_100 : vector<256x1xi1>, vector<256x1xi32>
    %swap3A_102 = arith.constant 0 : index
    %swap3A_103 = arith.constant 2 : index
    %swap3A_104 = vector.load %arg4[%swap3A_102, %swap3A_103] : memref<256x9xi32, #tpu.memory_space<vmem>>, vector<256x1xi32>
    tpu.vector_store %arg4[%swap3A_102, %swap3A_103], %select_n3A_101 {strides = array<i32>} : memref<256x9xi32, #tpu.memory_space<vmem>>, vector<256x1xi32>,
    %get3A_105 = arith.constant 0 : index
    %get3A_106 = arith.constant 2 : index
    %get3A_107 = vector.load %arg3[%get3A_105, %get3A_106] : memref<256x9xi32, #tpu.memory_space<vmem>>, vector<256x1xi32>
    %swap3A_108 = arith.constant 0 : index
    %swap3A_109 = arith.constant 32 : index
    %swap3A_110 = vector.load %arg5[%swap3A_108, %swap3A_109] : memref<256x144xi32, #tpu.memory_space<vmem>>, vector<256x1xi32>
    tpu.vector_store %arg5[%swap3A_108, %swap3A_109], %get3A_107 {strides = array<i32>} : memref<256x144xi32, #tpu.memory_space<vmem>>, vector<256x1xi32>,
    %swap3A_111 = arith.constant 0 : index
    %swap3A_112 = arith.constant 33 : index
    %swap3A_113 = vector.load %arg5[%swap3A_111, %swap3A_112] : memref<256x144xi32, #tpu.memory_space<vmem>>, vector<256x1xi32>
    tpu.vector_store %arg5[%swap3A_111, %swap3A_112], %add3A_16 {strides = array<i32>} : memref<256x144xi32, #tpu.memory_space<vmem>>, vector<256x1xi32>,
    %swap3A_114 = arith.constant 0 : index
    %swap3A_115 = arith.constant 34 : index
    %swap3A_116 = vector.load %arg5[%swap3A_114, %swap3A_115] : memref<256x144xi32, #tpu.memory_space<vmem>>, vector<256x14xi32>
    tpu.vector_store %arg5[%swap3A_114, %swap3A_115], %broadcast_in_dim3A_18 {strides = array<i32>} : memref<256x144xi32, #tpu.memory_space<vmem>>, vector<256x14xi32>,
    %mul3A_117 = arith.constant 9 : i32
    %mul3A_118 = vector.broadcast %mul3A_117 : i32 to vector<256x1xi32>
    %mul3A_119 = arith.muli %add3A_16, %mul3A_118 : vector<256x1xi32>
    %add3A_120 = arith.constant 2 : i32
    %add3A_121 = vector.broadcast %add3A_120 : i32 to vector<256x1xi32>
    %add3A_122 = arith.addi %mul3A_119, %add3A_121 : vector<256x1xi32>
    %swap3A_123 = arith.constant 0 : index
    %swap3A_124 = arith.constant 32 : index
    %swap3A_125 = vector.load %arg6[%swap3A_123, %swap3A_124] : memref<256x144xi32, #tpu.memory_space<vmem>>, vector<256x1xi32>
    tpu.vector_store %arg6[%swap3A_123, %swap3A_124], %add3A_122 {strides = array<i32>} : memref<256x144xi32, #tpu.memory_space<vmem>>, vector<256x1xi32>,
    %broadcast_in_dim3A_126 = arith.constant 0 : i32
    %broadcast_in_dim3A_127 = vector.broadcast %broadcast_in_dim3A_126 : i32 to vector<256x15xi32>
    %swap3A_128 = arith.constant 0 : index
    %swap3A_129 = arith.constant 33 : index
    %swap3A_130 = vector.load %arg6[%swap3A_128, %swap3A_129] : memref<256x144xi32, #tpu.memory_space<vmem>>, vector<256x15xi32>
    tpu.vector_store %arg6[%swap3A_128, %swap3A_129], %broadcast_in_dim3A_127 {strides = array<i32>} : memref<256x144xi32, #tpu.memory_space<vmem>>, vector<256x15xi32>,
    %gt3A_131 = arith.constant 3 : i32
    %gt3A_132 = vector.broadcast %gt3A_131 : i32 to vector<256x1xi32>
    %gt3A_133 = arith.cmpi sgt, %get3A_1, %gt3A_132 : vector<256x1xi32>
    %add3A_134 = arith.constant 3 : i32
    %add3A_135 = vector.broadcast %add3A_134 : i32 to vector<256x1xi32>
    %add3A_136 = arith.addi %broadcast_in_dim3A_11, %add3A_135 : vector<256x1xi32>
    %jit3A_137 = arith.constant 36867 : i32
    %broadcast_in_dim3A_138 = vector.broadcast %jit3A_137 : i32 to vector<256x1xi32>
    %select_n3A_139 = arith.select %gt3A_133, %add3A_136, %broadcast_in_dim3A_138 : vector<256x1xi1>, vector<256x1xi32>
    %swap3A_140 = arith.constant 0 : index
    %swap3A_141 = arith.constant 3 : index
    %swap3A_142 = vector.load %arg4[%swap3A_140, %swap3A_141] : memref<256x9xi32, #tpu.memory_space<vmem>>, vector<256x1xi32>
    tpu.vector_store %arg4[%swap3A_140, %swap3A_141], %select_n3A_139 {strides = array<i32>} : memref<256x9xi32, #tpu.memory_space<vmem>>, vector<256x1xi32>,
    %get3A_143 = arith.constant 0 : index
    %get3A_144 = arith.constant 3 : index
    %get3A_145 = vector.load %arg3[%get3A_143, %get3A_144] : memref<256x9xi32, #tpu.memory_space<vmem>>, vector<256x1xi32>
    %swap3A_146 = arith.constant 0 : index
    %swap3A_147 = arith.constant 48 : index
    %swap3A_148 = vector.load %arg5[%swap3A_146, %swap3A_147] : memref<256x144xi32, #tpu.memory_space<vmem>>, vector<256x1xi32>
    tpu.vector_store %arg5[%swap3A_146, %swap3A_147], %get3A_145 {strides = array<i32>} : memref<256x144xi32, #tpu.memory_space<vmem>>, vector<256x1xi32>,
    %swap3A_149 = arith.constant 0 : index
    %swap3A_150 = arith.constant 49 : index
    %swap3A_151 = vector.load %arg5[%swap3A_149, %swap3A_150] : memref<256x144xi32, #tpu.memory_space<vmem>>, vector<256x1xi32>
    tpu.vector_store %arg5[%swap3A_149, %swap3A_150], %add3A_16 {strides = array<i32>} : memref<256x144xi32, #tpu.memory_space<vmem>>, vector<256x1xi32>,
    %swap3A_152 = arith.constant 0 : index
    %swap3A_153 = arith.constant 50 : index
    %swap3A_154 = vector.load %arg5[%swap3A_152, %swap3A_153] : memref<256x144xi32, #tpu.memory_space<vmem>>, vector<256x14xi32>
    tpu.vector_store %arg5[%swap3A_152, %swap3A_153], %broadcast_in_dim3A_18 {strides = array<i32>} : memref<256x144xi32, #tpu.memory_space<vmem>>, vector<256x14xi32>,
    %mul3A_155 = arith.constant 9 : i32
    %mul3A_156 = vector.broadcast %mul3A_155 : i32 to vector<256x1xi32>
    %mul3A_157 = arith.muli %add3A_16, %mul3A_156 : vector<256x1xi32>
    %add3A_158 = arith.constant 3 : i32
    %add3A_159 = vector.broadcast %add3A_158 : i32 to vector<256x1xi32>
    %add3A_160 = arith.addi %mul3A_157, %add3A_159 : vector<256x1xi32>
    %swap3A_161 = arith.constant 0 : index
    %swap3A_162 = arith.constant 48 : index
    %swap3A_163 = vector.load %arg6[%swap3A_161, %swap3A_162] : memref<256x144xi32, #tpu.memory_space<vmem>>, vector<256x1xi32>
    tpu.vector_store %arg6[%swap3A_161, %swap3A_162], %add3A_160 {strides = array<i32>} : memref<256x144xi32, #tpu.memory_space<vmem>>, vector<256x1xi32>,
    %broadcast_in_dim3A_164 = arith.constant 0 : i32
    %broadcast_in_dim3A_165 = vector.broadcast %broadcast_in_dim3A_164 : i32 to vector<256x15xi32>
    %swap3A_166 = arith.constant 0 : index
    %swap3A_167 = arith.constant 49 : index
    %swap3A_168 = vector.load %arg6[%swap3A_166, %swap3A_167] : memref<256x144xi32, #tpu.memory_space<vmem>>, vector<256x15xi32>
    tpu.vector_store %arg6[%swap3A_166, %swap3A_167], %broadcast_in_dim3A_165 {strides = array<i32>} : memref<256x144xi32, #tpu.memory_space<vmem>>, vector<256x15xi32>,
    %gt3A_169 = arith.constant 4 : i32
    %gt3A_170 = vector.broadcast %gt3A_169 : i32 to vector<256x1xi32>
    %gt3A_171 = arith.cmpi sgt, %get3A_1, %gt3A_170 : vector<256x1xi32>
    %add3A_172 = arith.constant 4 : i32
    %add3A_173 = vector.broadcast %add3A_172 : i32 to vector<256x1xi32>
    %add3A_174 = arith.addi %broadcast_in_dim3A_11, %add3A_173 : vector<256x1xi32>
    %jit3A_175 = arith.constant 36868 : i32
    %broadcast_in_dim3A_176 = vector.broadcast %jit3A_175 : i32 to vector<256x1xi32>
    %select_n3A_177 = arith.select %gt3A_171, %add3A_174, %broadcast_in_dim3A_176 : vector<256x1xi1>, vector<256x1xi32>
    %swap3A_178 = arith.constant 0 : index
    %swap3A_179 = arith.constant 4 : index
    %swap3A_180 = vector.load %arg4[%swap3A_178, %swap3A_179] : memref<256x9xi32, #tpu.memory_space<vmem>>, vector<256x1xi32>
    tpu.vector_store %arg4[%swap3A_178, %swap3A_179], %select_n3A_177 {strides = array<i32>} : memref<256x9xi32, #tpu.memory_space<vmem>>, vector<256x1xi32>,
    %get3A_181 = arith.constant 0 : index
    %get3A_182 = arith.constant 4 : index
    %get3A_183 = vector.load %arg3[%get3A_181, %get3A_182] : memref<256x9xi32, #tpu.memory_space<vmem>>, vector<256x1xi32>
    %swap3A_184 = arith.constant 0 : index
    %swap3A_185 = arith.constant 64 : index
    %swap3A_186 = vector.load %arg5[%swap3A_184, %swap3A_185] : memref<256x144xi32, #tpu.memory_space<vmem>>, vector<256x1xi32>
    tpu.vector_store %arg5[%swap3A_184, %swap3A_185], %get3A_183 {strides = array<i32>} : memref<256x144xi32, #tpu.memory_space<vmem>>, vector<256x1xi32>,
    %swap3A_187 = arith.constant 0 : index
    %swap3A_188 = arith.constant 65 : index
    %swap3A_189 = vector.load %arg5[%swap3A_187, %swap3A_188] : memref<256x144xi32, #tpu.memory_space<vmem>>, vector<256x1xi32>
    tpu.vector_store %arg5[%swap3A_187, %swap3A_188], %add3A_16 {strides = array<i32>} : memref<256x144xi32, #tpu.memory_space<vmem>>, vector<256x1xi32>,
    %swap3A_190 = arith.constant 0 : index
    %swap3A_191 = arith.constant 66 : index
    %swap3A_192 = vector.load %arg5[%swap3A_190, %swap3A_191] : memref<256x144xi32, #tpu.memory_space<vmem>>, vector<256x14xi32>
    tpu.vector_store %arg5[%swap3A_190, %swap3A_191], %broadcast_in_dim3A_18 {strides = array<i32>} : memref<256x144xi32, #tpu.memory_space<vmem>>, vector<256x14xi32>,
    %mul3A_193 = arith.constant 9 : i32
    %mul3A_194 = vector.broadcast %mul3A_193 : i32 to vector<256x1xi32>
    %mul3A_195 = arith.muli %add3A_16, %mul3A_194 : vector<256x1xi32>
    %add3A_196 = arith.constant 4 : i32
    %add3A_197 = vector.broadcast %add3A_196 : i32 to vector<256x1xi32>
    %add3A_198 = arith.addi %mul3A_195, %add3A_197 : vector<256x1xi32>
    %swap3A_199 = arith.constant 0 : index
    %swap3A_200 = arith.constant 64 : index
    %swap3A_201 = vector.load %arg6[%swap3A_199, %swap3A_200] : memref<256x144xi32, #tpu.memory_space<vmem>>, vector<256x1xi32>
    tpu.vector_store %arg6[%swap3A_199, %swap3A_200], %add3A_198 {strides = array<i32>} : memref<256x144xi32, #tpu.memory_space<vmem>>, vector<256x1xi32>,
    %broadcast_in_dim3A_202 = arith.constant 0 : i32
    %broadcast_in_dim3A_203 = vector.broadcast %broadcast_in_dim3A_202 : i32 to vector<256x15xi32>
    %swap3A_204 = arith.constant 0 : index
    %swap3A_205 = arith.constant 65 : index
    %swap3A_206 = vector.load %arg6[%swap3A_204, %swap3A_205] : memref<256x144xi32, #tpu.memory_space<vmem>>, vector<256x15xi32>
    tpu.vector_store %arg6[%swap3A_204, %swap3A_205], %broadcast_in_dim3A_203 {strides = array<i32>} : memref<256x144xi32, #tpu.memory_space<vmem>>, vector<256x15xi32>,
    %gt3A_207 = arith.constant 5 : i32
    %gt3A_208 = vector.broadcast %gt3A_207 : i32 to vector<256x1xi32>
    %gt3A_209 = arith.cmpi sgt, %get3A_1, %gt3A_208 : vector<256x1xi32>
    %add3A_210 = arith.constant 5 : i32
    %add3A_211 = vector.broadcast %add3A_210 : i32 to vector<256x1xi32>
    %add3A_212 = arith.addi %broadcast_in_dim3A_11, %add3A_211 : vector<256x1xi32>
    %jit3A_213 = arith.constant 36869 : i32
    %broadcast_in_dim3A_214 = vector.broadcast %jit3A_213 : i32 to vector<256x1xi32>
    %select_n3A_215 = arith.select %gt3A_209, %add3A_212, %broadcast_in_dim3A_214 : vector<256x1xi1>, vector<256x1xi32>
    %swap3A_216 = arith.constant 0 : index
    %swap3A_217 = arith.constant 5 : index
    %swap3A_218 = vector.load %arg4[%swap3A_216, %swap3A_217] : memref<256x9xi32, #tpu.memory_space<vmem>>, vector<256x1xi32>
    tpu.vector_store %arg4[%swap3A_216, %swap3A_217], %select_n3A_215 {strides = array<i32>} : memref<256x9xi32, #tpu.memory_space<vmem>>, vector<256x1xi32>,
    %get3A_219 = arith.constant 0 : index
    %get3A_220 = arith.constant 5 : index
    %get3A_221 = vector.load %arg3[%get3A_219, %get3A_220] : memref<256x9xi32, #tpu.memory_space<vmem>>, vector<256x1xi32>
    %swap3A_222 = arith.constant 0 : index
    %swap3A_223 = arith.constant 80 : index
    %swap3A_224 = vector.load %arg5[%swap3A_222, %swap3A_223] : memref<256x144xi32, #tpu.memory_space<vmem>>, vector<256x1xi32>
    tpu.vector_store %arg5[%swap3A_222, %swap3A_223], %get3A_221 {strides = array<i32>} : memref<256x144xi32, #tpu.memory_space<vmem>>, vector<256x1xi32>,
    %swap3A_225 = arith.constant 0 : index
    %swap3A_226 = arith.constant 81 : index
    %swap3A_227 = vector.load %arg5[%swap3A_225, %swap3A_226] : memref<256x144xi32, #tpu.memory_space<vmem>>, vector<256x1xi32>
    tpu.vector_store %arg5[%swap3A_225, %swap3A_226], %add3A_16 {strides = array<i32>} : memref<256x144xi32, #tpu.memory_space<vmem>>, vector<256x1xi32>,
    %swap3A_228 = arith.constant 0 : index
    %swap3A_229 = arith.constant 82 : index
    %swap3A_230 = vector.load %arg5[%swap3A_228, %swap3A_229] : memref<256x144xi32, #tpu.memory_space<vmem>>, vector<256x14xi32>
    tpu.vector_store %arg5[%swap3A_228, %swap3A_229], %broadcast_in_dim3A_18 {strides = array<i32>} : memref<256x144xi32, #tpu.memory_space<vmem>>, vector<256x14xi32>,
    %mul3A_231 = arith.constant 9 : i32
    %mul3A_232 = vector.broadcast %mul3A_231 : i32 to vector<256x1xi32>
    %mul3A_233 = arith.muli %add3A_16, %mul3A_232 : vector<256x1xi32>
    %add3A_234 = arith.constant 5 : i32
    %add3A_235 = vector.broadcast %add3A_234 : i32 to vector<256x1xi32>
    %add3A_236 = arith.addi %mul3A_233, %add3A_235 : vector<256x1xi32>
    %swap3A_237 = arith.constant 0 : index
    %swap3A_238 = arith.constant 80 : index
    %swap3A_239 = vector.load %arg6[%swap3A_237, %swap3A_238] : memref<256x144xi32, #tpu.memory_space<vmem>>, vector<256x1xi32>
    tpu.vector_store %arg6[%swap3A_237, %swap3A_238], %add3A_236 {strides = array<i32>} : memref<256x144xi32, #tpu.memory_space<vmem>>, vector<256x1xi32>,
    %broadcast_in_dim3A_240 = arith.constant 0 : i32
    %broadcast_in_dim3A_241 = vector.broadcast %broadcast_in_dim3A_240 : i32 to vector<256x15xi32>
    %swap3A_242 = arith.constant 0 : index
    %swap3A_243 = arith.constant 81 : index
    %swap3A_244 = vector.load %arg6[%swap3A_242, %swap3A_243] : memref<256x144xi32, #tpu.memory_space<vmem>>, vector<256x15xi32>
    tpu.vector_store %arg6[%swap3A_242, %swap3A_243], %broadcast_in_dim3A_241 {strides = array<i32>} : memref<256x144xi32, #tpu.memory_space<vmem>>, vector<256x15xi32>,
    %gt3A_245 = arith.constant 6 : i32
    %gt3A_246 = vector.broadcast %gt3A_245 : i32 to vector<256x1xi32>
    %gt3A_247 = arith.cmpi sgt, %get3A_1, %gt3A_246 : vector<256x1xi32>
    %add3A_248 = arith.constant 6 : i32
    %add3A_249 = vector.broadcast %add3A_248 : i32 to vector<256x1xi32>
    %add3A_250 = arith.addi %broadcast_in_dim3A_11, %add3A_249 : vector<256x1xi32>
    %jit3A_251 = arith.constant 36870 : i32
    %broadcast_in_dim3A_252 = vector.broadcast %jit3A_251 : i32 to vector<256x1xi32>
    %select_n3A_253 = arith.select %gt3A_247, %add3A_250, %broadcast_in_dim3A_252 : vector<256x1xi1>, vector<256x1xi32>
    %swap3A_254 = arith.constant 0 : index
    %swap3A_255 = arith.constant 6 : index
    %swap3A_256 = vector.load %arg4[%swap3A_254, %swap3A_255] : memref<256x9xi32, #tpu.memory_space<vmem>>, vector<256x1xi32>
    tpu.vector_store %arg4[%swap3A_254, %swap3A_255], %select_n3A_253 {strides = array<i32>} : memref<256x9xi32, #tpu.memory_space<vmem>>, vector<256x1xi32>,
    %get3A_257 = arith.constant 0 : index
    %get3A_258 = arith.constant 6 : index
    %get3A_259 = vector.load %arg3[%get3A_257, %get3A_258] : memref<256x9xi32, #tpu.memory_space<vmem>>, vector<256x1xi32>
    %swap3A_260 = arith.constant 0 : index
    %swap3A_261 = arith.constant 96 : index
    %swap3A_262 = vector.load %arg5[%swap3A_260, %swap3A_261] : memref<256x144xi32, #tpu.memory_space<vmem>>, vector<256x1xi32>
    tpu.vector_store %arg5[%swap3A_260, %swap3A_261], %get3A_259 {strides = array<i32>} : memref<256x144xi32, #tpu.memory_space<vmem>>, vector<256x1xi32>,
    %swap3A_263 = arith.constant 0 : index
    %swap3A_264 = arith.constant 97 : index
    %swap3A_265 = vector.load %arg5[%swap3A_263, %swap3A_264] : memref<256x144xi32, #tpu.memory_space<vmem>>, vector<256x1xi32>
    tpu.vector_store %arg5[%swap3A_263, %swap3A_264], %add3A_16 {strides = array<i32>} : memref<256x144xi32, #tpu.memory_space<vmem>>, vector<256x1xi32>,
    %swap3A_266 = arith.constant 0 : index
    %swap3A_267 = arith.constant 98 : index
    %swap3A_268 = vector.load %arg5[%swap3A_266, %swap3A_267] : memref<256x144xi32, #tpu.memory_space<vmem>>, vector<256x14xi32>
    tpu.vector_store %arg5[%swap3A_266, %swap3A_267], %broadcast_in_dim3A_18 {strides = array<i32>} : memref<256x144xi32, #tpu.memory_space<vmem>>, vector<256x14xi32>,
    %mul3A_269 = arith.constant 9 : i32
    %mul3A_270 = vector.broadcast %mul3A_269 : i32 to vector<256x1xi32>
    %mul3A_271 = arith.muli %add3A_16, %mul3A_270 : vector<256x1xi32>
    %add3A_272 = arith.constant 6 : i32
    %add3A_273 = vector.broadcast %add3A_272 : i32 to vector<256x1xi32>
    %add3A_274 = arith.addi %mul3A_271, %add3A_273 : vector<256x1xi32>
    %swap3A_275 = arith.constant 0 : index
    %swap3A_276 = arith.constant 96 : index
    %swap3A_277 = vector.load %arg6[%swap3A_275, %swap3A_276] : memref<256x144xi32, #tpu.memory_space<vmem>>, vector<256x1xi32>
    tpu.vector_store %arg6[%swap3A_275, %swap3A_276], %add3A_274 {strides = array<i32>} : memref<256x144xi32, #tpu.memory_space<vmem>>, vector<256x1xi32>,
    %broadcast_in_dim3A_278 = arith.constant 0 : i32
    %broadcast_in_dim3A_279 = vector.broadcast %broadcast_in_dim3A_278 : i32 to vector<256x15xi32>
    %swap3A_280 = arith.constant 0 : index
    %swap3A_281 = arith.constant 97 : index
    %swap3A_282 = vector.load %arg6[%swap3A_280, %swap3A_281] : memref<256x144xi32, #tpu.memory_space<vmem>>, vector<256x15xi32>
    tpu.vector_store %arg6[%swap3A_280, %swap3A_281], %broadcast_in_dim3A_279 {strides = array<i32>} : memref<256x144xi32, #tpu.memory_space<vmem>>, vector<256x15xi32>,
    %gt3A_283 = arith.constant 7 : i32
    %gt3A_284 = vector.broadcast %gt3A_283 : i32 to vector<256x1xi32>
    %gt3A_285 = arith.cmpi sgt, %get3A_1, %gt3A_284 : vector<256x1xi32>
    %add3A_286 = arith.constant 7 : i32
    %add3A_287 = vector.broadcast %add3A_286 : i32 to vector<256x1xi32>
    %add3A_288 = arith.addi %broadcast_in_dim3A_11, %add3A_287 : vector<256x1xi32>
    %jit3A_289 = arith.constant 36871 : i32
    %broadcast_in_dim3A_290 = vector.broadcast %jit3A_289 : i32 to vector<256x1xi32>
    %select_n3A_291 = arith.select %gt3A_285, %add3A_288, %broadcast_in_dim3A_290 : vector<256x1xi1>, vector<256x1xi32>
    %swap3A_292 = arith.constant 0 : index
    %swap3A_293 = arith.constant 7 : index
    %swap3A_294 = vector.load %arg4[%swap3A_292, %swap3A_293] : memref<256x9xi32, #tpu.memory_space<vmem>>, vector<256x1xi32>
    tpu.vector_store %arg4[%swap3A_292, %swap3A_293], %select_n3A_291 {strides = array<i32>} : memref<256x9xi32, #tpu.memory_space<vmem>>, vector<256x1xi32>,
    %get3A_295 = arith.constant 0 : index
    %get3A_296 = arith.constant 7 : index
    %get3A_297 = vector.load %arg3[%get3A_295, %get3A_296] : memref<256x9xi32, #tpu.memory_space<vmem>>, vector<256x1xi32>
    %swap3A_298 = arith.constant 0 : index
    %swap3A_299 = arith.constant 112 : index
    %swap3A_300 = vector.load %arg5[%swap3A_298, %swap3A_299] : memref<256x144xi32, #tpu.memory_space<vmem>>, vector<256x1xi32>
    tpu.vector_store %arg5[%swap3A_298, %swap3A_299], %get3A_297 {strides = array<i32>} : memref<256x144xi32, #tpu.memory_space<vmem>>, vector<256x1xi32>,
    %swap3A_301 = arith.constant 0 : index
    %swap3A_302 = arith.constant 113 : index
    %swap3A_303 = vector.load %arg5[%swap3A_301, %swap3A_302] : memref<256x144xi32, #tpu.memory_space<vmem>>, vector<256x1xi32>
    tpu.vector_store %arg5[%swap3A_301, %swap3A_302], %add3A_16 {strides = array<i32>} : memref<256x144xi32, #tpu.memory_space<vmem>>, vector<256x1xi32>,
    %swap3A_304 = arith.constant 0 : index
    %swap3A_305 = arith.constant 114 : index
    %swap3A_306 = vector.load %arg5[%swap3A_304, %swap3A_305] : memref<256x144xi32, #tpu.memory_space<vmem>>, vector<256x14xi32>
    tpu.vector_store %arg5[%swap3A_304, %swap3A_305], %broadcast_in_dim3A_18 {strides = array<i32>} : memref<256x144xi32, #tpu.memory_space<vmem>>, vector<256x14xi32>,
    %mul3A_307 = arith.constant 9 : i32
    %mul3A_308 = vector.broadcast %mul3A_307 : i32 to vector<256x1xi32>
    %mul3A_309 = arith.muli %add3A_16, %mul3A_308 : vector<256x1xi32>
    %add3A_310 = arith.constant 7 : i32
    %add3A_311 = vector.broadcast %add3A_310 : i32 to vector<256x1xi32>
    %add3A_312 = arith.addi %mul3A_309, %add3A_311 : vector<256x1xi32>
    %swap3A_313 = arith.constant 0 : index
    %swap3A_314 = arith.constant 112 : index
    %swap3A_315 = vector.load %arg6[%swap3A_313, %swap3A_314] : memref<256x144xi32, #tpu.memory_space<vmem>>, vector<256x1xi32>
    tpu.vector_store %arg6[%swap3A_313, %swap3A_314], %add3A_312 {strides = array<i32>} : memref<256x144xi32, #tpu.memory_space<vmem>>, vector<256x1xi32>,
    %broadcast_in_dim3A_316 = arith.constant 0 : i32
    %broadcast_in_dim3A_317 = vector.broadcast %broadcast_in_dim3A_316 : i32 to vector<256x15xi32>
    %swap3A_318 = arith.constant 0 : index
    %swap3A_319 = arith.constant 113 : index
    %swap3A_320 = vector.load %arg6[%swap3A_318, %swap3A_319] : memref<256x144xi32, #tpu.memory_space<vmem>>, vector<256x15xi32>
    tpu.vector_store %arg6[%swap3A_318, %swap3A_319], %broadcast_in_dim3A_317 {strides = array<i32>} : memref<256x144xi32, #tpu.memory_space<vmem>>, vector<256x15xi32>,
    %gt3A_321 = arith.constant 8 : i32
    %gt3A_322 = vector.broadcast %gt3A_321 : i32 to vector<256x1xi32>
    %gt3A_323 = arith.cmpi sgt, %get3A_1, %gt3A_322 : vector<256x1xi32>
    %add3A_324 = arith.constant 8 : i32
    %add3A_325 = vector.broadcast %add3A_324 : i32 to vector<256x1xi32>
    %add3A_326 = arith.addi %broadcast_in_dim3A_11, %add3A_325 : vector<256x1xi32>
    %jit3A_327 = arith.constant 36872 : i32
    %broadcast_in_dim3A_328 = vector.broadcast %jit3A_327 : i32 to vector<256x1xi32>
    %select_n3A_329 = arith.select %gt3A_323, %add3A_326, %broadcast_in_dim3A_328 : vector<256x1xi1>, vector<256x1xi32>
    %swap3A_330 = arith.constant 0 : index
    %swap3A_331 = arith.constant 8 : index
    %swap3A_332 = vector.load %arg4[%swap3A_330, %swap3A_331] : memref<256x9xi32, #tpu.memory_space<vmem>>, vector<256x1xi32>
    tpu.vector_store %arg4[%swap3A_330, %swap3A_331], %select_n3A_329 {strides = array<i32>} : memref<256x9xi32, #tpu.memory_space<vmem>>, vector<256x1xi32>,
    %get3A_333 = arith.constant 0 : index
    %get3A_334 = arith.constant 8 : index
    %get3A_335 = vector.load %arg3[%get3A_333, %get3A_334] : memref<256x9xi32, #tpu.memory_space<vmem>>, vector<256x1xi32>
    %swap3A_336 = arith.constant 0 : index
    %swap3A_337 = arith.constant 128 : index
    %swap3A_338 = vector.load %arg5[%swap3A_336, %swap3A_337] : memref<256x144xi32, #tpu.memory_space<vmem>>, vector<256x1xi32>
    tpu.vector_store %arg5[%swap3A_336, %swap3A_337], %get3A_335 {strides = array<i32>} : memref<256x144xi32, #tpu.memory_space<vmem>>, vector<256x1xi32>,
    %swap3A_339 = arith.constant 0 : index
    %swap3A_340 = arith.constant 129 : index
    %swap3A_341 = vector.load %arg5[%swap3A_339, %swap3A_340] : memref<256x144xi32, #tpu.memory_space<vmem>>, vector<256x1xi32>
    tpu.vector_store %arg5[%swap3A_339, %swap3A_340], %add3A_16 {strides = array<i32>} : memref<256x144xi32, #tpu.memory_space<vmem>>, vector<256x1xi32>,
    %swap3A_342 = arith.constant 0 : index
    %swap3A_343 = arith.constant 130 : index
    %swap3A_344 = vector.load %arg5[%swap3A_342, %swap3A_343] : memref<256x144xi32, #tpu.memory_space<vmem>>, vector<256x14xi32>
    tpu.vector_store %arg5[%swap3A_342, %swap3A_343], %broadcast_in_dim3A_18 {strides = array<i32>} : memref<256x144xi32, #tpu.memory_space<vmem>>, vector<256x14xi32>,
    %mul3A_345 = arith.constant 9 : i32
    %mul3A_346 = vector.broadcast %mul3A_345 : i32 to vector<256x1xi32>
    %mul3A_347 = arith.muli %add3A_16, %mul3A_346 : vector<256x1xi32>
    %add3A_348 = arith.constant 8 : i32
    %add3A_349 = vector.broadcast %add3A_348 : i32 to vector<256x1xi32>
    %add3A_350 = arith.addi %mul3A_347, %add3A_349 : vector<256x1xi32>
    %swap3A_351 = arith.constant 0 : index
    %swap3A_352 = arith.constant 128 : index
    %swap3A_353 = vector.load %arg6[%swap3A_351, %swap3A_352] : memref<256x144xi32, #tpu.memory_space<vmem>>, vector<256x1xi32>
    tpu.vector_store %arg6[%swap3A_351, %swap3A_352], %add3A_350 {strides = array<i32>} : memref<256x144xi32, #tpu.memory_space<vmem>>, vector<256x1xi32>,
    %broadcast_in_dim3A_354 = arith.constant 0 : i32
    %broadcast_in_dim3A_355 = vector.broadcast %broadcast_in_dim3A_354 : i32 to vector<256x15xi32>
    %swap3A_356 = arith.constant 0 : index
    %swap3A_357 = arith.constant 129 : index
    %swap3A_358 = vector.load %arg6[%swap3A_356, %swap3A_357] : memref<256x144xi32, #tpu.memory_space<vmem>>, vector<256x15xi32>
    tpu.vector_store %arg6[%swap3A_356, %swap3A_357], %broadcast_in_dim3A_355 {strides = array<i32>} : memref<256x144xi32, #tpu.memory_space<vmem>>, vector<256x15xi32>,
    %slice3A = vector.extract_strided_slice %broadcast_in_dim3A_11 {offsets = [255, 0], sizes = [1, 1], strides = [1, 1]} : vector<256x1xi32> to vector<1x1xi32>
    %slice3A_359 = vector.extract_strided_slice %get3A_1 {offsets = [255, 0], sizes = [1, 1], strides = [1, 1]} : vector<256x1xi32> to vector<1x1xi32>
    %add3A_360 = arith.addi %slice3A, %slice3A_359 : vector<1x1xi32>
    %broadcast_in_dim3A_361 = vector.shape_cast %add3A_360 : vector<1x1xi32> to vector<1x1xi32>
    %broadcast_in_dim3A_362 = vector.broadcast %broadcast_in_dim3A_361 : vector<1x1xi32> to vector<1x16xi32>
    %swap3A_363 = arith.constant 0 : index
    %swap3A_364 = arith.constant 0 : index
    %swap3A_365 = vector.load %arg7[%swap3A_363, %swap3A_364] : memref<1x16xi32, #tpu.memory_space<vmem>>, vector<1x16xi32>
    tpu.vector_store %arg7[%swap3A_363, %swap3A_364], %broadcast_in_dim3A_362 {strides = array<i32>} : memref<1x16xi32, #tpu.memory_space<vmem>>, vector<1x16xi32>,
    return
  }
  func.func @transform_0(%arg0: i32) -> (i32, i32) {
    %c0_i32 = arith.constant 0 : i32
    %c0_i32_0 = arith.constant 0 : i32
    return %arg0, %c0_i32 : i32, i32
  }
  func.func @transform_1(%arg0: i32) -> (i32, i32) {
    %c0_i32 = arith.constant 0 : i32
    %c0_i32_0 = arith.constant 0 : i32
    %c0_i32_1 = arith.constant 0 : i32
    return %c0_i32, %c0_i32_0 : i32, i32
  }
  func.func @transform_2(%arg0: i32) -> (i32, i32) {
    %c0_i32 = arith.constant 0 : i32
    %c0_i32_0 = arith.constant 0 : i32
    return %arg0, %c0_i32 : i32, i32
  }
  func.func @transform_3(%arg0: i32) -> (i32, i32) {
    %c0_i32 = arith.constant 0 : i32
    %c0_i32_0 = arith.constant 0 : i32
    return %arg0, %c0_i32 : i32, i32
  }
  func.func @transform_4(%arg0: i32) -> (i32, i32) {
    %c0_i32 = arith.constant 0 : i32
    %c0_i32_0 = arith.constant 0 : i32
    return %arg0, %c0_i32 : i32, i32
  }
  func.func @transform_5(%arg0: i32) -> (i32, i32) {
    %c0_i32 = arith.constant 0 : i32
    %c0_i32_0 = arith.constant 0 : i32
    return %arg0, %c0_i32 : i32, i32
  }
  func.func @transform_6(%arg0: i32) -> (i32, i32) {
    %c0_i32 = arith.constant 0 : i32
    %c0_i32_0 = arith.constant 0 : i32
    %c0_i32_1 = arith.constant 0 : i32
    return %c0_i32, %c0_i32_0 : i32, i32
  }
}

module attributes {stable_mosaic.version = 14 : i64} {
  func.func @_nforce_body(%arg0: memref<4096x16xf32, #tpu.memory_space<vmem>>, %arg1: memref<4096x16xf32, #tpu.memory_space<vmem>>, %arg2: memref<1x16xi32, #tpu.memory_space<vmem>>, %arg3: memref<1x32xf32, #tpu.memory_space<vmem>>, %arg4: memref<1x32xf32, #tpu.memory_space<vmem>>, %arg5: memref<1x1xi32, #tpu.memory_space<vmem>>, %arg6: memref<4096x16xf32, #tpu.memory_space<vmem>>) attributes {dimension_semantics = [], scalar_prefetch = 0 : i64, scratch_operands = 0 : i64, tpu.core_type = #tpu.core_type<tc>} {
    %get3A = arith.constant 0 : index
    %get3A_0 = arith.constant 0 : index
    %get3A_1 = vector.load %arg0[%get3A, %get3A_0] : memref<4096x16xf32, #tpu.memory_space<vmem>>, vector<4096x16xf32>
    %get3A_2 = arith.constant 0 : index
    %get3A_3 = arith.constant 0 : index
    %get3A_4 = vector.load %arg1[%get3A_2, %get3A_3] : memref<4096x16xf32, #tpu.memory_space<vmem>>, vector<4096x16xf32>
    %add3A = arith.addf %get3A_1, %get3A_4 : vector<4096x16xf32>
    %get3A_5 = arith.constant 0 : index
    %get3A_6 = arith.constant 0 : index
    %get3A_7 = vector.load %arg2[%get3A_5, %get3A_6] : memref<1x16xi32, #tpu.memory_space<vmem>>, vector<1x1xi32>
    %get3A_8 = vector.extract %get3A_7[0, 0] : i32 from vector<1x1xi32>
    %sub3A = arith.constant 36864 : i32
    %sub3A_9 = arith.subi %sub3A, %get3A_8 : i32
    %convert_element_type3A = arith.sitofp %sub3A_9 : i32 to f32
    %get3A_10 = arith.constant 0 : index
    %get3A_11 = arith.constant 0 : index
    %get3A_12 = vector.load %arg3[%get3A_10, %get3A_11] : memref<1x32xf32, #tpu.memory_space<vmem>>, vector<1x32xf32>
    %get3A_13 = arith.constant 0 : index
    %get3A_14 = arith.constant 0 : index
    %get3A_15 = vector.load %arg4[%get3A_13, %get3A_14] : memref<1x32xf32, #tpu.memory_space<vmem>>, vector<1x32xf32>
    %slice3A = vector.extract_strided_slice %get3A_12 {offsets = [0, 3], sizes = [1, 1], strides = [1, 1]} : vector<1x32xf32> to vector<1x1xf32>
    %slice3A_16 = vector.extract_strided_slice %get3A_15 {offsets = [0, 3], sizes = [1, 1], strides = [1, 1]} : vector<1x32xf32> to vector<1x1xf32>
    %sub3A_17 = arith.subf %slice3A, %slice3A_16 : vector<1x1xf32>
    %slice3A_18 = vector.extract_strided_slice %get3A_12 {offsets = [0, 4], sizes = [1, 1], strides = [1, 1]} : vector<1x32xf32> to vector<1x1xf32>
    %slice3A_19 = vector.extract_strided_slice %get3A_15 {offsets = [0, 4], sizes = [1, 1], strides = [1, 1]} : vector<1x32xf32> to vector<1x1xf32>
    %sub3A_20 = arith.subf %slice3A_18, %slice3A_19 : vector<1x1xf32>
    %slice3A_21 = vector.extract_strided_slice %get3A_12 {offsets = [0, 5], sizes = [1, 1], strides = [1, 1]} : vector<1x32xf32> to vector<1x1xf32>
    %slice3A_22 = vector.extract_strided_slice %get3A_15 {offsets = [0, 5], sizes = [1, 1], strides = [1, 1]} : vector<1x32xf32> to vector<1x1xf32>
    %sub3A_23 = arith.subf %slice3A_21, %slice3A_22 : vector<1x1xf32>
    %mul3A = arith.mulf %sub3A_17, %sub3A_17 : vector<1x1xf32>
    %mul3A_24 = arith.mulf %sub3A_20, %sub3A_20 : vector<1x1xf32>
    %add3A_25 = arith.addf %mul3A, %mul3A_24 : vector<1x1xf32>
    %mul3A_26 = arith.mulf %sub3A_23, %sub3A_23 : vector<1x1xf32>
    %add3A_27 = arith.addf %add3A_25, %mul3A_26 : vector<1x1xf32>
    %sqrt3A = math.sqrt %add3A_27 : vector<1x1xf32>
    %add3A_28 = arith.constant 9.99999993E-9 : f32
    %add3A_29 = vector.broadcast %add3A_28 : f32 to vector<1x1xf32>
    %add3A_30 = arith.addf %sqrt3A, %add3A_29 : vector<1x1xf32>
    %mul3A_31 = arith.mulf %add3A_30, %add3A_30 : vector<1x1xf32>
    %div3A = arith.constant 1.000000e+00 : f32
    %div3A_32 = vector.broadcast %div3A : f32 to vector<1x1xf32>
    %div3A_33 = arith.divf %div3A_32, %mul3A_31 : vector<1x1xf32>
    %div3A_34 = arith.divf %div3A_33, %add3A_30 : vector<1x1xf32>
    %mul3A_35 = arith.mulf %div3A_33, %div3A_33 : vector<1x1xf32>
    %iota3A = tpu.iota {dimensions = array<i32: 0>} : vector<4096x1xi32>
    %get3A_36 = arith.constant 0 : index
    %get3A_37 = arith.constant 0 : index
    %get3A_38 = vector.load %arg5[%get3A_36, %get3A_37] : memref<1x1xi32, #tpu.memory_space<vmem>>, vector<1x1xi32>
    %get3A_39 = vector.extract %get3A_38[0, 0] : i32 from vector<1x1xi32>
    %eq3A = vector.broadcast %get3A_39 : i32 to vector<4096x1xi32>
    %eq3A_40 = arith.cmpi eq, %iota3A, %eq3A : vector<4096x1xi32>
    %slice3A_41 = vector.extract_strided_slice %add3A {offsets = [0, 0], sizes = [4096, 1], strides = [1, 1]} : vector<4096x16xf32> to vector<4096x1xf32>
    %mul3A_42 = vector.broadcast %convert_element_type3A : f32 to vector<1x1xf32>
    %mul3A_43 = arith.mulf %mul3A_42, %sub3A_17 : vector<1x1xf32>
    %mul3A_44 = arith.mulf %mul3A_43, %div3A_33 : vector<1x1xf32>
    %jit3A = arith.constant 0.000000e+00 : f32
    %broadcast_in_dim3A = vector.shape_cast %mul3A_44 : vector<1x1xf32> to vector<1x1xf32>
    %broadcast_in_dim3A_45 = vector.broadcast %broadcast_in_dim3A : vector<1x1xf32> to vector<4096x1xf32>
    %broadcast_in_dim3A_46 = vector.broadcast %jit3A : f32 to vector<4096x1xf32>
    %select_n3A = arith.select %eq3A_40, %broadcast_in_dim3A_45, %broadcast_in_dim3A_46 : vector<4096x1xi1>, vector<4096x1xf32>
    %add3A_47 = arith.addf %slice3A_41, %select_n3A : vector<4096x1xf32>
    %slice3A_48 = vector.extract_strided_slice %add3A {offsets = [0, 1], sizes = [4096, 1], strides = [1, 1]} : vector<4096x16xf32> to vector<4096x1xf32>
    %mul3A_49 = vector.broadcast %convert_element_type3A : f32 to vector<1x1xf32>
    %mul3A_50 = arith.mulf %mul3A_49, %sub3A_20 : vector<1x1xf32>
    %mul3A_51 = arith.mulf %mul3A_50, %div3A_33 : vector<1x1xf32>
    %jit3A_52 = arith.constant 0.000000e+00 : f32
    %broadcast_in_dim3A_53 = vector.shape_cast %mul3A_51 : vector<1x1xf32> to vector<1x1xf32>
    %broadcast_in_dim3A_54 = vector.broadcast %broadcast_in_dim3A_53 : vector<1x1xf32> to vector<4096x1xf32>
    %broadcast_in_dim3A_55 = vector.broadcast %jit3A_52 : f32 to vector<4096x1xf32>
    %select_n3A_56 = arith.select %eq3A_40, %broadcast_in_dim3A_54, %broadcast_in_dim3A_55 : vector<4096x1xi1>, vector<4096x1xf32>
    %add3A_57 = arith.addf %slice3A_48, %select_n3A_56 : vector<4096x1xf32>
    %slice3A_58 = vector.extract_strided_slice %add3A {offsets = [0, 2], sizes = [4096, 1], strides = [1, 1]} : vector<4096x16xf32> to vector<4096x1xf32>
    %mul3A_59 = vector.broadcast %convert_element_type3A : f32 to vector<1x1xf32>
    %mul3A_60 = arith.mulf %mul3A_59, %sub3A_23 : vector<1x1xf32>
    %mul3A_61 = arith.mulf %mul3A_60, %div3A_33 : vector<1x1xf32>
    %jit3A_62 = arith.constant 0.000000e+00 : f32
    %broadcast_in_dim3A_63 = vector.shape_cast %mul3A_61 : vector<1x1xf32> to vector<1x1xf32>
    %broadcast_in_dim3A_64 = vector.broadcast %broadcast_in_dim3A_63 : vector<1x1xf32> to vector<4096x1xf32>
    %broadcast_in_dim3A_65 = vector.broadcast %jit3A_62 : f32 to vector<4096x1xf32>
    %select_n3A_66 = arith.select %eq3A_40, %broadcast_in_dim3A_64, %broadcast_in_dim3A_65 : vector<4096x1xi1>, vector<4096x1xf32>
    %add3A_67 = arith.addf %slice3A_58, %select_n3A_66 : vector<4096x1xf32>
    %mul3A_68 = arith.mulf %add3A_47, %add3A_47 : vector<4096x1xf32>
    %mul3A_69 = arith.mulf %add3A_57, %add3A_57 : vector<4096x1xf32>
    %add3A_70 = arith.addf %mul3A_68, %mul3A_69 : vector<4096x1xf32>
    %mul3A_71 = arith.mulf %add3A_67, %add3A_67 : vector<4096x1xf32>
    %add3A_72 = arith.addf %add3A_70, %mul3A_71 : vector<4096x1xf32>
    %sqrt3A_73 = math.sqrt %add3A_72 : vector<4096x1xf32>
    %add3A_74 = arith.constant 9.99999993E-9 : f32
    %add3A_75 = vector.broadcast %add3A_74 : f32 to vector<4096x1xf32>
    %add3A_76 = arith.addf %sqrt3A_73, %add3A_75 : vector<4096x1xf32>
    %div3A_77 = arith.divf %add3A_47, %add3A_76 : vector<4096x1xf32>
    %div3A_78 = arith.divf %add3A_57, %add3A_76 : vector<4096x1xf32>
    %div3A_79 = arith.divf %add3A_67, %add3A_76 : vector<4096x1xf32>
    %slice3A_80 = vector.extract_strided_slice %add3A {offsets = [0, 3], sizes = [4096, 1], strides = [1, 1]} : vector<4096x16xf32> to vector<4096x1xf32>
    %mul3A_81 = vector.broadcast %convert_element_type3A : f32 to vector<1x1xf32>
    %mul3A_82 = arith.mulf %mul3A_81, %sub3A_17 : vector<1x1xf32>
    %mul3A_83 = arith.mulf %mul3A_82, %div3A_34 : vector<1x1xf32>
    %jit3A_84 = arith.constant 0.000000e+00 : f32
    %broadcast_in_dim3A_85 = vector.shape_cast %mul3A_83 : vector<1x1xf32> to vector<1x1xf32>
    %broadcast_in_dim3A_86 = vector.broadcast %broadcast_in_dim3A_85 : vector<1x1xf32> to vector<4096x1xf32>
    %broadcast_in_dim3A_87 = vector.broadcast %jit3A_84 : f32 to vector<4096x1xf32>
    %select_n3A_88 = arith.select %eq3A_40, %broadcast_in_dim3A_86, %broadcast_in_dim3A_87 : vector<4096x1xi1>, vector<4096x1xf32>
    %add3A_89 = arith.addf %slice3A_80, %select_n3A_88 : vector<4096x1xf32>
    %slice3A_90 = vector.extract_strided_slice %add3A {offsets = [0, 4], sizes = [4096, 1], strides = [1, 1]} : vector<4096x16xf32> to vector<4096x1xf32>
    %mul3A_91 = vector.broadcast %convert_element_type3A : f32 to vector<1x1xf32>
    %mul3A_92 = arith.mulf %mul3A_91, %sub3A_20 : vector<1x1xf32>
    %mul3A_93 = arith.mulf %mul3A_92, %div3A_34 : vector<1x1xf32>
    %jit3A_94 = arith.constant 0.000000e+00 : f32
    %broadcast_in_dim3A_95 = vector.shape_cast %mul3A_93 : vector<1x1xf32> to vector<1x1xf32>
    %broadcast_in_dim3A_96 = vector.broadcast %broadcast_in_dim3A_95 : vector<1x1xf32> to vector<4096x1xf32>
    %broadcast_in_dim3A_97 = vector.broadcast %jit3A_94 : f32 to vector<4096x1xf32>
    %select_n3A_98 = arith.select %eq3A_40, %broadcast_in_dim3A_96, %broadcast_in_dim3A_97 : vector<4096x1xi1>, vector<4096x1xf32>
    %add3A_99 = arith.addf %slice3A_90, %select_n3A_98 : vector<4096x1xf32>
    %slice3A_100 = vector.extract_strided_slice %add3A {offsets = [0, 5], sizes = [4096, 1], strides = [1, 1]} : vector<4096x16xf32> to vector<4096x1xf32>
    %mul3A_101 = vector.broadcast %convert_element_type3A : f32 to vector<1x1xf32>
    %mul3A_102 = arith.mulf %mul3A_101, %sub3A_23 : vector<1x1xf32>
    %mul3A_103 = arith.mulf %mul3A_102, %div3A_34 : vector<1x1xf32>
    %jit3A_104 = arith.constant 0.000000e+00 : f32
    %broadcast_in_dim3A_105 = vector.shape_cast %mul3A_103 : vector<1x1xf32> to vector<1x1xf32>
    %broadcast_in_dim3A_106 = vector.broadcast %broadcast_in_dim3A_105 : vector<1x1xf32> to vector<4096x1xf32>
    %broadcast_in_dim3A_107 = vector.broadcast %jit3A_104 : f32 to vector<4096x1xf32>
    %select_n3A_108 = arith.select %eq3A_40, %broadcast_in_dim3A_106, %broadcast_in_dim3A_107 : vector<4096x1xi1>, vector<4096x1xf32>
    %add3A_109 = arith.addf %slice3A_100, %select_n3A_108 : vector<4096x1xf32>
    %mul3A_110 = arith.mulf %add3A_89, %add3A_89 : vector<4096x1xf32>
    %mul3A_111 = arith.mulf %add3A_99, %add3A_99 : vector<4096x1xf32>
    %add3A_112 = arith.addf %mul3A_110, %mul3A_111 : vector<4096x1xf32>
    %mul3A_113 = arith.mulf %add3A_109, %add3A_109 : vector<4096x1xf32>
    %add3A_114 = arith.addf %add3A_112, %mul3A_113 : vector<4096x1xf32>
    %sqrt3A_115 = math.sqrt %add3A_114 : vector<4096x1xf32>
    %add3A_116 = arith.constant 9.99999993E-9 : f32
    %add3A_117 = vector.broadcast %add3A_116 : f32 to vector<4096x1xf32>
    %add3A_118 = arith.addf %sqrt3A_115, %add3A_117 : vector<4096x1xf32>
    %div3A_119 = arith.divf %add3A_89, %add3A_118 : vector<4096x1xf32>
    %div3A_120 = arith.divf %add3A_99, %add3A_118 : vector<4096x1xf32>
    %div3A_121 = arith.divf %add3A_109, %add3A_118 : vector<4096x1xf32>
    %slice3A_122 = vector.extract_strided_slice %add3A {offsets = [0, 6], sizes = [4096, 1], strides = [1, 1]} : vector<4096x16xf32> to vector<4096x1xf32>
    %mul3A_123 = vector.broadcast %convert_element_type3A : f32 to vector<1x1xf32>
    %mul3A_124 = arith.mulf %mul3A_123, %sub3A_17 : vector<1x1xf32>
    %mul3A_125 = arith.mulf %mul3A_124, %mul3A_35 : vector<1x1xf32>
    %jit3A_126 = arith.constant 0.000000e+00 : f32
    %broadcast_in_dim3A_127 = vector.shape_cast %mul3A_125 : vector<1x1xf32> to vector<1x1xf32>
    %broadcast_in_dim3A_128 = vector.broadcast %broadcast_in_dim3A_127 : vector<1x1xf32> to vector<4096x1xf32>
    %broadcast_in_dim3A_129 = vector.broadcast %jit3A_126 : f32 to vector<4096x1xf32>
    %select_n3A_130 = arith.select %eq3A_40, %broadcast_in_dim3A_128, %broadcast_in_dim3A_129 : vector<4096x1xi1>, vector<4096x1xf32>
    %add3A_131 = arith.addf %slice3A_122, %select_n3A_130 : vector<4096x1xf32>
    %slice3A_132 = vector.extract_strided_slice %add3A {offsets = [0, 7], sizes = [4096, 1], strides = [1, 1]} : vector<4096x16xf32> to vector<4096x1xf32>
    %mul3A_133 = vector.broadcast %convert_element_type3A : f32 to vector<1x1xf32>
    %mul3A_134 = arith.mulf %mul3A_133, %sub3A_20 : vector<1x1xf32>
    %mul3A_135 = arith.mulf %mul3A_134, %mul3A_35 : vector<1x1xf32>
    %jit3A_136 = arith.constant 0.000000e+00 : f32
    %broadcast_in_dim3A_137 = vector.shape_cast %mul3A_135 : vector<1x1xf32> to vector<1x1xf32>
    %broadcast_in_dim3A_138 = vector.broadcast %broadcast_in_dim3A_137 : vector<1x1xf32> to vector<4096x1xf32>
    %broadcast_in_dim3A_139 = vector.broadcast %jit3A_136 : f32 to vector<4096x1xf32>
    %select_n3A_140 = arith.select %eq3A_40, %broadcast_in_dim3A_138, %broadcast_in_dim3A_139 : vector<4096x1xi1>, vector<4096x1xf32>
    %add3A_141 = arith.addf %slice3A_132, %select_n3A_140 : vector<4096x1xf32>
    %slice3A_142 = vector.extract_strided_slice %add3A {offsets = [0, 8], sizes = [4096, 1], strides = [1, 1]} : vector<4096x16xf32> to vector<4096x1xf32>
    %mul3A_143 = vector.broadcast %convert_element_type3A : f32 to vector<1x1xf32>
    %mul3A_144 = arith.mulf %mul3A_143, %sub3A_23 : vector<1x1xf32>
    %mul3A_145 = arith.mulf %mul3A_144, %mul3A_35 : vector<1x1xf32>
    %jit3A_146 = arith.constant 0.000000e+00 : f32
    %broadcast_in_dim3A_147 = vector.shape_cast %mul3A_145 : vector<1x1xf32> to vector<1x1xf32>
    %broadcast_in_dim3A_148 = vector.broadcast %broadcast_in_dim3A_147 : vector<1x1xf32> to vector<4096x1xf32>
    %broadcast_in_dim3A_149 = vector.broadcast %jit3A_146 : f32 to vector<4096x1xf32>
    %select_n3A_150 = arith.select %eq3A_40, %broadcast_in_dim3A_148, %broadcast_in_dim3A_149 : vector<4096x1xi1>, vector<4096x1xf32>
    %add3A_151 = arith.addf %slice3A_142, %select_n3A_150 : vector<4096x1xf32>
    %mul3A_152 = arith.mulf %add3A_131, %add3A_131 : vector<4096x1xf32>
    %mul3A_153 = arith.mulf %add3A_141, %add3A_141 : vector<4096x1xf32>
    %add3A_154 = arith.addf %mul3A_152, %mul3A_153 : vector<4096x1xf32>
    %mul3A_155 = arith.mulf %add3A_151, %add3A_151 : vector<4096x1xf32>
    %add3A_156 = arith.addf %add3A_154, %mul3A_155 : vector<4096x1xf32>
    %sqrt3A_157 = math.sqrt %add3A_156 : vector<4096x1xf32>
    %add3A_158 = arith.constant 9.99999993E-9 : f32
    %add3A_159 = vector.broadcast %add3A_158 : f32 to vector<4096x1xf32>
    %add3A_160 = arith.addf %sqrt3A_157, %add3A_159 : vector<4096x1xf32>
    %div3A_161 = arith.divf %add3A_131, %add3A_160 : vector<4096x1xf32>
    %div3A_162 = arith.divf %add3A_141, %add3A_160 : vector<4096x1xf32>
    %div3A_163 = arith.divf %add3A_151, %add3A_160 : vector<4096x1xf32>
    %swap3A = arith.constant 0 : index
    %swap3A_164 = arith.constant 0 : index
    %swap3A_165 = vector.load %arg6[%swap3A, %swap3A_164] : memref<4096x16xf32, #tpu.memory_space<vmem>>, vector<4096x1xf32>
    tpu.vector_store %arg6[%swap3A, %swap3A_164], %div3A_77 {strides = array<i32>} : memref<4096x16xf32, #tpu.memory_space<vmem>>, vector<4096x1xf32>,
    %swap3A_166 = arith.constant 0 : index
    %swap3A_167 = arith.constant 1 : index
    %swap3A_168 = vector.load %arg6[%swap3A_166, %swap3A_167] : memref<4096x16xf32, #tpu.memory_space<vmem>>, vector<4096x1xf32>
    tpu.vector_store %arg6[%swap3A_166, %swap3A_167], %div3A_78 {strides = array<i32>} : memref<4096x16xf32, #tpu.memory_space<vmem>>, vector<4096x1xf32>,
    %swap3A_169 = arith.constant 0 : index
    %swap3A_170 = arith.constant 2 : index
    %swap3A_171 = vector.load %arg6[%swap3A_169, %swap3A_170] : memref<4096x16xf32, #tpu.memory_space<vmem>>, vector<4096x1xf32>
    tpu.vector_store %arg6[%swap3A_169, %swap3A_170], %div3A_79 {strides = array<i32>} : memref<4096x16xf32, #tpu.memory_space<vmem>>, vector<4096x1xf32>,
    %swap3A_172 = arith.constant 0 : index
    %swap3A_173 = arith.constant 3 : index
    %swap3A_174 = vector.load %arg6[%swap3A_172, %swap3A_173] : memref<4096x16xf32, #tpu.memory_space<vmem>>, vector<4096x1xf32>
    tpu.vector_store %arg6[%swap3A_172, %swap3A_173], %div3A_119 {strides = array<i32>} : memref<4096x16xf32, #tpu.memory_space<vmem>>, vector<4096x1xf32>,
    %swap3A_175 = arith.constant 0 : index
    %swap3A_176 = arith.constant 4 : index
    %swap3A_177 = vector.load %arg6[%swap3A_175, %swap3A_176] : memref<4096x16xf32, #tpu.memory_space<vmem>>, vector<4096x1xf32>
    tpu.vector_store %arg6[%swap3A_175, %swap3A_176], %div3A_120 {strides = array<i32>} : memref<4096x16xf32, #tpu.memory_space<vmem>>, vector<4096x1xf32>,
    %swap3A_178 = arith.constant 0 : index
    %swap3A_179 = arith.constant 5 : index
    %swap3A_180 = vector.load %arg6[%swap3A_178, %swap3A_179] : memref<4096x16xf32, #tpu.memory_space<vmem>>, vector<4096x1xf32>
    tpu.vector_store %arg6[%swap3A_178, %swap3A_179], %div3A_121 {strides = array<i32>} : memref<4096x16xf32, #tpu.memory_space<vmem>>, vector<4096x1xf32>,
    %swap3A_181 = arith.constant 0 : index
    %swap3A_182 = arith.constant 6 : index
    %swap3A_183 = vector.load %arg6[%swap3A_181, %swap3A_182] : memref<4096x16xf32, #tpu.memory_space<vmem>>, vector<4096x1xf32>
    tpu.vector_store %arg6[%swap3A_181, %swap3A_182], %div3A_161 {strides = array<i32>} : memref<4096x16xf32, #tpu.memory_space<vmem>>, vector<4096x1xf32>,
    %swap3A_184 = arith.constant 0 : index
    %swap3A_185 = arith.constant 7 : index
    %swap3A_186 = vector.load %arg6[%swap3A_184, %swap3A_185] : memref<4096x16xf32, #tpu.memory_space<vmem>>, vector<4096x1xf32>
    tpu.vector_store %arg6[%swap3A_184, %swap3A_185], %div3A_162 {strides = array<i32>} : memref<4096x16xf32, #tpu.memory_space<vmem>>, vector<4096x1xf32>,
    %swap3A_187 = arith.constant 0 : index
    %swap3A_188 = arith.constant 8 : index
    %swap3A_189 = vector.load %arg6[%swap3A_187, %swap3A_188] : memref<4096x16xf32, #tpu.memory_space<vmem>>, vector<4096x1xf32>
    tpu.vector_store %arg6[%swap3A_187, %swap3A_188], %div3A_163 {strides = array<i32>} : memref<4096x16xf32, #tpu.memory_space<vmem>>, vector<4096x1xf32>,
    %broadcast_in_dim3A_190 = arith.constant 0.000000e+00 : f32
    %broadcast_in_dim3A_191 = vector.broadcast %broadcast_in_dim3A_190 : f32 to vector<4096x7xf32>
    %swap3A_192 = arith.constant 0 : index
    %swap3A_193 = arith.constant 9 : index
    %swap3A_194 = vector.load %arg6[%swap3A_192, %swap3A_193] : memref<4096x16xf32, #tpu.memory_space<vmem>>, vector<4096x7xf32>
    tpu.vector_store %arg6[%swap3A_192, %swap3A_193], %broadcast_in_dim3A_191 {strides = array<i32>} : memref<4096x16xf32, #tpu.memory_space<vmem>>, vector<4096x7xf32>,
    return
  }
}

module attributes {stable_mosaic.version = 14 : i64} {
  func.func @_sel_body(%arg0: i32, %arg1: memref<2304x16xi32, #tpu.memory_space<vmem>>, %arg2: memref<1x16xi32, #tpu.memory_space<vmem>>, %arg3: memref<2304x1xi32, #tpu.memory_space<vmem>>) attributes {dimension_semantics = [#tpu.dimension_semantics<arbitrary>], iteration_bounds = array<i64: 16>, scalar_prefetch = 0 : i64, scratch_operands = 0 : i64, tpu.core_type = #tpu.core_type<tc>, window_params = [{transform_indices = @transform_0, window_bounds = array<i64: 2304, 16>}, {pipeline_mode = #tpu.pipeline_mode<synchronous>, transform_indices = @transform_1, window_bounds = array<i64: 1, 16>}, {transform_indices = @transform_2, window_bounds = array<i64: 2304, 1>}]} {
    %iota3A = tpu.iota {dimensions = array<i32: 0>} : vector<2304x1xi32>
    %mul3A = arith.constant 2304 : i32
    %mul3A_0 = arith.muli %arg0, %mul3A : i32
    %add3A = vector.broadcast %mul3A_0 : i32 to vector<2304x1xi32>
    %add3A_1 = arith.addi %iota3A, %add3A : vector<2304x1xi32>
    %get3A = arith.constant 0 : index
    %get3A_2 = arith.constant 0 : index
    %get3A_3 = vector.load %arg2[%get3A, %get3A_2] : memref<1x16xi32, #tpu.memory_space<vmem>>, vector<1x1xi32>
    %get3A_4 = vector.extract %get3A_3[0, 0] : i32 from vector<1x1xi32>
    %lt3A = vector.broadcast %get3A_4 : i32 to vector<2304x1xi32>
    %lt3A_5 = arith.cmpi slt, %add3A_1, %lt3A : vector<2304x1xi32>
    %get3A_6 = arith.constant 0 : index
    %get3A_7 = arith.constant 0 : index
    %get3A_8 = vector.load %arg1[%get3A_6, %get3A_7] : memref<2304x16xi32, #tpu.memory_space<vmem>>, vector<2304x1xi32>
    %jit3A = arith.constant 0 : i32
    %broadcast_in_dim3A = vector.broadcast %jit3A : i32 to vector<2304x1xi32>
    %select_n3A = arith.select %lt3A_5, %get3A_8, %broadcast_in_dim3A : vector<2304x1xi1>, vector<2304x1xi32>
    %swap3A = arith.constant 0 : index
    %swap3A_9 = arith.constant 0 : index
    %swap3A_10 = vector.load %arg3[%swap3A, %swap3A_9] : memref<2304x1xi32, #tpu.memory_space<vmem>>, vector<2304x1xi32>
    tpu.vector_store %arg3[%swap3A, %swap3A_9], %select_n3A {strides = array<i32>} : memref<2304x1xi32, #tpu.memory_space<vmem>>, vector<2304x1xi32>,
    return
  }
  func.func @transform_0(%arg0: i32) -> (i32, i32) {
    %c0_i32 = arith.constant 0 : i32
    %c0_i32_0 = arith.constant 0 : i32
    return %arg0, %c0_i32 : i32, i32
  }
  func.func @transform_1(%arg0: i32) -> (i32, i32) {
    %c0_i32 = arith.constant 0 : i32
    %c0_i32_0 = arith.constant 0 : i32
    %c0_i32_1 = arith.constant 0 : i32
    return %c0_i32, %c0_i32_0 : i32, i32
  }
  func.func @transform_2(%arg0: i32) -> (i32, i32) {
    %c0_i32 = arith.constant 0 : i32
    %c0_i32_0 = arith.constant 0 : i32
    return %arg0, %c0_i32 : i32, i32
  }
}

module attributes {stable_mosaic.version = 14 : i64} {
  func.func @_assemble_body(%arg0: i32, %arg1: memref<32x4608xf32, #tpu.memory_space<vmem>>, %arg2: memref<16x4608xf32, #tpu.memory_space<vmem>>, %arg3: memref<16x4608xf32, #tpu.memory_space<vmem>>, %arg4: memref<32x4608xf32, #tpu.memory_space<vmem>>) attributes {dimension_semantics = [#tpu.dimension_semantics<arbitrary>], iteration_bounds = array<i64: 8>, scalar_prefetch = 0 : i64, scratch_operands = 0 : i64, tpu.core_type = #tpu.core_type<tc>, window_params = [{transform_indices = @transform_0, window_bounds = array<i64: 32, 4608>}, {transform_indices = @transform_1, window_bounds = array<i64: 16, 4608>}, {transform_indices = @transform_2, window_bounds = array<i64: 16, 4608>}, {transform_indices = @transform_3, window_bounds = array<i64: 32, 4608>}]} {
    %get3A = arith.constant 0 : index
    %get3A_0 = arith.constant 0 : index
    %get3A_1 = vector.load %arg1[%get3A, %get3A_0] : memref<32x4608xf32, #tpu.memory_space<vmem>>, vector<29x4608xf32>
    %swap3A = arith.constant 0 : index
    %swap3A_2 = arith.constant 0 : index
    %swap3A_3 = vector.load %arg4[%swap3A, %swap3A_2] : memref<32x4608xf32, #tpu.memory_space<vmem>>, vector<29x4608xf32>
    tpu.vector_store %arg4[%swap3A, %swap3A_2], %get3A_1 {strides = array<i32>} : memref<32x4608xf32, #tpu.memory_space<vmem>>, vector<29x4608xf32>,
    %get3A_4 = arith.constant 0 : index
    %get3A_5 = arith.constant 0 : index
    %get3A_6 = vector.load %arg2[%get3A_4, %get3A_5] : memref<16x4608xf32, #tpu.memory_space<vmem>>, vector<16x4608xf32>
    %get3A_7 = arith.constant 0 : index
    %get3A_8 = arith.constant 0 : index
    %get3A_9 = vector.load %arg3[%get3A_7, %get3A_8] : memref<16x4608xf32, #tpu.memory_space<vmem>>, vector<16x4608xf32>
    %slice3A = vector.extract_strided_slice %get3A_6 {offsets = [0, 0], sizes = [1, 4608], strides = [1, 1]} : vector<16x4608xf32> to vector<1x4608xf32>
    %slice3A_10 = vector.extract_strided_slice %get3A_9 {offsets = [0, 0], sizes = [1, 4608], strides = [1, 1]} : vector<16x4608xf32> to vector<1x4608xf32>
    %mul3A = arith.mulf %slice3A, %slice3A_10 : vector<1x4608xf32>
    %slice3A_11 = vector.extract_strided_slice %get3A_6 {offsets = [1, 0], sizes = [1, 4608], strides = [1, 1]} : vector<16x4608xf32> to vector<1x4608xf32>
    %slice3A_12 = vector.extract_strided_slice %get3A_9 {offsets = [1, 0], sizes = [1, 4608], strides = [1, 1]} : vector<16x4608xf32> to vector<1x4608xf32>
    %mul3A_13 = arith.mulf %slice3A_11, %slice3A_12 : vector<1x4608xf32>
    %add3A = arith.addf %mul3A, %mul3A_13 : vector<1x4608xf32>
    %slice3A_14 = vector.extract_strided_slice %get3A_6 {offsets = [2, 0], sizes = [1, 4608], strides = [1, 1]} : vector<16x4608xf32> to vector<1x4608xf32>
    %slice3A_15 = vector.extract_strided_slice %get3A_9 {offsets = [2, 0], sizes = [1, 4608], strides = [1, 1]} : vector<16x4608xf32> to vector<1x4608xf32>
    %mul3A_16 = arith.mulf %slice3A_14, %slice3A_15 : vector<1x4608xf32>
    %add3A_17 = arith.addf %add3A, %mul3A_16 : vector<1x4608xf32>
    %swap3A_18 = arith.constant 29 : index
    %swap3A_19 = arith.constant 0 : index
    %swap3A_20 = vector.load %arg4[%swap3A_18, %swap3A_19] : memref<32x4608xf32, #tpu.memory_space<vmem>>, vector<1x4608xf32>
    tpu.vector_store %arg4[%swap3A_18, %swap3A_19], %add3A_17 {strides = array<i32>} : memref<32x4608xf32, #tpu.memory_space<vmem>>, vector<1x4608xf32>,
    %slice3A_21 = vector.extract_strided_slice %get3A_6 {offsets = [3, 0], sizes = [1, 4608], strides = [1, 1]} : vector<16x4608xf32> to vector<1x4608xf32>
    %slice3A_22 = vector.extract_strided_slice %get3A_9 {offsets = [3, 0], sizes = [1, 4608], strides = [1, 1]} : vector<16x4608xf32> to vector<1x4608xf32>
    %mul3A_23 = arith.mulf %slice3A_21, %slice3A_22 : vector<1x4608xf32>
    %slice3A_24 = vector.extract_strided_slice %get3A_6 {offsets = [4, 0], sizes = [1, 4608], strides = [1, 1]} : vector<16x4608xf32> to vector<1x4608xf32>
    %slice3A_25 = vector.extract_strided_slice %get3A_9 {offsets = [4, 0], sizes = [1, 4608], strides = [1, 1]} : vector<16x4608xf32> to vector<1x4608xf32>
    %mul3A_26 = arith.mulf %slice3A_24, %slice3A_25 : vector<1x4608xf32>
    %add3A_27 = arith.addf %mul3A_23, %mul3A_26 : vector<1x4608xf32>
    %slice3A_28 = vector.extract_strided_slice %get3A_6 {offsets = [5, 0], sizes = [1, 4608], strides = [1, 1]} : vector<16x4608xf32> to vector<1x4608xf32>
    %slice3A_29 = vector.extract_strided_slice %get3A_9 {offsets = [5, 0], sizes = [1, 4608], strides = [1, 1]} : vector<16x4608xf32> to vector<1x4608xf32>
    %mul3A_30 = arith.mulf %slice3A_28, %slice3A_29 : vector<1x4608xf32>
    %add3A_31 = arith.addf %add3A_27, %mul3A_30 : vector<1x4608xf32>
    %swap3A_32 = arith.constant 30 : index
    %swap3A_33 = arith.constant 0 : index
    %swap3A_34 = vector.load %arg4[%swap3A_32, %swap3A_33] : memref<32x4608xf32, #tpu.memory_space<vmem>>, vector<1x4608xf32>
    tpu.vector_store %arg4[%swap3A_32, %swap3A_33], %add3A_31 {strides = array<i32>} : memref<32x4608xf32, #tpu.memory_space<vmem>>, vector<1x4608xf32>,
    %slice3A_35 = vector.extract_strided_slice %get3A_6 {offsets = [6, 0], sizes = [1, 4608], strides = [1, 1]} : vector<16x4608xf32> to vector<1x4608xf32>
    %slice3A_36 = vector.extract_strided_slice %get3A_9 {offsets = [6, 0], sizes = [1, 4608], strides = [1, 1]} : vector<16x4608xf32> to vector<1x4608xf32>
    %mul3A_37 = arith.mulf %slice3A_35, %slice3A_36 : vector<1x4608xf32>
    %slice3A_38 = vector.extract_strided_slice %get3A_6 {offsets = [7, 0], sizes = [1, 4608], strides = [1, 1]} : vector<16x4608xf32> to vector<1x4608xf32>
    %slice3A_39 = vector.extract_strided_slice %get3A_9 {offsets = [7, 0], sizes = [1, 4608], strides = [1, 1]} : vector<16x4608xf32> to vector<1x4608xf32>
    %mul3A_40 = arith.mulf %slice3A_38, %slice3A_39 : vector<1x4608xf32>
    %add3A_41 = arith.addf %mul3A_37, %mul3A_40 : vector<1x4608xf32>
    %slice3A_42 = vector.extract_strided_slice %get3A_6 {offsets = [8, 0], sizes = [1, 4608], strides = [1, 1]} : vector<16x4608xf32> to vector<1x4608xf32>
    %slice3A_43 = vector.extract_strided_slice %get3A_9 {offsets = [8, 0], sizes = [1, 4608], strides = [1, 1]} : vector<16x4608xf32> to vector<1x4608xf32>
    %mul3A_44 = arith.mulf %slice3A_42, %slice3A_43 : vector<1x4608xf32>
    %add3A_45 = arith.addf %add3A_41, %mul3A_44 : vector<1x4608xf32>
    %swap3A_46 = arith.constant 31 : index
    %swap3A_47 = arith.constant 0 : index
    %swap3A_48 = vector.load %arg4[%swap3A_46, %swap3A_47] : memref<32x4608xf32, #tpu.memory_space<vmem>>, vector<1x4608xf32>
    tpu.vector_store %arg4[%swap3A_46, %swap3A_47], %add3A_45 {strides = array<i32>} : memref<32x4608xf32, #tpu.memory_space<vmem>>, vector<1x4608xf32>,
    return
  }
  func.func @transform_0(%arg0: i32) -> (i32, i32) {
    %c0_i32 = arith.constant 0 : i32
    %c0_i32_0 = arith.constant 0 : i32
    return %c0_i32, %arg0 : i32, i32
  }
  func.func @transform_1(%arg0: i32) -> (i32, i32) {
    %c0_i32 = arith.constant 0 : i32
    %c0_i32_0 = arith.constant 0 : i32
    return %c0_i32, %arg0 : i32, i32
  }
  func.func @transform_2(%arg0: i32) -> (i32, i32) {
    %c0_i32 = arith.constant 0 : i32
    %c0_i32_0 = arith.constant 0 : i32
    return %c0_i32, %arg0 : i32, i32
  }
  func.func @transform_3(%arg0: i32) -> (i32, i32) {
    %c0_i32 = arith.constant 0 : i32
    %c0_i32_0 = arith.constant 0 : i32
    return %c0_i32, %arg0 : i32, i32
  }
}

module attributes {stable_mosaic.version = 14 : i64} {
  func.func @_hsin_body(%arg0: i32, %arg1: memref<256x1xi32, #tpu.memory_space<vmem>>, %arg2: memref<256x1xi32, #tpu.memory_space<vmem>>, %arg3: memref<21x128xf32, #tpu.memory_space<vmem>>, %arg4: memref<1x128xf32, #tpu.memory_space<vmem>>, %arg5: memref<256x128xf32, #tpu.memory_space<vmem>>) attributes {dimension_semantics = [#tpu.dimension_semantics<arbitrary>], iteration_bounds = array<i64: 16>, scalar_prefetch = 0 : i64, scratch_operands = 0 : i64, tpu.core_type = #tpu.core_type<tc>, window_params = [{transform_indices = @transform_0, window_bounds = array<i64: 256, 1>}, {transform_indices = @transform_1, window_bounds = array<i64: 256, 1>}, {pipeline_mode = #tpu.pipeline_mode<synchronous>, transform_indices = @transform_2, window_bounds = array<i64: 21, 128>}, {pipeline_mode = #tpu.pipeline_mode<synchronous>, transform_indices = @transform_3, window_bounds = array<i64: 1, 128>}, {transform_indices = @transform_4, window_bounds = array<i64: 256, 128>}]} {
    %iota3A = tpu.iota {dimensions = array<i32: 1>} : vector<256x21xi32>
    %get3A = arith.constant 0 : index
    %get3A_0 = arith.constant 0 : index
    %get3A_1 = vector.load %arg1[%get3A, %get3A_0] : memref<256x1xi32, #tpu.memory_space<vmem>>, vector<256x1xi32>
    %eq3A = vector.broadcast %get3A_1 : vector<256x1xi32> to vector<256x21xi32>
    %eq3A_2 = arith.cmpi eq, %iota3A, %eq3A : vector<256x21xi32>
    %convert_element_type3A = arith.extui %eq3A_2 : vector<256x21xi1> to vector<256x21xi32>
    %convert_element_type3A_3 = arith.sitofp %convert_element_type3A : vector<256x21xi32> to vector<256x21xf32>
    %get3A_4 = arith.constant 0 : index
    %get3A_5 = arith.constant 0 : index
    %get3A_6 = vector.load %arg3[%get3A_4, %get3A_5] : memref<21x128xf32, #tpu.memory_space<vmem>>, vector<21x128xf32>
    %dot_general3A = arith.constant dense<0.000000e+00> : vector<256x128xf32>
    %dot_general3A_7 = tpu.matmul %convert_element_type3A_3, %get3A_6, %dot_general3A {dimension_numbers = #tpu.dot_dimension_numbers<[1], [0], [0], [1], [0, 0, 1, 1], [], []>, transpose_lhs_hint = false} : vector<256x21xf32>, vector<21x128xf32>, vector<256x128xf32> -> vector<256x128xf32>
    %get3A_8 = arith.constant 0 : index
    %get3A_9 = arith.constant 0 : index
    %get3A_10 = vector.load %arg2[%get3A_8, %get3A_9] : memref<256x1xi32, #tpu.memory_space<vmem>>, vector<256x1xi32>
    %convert_element_type3A_11 = arith.sitofp %get3A_10 : vector<256x1xi32> to vector<256x1xf32>
    %get3A_12 = arith.constant 0 : index
    %get3A_13 = arith.constant 0 : index
    %get3A_14 = vector.load %arg4[%get3A_12, %get3A_13] : memref<1x128xf32, #tpu.memory_space<vmem>>, vector<1x128xf32>
    %mul3A = vector.broadcast %convert_element_type3A_11 : vector<256x1xf32> to vector<256x128xf32>
    %mul3A_15 = vector.broadcast %get3A_14 : vector<1x128xf32> to vector<256x128xf32>
    %mul3A_16 = arith.mulf %mul3A, %mul3A_15 : vector<256x128xf32>
    %iota3A_17 = tpu.iota {dimensions = array<i32: 1>} : vector<256x128xi32>
    %jit3A = arith.constant 2 : i32
    %eq3A_18 = arith.constant 0 : i32
    %eq3A_19 = arith.cmpi eq, %jit3A, %eq3A_18 : i32
    %jit3A_20 = arith.constant 1 : i32
    %select_n3A = arith.select %eq3A_19, %jit3A_20, %jit3A : i32
    %rem3A = vector.broadcast %select_n3A : i32 to vector<256x128xi32>
    %rem3A_21 = arith.remsi %iota3A_17, %rem3A : vector<256x128xi32>
    %ne3A = arith.constant 0 : i32
    %ne3A_22 = vector.broadcast %ne3A : i32 to vector<256x128xi32>
    %ne3A_23 = arith.cmpi ne, %rem3A_21, %ne3A_22 : vector<256x128xi32>
    %lt3A = arith.constant 0 : i32
    %lt3A_24 = vector.broadcast %lt3A : i32 to vector<256x128xi32>
    %lt3A_25 = arith.cmpi slt, %rem3A_21, %lt3A_24 : vector<256x128xi32>
    %lt3A_26 = arith.constant 0 : i32
    %lt3A_27 = arith.cmpi slt, %select_n3A, %lt3A_26 : i32
    %ne3A_28 = vector.broadcast %lt3A_27 : i1 to vector<256x128xi1>
    %ne3A_29 = vector.broadcast %ne3A_28 : vector<256x128xi1> to vector<256x128xi1>
    %ne3A_30 = arith.xori %lt3A_25, %ne3A_29 : vector<256x128xi1>
    %and3A = arith.andi %ne3A_30, %ne3A_23 : vector<256x128xi1>
    %add3A = vector.broadcast %select_n3A : i32 to vector<256x128xi32>
    %add3A_31 = arith.addi %rem3A_21, %add3A : vector<256x128xi32>
    %select_n3A_32 = arith.select %and3A, %add3A_31, %rem3A_21 : vector<256x128xi1>, vector<256x128xi32>
    %eq3A_33 = arith.constant 0 : i32
    %eq3A_34 = vector.broadcast %eq3A_33 : i32 to vector<256x128xi32>
    %eq3A_35 = arith.cmpi eq, %select_n3A_32, %eq3A_34 : vector<256x128xi32>
    %sin3A = math.sin %mul3A_16 : vector<256x128xf32>
    %cos3A = math.cos %mul3A_16 : vector<256x128xf32>
    %select_n3A_36 = arith.select %eq3A_35, %sin3A, %cos3A : vector<256x128xi1>, vector<256x128xf32>
    %add3A_37 = arith.addf %dot_general3A_7, %select_n3A_36 : vector<256x128xf32>
    %swap3A = arith.constant 0 : index
    %swap3A_38 = arith.constant 0 : index
    %swap3A_39 = vector.load %arg5[%swap3A, %swap3A_38] : memref<256x128xf32, #tpu.memory_space<vmem>>, vector<256x128xf32>
    tpu.vector_store %arg5[%swap3A, %swap3A_38], %add3A_37 {strides = array<i32>} : memref<256x128xf32, #tpu.memory_space<vmem>>, vector<256x128xf32>,
    return
  }
  func.func @transform_0(%arg0: i32) -> (i32, i32) {
    %c0_i32 = arith.constant 0 : i32
    %c0_i32_0 = arith.constant 0 : i32
    return %arg0, %c0_i32 : i32, i32
  }
  func.func @transform_1(%arg0: i32) -> (i32, i32) {
    %c0_i32 = arith.constant 0 : i32
    %c0_i32_0 = arith.constant 0 : i32
    return %arg0, %c0_i32 : i32, i32
  }
  func.func @transform_2(%arg0: i32) -> (i32, i32) {
    %c0_i32 = arith.constant 0 : i32
    %c0_i32_0 = arith.constant 0 : i32
    %c0_i32_1 = arith.constant 0 : i32
    return %c0_i32, %c0_i32_0 : i32, i32
  }
  func.func @transform_3(%arg0: i32) -> (i32, i32) {
    %c0_i32 = arith.constant 0 : i32
    %c0_i32_0 = arith.constant 0 : i32
    %c0_i32_1 = arith.constant 0 : i32
    return %c0_i32, %c0_i32_0 : i32, i32
  }
  func.func @transform_4(%arg0: i32) -> (i32, i32) {
    %c0_i32 = arith.constant 0 : i32
    %c0_i32_0 = arith.constant 0 : i32
    return %arg0, %c0_i32 : i32, i32
  }
}

</mosaic_0001>

<sc_bundles>
// kernel: kernel.16.cloned.1.call-start
scs
__scs_entry_jumppad:
0x0: {  	(pc) =	sbr.rel $0x88, $3  }
0x1: {  	(tag) =	ssettag $0x0;
	lr =	simm.s32 $0x1  }
0x2: {  	[smem:$0x3F9B] =	sst lr;
	_ =	strace $0xD0000000  }
0x3: {  	_ = 	snop  }
0x4: {  	_ = 	snop  }
0x5: {  	_ = 	snop  }
0x6: {  	_ = 	snop  }
0x7: {  	_ = 	snop  }
__scs_overlays_trampoline_lowered:
0x8: {  	[smem:$0x3FAA] =	sst s0  }
0x9: {  	[smem:$0x3FAB] =	sst s1  }
0xa: {  	[smem:$0x3FAC] =	sst s2  }
0xb: {  	[smem:$0x3FAD] =	sst s3  }
0xc: {  	[smem:$0x3FAE] =	sst s4  }
0xd: {  	[smem:$0x3FAF] =	sst s5  }
0xe: {  	[smem:$0x3FB0] =	sst s6  }
0xf: {  	[smem:$0x3FB1] =	sst s7  }
0x10: {  	[smem:$0x3FB2] =	sst s8  }
0x11: {  	[smem:$0x3FB3] =	sst s9;
	s0 =	simm.s32 @!p0 $0x0  }
0x12: {  	s1 =	sld [smem:$0x3F99];
	s0 =	simm.s32 @p0 $0x1  }
0x13: {  	[smem:$0x3FB4] =	sst s0;
	s0 =	simm.s32 @!p1 $0x0  }
0x14: {  	s2 =	sld [smem:$0x3F98];
	s0 =	simm.s32 @p1 $0x1  }
0x15: {  	[smem:$0x3FB5] =	sst s0;
	s0 =	simm.s32 @!p2 $0x0  }
0x16: {  	s3 =	sld [smem:$0x3FDB];
	s0 =	simm.s32 @p2 $0x1  }
0x17: {  	s4 =	simm.s32 $0x1BF5;
	[smem:$0x3FB7] =	sst s0  }
0x18: {  	s0 =	sld [smem:$0x3F9A];
	_ =	swait.ge [sflag:s4], $0x0  }
0x19: {  	s7 =	sld [smem:$0x3F9B]  }
0x1a: {  	s8 =	sadd.s32 $0xFFFFE003, lr  }
0x1b: {  	s9 =	sadd.s32 $0xFFFFFEF7, lr;
	s5 =	simm.s32 $0xFFFFFFFF;
	p2 =	slt.u32 s8, $0xFFFFF086  }
0x1c: {  	p1 =	slt.u32 s9, $0xF7A;
	s5 =	simm.s32 @!p2 $0x0  }
0x1d: {  	s5 =	simm.s32 @p1 $0x1;
	p0 =	seq.s32 s7, s2  }
0x1e: {  	s7 =	smul.u32 @!p0 $0xF7A, s2;
	p2 =	seq.s32 @!p0 s5, $0x0  }
0x1f: {  	s9 =	smul.u32 $0xF7A, s1;
	s8 =	simm.s32 @!p0 $0x1BF5;
	p2 =	por !p2, p0  }
0x20: {  	[sflag:s8] =	ssyncset.s32 @!p0 $0xFFFFF086;
	s6 =	sadd.s32 @!p0 s3, s7;
	s7 =	simm.s32 @!p0 $0x108  }
0x21: {  	s3 =	sadd.s32 s3, s9;
	s6 =	sadd.s32 @!p0 $0x88, s6;
	s7 =	simm.s32 @p2 $0x1082  }
0x22: {  	[simem:s7], [sflag:s8] =	dma.local @!p0 [hbm:s6], $0xF7A  }
0x23: {  	s9 =	sor.u32 $0xD0000000, s2;
	s6 =	simm.s32 $0x108;
	_ =	swait.ge @!p0 [sflag:s8], $0x0  }
0x24: {  	s3 =	sadd.s32 $0x88, s3;
	s6 =	simm.s32 @!p1 $0x1082;
	[sflag:s4] =	ssyncset.s32 $0xFFFFF086  }
0x25: {  	[simem:s6], [sflag:s4] =	dma.local [hbm:s3], $0xF7A  }
0x26: {  	[smem:$0x3F9B] =	sst s1;
	(tag) =	ssettag s2;
	_ =	strace s9  }
0x27: {  	s1 =	sld [smem:$0x3FAB]  }
0x28: {  	s2 =	sld [smem:$0x3FAC]  }
0x29: {  	s4 =	sld [smem:$0x3FAE]  }
0x2a: {  	p0 =	seq.s32 s5, $0x0;
	s5 =	sld [smem:$0x3FAF]  }
0x2b: {  	s6 =	sld [smem:$0x3FB0]  }
0x2c: {  	s7 =	sld [smem:$0x3FB1]  }
0x2d: {  	s3 =	simm.s32 $0x108;
	s8 =	sld [smem:$0x3FB2]  }
0x2e: {  	s3 =	simm.s32 @!p0 $0x1082;
	s9 =	sld [smem:$0x3FB3]  }
0x2f: {  	lr =	sadd.s32 s0, s3;
	s0 =	sld [smem:$0x3FAA]  }
0x30: {  	s3 =	sld [smem:$0x3FAD]  }
0x31: {  	[smem:$0x3FB6] =	sst s10  }
0x32: {  	s10 =	sld [smem:$0x3FB4];
	_ =	sdelay $0x3  }
0x33: {  	p0 =	seq.s32 s10, $0x1;
	s10 =	sld [smem:$0x3FB6];
	_ =	sdelay $0x3  }
0x34: {  	[smem:$0x3FB6] =	sst s10  }
0x35: {  	s10 =	sld [smem:$0x3FB5];
	_ =	sdelay $0x3  }
0x36: {  	p1 =	seq.s32 s10, $0x1;
	s10 =	sld [smem:$0x3FB6];
	_ =	sdelay $0x3  }
0x37: {  	[smem:$0x3FB6] =	sst s10  }
0x38: {  	s10 =	sld [smem:$0x3FB7]  }
0x39: {  	_ = 	snop;
	(pc) =	sbr.ind lr, $3  }
0x3a: {  	_ = 	snop  }
0x3b: {  	_ = 	snop  }
0x3c: {  	p2 =	seq.s32 s10, $0x1;
	s10 =	sld [smem:$0x3FB6]  }
0x3d: {  	_ =	shalt  }
0x3e: {  	_ =	shalt  }
0x3f: {  	_ =	shalt  }
0x40: {  	_ =	shalt  }
0x41: {  	_ =	shalt  }
0x42: {  	_ =	shalt  }
0x43: {  	_ =	shalt  }
0x44: {  	_ =	shalt  }
0x45: {  	_ =	shalt  }
0x46: {  	_ =	shalt  }
0x47: {  	_ =	shalt  }
0x48: {  	_ =	shalt  }
0x49: {  	_ =	shalt  }
0x4a: {  	_ =	shalt  }
0x4b: {  	_ =	shalt  }
0x4c: {  	_ =	shalt  }
0x4d: {  	_ =	shalt  }
0x4e: {  	_ =	shalt  }
0x4f: {  	_ =	shalt  }
0x50: {  	_ =	shalt  }
0x51: {  	_ =	shalt  }
0x52: {  	_ =	shalt  }
0x53: {  	_ =	shalt  }
0x54: {  	_ =	shalt  }
0x55: {  	_ =	shalt  }
0x56: {  	_ =	shalt  }
0x57: {  	_ =	shalt  }
0x58: {  	_ =	shalt  }
0x59: {  	_ =	shalt  }
0x5a: {  	_ =	shalt  }
0x5b: {  	_ =	shalt  }
0x5c: {  	_ =	shalt  }
0x5d: {  	_ =	shalt  }
0x5e: {  	_ =	shalt  }
0x5f: {  	_ =	shalt  }
0x60: {  	_ =	shalt  }
0x61: {  	_ =	shalt  }
0x62: {  	_ =	shalt  }
0x63: {  	_ =	shalt  }
0x64: {  	_ =	shalt  }
0x65: {  	_ =	shalt  }
0x66: {  	_ =	shalt  }
0x67: {  	_ =	shalt  }
0x68: {  	_ =	shalt  }
0x69: {  	_ =	shalt  }
0x6a: {  	_ =	shalt  }
0x6b: {  	_ =	shalt  }
0x6c: {  	_ =	shalt  }
0x6d: {  	_ =	shalt  }
0x6e: {  	_ =	shalt  }
0x6f: {  	_ =	shalt  }
0x70: {  	_ =	shalt  }
0x71: {  	_ =	shalt  }
0x72: {  	_ =	shalt  }
0x73: {  	_ =	shalt  }
0x74: {  	_ =	shalt  }
0x75: {  	_ =	shalt  }
0x76: {  	_ =	shalt  }
0x77: {  	_ =	shalt  }
0x78: {  	_ =	shalt  }
0x79: {  	_ =	shalt  }
0x7a: {  	_ =	shalt  }
0x7b: {  	_ =	shalt  }
0x7c: {  	_ =	shalt  }
0x7d: {  	_ =	shalt  }
0x7e: {  	_ =	shalt  }
0x7f: {  	_ =	shalt  }
0x80: {  	_ =	shalt  }
0x81: {  	_ =	shalt  }
0x82: {  	_ =	shalt  }
0x83: {  	_ =	shalt  }
0x84: {  	_ =	shalt  }
0x85: {  	_ =	shalt  }
0x86: {  	_ =	shalt  }
0x87: {  	_ =	shalt  }
.Lfunc_end0:
.L_simem_size_0:
called_computation_lowered:
.L_overlay_start_0:
0x88: {  	s2 =	sld [smem:$0x3FD9]  }
0x89: {  	s3 =	sld [smem:$0x3FFE];
	_ =	sdelay $0x1  }
0x8a: {  	s1 =	srdreg.scid  }
0x8b: {  	s0 =	sand.u32 $0x1, s1  }
0x8c: {  	s14 =	sshll.u32 s0, $0xA;
	s2 =	sadd.s32 s3, s2  }
0x8d: {  	s2 =	sadd.s32 s2, s14  }
0x8e: {  	[smem:$0x3FC2] =	sst s2  }
0x8f: {  	_ = 	snop  }
0x90: {  	s2 =	sld [smem:$0x3FD0];
	_ =	sdelay $0x2  }
0x91: {  	s15 =	simm.s32 $0xB;
	s4 =	simm.s32 $0x10  }
0x92: {  	[smem:s4], [sflag:s15] =	dma.local [hbm:s2], $0x1  }
0x93: {  	_ =	swait.eq [sflag:s15], $0x1  }
0x94: {  	[sflag:s15] =	ssyncset.done $0x0  }
0x95: {  	[sflag:s15] =	ssyncadd.s32 $0xFFFFFFFF  }
0x96: {  	s16 =	sld [smem:$0x12];
	(tm) =	ssettm $0x1  }
0x97: {  	s17 =	sld [smem:$0x3FFB];
	_ =	sdelay $0x3  }
0x98: {  	_ =	strace s17  }
0x99: {  	s3 =	sld [smem:$0x3FFC];
	_ =	sdelay $0x3  }
0x9a: {  	_ =	strace s3  }
0x9b: {  	s3 =	sld [smem:$0x3FFD];
	_ =	sdelay $0x3  }
0x9c: {  	_ =	strace s3  }
0x9d: {  	_ =	strace $0x8FFFFFFF  }
0x9e: {  	s18 =	sld [smem:$0x3FDB];
	_ =	sdelay $0x1  }
0x9f: {  	s19 =	simm.s32 $_scs_section_size  }
0xa0: {  	s5 =	simm.s32 $_size__tile_overlayer_lowered;
	s6 =	simm.s32 $_tile_overlayer_lowered  }
0xa1: {  	s22 =	simm.s32 $0x1BFF;
	s21 =	sshll.u32 s6, $0x1;
	s3 =	sadd.s32 s19, s18  }
0xa2: {  	s7 =	simm.s32 $0x0;
	s20 =	sshll.u32 s5, $0x1;
	s5 =	sadd.s32 s21, s3  }
0xa3: {  	[timem:s7], [sflag:s22] =	dma.local [hbm:s5], s20  }
0xa4: {  	_ =	swait.ge [sflag:s22], s20  }
0xa5: {  	s4 =	ssub.s32 $0x0, s20;
	[sflag:s22] =	ssyncset.done $0x0  }
0xa6: {  	[sflag:s22] =	ssyncadd.s32 s4;
	_ =	sdelay $0x1  }
0xa7: {  	s23 =	simm.s32 $0x1B8B  }
0xa8: {  	_ =	swait.ge [sflag:s23], $0x1  }
0xa9: {  	[sflag:s23] =	ssyncset.done $0x0  }
0xaa: {  	s25 =	simm.s32 $0x1B8E;
	s24 =	sld [smem:$0x3FFE];
	[sflag:s23] =	ssyncadd.s32 $0xFFFFFFFF  }
0xab: {  	s26 =	simm.s32 $execute0_lowered;
	[smem:$0x3FD2] =	sst s25  }
0xac: {  	s5 =	sshll.u32 s26, $0x1;
	_ =	strace $0x80000046;
	[dreg:$0x1] =	wrdreg $0xFFFFFFFF  }
0xad: {  	s28 =	simm.s32 $_size_execute0_lowered;
	s3 =	sadd.s32 s3, s5;
	[dreg:$0x0] =	wrdreg $0x0  }
0xae: {  	s5 =	sshll.u32 s28, $0x1;
	[dreg:$0x2] =	wrdreg s3  }
0xaf: {  	[dreg:$0x3] =	wrdreg s5  }
0xb0: {  	[dreg:$0x4] =	wrdreg $0xC0  }
0xb1: {  	_ =	task [dreg:s7], $0x5FFFF  }
0xb2: {  	[dreg:$0x1] =	wrdreg $0xFFFFFFFF  }
0xb3: {  	[dreg:$0x0] =	wrdreg $0x60  }
0xb4: {  	[dreg:$0x2] =	wrdreg s24  }
0xb5: {  	[dreg:$0x3] =	wrdreg s16  }
0xb6: {  	[dreg:$0x4] =	wrdreg $0x9  }
0xb7: {  	_ =	task.clear_ibuf [dreg:s7], $0x5FFFF;
	_ =	strace $0x90000046  }
0xb8: {  	s29 =	simm.s32 $0x9;
	_ =	strace $0x80000048  }
0xb9: {  	_ =	swait.ge [sflag:s29], $0x1  }
0xba: {  	[sflag:s29] =	ssyncadd.s32 $0xFFFFFFFF  }
0xbb: {  	_ =	strace $0x90000048  }
0xbc: {  	_ =	sfence  }
0xbd: {  	s30 =	sld [smem:$0x0];
	_ =	sdelay $0x2  }
0xbe: {  	s31 =	sshll.u32 s1, $0xD;
	s1 =	sshrl.u32 s1, $0x2  }
0xbf: {  	s3 =	sand.u32 $0x4000, s31;
	s1 =	sadd.s32 s1, s30  }
0xc0: {  	s0 =	sor.u32 s3, s0;
	s1 =	sshll.u32 s1, $0x11  }
0xc1: {  	s0 =	sor.u32 s1, s0  }
0xc2: {  	s0 =	sadd.s32 $0x8F2B, s0  }
0xc3: {  	[sflag:s0] =	ssyncadd.remote.s32 $0x1  }
0xc4: {  	_ =	sfence.sel $0xFFFF  }
0xc5: {  	[dreg:$0x0] =	wrdreg $0xFFFFFFFF;
	(pc) =	sbr.abs _section_cstart, $3  }
0xc6: {  	[dreg:$0x1] =	wrdreg $0xFFFFFFFF  }
0xc7: {  	_ =	task.clear_ibuf [dreg:s7], $0x2FFFF;
	_ =	strace $0x9FFFFFFF  }
0xc8: {  	(tm) =	ssettm $0x7FFFFFFF  }
0xc9: {  	_ =	shalt  }
tec
execute0_lowered:
.L_overlay_start_1:
0x0: {  	(tag) =	ssettag $0x1  }
0x1: {  	s1 =	srdreg.scid;
	s0 =	stileid.u32  }
0x2: {  	s6 =	sand.u32 $0x1, s1;
	s30 =	sshll.u32 s0, $0x1  }
0x3: {  	s5 =	rddreg [dreg:$0x0];
	s8 =	sor.u32 s6, s30  }
0x4: {  	s9 =	rddreg [dreg:$0x1];
	s2 =	simm.s32 $0x0;
	s3 =	smul.u32 $0x90, s8  }
0x5: {  	[smem:$0x7FF] =	sst s2  }
0x6: {  	s1 =	rddreg [dreg:$0x2];
	_ =	strace $0x80000047;
	s3 =	sadd.s32 s3, s5  }
0x7: {  	s10 =	ssub.s32 $0x2, s6;
	s4 =	sadd.s32 $0x6E00, s3;
	s3 =	simm.s32 $0x2  }
0x8: {  	[tilespmem:s2], [sflag:$0x2] =	stream.linear.gather [hbm4b:s4+s2], $0x480, $0x38;
	[tilespmem:$0x9480] =	vst v63  }
0x9: {  	s7 =	simm.s32 $0x1;
	s11 =	sshrl.u32 s10, $0x1;
	_ =	swait.ge [sflag:s3], $0x480  }
0xa: {  	s6 =	simm.s32 $0x480;
	s10 =	ssub.s32 s10, s11;
	[sflag:s3] =	ssyncset.done $0x0  }
0xb: {  	s5 =	sadd.s32 $0x2E00, s5;
	s31 =	smax.u32 s10, $0x1;
	[sflag:s3] =	ssyncadd.s32 $0xFFFFFB80  }
0xc: {  	[tilespmem:s6], [sflag:$0x1] =	stream.indirect.gather [hbm4b:s5+s6], $0x20, s2, s6, $0xb8;
	[tilespmem:$0x9480] =	vst v63  }
0xd: {  	s8 =	smul.u32 $0x1200, s8;
	p0 =	sne.s32 s31, $0x1;
	_ =	swait.ge [sflag:s7], $0x9000  }
.Ltmp0:
0xe: {  	[sflag:s7] =	ssyncset.done $0x0;
	(pc) =	sbr.rel @!p0 .LBB2_2-.Ltmp0, $4  }
0xf: {  	s8 =	sadd.s32 s9, s8;
	[sflag:s7] =	ssyncadd.s32 $0xFFFF7000  }
0x10: {  	[hbm4b:s8+s2] =	stream.linear.scatter [tilespmem:s6], [sflag:$0x2], $0x9000, $0x38;
	[tilespmem:$0x9480] =	vst v63  }
0x11: {  	_ =	swait.ge [sflag:s3], $0x9000  }
0x12: {  	s9 =	sadd.s32 $0xFFFFFFFF, s31;
	[sflag:s3] =	ssyncset.done $0x0  }
.LBB2_1:
0x13: {  	p0 =	sne.s32 s9, $0x1;
	s9 =	sadd.s32 $0xFFFFFFFF, s9;
	[sflag:s3] =	ssyncadd.s32 $0xFFFF7000  }
0x14: {  	[tilespmem:s2], [sflag:$0x2] =	stream.linear.gather [hbm4b:s4+s2], $0x480, $0x38;
	[tilespmem:$0x9480] =	vst v63  }
0x15: {  	_ =	swait.ge [sflag:s3], $0x480  }
0x16: {  	[sflag:s3] =	ssyncset.done $0x0  }
0x17: {  	[sflag:s3] =	ssyncadd.s32 $0xFFFFFB80  }
0x18: {  	[tilespmem:s6], [sflag:$0x1] =	stream.indirect.gather [hbm4b:s5+s6], $0x20, s2, s6, $0xb8;
	[tilespmem:$0x9480] =	vst v63  }
0x19: {  	_ =	swait.ge [sflag:s7], $0x9000  }
.Ltmp1:
0x1a: {  	[sflag:s7] =	ssyncset.done $0x0;
	(pc) =	sbr.rel @p0 .LBB2_1-.Ltmp1, $4  }
0x1b: {  	[sflag:s7] =	ssyncadd.s32 $0xFFFF7000  }
0x1c: {  	[hbm4b:s8+s2] =	stream.linear.scatter [tilespmem:s6], [sflag:$0x2], $0x9000, $0x38;
	[tilespmem:$0x9480] =	vst v63  }
0x1d: {  	_ =	swait.ge [sflag:s3], $0x9000  }
0x1e: {  	[sflag:s3] =	ssyncset.done $0x0  }
.LBB2_2:
0x1f: {  	[sflag:s3] =	ssyncadd.s32 $0xFFFF7000  }
0x20: {  	_ =	sfence.sel $0x180000  }
0x21: {  	[bflag:$0x0] =	sbarrier.arrive $0xFFFF  }
0x22: {  	p0 =	sne.s32 s0, $0x0;
	_ =	strace $0x90000047  }
0x23: {  	s0 =	sadd.s32 @!p0 $0x100000, s1;
	[bflag:$0x2] =	sbarrier.arrive $0xFFFF  }
0x24: {  	[sflag:s0] =	ssyncadd.tile.s32 @!p0 $0x1;
	_ =	shalt  }
.Lfunc_end2:
_tile_overlayer_lowered:
.L_overlay_start_2:
0x25: {  	(tag) =	ssettag $0x2  }
0x26: {  	s0 =	rddreg [dreg:$0x0];
	s2 =	stileid.u32  }
0x27: {  	s1 =	rddreg [dreg:$0x1];
	p0 =	sne.s32 s2, $0x0  }
0x28: {  	s3 =	rddreg [dreg:$0x2];
	[bflag:$0x3] =	sbarrier.arrive $0xFFFF;
	s2 =	simm.s32 @!p0 $0x1C02  }
0x29: {  	[timem:s3], [sflag:s2] =	dma.local @!p0 [hbm:s0], s1  }
0x2a: {  	s0 =	simm.s32 @!p0 $0x2  }
0x2b: {  	_ =	swait.ge @!p0 [sflag:s0], s1  }
0x2c: {  	s1 =	ssub.s32 @!p0 $0x0, s1;
	[sflag:s0] =	ssyncset.done @!p0 $0x0  }
0x2d: {  	[sflag:s0] =	ssyncadd.s32 @!p0 s1  }
0x2e: {  	[bflag:$0x3] =	sbarrier.arrive $0xFFFF  }
0x2f: {  	_ =	shalt  }

// kernel: kernel.19.cloned.1.call-start
scs
__scs_entry_jumppad:
0x0: {  	(pc) =	sbr.rel $0x88, $3  }
0x1: {  	(tag) =	ssettag $0x0;
	lr =	simm.s32 $0x1  }
0x2: {  	[smem:$0x3F9B] =	sst lr;
	_ =	strace $0xD0000000  }
0x3: {  	_ = 	snop  }
0x4: {  	_ = 	snop  }
0x5: {  	_ = 	snop  }
0x6: {  	_ = 	snop  }
0x7: {  	_ = 	snop  }
__scs_overlays_trampoline_lowered:
0x8: {  	[smem:$0x3FAA] =	sst s0  }
0x9: {  	[smem:$0x3FAB] =	sst s1  }
0xa: {  	[smem:$0x3FAC] =	sst s2  }
0xb: {  	[smem:$0x3FAD] =	sst s3  }
0xc: {  	[smem:$0x3FAE] =	sst s4  }
0xd: {  	[smem:$0x3FAF] =	sst s5  }
0xe: {  	[smem:$0x3FB0] =	sst s6  }
0xf: {  	[smem:$0x3FB1] =	sst s7  }
0x10: {  	[smem:$0x3FB2] =	sst s8  }
0x11: {  	[smem:$0x3FB3] =	sst s9;
	s0 =	simm.s32 @!p0 $0x0  }
0x12: {  	s1 =	sld [smem:$0x3F99];
	s0 =	simm.s32 @p0 $0x1  }
0x13: {  	[smem:$0x3FB4] =	sst s0;
	s0 =	simm.s32 @!p1 $0x0  }
0x14: {  	s2 =	sld [smem:$0x3F98];
	s0 =	simm.s32 @p1 $0x1  }
0x15: {  	[smem:$0x3FB5] =	sst s0;
	s0 =	simm.s32 @!p2 $0x0  }
0x16: {  	s3 =	sld [smem:$0x3FDB];
	s0 =	simm.s32 @p2 $0x1  }
0x17: {  	s4 =	simm.s32 $0x1BF5;
	[smem:$0x3FB7] =	sst s0  }
0x18: {  	s0 =	sld [smem:$0x3F9A];
	_ =	swait.ge [sflag:s4], $0x0  }
0x19: {  	s7 =	sld [smem:$0x3F9B]  }
0x1a: {  	s8 =	sadd.s32 $0xFFFFE003, lr  }
0x1b: {  	s9 =	sadd.s32 $0xFFFFFEF7, lr;
	s5 =	simm.s32 $0xFFFFFFFF;
	p2 =	slt.u32 s8, $0xFFFFF086  }
0x1c: {  	p1 =	slt.u32 s9, $0xF7A;
	s5 =	simm.s32 @!p2 $0x0  }
0x1d: {  	s5 =	simm.s32 @p1 $0x1;
	p0 =	seq.s32 s7, s2  }
0x1e: {  	s7 =	smul.u32 @!p0 $0xF7A, s2;
	p2 =	seq.s32 @!p0 s5, $0x0  }
0x1f: {  	s9 =	smul.u32 $0xF7A, s1;
	s8 =	simm.s32 @!p0 $0x1BF5;
	p2 =	por !p2, p0  }
0x20: {  	[sflag:s8] =	ssyncset.s32 @!p0 $0xFFFFF086;
	s6 =	sadd.s32 @!p0 s3, s7;
	s7 =	simm.s32 @!p0 $0x108  }
0x21: {  	s3 =	sadd.s32 s3, s9;
	s6 =	sadd.s32 @!p0 $0x88, s6;
	s7 =	simm.s32 @p2 $0x1082  }
0x22: {  	[simem:s7], [sflag:s8] =	dma.local @!p0 [hbm:s6], $0xF7A  }
0x23: {  	s9 =	sor.u32 $0xD0000000, s2;
	s6 =	simm.s32 $0x108;
	_ =	swait.ge @!p0 [sflag:s8], $0x0  }
0x24: {  	s3 =	sadd.s32 $0x88, s3;
	s6 =	simm.s32 @!p1 $0x1082;
	[sflag:s4] =	ssyncset.s32 $0xFFFFF086  }
0x25: {  	[simem:s6], [sflag:s4] =	dma.local [hbm:s3], $0xF7A  }
0x26: {  	[smem:$0x3F9B] =	sst s1;
	(tag) =	ssettag s2;
	_ =	strace s9  }
0x27: {  	s1 =	sld [smem:$0x3FAB]  }
0x28: {  	s2 =	sld [smem:$0x3FAC]  }
0x29: {  	s4 =	sld [smem:$0x3FAE]  }
0x2a: {  	p0 =	seq.s32 s5, $0x0;
	s5 =	sld [smem:$0x3FAF]  }
0x2b: {  	s6 =	sld [smem:$0x3FB0]  }
0x2c: {  	s7 =	sld [smem:$0x3FB1]  }
0x2d: {  	s3 =	simm.s32 $0x108;
	s8 =	sld [smem:$0x3FB2]  }
0x2e: {  	s3 =	simm.s32 @!p0 $0x1082;
	s9 =	sld [smem:$0x3FB3]  }
0x2f: {  	lr =	sadd.s32 s0, s3;
	s0 =	sld [smem:$0x3FAA]  }
0x30: {  	s3 =	sld [smem:$0x3FAD]  }
0x31: {  	[smem:$0x3FB6] =	sst s10  }
0x32: {  	s10 =	sld [smem:$0x3FB4];
	_ =	sdelay $0x3  }
0x33: {  	p0 =	seq.s32 s10, $0x1;
	s10 =	sld [smem:$0x3FB6];
	_ =	sdelay $0x3  }
0x34: {  	[smem:$0x3FB6] =	sst s10  }
0x35: {  	s10 =	sld [smem:$0x3FB5];
	_ =	sdelay $0x3  }
0x36: {  	p1 =	seq.s32 s10, $0x1;
	s10 =	sld [smem:$0x3FB6];
	_ =	sdelay $0x3  }
0x37: {  	[smem:$0x3FB6] =	sst s10  }
0x38: {  	s10 =	sld [smem:$0x3FB7]  }
0x39: {  	_ = 	snop;
	(pc) =	sbr.ind lr, $3  }
0x3a: {  	_ = 	snop  }
0x3b: {  	_ = 	snop  }
0x3c: {  	p2 =	seq.s32 s10, $0x1;
	s10 =	sld [smem:$0x3FB6]  }
0x3d: {  	_ =	shalt  }
0x3e: {  	_ =	shalt  }
0x3f: {  	_ =	shalt  }
0x40: {  	_ =	shalt  }
0x41: {  	_ =	shalt  }
0x42: {  	_ =	shalt  }
0x43: {  	_ =	shalt  }
0x44: {  	_ =	shalt  }
0x45: {  	_ =	shalt  }
0x46: {  	_ =	shalt  }
0x47: {  	_ =	shalt  }
0x48: {  	_ =	shalt  }
0x49: {  	_ =	shalt  }
0x4a: {  	_ =	shalt  }
0x4b: {  	_ =	shalt  }
0x4c: {  	_ =	shalt  }
0x4d: {  	_ =	shalt  }
0x4e: {  	_ =	shalt  }
0x4f: {  	_ =	shalt  }
0x50: {  	_ =	shalt  }
0x51: {  	_ =	shalt  }
0x52: {  	_ =	shalt  }
0x53: {  	_ =	shalt  }
0x54: {  	_ =	shalt  }
0x55: {  	_ =	shalt  }
0x56: {  	_ =	shalt  }
0x57: {  	_ =	shalt  }
0x58: {  	_ =	shalt  }
0x59: {  	_ =	shalt  }
0x5a: {  	_ =	shalt  }
0x5b: {  	_ =	shalt  }
0x5c: {  	_ =	shalt  }
0x5d: {  	_ =	shalt  }
0x5e: {  	_ =	shalt  }
0x5f: {  	_ =	shalt  }
0x60: {  	_ =	shalt  }
0x61: {  	_ =	shalt  }
0x62: {  	_ =	shalt  }
0x63: {  	_ =	shalt  }
0x64: {  	_ =	shalt  }
0x65: {  	_ =	shalt  }
0x66: {  	_ =	shalt  }
0x67: {  	_ =	shalt  }
0x68: {  	_ =	shalt  }
0x69: {  	_ =	shalt  }
0x6a: {  	_ =	shalt  }
0x6b: {  	_ =	shalt  }
0x6c: {  	_ =	shalt  }
0x6d: {  	_ =	shalt  }
0x6e: {  	_ =	shalt  }
0x6f: {  	_ =	shalt  }
0x70: {  	_ =	shalt  }
0x71: {  	_ =	shalt  }
0x72: {  	_ =	shalt  }
0x73: {  	_ =	shalt  }
0x74: {  	_ =	shalt  }
0x75: {  	_ =	shalt  }
0x76: {  	_ =	shalt  }
0x77: {  	_ =	shalt  }
0x78: {  	_ =	shalt  }
0x79: {  	_ =	shalt  }
0x7a: {  	_ =	shalt  }
0x7b: {  	_ =	shalt  }
0x7c: {  	_ =	shalt  }
0x7d: {  	_ =	shalt  }
0x7e: {  	_ =	shalt  }
0x7f: {  	_ =	shalt  }
0x80: {  	_ =	shalt  }
0x81: {  	_ =	shalt  }
0x82: {  	_ =	shalt  }
0x83: {  	_ =	shalt  }
0x84: {  	_ =	shalt  }
0x85: {  	_ =	shalt  }
0x86: {  	_ =	shalt  }
0x87: {  	_ =	shalt  }
.Lfunc_end0:
.L_simem_size_0:
called_computation.1_lowered:
.L_overlay_start_0:
0x88: {  	s2 =	sld [smem:$0x3FD9]  }
0x89: {  	s3 =	sld [smem:$0x3FFE];
	_ =	sdelay $0x1  }
0x8a: {  	s1 =	srdreg.scid  }
0x8b: {  	s0 =	sand.u32 $0x1, s1  }
0x8c: {  	s14 =	sshll.u32 s0, $0xA;
	s2 =	sadd.s32 s3, s2  }
0x8d: {  	s2 =	sadd.s32 s2, s14  }
0x8e: {  	[smem:$0x3FC2] =	sst s2  }
0x8f: {  	_ = 	snop  }
0x90: {  	s2 =	sld [smem:$0x3FD0];
	_ =	sdelay $0x2  }
0x91: {  	s15 =	simm.s32 $0xB;
	s4 =	simm.s32 $0x10  }
0x92: {  	[smem:s4], [sflag:s15] =	dma.local [hbm:s2], $0x1  }
0x93: {  	_ =	swait.eq [sflag:s15], $0x1  }
0x94: {  	[sflag:s15] =	ssyncset.done $0x0  }
0x95: {  	[sflag:s15] =	ssyncadd.s32 $0xFFFFFFFF  }
0x96: {  	s16 =	sld [smem:$0x11];
	(tm) =	ssettm $0x1  }
0x97: {  	s17 =	sld [smem:$0x3FFB];
	_ =	sdelay $0x3  }
0x98: {  	_ =	strace s17  }
0x99: {  	s3 =	sld [smem:$0x3FFC];
	_ =	sdelay $0x3  }
0x9a: {  	_ =	strace s3  }
0x9b: {  	s3 =	sld [smem:$0x3FFD];
	_ =	sdelay $0x3  }
0x9c: {  	_ =	strace s3  }
0x9d: {  	_ =	strace $0x8FFFFFFF  }
0x9e: {  	s18 =	sld [smem:$0x3FDB];
	_ =	sdelay $0x1  }
0x9f: {  	s19 =	simm.s32 $_scs_section_size  }
0xa0: {  	s5 =	simm.s32 $_size__tile_overlayer_lowered;
	s6 =	simm.s32 $_tile_overlayer_lowered  }
0xa1: {  	s22 =	simm.s32 $0x1BFF;
	s21 =	sshll.u32 s6, $0x1;
	s3 =	sadd.s32 s19, s18  }
0xa2: {  	s7 =	simm.s32 $0x0;
	s20 =	sshll.u32 s5, $0x1;
	s5 =	sadd.s32 s21, s3  }
0xa3: {  	[timem:s7], [sflag:s22] =	dma.local [hbm:s5], s20  }
0xa4: {  	_ =	swait.ge [sflag:s22], s20  }
0xa5: {  	s4 =	ssub.s32 $0x0, s20;
	[sflag:s22] =	ssyncset.done $0x0  }
0xa6: {  	[sflag:s22] =	ssyncadd.s32 s4;
	_ =	sdelay $0x1  }
0xa7: {  	s23 =	simm.s32 $0x1B8B  }
0xa8: {  	_ =	swait.ge [sflag:s23], $0x1  }
0xa9: {  	[sflag:s23] =	ssyncset.done $0x0  }
0xaa: {  	s25 =	simm.s32 $0x1B8E;
	s24 =	sld [smem:$0x3FFE];
	[sflag:s23] =	ssyncadd.s32 $0xFFFFFFFF  }
0xab: {  	s26 =	simm.s32 $execute0_lowered;
	[smem:$0x3FD2] =	sst s25  }
0xac: {  	s5 =	sshll.u32 s26, $0x1;
	_ =	strace $0x80000049;
	[dreg:$0x1] =	wrdreg $0xFFFFFFFF  }
0xad: {  	s28 =	simm.s32 $_size_execute0_lowered;
	s3 =	sadd.s32 s3, s5;
	[dreg:$0x0] =	wrdreg $0x0  }
0xae: {  	s5 =	sshll.u32 s28, $0x1;
	[dreg:$0x2] =	wrdreg s3  }
0xaf: {  	[dreg:$0x3] =	wrdreg s5  }
0xb0: {  	[dreg:$0x4] =	wrdreg $0xC0  }
0xb1: {  	_ =	task [dreg:s7], $0x5FFFF  }
0xb2: {  	[dreg:$0x1] =	wrdreg $0xFFFFFFFF  }
0xb3: {  	[dreg:$0x0] =	wrdreg $0x60  }
0xb4: {  	[dreg:$0x2] =	wrdreg s24  }
0xb5: {  	[dreg:$0x3] =	wrdreg s16  }
0xb6: {  	[dreg:$0x4] =	wrdreg $0x0  }
0xb7: {  	[dreg:$0x5] =	wrdreg $0x9  }
0xb8: {  	_ =	task.clear_ibuf [dreg:s7], $0x6FFFF;
	_ =	strace $0x90000049  }
0xb9: {  	s29 =	simm.s32 $0x9;
	_ =	strace $0x8000004B  }
0xba: {  	_ =	swait.ge [sflag:s29], $0x1  }
0xbb: {  	[sflag:s29] =	ssyncadd.s32 $0xFFFFFFFF  }
0xbc: {  	_ =	strace $0x9000004B  }
0xbd: {  	_ =	sfence  }
0xbe: {  	s30 =	sld [smem:$0x0];
	_ =	sdelay $0x2  }
0xbf: {  	s31 =	sshll.u32 s1, $0xD;
	s1 =	sshrl.u32 s1, $0x2  }
0xc0: {  	s3 =	sand.u32 $0x4000, s31;
	s1 =	sadd.s32 s1, s30  }
0xc1: {  	s0 =	sor.u32 s3, s0;
	s1 =	sshll.u32 s1, $0x11  }
0xc2: {  	s0 =	sor.u32 s1, s0  }
0xc3: {  	s0 =	sadd.s32 $0x8F2B, s0  }
0xc4: {  	[sflag:s0] =	ssyncadd.remote.s32 $0x1  }
0xc5: {  	_ =	sfence.sel $0xFFFF  }
0xc6: {  	[dreg:$0x0] =	wrdreg $0xFFFFFFFF;
	(pc) =	sbr.abs _section_cstart, $3  }
0xc7: {  	[dreg:$0x1] =	wrdreg $0xFFFFFFFF  }
0xc8: {  	_ =	task.clear_ibuf [dreg:s7], $0x2FFFF;
	_ =	strace $0x9FFFFFFF  }
0xc9: {  	(tm) =	ssettm $0x7FFFFFFF  }
tec
execute0_lowered:
.L_overlay_start_1:
0x0: {  	(tag) =	ssettag $0x1  }
0x1: {  	s13 =	rddreg [dreg:$0x0]  }
0x2: {  	s4 =	rddreg [dreg:$0x1]  }
0x3: {  	s2 =	rddreg [dreg:$0x2]  }
0x4: {  	s0 =	rddreg [dreg:$0x3];
	s3 =	simm.s32 $0x0;
	s5 =	srdreg.scid  }
0x5: {  	s1 =	stileid.u32;
	[smem:$0x7FF] =	sst s3  }
0x6: {  	s14 =	sand.u32 $0x1, s5;
	s25 =	sshll.u32 s1, $0x1;
	s15 =	sshll.u32 s1, $0x9  }
0x7: {  	s26 =	sshll.u32 s1, $0xC;
	s28 =	sshll.u32 s1, $0x6;
	_ =	strace $0x8000004A  }
0x8: {  	s8 =	sor.u32 s14, s25;
	s6 =	sadd.s32 s26, s2;
	s4 =	sadd.s32 s4, s15  }
0x9: {  	s5 =	sor.u32 $0x1C01, s28;
	s7 =	sshrl.u32 s6, $0x3;
	s6 =	simm.s32 $0x1  }
0xa: {  	[spmem:s7], [sflag:s5] =	dma.local [hbm:s4], $0x200  }
0xb: {  	s9 =	smul.u32 $0x90, s8;
	_ =	swait.ge [sflag:s6], $0x200  }
0xc: {  	[sflag:s6] =	ssyncset.done $0x0  }
0xd: {  	s10 =	smul.u32 $0x900, s8;
	s29 =	sadd.s32 s9, s13;
	[sflag:s6] =	ssyncadd.s32 $0xFFFFFE00  }
0xe: {  	s9 =	simm.s32 $0x5800;
	s8 =	sadd.s32 $0x6E00, s29;
	[bflag:$0x0] =	sbarrier.arrive $0xFFFF  }
0xf: {  	[tilespmem:s9], [sflag:$0x1] =	stream.linear.gather [hbm4b:s8+s3], $0x480, $0x38;
	[tilespmem:$0x5C80] =	vst v63  }
0x10: {  	_ =	swait.ge [sflag:s6], $0x480  }
0x11: {  	s10 =	sadd.s32 s10, s13;
	[sflag:s6] =	ssyncset.done $0x0  }
0x12: {  	s11 =	simm.s32 $0x1000;
	s10 =	sadd.s32 $0x128000, s10;
	[sflag:s6] =	ssyncadd.s32 $0xFFFFFB80  }
0x13: {  	[tilespmem:s11], [sflag:$0x1] =	stream.linear.gather [hbm4b:s10+s3], $0x4800, $0x38;
	[tilespmem:$0x5C80] =	vst v63  }
0x14: {  	s30 =	ssub.s32 $0x2, s14;
	_ =	swait.ge [sflag:s6], $0x4800  }
0x15: {  	s12 =	simm.s32 $0x480;
	s16 =	sshrl.u32 s30, $0x1;
	[sflag:s6] =	ssyncset.done $0x0  }
0x16: {  	s13 =	sadd.s32 s15, s13;
	s15 =	ssub.s32 s30, s16;
	[sflag:s6] =	ssyncadd.s32 $0xFFFFB800  }
0x17: {  	[spmem:s2] =	stream.indirect.scatter.add.f32 [tilespmem:s11], [sflag:$0x1], $0x10, s9, s12, $0xb8;
	[tilespmem:$0x5C80] =	vst v63  }
0x18: {  	s31 =	smax.u32 s15, $0x1;
	_ =	swait.ge [sflag:s6], $0x4800  }
0x19: {  	s14 =	sshll.u32 s14, $0xD;
	p0 =	sne.s32 s31, $0x1;
	[sflag:s6] =	ssyncset.done $0x0  }
.Ltmp0:
0x1a: {  	s13 =	sadd.s32 s14, s13;
	[sflag:s6] =	ssyncadd.s32 $0xFFFFB800;
	(pc) =	sbr.rel @!p0 .LBB2_2-.Ltmp0, $4  }
0x1b: {  	s13 =	sadd.s32 $0x2E00, s13;
	[bflag:$0x0] =	sbarrier.arrive $0xFFFF  }
0x1c: {  	[hbm:s13], [sflag:s5] =	dma.local [spmem:s7], $0x200  }
0x1d: {  	_ =	swait.ge [sflag:s6], $0x200  }
0x1e: {  	s14 =	sadd.s32 $0xFFFFFFFF, s31;
	[sflag:s6] =	ssyncset.done $0x0  }
.LBB2_1:
0x1f: {  	p0 =	sne.s32 s14, $0x1;
	s14 =	sadd.s32 $0xFFFFFFFF, s14;
	[sflag:s6] =	ssyncadd.s32 $0xFFFFFE00  }
0x20: {  	[spmem:s7], [sflag:s5] =	dma.local [hbm:s4], $0x200  }
0x21: {  	_ =	swait.ge [sflag:s6], $0x200  }
0x22: {  	[sflag:s6] =	ssyncset.done $0x0  }
0x23: {  	[sflag:s6] =	ssyncadd.s32 $0xFFFFFE00  }
0x24: {  	[bflag:$0x0] =	sbarrier.arrive $0xFFFF  }
0x25: {  	[tilespmem:s9], [sflag:$0x1] =	stream.linear.gather [hbm4b:s8+s3], $0x480, $0x38;
	[tilespmem:$0x5C80] =	vst v63  }
0x26: {  	_ =	swait.ge [sflag:s6], $0x480  }
0x27: {  	[sflag:s6] =	ssyncset.done $0x0  }
0x28: {  	[sflag:s6] =	ssyncadd.s32 $0xFFFFFB80  }
0x29: {  	[tilespmem:s11], [sflag:$0x1] =	stream.linear.gather [hbm4b:s10+s3], $0x4800, $0x38;
	[tilespmem:$0x5C80] =	vst v63  }
0x2a: {  	_ =	swait.ge [sflag:s6], $0x4800  }
0x2b: {  	[sflag:s6] =	ssyncset.done $0x0  }
0x2c: {  	[sflag:s6] =	ssyncadd.s32 $0xFFFFB800  }
0x2d: {  	[spmem:s2] =	stream.indirect.scatter.add.f32 [tilespmem:s11], [sflag:$0x1], $0x10, s9, s12, $0xb8;
	[tilespmem:$0x5C80] =	vst v63  }
0x2e: {  	_ =	swait.ge [sflag:s6], $0x4800  }
0x2f: {  	[sflag:s6] =	ssyncset.done $0x0  }
.Ltmp1:
0x30: {  	[sflag:s6] =	ssyncadd.s32 $0xFFFFB800;
	(pc) =	sbr.rel @p0 .LBB2_1-.Ltmp1, $4  }
0x31: {  	[bflag:$0x0] =	sbarrier.arrive $0xFFFF  }
0x32: {  	[hbm:s13], [sflag:s5] =	dma.local [spmem:s7], $0x200  }
0x33: {  	_ =	swait.ge [sflag:s6], $0x200  }
0x34: {  	[sflag:s6] =	ssyncset.done $0x0  }
.LBB2_2:
0x35: {  	[sflag:s6] =	ssyncadd.s32 $0xFFFFFE00  }
0x36: {  	_ =	sfence.sel $0x180000  }
0x37: {  	[bflag:$0x0] =	sbarrier.arrive $0xFFFF  }
0x38: {  	p0 =	sne.s32 s1, $0x0;
	_ =	strace $0x9000004A  }
0x39: {  	s0 =	sadd.s32 @!p0 $0x100000, s0;
	[bflag:$0x2] =	sbarrier.arrive $0xFFFF  }
0x3a: {  	[sflag:s0] =	ssyncadd.tile.s32 @!p0 $0x1;
	_ =	shalt  }
.Lfunc_end2:
_tile_overlayer_lowered:
.L_overlay_start_2:
0x3b: {  	(tag) =	ssettag $0x2  }
0x3c: {  	s0 =	rddreg [dreg:$0x0];
	s2 =	stileid.u32  }
0x3d: {  	s1 =	rddreg [dreg:$0x1];
	p0 =	sne.s32 s2, $0x0  }
0x3e: {  	s3 =	rddreg [dreg:$0x2];
	[bflag:$0x3] =	sbarrier.arrive $0xFFFF;
	s2 =	simm.s32 @!p0 $0x1C01  }
0x3f: {  	[timem:s3], [sflag:s2] =	dma.local @!p0 [hbm:s0], s1  }
0x40: {  	s0 =	simm.s32 @!p0 $0x1  }
0x41: {  	_ =	swait.ge @!p0 [sflag:s0], s1  }
0x42: {  	s1 =	ssub.s32 @!p0 $0x0, s1;
	[sflag:s0] =	ssyncset.done @!p0 $0x0  }
0x43: {  	[sflag:s0] =	ssyncadd.s32 @!p0 s1  }
0x44: {  	[bflag:$0x3] =	sbarrier.arrive $0xFFFF  }
0x45: {  	_ =	shalt  }

// kernel: kernel.22.cloned.1.call-start
scs
__scs_entry_jumppad:
0x0: {  	(pc) =	sbr.rel $0x88, $3  }
0x1: {  	(tag) =	ssettag $0x0;
	lr =	simm.s32 $0x1  }
0x2: {  	[smem:$0x3F9B] =	sst lr;
	_ =	strace $0xD0000000  }
0x3: {  	_ = 	snop  }
0x4: {  	_ = 	snop  }
0x5: {  	_ = 	snop  }
0x6: {  	_ = 	snop  }
0x7: {  	_ = 	snop  }
__scs_overlays_trampoline_lowered:
0x8: {  	[smem:$0x3FAA] =	sst s0  }
0x9: {  	[smem:$0x3FAB] =	sst s1  }
0xa: {  	[smem:$0x3FAC] =	sst s2  }
0xb: {  	[smem:$0x3FAD] =	sst s3  }
0xc: {  	[smem:$0x3FAE] =	sst s4  }
0xd: {  	[smem:$0x3FAF] =	sst s5  }
0xe: {  	[smem:$0x3FB0] =	sst s6  }
0xf: {  	[smem:$0x3FB1] =	sst s7  }
0x10: {  	[smem:$0x3FB2] =	sst s8  }
0x11: {  	[smem:$0x3FB3] =	sst s9;
	s0 =	simm.s32 @!p0 $0x0  }
0x12: {  	s1 =	sld [smem:$0x3F99];
	s0 =	simm.s32 @p0 $0x1  }
0x13: {  	[smem:$0x3FB4] =	sst s0;
	s0 =	simm.s32 @!p1 $0x0  }
0x14: {  	s2 =	sld [smem:$0x3F98];
	s0 =	simm.s32 @p1 $0x1  }
0x15: {  	[smem:$0x3FB5] =	sst s0;
	s0 =	simm.s32 @!p2 $0x0  }
0x16: {  	s3 =	sld [smem:$0x3FDB];
	s0 =	simm.s32 @p2 $0x1  }
0x17: {  	s4 =	simm.s32 $0x1BF5;
	[smem:$0x3FB7] =	sst s0  }
0x18: {  	s0 =	sld [smem:$0x3F9A];
	_ =	swait.ge [sflag:s4], $0x0  }
0x19: {  	s7 =	sld [smem:$0x3F9B]  }
0x1a: {  	s8 =	sadd.s32 $0xFFFFE003, lr  }
0x1b: {  	s9 =	sadd.s32 $0xFFFFFEF7, lr;
	s5 =	simm.s32 $0xFFFFFFFF;
	p2 =	slt.u32 s8, $0xFFFFF086  }
0x1c: {  	p1 =	slt.u32 s9, $0xF7A;
	s5 =	simm.s32 @!p2 $0x0  }
0x1d: {  	s5 =	simm.s32 @p1 $0x1;
	p0 =	seq.s32 s7, s2  }
0x1e: {  	s7 =	smul.u32 @!p0 $0xF7A, s2;
	p2 =	seq.s32 @!p0 s5, $0x0  }
0x1f: {  	s9 =	smul.u32 $0xF7A, s1;
	s8 =	simm.s32 @!p0 $0x1BF5;
	p2 =	por !p2, p0  }
0x20: {  	[sflag:s8] =	ssyncset.s32 @!p0 $0xFFFFF086;
	s6 =	sadd.s32 @!p0 s3, s7;
	s7 =	simm.s32 @!p0 $0x108  }
0x21: {  	s3 =	sadd.s32 s3, s9;
	s6 =	sadd.s32 @!p0 $0x88, s6;
	s7 =	simm.s32 @p2 $0x1082  }
0x22: {  	[simem:s7], [sflag:s8] =	dma.local @!p0 [hbm:s6], $0xF7A  }
0x23: {  	s9 =	sor.u32 $0xD0000000, s2;
	s6 =	simm.s32 $0x108;
	_ =	swait.ge @!p0 [sflag:s8], $0x0  }
0x24: {  	s3 =	sadd.s32 $0x88, s3;
	s6 =	simm.s32 @!p1 $0x1082;
	[sflag:s4] =	ssyncset.s32 $0xFFFFF086  }
0x25: {  	[simem:s6], [sflag:s4] =	dma.local [hbm:s3], $0xF7A  }
0x26: {  	[smem:$0x3F9B] =	sst s1;
	(tag) =	ssettag s2;
	_ =	strace s9  }
0x27: {  	s1 =	sld [smem:$0x3FAB]  }
0x28: {  	s2 =	sld [smem:$0x3FAC]  }
0x29: {  	s4 =	sld [smem:$0x3FAE]  }
0x2a: {  	p0 =	seq.s32 s5, $0x0;
	s5 =	sld [smem:$0x3FAF]  }
0x2b: {  	s6 =	sld [smem:$0x3FB0]  }
0x2c: {  	s7 =	sld [smem:$0x3FB1]  }
0x2d: {  	s3 =	simm.s32 $0x108;
	s8 =	sld [smem:$0x3FB2]  }
0x2e: {  	s3 =	simm.s32 @!p0 $0x1082;
	s9 =	sld [smem:$0x3FB3]  }
0x2f: {  	lr =	sadd.s32 s0, s3;
	s0 =	sld [smem:$0x3FAA]  }
0x30: {  	s3 =	sld [smem:$0x3FAD]  }
0x31: {  	[smem:$0x3FB6] =	sst s10  }
0x32: {  	s10 =	sld [smem:$0x3FB4];
	_ =	sdelay $0x3  }
0x33: {  	p0 =	seq.s32 s10, $0x1;
	s10 =	sld [smem:$0x3FB6];
	_ =	sdelay $0x3  }
0x34: {  	[smem:$0x3FB6] =	sst s10  }
0x35: {  	s10 =	sld [smem:$0x3FB5];
	_ =	sdelay $0x3  }
0x36: {  	p1 =	seq.s32 s10, $0x1;
	s10 =	sld [smem:$0x3FB6];
	_ =	sdelay $0x3  }
0x37: {  	[smem:$0x3FB6] =	sst s10  }
0x38: {  	s10 =	sld [smem:$0x3FB7]  }
0x39: {  	_ = 	snop;
	(pc) =	sbr.ind lr, $3  }
0x3a: {  	_ = 	snop  }
0x3b: {  	_ = 	snop  }
0x3c: {  	p2 =	seq.s32 s10, $0x1;
	s10 =	sld [smem:$0x3FB6]  }
0x3d: {  	_ =	shalt  }
0x3e: {  	_ =	shalt  }
0x3f: {  	_ =	shalt  }
0x40: {  	_ =	shalt  }
0x41: {  	_ =	shalt  }
0x42: {  	_ =	shalt  }
0x43: {  	_ =	shalt  }
0x44: {  	_ =	shalt  }
0x45: {  	_ =	shalt  }
0x46: {  	_ =	shalt  }
0x47: {  	_ =	shalt  }
0x48: {  	_ =	shalt  }
0x49: {  	_ =	shalt  }
0x4a: {  	_ =	shalt  }
0x4b: {  	_ =	shalt  }
0x4c: {  	_ =	shalt  }
0x4d: {  	_ =	shalt  }
0x4e: {  	_ =	shalt  }
0x4f: {  	_ =	shalt  }
0x50: {  	_ =	shalt  }
0x51: {  	_ =	shalt  }
0x52: {  	_ =	shalt  }
0x53: {  	_ =	shalt  }
0x54: {  	_ =	shalt  }
0x55: {  	_ =	shalt  }
0x56: {  	_ =	shalt  }
0x57: {  	_ =	shalt  }
0x58: {  	_ =	shalt  }
0x59: {  	_ =	shalt  }
0x5a: {  	_ =	shalt  }
0x5b: {  	_ =	shalt  }
0x5c: {  	_ =	shalt  }
0x5d: {  	_ =	shalt  }
0x5e: {  	_ =	shalt  }
0x5f: {  	_ =	shalt  }
0x60: {  	_ =	shalt  }
0x61: {  	_ =	shalt  }
0x62: {  	_ =	shalt  }
0x63: {  	_ =	shalt  }
0x64: {  	_ =	shalt  }
0x65: {  	_ =	shalt  }
0x66: {  	_ =	shalt  }
0x67: {  	_ =	shalt  }
0x68: {  	_ =	shalt  }
0x69: {  	_ =	shalt  }
0x6a: {  	_ =	shalt  }
0x6b: {  	_ =	shalt  }
0x6c: {  	_ =	shalt  }
0x6d: {  	_ =	shalt  }
0x6e: {  	_ =	shalt  }
0x6f: {  	_ =	shalt  }
0x70: {  	_ =	shalt  }
0x71: {  	_ =	shalt  }
0x72: {  	_ =	shalt  }
0x73: {  	_ =	shalt  }
0x74: {  	_ =	shalt  }
0x75: {  	_ =	shalt  }
0x76: {  	_ =	shalt  }
0x77: {  	_ =	shalt  }
0x78: {  	_ =	shalt  }
0x79: {  	_ =	shalt  }
0x7a: {  	_ =	shalt  }
0x7b: {  	_ =	shalt  }
0x7c: {  	_ =	shalt  }
0x7d: {  	_ =	shalt  }
0x7e: {  	_ =	shalt  }
0x7f: {  	_ =	shalt  }
0x80: {  	_ =	shalt  }
0x81: {  	_ =	shalt  }
0x82: {  	_ =	shalt  }
0x83: {  	_ =	shalt  }
0x84: {  	_ =	shalt  }
0x85: {  	_ =	shalt  }
0x86: {  	_ =	shalt  }
0x87: {  	_ =	shalt  }
.Lfunc_end0:
.L_simem_size_0:
called_computation.2_lowered:
.L_overlay_start_0:
0x88: {  	s2 =	sld [smem:$0x3FD9]  }
0x89: {  	s3 =	sld [smem:$0x3FFE];
	_ =	sdelay $0x1  }
0x8a: {  	s1 =	srdreg.scid  }
0x8b: {  	s0 =	sand.u32 $0x1, s1  }
0x8c: {  	s15 =	sshll.u32 s0, $0xA;
	s2 =	sadd.s32 s3, s2  }
0x8d: {  	s2 =	sadd.s32 s2, s15  }
0x8e: {  	[smem:$0x3FC2] =	sst s2  }
0x8f: {  	_ = 	snop  }
0x90: {  	s2 =	sld [smem:$0x3FD0];
	_ =	sdelay $0x2  }
0x91: {  	s16 =	simm.s32 $0xB;
	s4 =	simm.s32 $0x10  }
0x92: {  	[smem:s4], [sflag:s16] =	dma.local [hbm:s2], $0x1  }
0x93: {  	_ =	swait.eq [sflag:s16], $0x1  }
0x94: {  	[sflag:s16] =	ssyncset.done $0x0  }
0x95: {  	[sflag:s16] =	ssyncadd.s32 $0xFFFFFFFF  }
0x96: {  	s17 =	sld [smem:$0x11];
	(tm) =	ssettm $0x1  }
0x97: {  	s18 =	sld [smem:$0x3FFB];
	_ =	sdelay $0x3  }
0x98: {  	_ =	strace s18  }
0x99: {  	s2 =	sld [smem:$0x3FFC];
	_ =	sdelay $0x3  }
0x9a: {  	_ =	strace s2  }
0x9b: {  	s2 =	sld [smem:$0x3FFD];
	_ =	sdelay $0x3  }
0x9c: {  	_ =	strace s2  }
0x9d: {  	_ =	strace $0x8FFFFFFF  }
0x9e: {  	s19 =	sld [smem:$0x3FDB];
	_ =	sdelay $0x1  }
0x9f: {  	s20 =	simm.s32 $_scs_section_size  }
0xa0: {  	s5 =	simm.s32 $_size__tile_overlayer_lowered;
	s6 =	simm.s32 $_tile_overlayer_lowered  }
0xa1: {  	s7 =	simm.s32 $0x1BFF;
	s21 =	sshll.u32 s6, $0x1;
	s4 =	sadd.s32 s20, s19  }
0xa2: {  	s22 =	simm.s32 $0x0;
	s5 =	sshll.u32 s5, $0x1;
	s6 =	sadd.s32 s21, s4  }
0xa3: {  	[timem:s22], [sflag:s7] =	dma.local [hbm:s6], s5  }
0xa4: {  	_ =	swait.ge [sflag:s7], s5  }
0xa5: {  	s5 =	ssub.s32 $0x0, s5;
	[sflag:s7] =	ssyncset.done $0x0  }
0xa6: {  	[sflag:s7] =	ssyncadd.s32 s5;
	_ =	sdelay $0x1  }
0xa7: {  	s23 =	simm.s32 $0x1B8B  }
0xa8: {  	_ =	swait.ge [sflag:s23], $0x1  }
0xa9: {  	[sflag:s23] =	ssyncset.done $0x0  }
0xaa: {  	[sflag:s23] =	ssyncadd.s32 $0xFFFFFFFF  }
0xab: {  	s5 =	sld [smem:$0x0]  }
0xac: {  	s6 =	sand.u32 $0xFFFFFFFE, s1  }
0xad: {  	p0 =	sne.s32 s1, s6  }
0xae: {  	s6 =	sshll.u32 @p0 s6, $0xE  }
0xaf: {  	s6 =	sadd.s32 @p0 $0x11B8D, s6;
	s7 =	sshll.u32 @p0 s5, $0x11  }
0xb0: {  	s6 =	sor.u32 @p0 s7, s6  }
0xb1: {  	[sflag:s6] =	ssyncadd.remote.s32 @p0 $0x1;
	_ =	sdelay $0x1  }
0xb2: {  	s6 =	simm.s32 @p0 $0x1B8D  }
0xb3: {  	_ =	swait.eq @p0 [sflag:s6], $0x1  }
0xb4: {  	[sflag:s6] =	ssyncadd.s32 @p0 $0xFFFFFFFF  }
0xb5: {  	s7 =	sshll.u32 @!p0 s1, $0xE  }
0xb6: {  	s7 =	sor.u32 @!p0 $0x4000, s7;
	s6 =	simm.s32 @!p0 $0x1B8D  }
0xb7: {  	s5 =	sshll.u32 @!p0 s5, $0x11;
	s7 =	sadd.s32 @!p0 $0x11B8D, s7;
	_ =	swait.eq @!p0 [sflag:s6], $0x1  }
0xb8: {  	s5 =	sor.u32 @!p0 s5, s7;
	[sflag:s6] =	ssyncadd.s32 @!p0 $0xFFFFFFFF  }
0xb9: {  	s25 =	simm.s32 $0x1B8E;
	s24 =	sld [smem:$0x3FFE];
	[sflag:s5] =	ssyncadd.remote.s32 @!p0 $0x1  }
0xba: {  	s26 =	simm.s32 $execute0_lowered;
	[smem:$0x3FD2] =	sst s25  }
0xbb: {  	s6 =	sshll.u32 s26, $0x1;
	_ =	strace $0x8000004F;
	[dreg:$0x1] =	wrdreg $0xFFFFFFFF  }
0xbc: {  	s28 =	simm.s32 $_size_execute0_lowered;
	s4 =	sadd.s32 s4, s6;
	[dreg:$0x0] =	wrdreg $0x0  }
0xbd: {  	s6 =	sshll.u32 s28, $0x1;
	[dreg:$0x2] =	wrdreg s4  }
0xbe: {  	[dreg:$0x3] =	wrdreg s6  }
0xbf: {  	[dreg:$0x4] =	wrdreg $0xC0  }
0xc0: {  	_ =	task [dreg:s22], $0x5FFFF  }
0xc1: {  	[dreg:$0x1] =	wrdreg $0xFFFFFFFF  }
0xc2: {  	[dreg:$0x0] =	wrdreg $0x60  }
0xc3: {  	[dreg:$0x2] =	wrdreg s17  }
0xc4: {  	[dreg:$0x3] =	wrdreg s24  }
0xc5: {  	[dreg:$0x4] =	wrdreg $0x9  }
0xc6: {  	_ =	task.clear_ibuf [dreg:s22], $0x5FFFF;
	_ =	strace $0x9000004F  }
0xc7: {  	s29 =	simm.s32 $0x9;
	_ =	strace $0x80000051  }
0xc8: {  	_ =	swait.ge [sflag:s29], $0x1  }
0xc9: {  	[sflag:s29] =	ssyncadd.s32 $0xFFFFFFFF  }
0xca: {  	_ =	strace $0x90000051  }
0xcb: {  	_ =	sfence  }
0xcc: {  	s30 =	sld [smem:$0x0];
	_ =	sdelay $0x2  }
0xcd: {  	s31 =	sshll.u32 s1, $0xD;
	s1 =	sshrl.u32 s1, $0x2  }
0xce: {  	s4 =	sand.u32 $0x4000, s31;
	s1 =	sadd.s32 s1, s30  }
0xcf: {  	s0 =	sor.u32 s4, s0;
	s1 =	sshll.u32 s1, $0x11  }
0xd0: {  	s0 =	sor.u32 s1, s0  }
0xd1: {  	s0 =	sadd.s32 $0x8F2B, s0  }
0xd2: {  	[sflag:s0] =	ssyncadd.remote.s32 $0x1  }
0xd3: {  	_ =	sfence.sel $0xFFFF  }
0xd4: {  	[dreg:$0x0] =	wrdreg $0xFFFFFFFF;
	(pc) =	sbr.abs _section_cstart, $3  }
0xd5: {  	[dreg:$0x1] =	wrdreg $0xFFFFFFFF  }
0xd6: {  	_ =	task.clear_ibuf [dreg:s22], $0x2FFFF;
	_ =	strace $0x9FFFFFFF  }
0xd7: {  	(tm) =	ssettm $0x7FFFFFFF  }
tec
execute0_lowered:
.L_overlay_start_1:
0x0: {  	(tag) =	ssettag $0x1  }
0x1: {  	s1 =	srdreg.scid;
	s0 =	stileid.u32  }
0x2: {  	s2 =	rddreg [dreg:$0x0];
	s6 =	sand.u32 $0x1, s1;
	s30 =	sshll.u32 s0, $0x1  }
0x3: {  	s8 =	rddreg [dreg:$0x1];
	s7 =	sor.u32 s6, s30  }
0x4: {  	s3 =	simm.s32 $0x0;
	s1 =	rddreg [dreg:$0x2];
	s4 =	smul.u32 $0x90, s7  }
0x5: {  	[smem:$0x7FF] =	sst s3  }
0x6: {  	_ =	strace $0x80000050;
	s10 =	ssub.s32 $0x2, s6;
	s4 =	sadd.s32 s4, s8  }
0x7: {  	s6 =	simm.s32 $0x480;
	s5 =	sadd.s32 $0x6E00, s4;
	s4 =	simm.s32 $0x2  }
0x8: {  	[tilespmem:s3], [sflag:$0x2] =	stream.linear.gather [hbm4b:s5+s3], $0x480, $0x38;
	[tilespmem:$0x4C80] =	vst v63  }
0x9: {  	s9 =	smul.u32 $0x900, s7;
	s11 =	sshrl.u32 s10, $0x1;
	_ =	swait.ge [sflag:s4], $0x480  }
0xa: {  	s7 =	simm.s32 $0x1;
	s31 =	ssub.s32 s10, s11;
	[sflag:s4] =	ssyncset.done $0x0  }
0xb: {  	s8 =	sadd.s32 s9, s8;
	s9 =	smax.u32 s31, $0x1;
	[sflag:s4] =	ssyncadd.s32 $0xFFFFFB80  }
0xc: {  	[tilespmem:s6], [sflag:$0x1] =	stream.indirect.gather [hbm4b:s2+s6], $0x10, s3, s6, $0xb8;
	[tilespmem:$0x4C80] =	vst v63  }
0xd: {  	p0 =	sne.s32 s9, $0x1;
	_ =	swait.ge [sflag:s7], $0x4800  }
.Ltmp0:
0xe: {  	[sflag:s7] =	ssyncset.done $0x0;
	(pc) =	sbr.rel @!p0 .LBB2_2-.Ltmp0, $4  }
0xf: {  	s8 =	sadd.s32 $0x8000, s8;
	[sflag:s7] =	ssyncadd.s32 $0xFFFFB800  }
0x10: {  	[hbm4b:s8+s3] =	stream.linear.scatter [tilespmem:s6], [sflag:$0x2], $0x4800, $0x38;
	[tilespmem:$0x4C80] =	vst v63  }
0x11: {  	_ =	swait.ge [sflag:s4], $0x4800  }
0x12: {  	s9 =	sadd.s32 $0xFFFFFFFF, s9;
	[sflag:s4] =	ssyncset.done $0x0  }
.LBB2_1:
0x13: {  	p0 =	sne.s32 s9, $0x1;
	s9 =	sadd.s32 $0xFFFFFFFF, s9;
	[sflag:s4] =	ssyncadd.s32 $0xFFFFB800  }
0x14: {  	[tilespmem:s3], [sflag:$0x2] =	stream.linear.gather [hbm4b:s5+s3], $0x480, $0x38;
	[tilespmem:$0x4C80] =	vst v63  }
0x15: {  	_ =	swait.ge [sflag:s4], $0x480  }
0x16: {  	[sflag:s4] =	ssyncset.done $0x0  }
0x17: {  	[sflag:s4] =	ssyncadd.s32 $0xFFFFFB80  }
0x18: {  	[tilespmem:s6], [sflag:$0x1] =	stream.indirect.gather [hbm4b:s2+s6], $0x10, s3, s6, $0xb8;
	[tilespmem:$0x4C80] =	vst v63  }
0x19: {  	_ =	swait.ge [sflag:s7], $0x4800  }
.Ltmp1:
0x1a: {  	[sflag:s7] =	ssyncset.done $0x0;
	(pc) =	sbr.rel @p0 .LBB2_1-.Ltmp1, $4  }
0x1b: {  	[sflag:s7] =	ssyncadd.s32 $0xFFFFB800  }
0x1c: {  	[hbm4b:s8+s3] =	stream.linear.scatter [tilespmem:s6], [sflag:$0x2], $0x4800, $0x38;
	[tilespmem:$0x4C80] =	vst v63  }
0x1d: {  	_ =	swait.ge [sflag:s4], $0x4800  }
0x1e: {  	[sflag:s4] =	ssyncset.done $0x0  }
.LBB2_2:
0x1f: {  	[sflag:s4] =	ssyncadd.s32 $0xFFFFB800  }
0x20: {  	_ =	sfence.sel $0x180000  }
0x21: {  	[bflag:$0x0] =	sbarrier.arrive $0xFFFF  }
0x22: {  	p0 =	sne.s32 s0, $0x0;
	_ =	strace $0x90000050  }
0x23: {  	s0 =	sadd.s32 @!p0 $0x100000, s1;
	[bflag:$0x2] =	sbarrier.arrive $0xFFFF  }
0x24: {  	[sflag:s0] =	ssyncadd.tile.s32 @!p0 $0x1;
	_ =	shalt  }
.Lfunc_end2:
_tile_overlayer_lowered:
.L_overlay_start_2:
0x25: {  	(tag) =	ssettag $0x2  }
0x26: {  	s0 =	rddreg [dreg:$0x0];
	s2 =	stileid.u32  }
0x27: {  	s1 =	rddreg [dreg:$0x1];
	p0 =	sne.s32 s2, $0x0  }
0x28: {  	s3 =	rddreg [dreg:$0x2];
	[bflag:$0x3] =	sbarrier.arrive $0xFFFF;
	s2 =	simm.s32 @!p0 $0x1C02  }
0x29: {  	[timem:s3], [sflag:s2] =	dma.local @!p0 [hbm:s0], s1  }
0x2a: {  	s0 =	simm.s32 @!p0 $0x2  }
0x2b: {  	_ =	swait.ge @!p0 [sflag:s0], s1  }
0x2c: {  	s1 =	ssub.s32 @!p0 $0x0, s1;
	[sflag:s0] =	ssyncset.done @!p0 $0x0  }
0x2d: {  	[sflag:s0] =	ssyncadd.s32 @!p0 s1  }
0x2e: {  	[bflag:$0x3] =	sbarrier.arrive $0xFFFF  }
0x2f: {  	_ =	shalt  }

// kernel: kernel.25.cloned.1.call-start
scs
__scs_entry_jumppad:
0x0: {  	(pc) =	sbr.rel $0x88, $3  }
0x1: {  	(tag) =	ssettag $0x0;
	lr =	simm.s32 $0x1  }
0x2: {  	[smem:$0x3F9B] =	sst lr;
	_ =	strace $0xD0000000  }
0x3: {  	_ = 	snop  }
0x4: {  	_ = 	snop  }
0x5: {  	_ = 	snop  }
0x6: {  	_ = 	snop  }
0x7: {  	_ = 	snop  }
__scs_overlays_trampoline_lowered:
0x8: {  	[smem:$0x3FAA] =	sst s0  }
0x9: {  	[smem:$0x3FAB] =	sst s1  }
0xa: {  	[smem:$0x3FAC] =	sst s2  }
0xb: {  	[smem:$0x3FAD] =	sst s3  }
0xc: {  	[smem:$0x3FAE] =	sst s4  }
0xd: {  	[smem:$0x3FAF] =	sst s5  }
0xe: {  	[smem:$0x3FB0] =	sst s6  }
0xf: {  	[smem:$0x3FB1] =	sst s7  }
0x10: {  	[smem:$0x3FB2] =	sst s8  }
0x11: {  	[smem:$0x3FB3] =	sst s9;
	s0 =	simm.s32 @!p0 $0x0  }
0x12: {  	s1 =	sld [smem:$0x3F99];
	s0 =	simm.s32 @p0 $0x1  }
0x13: {  	[smem:$0x3FB4] =	sst s0;
	s0 =	simm.s32 @!p1 $0x0  }
0x14: {  	s2 =	sld [smem:$0x3F98];
	s0 =	simm.s32 @p1 $0x1  }
0x15: {  	[smem:$0x3FB5] =	sst s0;
	s0 =	simm.s32 @!p2 $0x0  }
0x16: {  	s3 =	sld [smem:$0x3FDB];
	s0 =	simm.s32 @p2 $0x1  }
0x17: {  	s4 =	simm.s32 $0x1BF5;
	[smem:$0x3FB7] =	sst s0  }
0x18: {  	s0 =	sld [smem:$0x3F9A];
	_ =	swait.ge [sflag:s4], $0x0  }
0x19: {  	s7 =	sld [smem:$0x3F9B]  }
0x1a: {  	s8 =	sadd.s32 $0xFFFFE003, lr  }
0x1b: {  	s9 =	sadd.s32 $0xFFFFFEF7, lr;
	s5 =	simm.s32 $0xFFFFFFFF;
	p2 =	slt.u32 s8, $0xFFFFF086  }
0x1c: {  	p1 =	slt.u32 s9, $0xF7A;
	s5 =	simm.s32 @!p2 $0x0  }
0x1d: {  	s5 =	simm.s32 @p1 $0x1;
	p0 =	seq.s32 s7, s2  }
0x1e: {  	s7 =	smul.u32 @!p0 $0xF7A, s2;
	p2 =	seq.s32 @!p0 s5, $0x0  }
0x1f: {  	s9 =	smul.u32 $0xF7A, s1;
	s8 =	simm.s32 @!p0 $0x1BF5;
	p2 =	por !p2, p0  }
0x20: {  	[sflag:s8] =	ssyncset.s32 @!p0 $0xFFFFF086;
	s6 =	sadd.s32 @!p0 s3, s7;
	s7 =	simm.s32 @!p0 $0x108  }
0x21: {  	s3 =	sadd.s32 s3, s9;
	s6 =	sadd.s32 @!p0 $0x88, s6;
	s7 =	simm.s32 @p2 $0x1082  }
0x22: {  	[simem:s7], [sflag:s8] =	dma.local @!p0 [hbm:s6], $0xF7A  }
0x23: {  	s9 =	sor.u32 $0xD0000000, s2;
	s6 =	simm.s32 $0x108;
	_ =	swait.ge @!p0 [sflag:s8], $0x0  }
0x24: {  	s3 =	sadd.s32 $0x88, s3;
	s6 =	simm.s32 @!p1 $0x1082;
	[sflag:s4] =	ssyncset.s32 $0xFFFFF086  }
0x25: {  	[simem:s6], [sflag:s4] =	dma.local [hbm:s3], $0xF7A  }
0x26: {  	[smem:$0x3F9B] =	sst s1;
	(tag) =	ssettag s2;
	_ =	strace s9  }
0x27: {  	s1 =	sld [smem:$0x3FAB]  }
0x28: {  	s2 =	sld [smem:$0x3FAC]  }
0x29: {  	s4 =	sld [smem:$0x3FAE]  }
0x2a: {  	p0 =	seq.s32 s5, $0x0;
	s5 =	sld [smem:$0x3FAF]  }
0x2b: {  	s6 =	sld [smem:$0x3FB0]  }
0x2c: {  	s7 =	sld [smem:$0x3FB1]  }
0x2d: {  	s3 =	simm.s32 $0x108;
	s8 =	sld [smem:$0x3FB2]  }
0x2e: {  	s3 =	simm.s32 @!p0 $0x1082;
	s9 =	sld [smem:$0x3FB3]  }
0x2f: {  	lr =	sadd.s32 s0, s3;
	s0 =	sld [smem:$0x3FAA]  }
0x30: {  	s3 =	sld [smem:$0x3FAD]  }
0x31: {  	[smem:$0x3FB6] =	sst s10  }
0x32: {  	s10 =	sld [smem:$0x3FB4];
	_ =	sdelay $0x3  }
0x33: {  	p0 =	seq.s32 s10, $0x1;
	s10 =	sld [smem:$0x3FB6];
	_ =	sdelay $0x3  }
0x34: {  	[smem:$0x3FB6] =	sst s10  }
0x35: {  	s10 =	sld [smem:$0x3FB5];
	_ =	sdelay $0x3  }
0x36: {  	p1 =	seq.s32 s10, $0x1;
	s10 =	sld [smem:$0x3FB6];
	_ =	sdelay $0x3  }
0x37: {  	[smem:$0x3FB6] =	sst s10  }
0x38: {  	s10 =	sld [smem:$0x3FB7]  }
0x39: {  	_ = 	snop;
	(pc) =	sbr.ind lr, $3  }
0x3a: {  	_ = 	snop  }
0x3b: {  	_ = 	snop  }
0x3c: {  	p2 =	seq.s32 s10, $0x1;
	s10 =	sld [smem:$0x3FB6]  }
0x3d: {  	_ =	shalt  }
0x3e: {  	_ =	shalt  }
0x3f: {  	_ =	shalt  }
0x40: {  	_ =	shalt  }
0x41: {  	_ =	shalt  }
0x42: {  	_ =	shalt  }
0x43: {  	_ =	shalt  }
0x44: {  	_ =	shalt  }
0x45: {  	_ =	shalt  }
0x46: {  	_ =	shalt  }
0x47: {  	_ =	shalt  }
0x48: {  	_ =	shalt  }
0x49: {  	_ =	shalt  }
0x4a: {  	_ =	shalt  }
0x4b: {  	_ =	shalt  }
0x4c: {  	_ =	shalt  }
0x4d: {  	_ =	shalt  }
0x4e: {  	_ =	shalt  }
0x4f: {  	_ =	shalt  }
0x50: {  	_ =	shalt  }
0x51: {  	_ =	shalt  }
0x52: {  	_ =	shalt  }
0x53: {  	_ =	shalt  }
0x54: {  	_ =	shalt  }
0x55: {  	_ =	shalt  }
0x56: {  	_ =	shalt  }
0x57: {  	_ =	shalt  }
0x58: {  	_ =	shalt  }
0x59: {  	_ =	shalt  }
0x5a: {  	_ =	shalt  }
0x5b: {  	_ =	shalt  }
0x5c: {  	_ =	shalt  }
0x5d: {  	_ =	shalt  }
0x5e: {  	_ =	shalt  }
0x5f: {  	_ =	shalt  }
0x60: {  	_ =	shalt  }
0x61: {  	_ =	shalt  }
0x62: {  	_ =	shalt  }
0x63: {  	_ =	shalt  }
0x64: {  	_ =	shalt  }
0x65: {  	_ =	shalt  }
0x66: {  	_ =	shalt  }
0x67: {  	_ =	shalt  }
0x68: {  	_ =	shalt  }
0x69: {  	_ =	shalt  }
0x6a: {  	_ =	shalt  }
0x6b: {  	_ =	shalt  }
0x6c: {  	_ =	shalt  }
0x6d: {  	_ =	shalt  }
0x6e: {  	_ =	shalt  }
0x6f: {  	_ =	shalt  }
0x70: {  	_ =	shalt  }
0x71: {  	_ =	shalt  }
0x72: {  	_ =	shalt  }
0x73: {  	_ =	shalt  }
0x74: {  	_ =	shalt  }
0x75: {  	_ =	shalt  }
0x76: {  	_ =	shalt  }
0x77: {  	_ =	shalt  }
0x78: {  	_ =	shalt  }
0x79: {  	_ =	shalt  }
0x7a: {  	_ =	shalt  }
0x7b: {  	_ =	shalt  }
0x7c: {  	_ =	shalt  }
0x7d: {  	_ =	shalt  }
0x7e: {  	_ =	shalt  }
0x7f: {  	_ =	shalt  }
0x80: {  	_ =	shalt  }
0x81: {  	_ =	shalt  }
0x82: {  	_ =	shalt  }
0x83: {  	_ =	shalt  }
0x84: {  	_ =	shalt  }
0x85: {  	_ =	shalt  }
0x86: {  	_ =	shalt  }
0x87: {  	_ =	shalt  }
.Lfunc_end0:
.L_simem_size_0:
called_computation.3_lowered:
.L_overlay_start_0:
0x88: {  	s2 =	sld [smem:$0x3FD9]  }
0x89: {  	s3 =	sld [smem:$0x3FFE];
	_ =	sdelay $0x1  }
0x8a: {  	s1 =	srdreg.scid  }
0x8b: {  	s0 =	sand.u32 $0x1, s1  }
0x8c: {  	s15 =	sshll.u32 s0, $0xA;
	s2 =	sadd.s32 s3, s2  }
0x8d: {  	s2 =	sadd.s32 s2, s15  }
0x8e: {  	[smem:$0x3FC2] =	sst s2  }
0x8f: {  	_ = 	snop  }
0x90: {  	s2 =	sld [smem:$0x3FD0];
	_ =	sdelay $0x2  }
0x91: {  	s16 =	simm.s32 $0xB;
	s4 =	simm.s32 $0x10  }
0x92: {  	[smem:s4], [sflag:s16] =	dma.local [hbm:s2], $0x1  }
0x93: {  	_ =	swait.eq [sflag:s16], $0x1  }
0x94: {  	[sflag:s16] =	ssyncset.done $0x0  }
0x95: {  	[sflag:s16] =	ssyncadd.s32 $0xFFFFFFFF  }
0x96: {  	s17 =	sld [smem:$0x12];
	(tm) =	ssettm $0x1  }
0x97: {  	s18 =	sld [smem:$0x3FFB];
	_ =	sdelay $0x3  }
0x98: {  	_ =	strace s18  }
0x99: {  	s2 =	sld [smem:$0x3FFC];
	_ =	sdelay $0x3  }
0x9a: {  	_ =	strace s2  }
0x9b: {  	s2 =	sld [smem:$0x3FFD];
	_ =	sdelay $0x3  }
0x9c: {  	_ =	strace s2  }
0x9d: {  	_ =	strace $0x8FFFFFFF  }
0x9e: {  	s19 =	sld [smem:$0x3FDB];
	_ =	sdelay $0x1  }
0x9f: {  	s20 =	simm.s32 $_scs_section_size  }
0xa0: {  	s5 =	simm.s32 $_size__tile_overlayer_lowered;
	s6 =	simm.s32 $_tile_overlayer_lowered  }
0xa1: {  	s7 =	simm.s32 $0x1BFF;
	s21 =	sshll.u32 s6, $0x1;
	s4 =	sadd.s32 s20, s19  }
0xa2: {  	s22 =	simm.s32 $0x0;
	s5 =	sshll.u32 s5, $0x1;
	s6 =	sadd.s32 s21, s4  }
0xa3: {  	[timem:s22], [sflag:s7] =	dma.local [hbm:s6], s5  }
0xa4: {  	_ =	swait.ge [sflag:s7], s5  }
0xa5: {  	s5 =	ssub.s32 $0x0, s5;
	[sflag:s7] =	ssyncset.done $0x0  }
0xa6: {  	[sflag:s7] =	ssyncadd.s32 s5;
	_ =	sdelay $0x1  }
0xa7: {  	s23 =	simm.s32 $0x1B8B  }
0xa8: {  	_ =	swait.ge [sflag:s23], $0x1  }
0xa9: {  	[sflag:s23] =	ssyncset.done $0x0  }
0xaa: {  	[sflag:s23] =	ssyncadd.s32 $0xFFFFFFFF  }
0xab: {  	s5 =	sld [smem:$0x0]  }
0xac: {  	s6 =	sand.u32 $0xFFFFFFFE, s1  }
0xad: {  	p0 =	sne.s32 s1, s6  }
0xae: {  	s6 =	sshll.u32 @p0 s6, $0xE  }
0xaf: {  	s6 =	sadd.s32 @p0 $0x11B8D, s6;
	s7 =	sshll.u32 @p0 s5, $0x11  }
0xb0: {  	s6 =	sor.u32 @p0 s7, s6  }
0xb1: {  	[sflag:s6] =	ssyncadd.remote.s32 @p0 $0x1;
	_ =	sdelay $0x1  }
0xb2: {  	s6 =	simm.s32 @p0 $0x1B8D  }
0xb3: {  	_ =	swait.eq @p0 [sflag:s6], $0x1  }
0xb4: {  	[sflag:s6] =	ssyncadd.s32 @p0 $0xFFFFFFFF  }
0xb5: {  	s7 =	sshll.u32 @!p0 s1, $0xE  }
0xb6: {  	s7 =	sor.u32 @!p0 $0x4000, s7;
	s6 =	simm.s32 @!p0 $0x1B8D  }
0xb7: {  	s5 =	sshll.u32 @!p0 s5, $0x11;
	s7 =	sadd.s32 @!p0 $0x11B8D, s7;
	_ =	swait.eq @!p0 [sflag:s6], $0x1  }
0xb8: {  	s5 =	sor.u32 @!p0 s5, s7;
	[sflag:s6] =	ssyncadd.s32 @!p0 $0xFFFFFFFF  }
0xb9: {  	s25 =	simm.s32 $0x1B8E;
	s24 =	sld [smem:$0x3FFE];
	[sflag:s5] =	ssyncadd.remote.s32 @!p0 $0x1  }
0xba: {  	s26 =	simm.s32 $execute0_lowered;
	[smem:$0x3FD2] =	sst s25  }
0xbb: {  	s6 =	sshll.u32 s26, $0x1;
	_ =	strace $0x8000004C;
	[dreg:$0x1] =	wrdreg $0xFFFFFFFF  }
0xbc: {  	s28 =	simm.s32 $_size_execute0_lowered;
	s4 =	sadd.s32 s4, s6;
	[dreg:$0x0] =	wrdreg $0x0  }
0xbd: {  	s6 =	sshll.u32 s28, $0x1;
	[dreg:$0x2] =	wrdreg s4  }
0xbe: {  	[dreg:$0x3] =	wrdreg s6  }
0xbf: {  	[dreg:$0x4] =	wrdreg $0xC0  }
0xc0: {  	_ =	task [dreg:s22], $0x5FFFF  }
0xc1: {  	[dreg:$0x1] =	wrdreg $0xFFFFFFFF  }
0xc2: {  	[dreg:$0x0] =	wrdreg $0x60  }
0xc3: {  	[dreg:$0x2] =	wrdreg s24  }
0xc4: {  	[dreg:$0x3] =	wrdreg s17  }
0xc5: {  	[dreg:$0x4] =	wrdreg $0xA  }
0xc6: {  	_ =	task.clear_ibuf [dreg:s22], $0x5FFFF;
	_ =	strace $0x9000004C  }
0xc7: {  	s29 =	simm.s32 $0xA;
	_ =	strace $0x8000004E  }
0xc8: {  	_ =	swait.ge [sflag:s29], $0x1  }
0xc9: {  	[sflag:s29] =	ssyncadd.s32 $0xFFFFFFFF  }
0xca: {  	_ =	strace $0x9000004E  }
0xcb: {  	_ =	sfence  }
0xcc: {  	s30 =	sld [smem:$0x0];
	_ =	sdelay $0x2  }
0xcd: {  	s31 =	sshll.u32 s1, $0xD;
	s1 =	sshrl.u32 s1, $0x2  }
0xce: {  	s4 =	sand.u32 $0x4000, s31;
	s1 =	sadd.s32 s1, s30  }
0xcf: {  	s0 =	sor.u32 s4, s0;
	s1 =	sshll.u32 s1, $0x11  }
0xd0: {  	s0 =	sor.u32 s1, s0  }
0xd1: {  	s0 =	sadd.s32 $0x8F2B, s0  }
0xd2: {  	[sflag:s0] =	ssyncadd.remote.s32 $0x1  }
0xd3: {  	_ =	sfence.sel $0xFFFF  }
0xd4: {  	[dreg:$0x0] =	wrdreg $0xFFFFFFFF;
	(pc) =	sbr.abs _section_cstart, $3  }
0xd5: {  	[dreg:$0x1] =	wrdreg $0xFFFFFFFF  }
0xd6: {  	_ =	task.clear_ibuf [dreg:s22], $0x2FFFF;
	_ =	strace $0x9FFFFFFF  }
0xd7: {  	(tm) =	ssettm $0x7FFFFFFF  }
tec
execute0_lowered:
.L_overlay_start_1:
0x0: {  	(tag) =	ssettag $0x1  }
0x1: {  	s1 =	srdreg.scid;
	s0 =	stileid.u32  }
0x2: {  	s6 =	rddreg [dreg:$0x0];
	s7 =	sand.u32 $0x1, s1;
	s30 =	sshll.u32 s0, $0x1  }
0x3: {  	s2 =	rddreg [dreg:$0x1];
	s4 =	sor.u32 s7, s30  }
0x4: {  	s3 =	simm.s32 $0x0;
	s1 =	rddreg [dreg:$0x2];
	s5 =	smul.u32 $0x90, s4  }
0x5: {  	[smem:$0x7FF] =	sst s3  }
0x6: {  	_ =	strace $0x8000004D;
	s31 =	ssub.s32 $0x2, s7;
	s5 =	sadd.s32 s5, s6  }
0x7: {  	s8 =	smul.u32 $0x900, s4;
	s4 =	simm.s32 $0x1;
	s5 =	sadd.s32 $0x98000, s5  }
0x8: {  	[tilespmem:s3], [sflag:$0x1] =	stream.linear.gather [hbm4b:s5+s3], $0x480, $0x38;
	[tilespmem:$0x4C80] =	vst v63  }
0x9: {  	s7 =	simm.s32 $0x480;
	s9 =	sshrl.u32 s31, $0x1;
	_ =	swait.ge [sflag:s4], $0x480  }
0xa: {  	s6 =	sadd.s32 s8, s6;
	s8 =	ssub.s32 s31, s9;
	[sflag:s4] =	ssyncset.done $0x0  }
0xb: {  	s6 =	sadd.s32 $0x99200, s6;
	s8 =	smax.u32 s8, $0x1;
	[sflag:s4] =	ssyncadd.s32 $0xFFFFFB80  }
0xc: {  	[tilespmem:s7], [sflag:$0x1] =	stream.linear.gather [hbm4b:s6+s3], $0x4800, $0x38;
	[tilespmem:$0x4C80] =	vst v63  }
0xd: {  	p0 =	sne.s32 s8, $0x1;
	_ =	swait.ge [sflag:s4], $0x4800  }
.Ltmp0:
0xe: {  	[sflag:s4] =	ssyncset.done $0x0;
	(pc) =	sbr.rel @!p0 .LBB2_2-.Ltmp0, $4  }
0xf: {  	[sflag:s4] =	ssyncadd.s32 $0xFFFFB800  }
0x10: {  	[hbm4b:s2+s7] =	stream.indirect.scatter [tilespmem:s7], [sflag:$0x1], $0x10, s3, s7, $0xb8;
	[tilespmem:$0x4C80] =	vst v63  }
0x11: {  	_ =	swait.ge [sflag:s4], $0x4800  }
0x12: {  	s8 =	sadd.s32 $0xFFFFFFFF, s8;
	[sflag:s4] =	ssyncset.done $0x0  }
.LBB2_1:
0x13: {  	p0 =	sne.s32 s8, $0x1;
	s8 =	sadd.s32 $0xFFFFFFFF, s8;
	[sflag:s4] =	ssyncadd.s32 $0xFFFFB800  }
0x14: {  	[tilespmem:s3], [sflag:$0x1] =	stream.linear.gather [hbm4b:s5+s3], $0x480, $0x38;
	[tilespmem:$0x4C80] =	vst v63  }
0x15: {  	_ =	swait.ge [sflag:s4], $0x480  }
0x16: {  	[sflag:s4] =	ssyncset.done $0x0  }
0x17: {  	[sflag:s4] =	ssyncadd.s32 $0xFFFFFB80  }
0x18: {  	[tilespmem:s7], [sflag:$0x1] =	stream.linear.gather [hbm4b:s6+s3], $0x4800, $0x38;
	[tilespmem:$0x4C80] =	vst v63  }
0x19: {  	_ =	swait.ge [sflag:s4], $0x4800  }
.Ltmp1:
0x1a: {  	[sflag:s4] =	ssyncset.done $0x0;
	(pc) =	sbr.rel @p0 .LBB2_1-.Ltmp1, $4  }
0x1b: {  	[sflag:s4] =	ssyncadd.s32 $0xFFFFB800  }
0x1c: {  	[hbm4b:s2+s7] =	stream.indirect.scatter [tilespmem:s7], [sflag:$0x1], $0x10, s3, s7, $0xb8;
	[tilespmem:$0x4C80] =	vst v63  }
0x1d: {  	_ =	swait.ge [sflag:s4], $0x4800  }
0x1e: {  	[sflag:s4] =	ssyncset.done $0x0  }
.LBB2_2:
0x1f: {  	[sflag:s4] =	ssyncadd.s32 $0xFFFFB800  }
0x20: {  	_ =	sfence.sel $0x180000  }
0x21: {  	[bflag:$0x0] =	sbarrier.arrive $0xFFFF  }
0x22: {  	p0 =	sne.s32 s0, $0x0;
	_ =	strace $0x9000004D  }
0x23: {  	s0 =	sadd.s32 @!p0 $0x100000, s1;
	[bflag:$0x2] =	sbarrier.arrive $0xFFFF  }
0x24: {  	[sflag:s0] =	ssyncadd.tile.s32 @!p0 $0x1;
	_ =	shalt  }
.Lfunc_end2:
_tile_overlayer_lowered:
.L_overlay_start_2:
0x25: {  	(tag) =	ssettag $0x2  }
0x26: {  	s0 =	rddreg [dreg:$0x0];
	s2 =	stileid.u32  }
0x27: {  	s1 =	rddreg [dreg:$0x1];
	p0 =	sne.s32 s2, $0x0  }
0x28: {  	s3 =	rddreg [dreg:$0x2];
	[bflag:$0x3] =	sbarrier.arrive $0xFFFF;
	s2 =	simm.s32 @!p0 $0x1C01  }
0x29: {  	[timem:s3], [sflag:s2] =	dma.local @!p0 [hbm:s0], s1  }
0x2a: {  	s0 =	simm.s32 @!p0 $0x1  }
0x2b: {  	_ =	swait.ge @!p0 [sflag:s0], s1  }
0x2c: {  	s1 =	ssub.s32 @!p0 $0x0, s1;
	[sflag:s0] =	ssyncset.done @!p0 $0x0  }
0x2d: {  	[sflag:s0] =	ssyncadd.s32 @!p0 s1  }
0x2e: {  	[bflag:$0x3] =	sbarrier.arrive $0xFFFF  }
0x2f: {  	_ =	shalt  }

// kernel: kernel.28.cloned.1.call-start
scs
__scs_entry_jumppad:
0x0: {  	(pc) =	sbr.rel $0x88, $3  }
0x1: {  	(tag) =	ssettag $0x0;
	lr =	simm.s32 $0x1  }
0x2: {  	[smem:$0x3F9B] =	sst lr;
	_ =	strace $0xD0000000  }
0x3: {  	_ = 	snop  }
0x4: {  	_ = 	snop  }
0x5: {  	_ = 	snop  }
0x6: {  	_ = 	snop  }
0x7: {  	_ = 	snop  }
__scs_overlays_trampoline_lowered:
0x8: {  	[smem:$0x3FAA] =	sst s0  }
0x9: {  	[smem:$0x3FAB] =	sst s1  }
0xa: {  	[smem:$0x3FAC] =	sst s2  }
0xb: {  	[smem:$0x3FAD] =	sst s3  }
0xc: {  	[smem:$0x3FAE] =	sst s4  }
0xd: {  	[smem:$0x3FAF] =	sst s5  }
0xe: {  	[smem:$0x3FB0] =	sst s6  }
0xf: {  	[smem:$0x3FB1] =	sst s7  }
0x10: {  	[smem:$0x3FB2] =	sst s8  }
0x11: {  	[smem:$0x3FB3] =	sst s9;
	s0 =	simm.s32 @!p0 $0x0  }
0x12: {  	s1 =	sld [smem:$0x3F99];
	s0 =	simm.s32 @p0 $0x1  }
0x13: {  	[smem:$0x3FB4] =	sst s0;
	s0 =	simm.s32 @!p1 $0x0  }
0x14: {  	s2 =	sld [smem:$0x3F98];
	s0 =	simm.s32 @p1 $0x1  }
0x15: {  	[smem:$0x3FB5] =	sst s0;
	s0 =	simm.s32 @!p2 $0x0  }
0x16: {  	s3 =	sld [smem:$0x3FDB];
	s0 =	simm.s32 @p2 $0x1  }
0x17: {  	s4 =	simm.s32 $0x1BF5;
	[smem:$0x3FB7] =	sst s0  }
0x18: {  	s0 =	sld [smem:$0x3F9A];
	_ =	swait.ge [sflag:s4], $0x0  }
0x19: {  	s7 =	sld [smem:$0x3F9B]  }
0x1a: {  	s8 =	sadd.s32 $0xFFFFE003, lr  }
0x1b: {  	s9 =	sadd.s32 $0xFFFFFEF7, lr;
	s5 =	simm.s32 $0xFFFFFFFF;
	p2 =	slt.u32 s8, $0xFFFFF086  }
0x1c: {  	p1 =	slt.u32 s9, $0xF7A;
	s5 =	simm.s32 @!p2 $0x0  }
0x1d: {  	s5 =	simm.s32 @p1 $0x1;
	p0 =	seq.s32 s7, s2  }
0x1e: {  	s7 =	smul.u32 @!p0 $0xF7A, s2;
	p2 =	seq.s32 @!p0 s5, $0x0  }
0x1f: {  	s9 =	smul.u32 $0xF7A, s1;
	s8 =	simm.s32 @!p0 $0x1BF5;
	p2 =	por !p2, p0  }
0x20: {  	[sflag:s8] =	ssyncset.s32 @!p0 $0xFFFFF086;
	s6 =	sadd.s32 @!p0 s3, s7;
	s7 =	simm.s32 @!p0 $0x108  }
0x21: {  	s3 =	sadd.s32 s3, s9;
	s6 =	sadd.s32 @!p0 $0x88, s6;
	s7 =	simm.s32 @p2 $0x1082  }
0x22: {  	[simem:s7], [sflag:s8] =	dma.local @!p0 [hbm:s6], $0xF7A  }
0x23: {  	s9 =	sor.u32 $0xD0000000, s2;
	s6 =	simm.s32 $0x108;
	_ =	swait.ge @!p0 [sflag:s8], $0x0  }
0x24: {  	s3 =	sadd.s32 $0x88, s3;
	s6 =	simm.s32 @!p1 $0x1082;
	[sflag:s4] =	ssyncset.s32 $0xFFFFF086  }
0x25: {  	[simem:s6], [sflag:s4] =	dma.local [hbm:s3], $0xF7A  }
0x26: {  	[smem:$0x3F9B] =	sst s1;
	(tag) =	ssettag s2;
	_ =	strace s9  }
0x27: {  	s1 =	sld [smem:$0x3FAB]  }
0x28: {  	s2 =	sld [smem:$0x3FAC]  }
0x29: {  	s4 =	sld [smem:$0x3FAE]  }
0x2a: {  	p0 =	seq.s32 s5, $0x0;
	s5 =	sld [smem:$0x3FAF]  }
0x2b: {  	s6 =	sld [smem:$0x3FB0]  }
0x2c: {  	s7 =	sld [smem:$0x3FB1]  }
0x2d: {  	s3 =	simm.s32 $0x108;
	s8 =	sld [smem:$0x3FB2]  }
0x2e: {  	s3 =	simm.s32 @!p0 $0x1082;
	s9 =	sld [smem:$0x3FB3]  }
0x2f: {  	lr =	sadd.s32 s0, s3;
	s0 =	sld [smem:$0x3FAA]  }
0x30: {  	s3 =	sld [smem:$0x3FAD]  }
0x31: {  	[smem:$0x3FB6] =	sst s10  }
0x32: {  	s10 =	sld [smem:$0x3FB4];
	_ =	sdelay $0x3  }
0x33: {  	p0 =	seq.s32 s10, $0x1;
	s10 =	sld [smem:$0x3FB6];
	_ =	sdelay $0x3  }
0x34: {  	[smem:$0x3FB6] =	sst s10  }
0x35: {  	s10 =	sld [smem:$0x3FB5];
	_ =	sdelay $0x3  }
0x36: {  	p1 =	seq.s32 s10, $0x1;
	s10 =	sld [smem:$0x3FB6];
	_ =	sdelay $0x3  }
0x37: {  	[smem:$0x3FB6] =	sst s10  }
0x38: {  	s10 =	sld [smem:$0x3FB7]  }
0x39: {  	_ = 	snop;
	(pc) =	sbr.ind lr, $3  }
0x3a: {  	_ = 	snop  }
0x3b: {  	_ = 	snop  }
0x3c: {  	p2 =	seq.s32 s10, $0x1;
	s10 =	sld [smem:$0x3FB6]  }
0x3d: {  	_ =	shalt  }
0x3e: {  	_ =	shalt  }
0x3f: {  	_ =	shalt  }
0x40: {  	_ =	shalt  }
0x41: {  	_ =	shalt  }
0x42: {  	_ =	shalt  }
0x43: {  	_ =	shalt  }
0x44: {  	_ =	shalt  }
0x45: {  	_ =	shalt  }
0x46: {  	_ =	shalt  }
0x47: {  	_ =	shalt  }
0x48: {  	_ =	shalt  }
0x49: {  	_ =	shalt  }
0x4a: {  	_ =	shalt  }
0x4b: {  	_ =	shalt  }
0x4c: {  	_ =	shalt  }
0x4d: {  	_ =	shalt  }
0x4e: {  	_ =	shalt  }
0x4f: {  	_ =	shalt  }
0x50: {  	_ =	shalt  }
0x51: {  	_ =	shalt  }
0x52: {  	_ =	shalt  }
0x53: {  	_ =	shalt  }
0x54: {  	_ =	shalt  }
0x55: {  	_ =	shalt  }
0x56: {  	_ =	shalt  }
0x57: {  	_ =	shalt  }
0x58: {  	_ =	shalt  }
0x59: {  	_ =	shalt  }
0x5a: {  	_ =	shalt  }
0x5b: {  	_ =	shalt  }
0x5c: {  	_ =	shalt  }
0x5d: {  	_ =	shalt  }
0x5e: {  	_ =	shalt  }
0x5f: {  	_ =	shalt  }
0x60: {  	_ =	shalt  }
0x61: {  	_ =	shalt  }
0x62: {  	_ =	shalt  }
0x63: {  	_ =	shalt  }
0x64: {  	_ =	shalt  }
0x65: {  	_ =	shalt  }
0x66: {  	_ =	shalt  }
0x67: {  	_ =	shalt  }
0x68: {  	_ =	shalt  }
0x69: {  	_ =	shalt  }
0x6a: {  	_ =	shalt  }
0x6b: {  	_ =	shalt  }
0x6c: {  	_ =	shalt  }
0x6d: {  	_ =	shalt  }
0x6e: {  	_ =	shalt  }
0x6f: {  	_ =	shalt  }
0x70: {  	_ =	shalt  }
0x71: {  	_ =	shalt  }
0x72: {  	_ =	shalt  }
0x73: {  	_ =	shalt  }
0x74: {  	_ =	shalt  }
0x75: {  	_ =	shalt  }
0x76: {  	_ =	shalt  }
0x77: {  	_ =	shalt  }
0x78: {  	_ =	shalt  }
0x79: {  	_ =	shalt  }
0x7a: {  	_ =	shalt  }
0x7b: {  	_ =	shalt  }
0x7c: {  	_ =	shalt  }
0x7d: {  	_ =	shalt  }
0x7e: {  	_ =	shalt  }
0x7f: {  	_ =	shalt  }
0x80: {  	_ =	shalt  }
0x81: {  	_ =	shalt  }
0x82: {  	_ =	shalt  }
0x83: {  	_ =	shalt  }
0x84: {  	_ =	shalt  }
0x85: {  	_ =	shalt  }
0x86: {  	_ =	shalt  }
0x87: {  	_ =	shalt  }
.Lfunc_end0:
.L_simem_size_0:
called_computation.4_lowered:
.L_overlay_start_0:
0x88: {  	s2 =	sld [smem:$0x3FD9]  }
0x89: {  	s3 =	sld [smem:$0x3FFE];
	_ =	sdelay $0x1  }
0x8a: {  	s1 =	srdreg.scid  }
0x8b: {  	s0 =	sand.u32 $0x1, s1  }
0x8c: {  	s15 =	sshll.u32 s0, $0xA;
	s2 =	sadd.s32 s3, s2  }
0x8d: {  	s2 =	sadd.s32 s2, s15  }
0x8e: {  	[smem:$0x3FC2] =	sst s2  }
0x8f: {  	_ = 	snop  }
0x90: {  	s2 =	sld [smem:$0x3FD0];
	_ =	sdelay $0x2  }
0x91: {  	s16 =	simm.s32 $0xB;
	s4 =	simm.s32 $0x10  }
0x92: {  	[smem:s4], [sflag:s16] =	dma.local [hbm:s2], $0x1  }
0x93: {  	_ =	swait.eq [sflag:s16], $0x1  }
0x94: {  	[sflag:s16] =	ssyncset.done $0x0  }
0x95: {  	[sflag:s16] =	ssyncadd.s32 $0xFFFFFFFF  }
0x96: {  	s17 =	sld [smem:$0x12];
	(tm) =	ssettm $0x1  }
0x97: {  	s18 =	sld [smem:$0x3FFB];
	_ =	sdelay $0x3  }
0x98: {  	_ =	strace s18  }
0x99: {  	s2 =	sld [smem:$0x3FFC];
	_ =	sdelay $0x3  }
0x9a: {  	_ =	strace s2  }
0x9b: {  	s2 =	sld [smem:$0x3FFD];
	_ =	sdelay $0x3  }
0x9c: {  	_ =	strace s2  }
0x9d: {  	_ =	strace $0x8FFFFFFF  }
0x9e: {  	s19 =	sld [smem:$0x3FDB];
	_ =	sdelay $0x1  }
0x9f: {  	s20 =	simm.s32 $_scs_section_size  }
0xa0: {  	s5 =	simm.s32 $_size__tile_overlayer_lowered;
	s6 =	simm.s32 $_tile_overlayer_lowered  }
0xa1: {  	s7 =	simm.s32 $0x1BFF;
	s21 =	sshll.u32 s6, $0x1;
	s4 =	sadd.s32 s20, s19  }
0xa2: {  	s22 =	simm.s32 $0x0;
	s5 =	sshll.u32 s5, $0x1;
	s6 =	sadd.s32 s21, s4  }
0xa3: {  	[timem:s22], [sflag:s7] =	dma.local [hbm:s6], s5  }
0xa4: {  	_ =	swait.ge [sflag:s7], s5  }
0xa5: {  	s5 =	ssub.s32 $0x0, s5;
	[sflag:s7] =	ssyncset.done $0x0  }
0xa6: {  	[sflag:s7] =	ssyncadd.s32 s5;
	_ =	sdelay $0x1  }
0xa7: {  	s23 =	simm.s32 $0x1B8B  }
0xa8: {  	_ =	swait.ge [sflag:s23], $0x1  }
0xa9: {  	[sflag:s23] =	ssyncset.done $0x0  }
0xaa: {  	[sflag:s23] =	ssyncadd.s32 $0xFFFFFFFF  }
0xab: {  	s5 =	sld [smem:$0x0]  }
0xac: {  	s6 =	sand.u32 $0xFFFFFFFE, s1  }
0xad: {  	p0 =	sne.s32 s1, s6  }
0xae: {  	s6 =	sshll.u32 @p0 s6, $0xE  }
0xaf: {  	s6 =	sadd.s32 @p0 $0x11B8D, s6;
	s7 =	sshll.u32 @p0 s5, $0x11  }
0xb0: {  	s6 =	sor.u32 @p0 s7, s6  }
0xb1: {  	[sflag:s6] =	ssyncadd.remote.s32 @p0 $0x1;
	_ =	sdelay $0x1  }
0xb2: {  	s6 =	simm.s32 @p0 $0x1B8D  }
0xb3: {  	_ =	swait.eq @p0 [sflag:s6], $0x1  }
0xb4: {  	[sflag:s6] =	ssyncadd.s32 @p0 $0xFFFFFFFF  }
0xb5: {  	s7 =	sshll.u32 @!p0 s1, $0xE  }
0xb6: {  	s7 =	sor.u32 @!p0 $0x4000, s7;
	s6 =	simm.s32 @!p0 $0x1B8D  }
0xb7: {  	s5 =	sshll.u32 @!p0 s5, $0x11;
	s7 =	sadd.s32 @!p0 $0x11B8D, s7;
	_ =	swait.eq @!p0 [sflag:s6], $0x1  }
0xb8: {  	s5 =	sor.u32 @!p0 s5, s7;
	[sflag:s6] =	ssyncadd.s32 @!p0 $0xFFFFFFFF  }
0xb9: {  	s25 =	simm.s32 $0x1B8E;
	s24 =	sld [smem:$0x3FFE];
	[sflag:s5] =	ssyncadd.remote.s32 @!p0 $0x1  }
0xba: {  	s26 =	simm.s32 $execute0_lowered;
	[smem:$0x3FD2] =	sst s25  }
0xbb: {  	s6 =	sshll.u32 s26, $0x1;
	_ =	strace $0x80000055;
	[dreg:$0x1] =	wrdreg $0xFFFFFFFF  }
0xbc: {  	s28 =	simm.s32 $_size_execute0_lowered;
	s4 =	sadd.s32 s4, s6;
	[dreg:$0x0] =	wrdreg $0x0  }
0xbd: {  	s6 =	sshll.u32 s28, $0x1;
	[dreg:$0x2] =	wrdreg s4  }
0xbe: {  	[dreg:$0x3] =	wrdreg s6  }
0xbf: {  	[dreg:$0x4] =	wrdreg $0xC0  }
0xc0: {  	_ =	task [dreg:s22], $0x5FFFF  }
0xc1: {  	[dreg:$0x1] =	wrdreg $0xFFFFFFFF  }
0xc2: {  	[dreg:$0x0] =	wrdreg $0x60  }
0xc3: {  	[dreg:$0x2] =	wrdreg s17  }
0xc4: {  	[dreg:$0x3] =	wrdreg s24  }
0xc5: {  	[dreg:$0x4] =	wrdreg $0x9  }
0xc6: {  	_ =	task.clear_ibuf [dreg:s22], $0x5FFFF;
	_ =	strace $0x90000055  }
0xc7: {  	s29 =	simm.s32 $0x9;
	_ =	strace $0x80000057  }
0xc8: {  	_ =	swait.ge [sflag:s29], $0x1  }
0xc9: {  	[sflag:s29] =	ssyncadd.s32 $0xFFFFFFFF  }
0xca: {  	_ =	strace $0x90000057  }
0xcb: {  	_ =	sfence  }
0xcc: {  	s30 =	sld [smem:$0x0];
	_ =	sdelay $0x2  }
0xcd: {  	s31 =	sshll.u32 s1, $0xD;
	s1 =	sshrl.u32 s1, $0x2  }
0xce: {  	s4 =	sand.u32 $0x4000, s31;
	s1 =	sadd.s32 s1, s30  }
0xcf: {  	s0 =	sor.u32 s4, s0;
	s1 =	sshll.u32 s1, $0x11  }
0xd0: {  	s0 =	sor.u32 s1, s0  }
0xd1: {  	s0 =	sadd.s32 $0x8F2B, s0  }
0xd2: {  	[sflag:s0] =	ssyncadd.remote.s32 $0x1  }
0xd3: {  	_ =	sfence.sel $0xFFFF  }
0xd4: {  	[dreg:$0x0] =	wrdreg $0xFFFFFFFF;
	(pc) =	sbr.abs _section_cstart, $3  }
0xd5: {  	[dreg:$0x1] =	wrdreg $0xFFFFFFFF  }
0xd6: {  	_ =	task.clear_ibuf [dreg:s22], $0x2FFFF;
	_ =	strace $0x9FFFFFFF  }
0xd7: {  	(tm) =	ssettm $0x7FFFFFFF  }
tec
execute0_lowered:
.L_overlay_start_1:
0x0: {  	(tag) =	ssettag $0x1  }
0x1: {  	s1 =	srdreg.scid;
	s0 =	stileid.u32  }
0x2: {  	s2 =	rddreg [dreg:$0x0];
	s6 =	sand.u32 $0x1, s1;
	s30 =	sshll.u32 s0, $0x1  }
0x3: {  	s8 =	rddreg [dreg:$0x1];
	s7 =	sor.u32 s6, s30  }
0x4: {  	s3 =	simm.s32 $0x0;
	s1 =	rddreg [dreg:$0x2];
	s4 =	smul.u32 $0x90, s7  }
0x5: {  	[smem:$0x7FF] =	sst s3  }
0x6: {  	_ =	strace $0x80000056;
	s10 =	ssub.s32 $0x2, s6;
	s4 =	sadd.s32 s4, s8  }
0x7: {  	s6 =	simm.s32 $0x480;
	s5 =	sadd.s32 $0x2E00, s4;
	s4 =	simm.s32 $0x2  }
0x8: {  	[tilespmem:s3], [sflag:$0x2] =	stream.linear.gather [hbm4b:s5+s3], $0x480, $0x38;
	[tilespmem:$0x9480] =	vst v63  }
0x9: {  	s9 =	smul.u32 $0x1200, s7;
	s11 =	sshrl.u32 s10, $0x1;
	_ =	swait.ge [sflag:s4], $0x480  }
0xa: {  	s7 =	simm.s32 $0x1;
	s31 =	ssub.s32 s10, s11;
	[sflag:s4] =	ssyncset.done $0x0  }
0xb: {  	s8 =	sadd.s32 s9, s8;
	s9 =	smax.u32 s31, $0x1;
	[sflag:s4] =	ssyncadd.s32 $0xFFFFFB80  }
0xc: {  	[tilespmem:s6], [sflag:$0x1] =	stream.indirect.gather [hbm4b:s2+s6], $0x20, s3, s6, $0xb8;
	[tilespmem:$0x9480] =	vst v63  }
0xd: {  	p0 =	sne.s32 s9, $0x1;
	_ =	swait.ge [sflag:s7], $0x9000  }
.Ltmp0:
0xe: {  	[sflag:s7] =	ssyncset.done $0x0;
	(pc) =	sbr.rel @!p0 .LBB2_2-.Ltmp0, $4  }
0xf: {  	s8 =	sadd.s32 $0x3E000, s8;
	[sflag:s7] =	ssyncadd.s32 $0xFFFF7000  }
0x10: {  	[hbm4b:s8+s3] =	stream.linear.scatter [tilespmem:s6], [sflag:$0x2], $0x9000, $0x38;
	[tilespmem:$0x9480] =	vst v63  }
0x11: {  	_ =	swait.ge [sflag:s4], $0x9000  }
0x12: {  	s9 =	sadd.s32 $0xFFFFFFFF, s9;
	[sflag:s4] =	ssyncset.done $0x0  }
.LBB2_1:
0x13: {  	p0 =	sne.s32 s9, $0x1;
	s9 =	sadd.s32 $0xFFFFFFFF, s9;
	[sflag:s4] =	ssyncadd.s32 $0xFFFF7000  }
0x14: {  	[tilespmem:s3], [sflag:$0x2] =	stream.linear.gather [hbm4b:s5+s3], $0x480, $0x38;
	[tilespmem:$0x9480] =	vst v63  }
0x15: {  	_ =	swait.ge [sflag:s4], $0x480  }
0x16: {  	[sflag:s4] =	ssyncset.done $0x0  }
0x17: {  	[sflag:s4] =	ssyncadd.s32 $0xFFFFFB80  }
0x18: {  	[tilespmem:s6], [sflag:$0x1] =	stream.indirect.gather [hbm4b:s2+s6], $0x20, s3, s6, $0xb8;
	[tilespmem:$0x9480] =	vst v63  }
0x19: {  	_ =	swait.ge [sflag:s7], $0x9000  }
.Ltmp1:
0x1a: {  	[sflag:s7] =	ssyncset.done $0x0;
	(pc) =	sbr.rel @p0 .LBB2_1-.Ltmp1, $4  }
0x1b: {  	[sflag:s7] =	ssyncadd.s32 $0xFFFF7000  }
0x1c: {  	[hbm4b:s8+s3] =	stream.linear.scatter [tilespmem:s6], [sflag:$0x2], $0x9000, $0x38;
	[tilespmem:$0x9480] =	vst v63  }
0x1d: {  	_ =	swait.ge [sflag:s4], $0x9000  }
0x1e: {  	[sflag:s4] =	ssyncset.done $0x0  }
.LBB2_2:
0x1f: {  	[sflag:s4] =	ssyncadd.s32 $0xFFFF7000  }
0x20: {  	_ =	sfence.sel $0x180000  }
0x21: {  	[bflag:$0x0] =	sbarrier.arrive $0xFFFF  }
0x22: {  	p0 =	sne.s32 s0, $0x0;
	_ =	strace $0x90000056  }
0x23: {  	s0 =	sadd.s32 @!p0 $0x100000, s1;
	[bflag:$0x2] =	sbarrier.arrive $0xFFFF  }
0x24: {  	[sflag:s0] =	ssyncadd.tile.s32 @!p0 $0x1;
	_ =	shalt  }
.Lfunc_end2:
_tile_overlayer_lowered:
.L_overlay_start_2:
0x25: {  	(tag) =	ssettag $0x2  }
0x26: {  	s0 =	rddreg [dreg:$0x0];
	s2 =	stileid.u32  }
0x27: {  	s1 =	rddreg [dreg:$0x1];
	p0 =	sne.s32 s2, $0x0  }
0x28: {  	s3 =	rddreg [dreg:$0x2];
	[bflag:$0x3] =	sbarrier.arrive $0xFFFF;
	s2 =	simm.s32 @!p0 $0x1C02  }
0x29: {  	[timem:s3], [sflag:s2] =	dma.local @!p0 [hbm:s0], s1  }
0x2a: {  	s0 =	simm.s32 @!p0 $0x2  }
0x2b: {  	_ =	swait.ge @!p0 [sflag:s0], s1  }
0x2c: {  	s1 =	ssub.s32 @!p0 $0x0, s1;
	[sflag:s0] =	ssyncset.done @!p0 $0x0  }
0x2d: {  	[sflag:s0] =	ssyncadd.s32 @!p0 s1  }
0x2e: {  	[bflag:$0x3] =	sbarrier.arrive $0xFFFF  }
0x2f: {  	_ =	shalt  }

// kernel: kernel.31.cloned.1.call-start
scs
__scs_entry_jumppad:
0x0: {  	(pc) =	sbr.rel $0x88, $3  }
0x1: {  	(tag) =	ssettag $0x0;
	lr =	simm.s32 $0x1  }
0x2: {  	[smem:$0x3F9B] =	sst lr;
	_ =	strace $0xD0000000  }
0x3: {  	_ = 	snop  }
0x4: {  	_ = 	snop  }
0x5: {  	_ = 	snop  }
0x6: {  	_ = 	snop  }
0x7: {  	_ = 	snop  }
__scs_overlays_trampoline_lowered:
0x8: {  	[smem:$0x3FAA] =	sst s0  }
0x9: {  	[smem:$0x3FAB] =	sst s1  }
0xa: {  	[smem:$0x3FAC] =	sst s2  }
0xb: {  	[smem:$0x3FAD] =	sst s3  }
0xc: {  	[smem:$0x3FAE] =	sst s4  }
0xd: {  	[smem:$0x3FAF] =	sst s5  }
0xe: {  	[smem:$0x3FB0] =	sst s6  }
0xf: {  	[smem:$0x3FB1] =	sst s7  }
0x10: {  	[smem:$0x3FB2] =	sst s8  }
0x11: {  	[smem:$0x3FB3] =	sst s9;
	s0 =	simm.s32 @!p0 $0x0  }
0x12: {  	s1 =	sld [smem:$0x3F99];
	s0 =	simm.s32 @p0 $0x1  }
0x13: {  	[smem:$0x3FB4] =	sst s0;
	s0 =	simm.s32 @!p1 $0x0  }
0x14: {  	s2 =	sld [smem:$0x3F98];
	s0 =	simm.s32 @p1 $0x1  }
0x15: {  	[smem:$0x3FB5] =	sst s0;
	s0 =	simm.s32 @!p2 $0x0  }
0x16: {  	s3 =	sld [smem:$0x3FDB];
	s0 =	simm.s32 @p2 $0x1  }
0x17: {  	s4 =	simm.s32 $0x1BF5;
	[smem:$0x3FB7] =	sst s0  }
0x18: {  	s0 =	sld [smem:$0x3F9A];
	_ =	swait.ge [sflag:s4], $0x0  }
0x19: {  	s7 =	sld [smem:$0x3F9B]  }
0x1a: {  	s8 =	sadd.s32 $0xFFFFE003, lr  }
0x1b: {  	s9 =	sadd.s32 $0xFFFFFEF7, lr;
	s5 =	simm.s32 $0xFFFFFFFF;
	p2 =	slt.u32 s8, $0xFFFFF086  }
0x1c: {  	p1 =	slt.u32 s9, $0xF7A;
	s5 =	simm.s32 @!p2 $0x0  }
0x1d: {  	s5 =	simm.s32 @p1 $0x1;
	p0 =	seq.s32 s7, s2  }
0x1e: {  	s7 =	smul.u32 @!p0 $0xF7A, s2;
	p2 =	seq.s32 @!p0 s5, $0x0  }
0x1f: {  	s9 =	smul.u32 $0xF7A, s1;
	s8 =	simm.s32 @!p0 $0x1BF5;
	p2 =	por !p2, p0  }
0x20: {  	[sflag:s8] =	ssyncset.s32 @!p0 $0xFFFFF086;
	s6 =	sadd.s32 @!p0 s3, s7;
	s7 =	simm.s32 @!p0 $0x108  }
0x21: {  	s3 =	sadd.s32 s3, s9;
	s6 =	sadd.s32 @!p0 $0x88, s6;
	s7 =	simm.s32 @p2 $0x1082  }
0x22: {  	[simem:s7], [sflag:s8] =	dma.local @!p0 [hbm:s6], $0xF7A  }
0x23: {  	s9 =	sor.u32 $0xD0000000, s2;
	s6 =	simm.s32 $0x108;
	_ =	swait.ge @!p0 [sflag:s8], $0x0  }
0x24: {  	s3 =	sadd.s32 $0x88, s3;
	s6 =	simm.s32 @!p1 $0x1082;
	[sflag:s4] =	ssyncset.s32 $0xFFFFF086  }
0x25: {  	[simem:s6], [sflag:s4] =	dma.local [hbm:s3], $0xF7A  }
0x26: {  	[smem:$0x3F9B] =	sst s1;
	(tag) =	ssettag s2;
	_ =	strace s9  }
0x27: {  	s1 =	sld [smem:$0x3FAB]  }
0x28: {  	s2 =	sld [smem:$0x3FAC]  }
0x29: {  	s4 =	sld [smem:$0x3FAE]  }
0x2a: {  	p0 =	seq.s32 s5, $0x0;
	s5 =	sld [smem:$0x3FAF]  }
0x2b: {  	s6 =	sld [smem:$0x3FB0]  }
0x2c: {  	s7 =	sld [smem:$0x3FB1]  }
0x2d: {  	s3 =	simm.s32 $0x108;
	s8 =	sld [smem:$0x3FB2]  }
0x2e: {  	s3 =	simm.s32 @!p0 $0x1082;
	s9 =	sld [smem:$0x3FB3]  }
0x2f: {  	lr =	sadd.s32 s0, s3;
	s0 =	sld [smem:$0x3FAA]  }
0x30: {  	s3 =	sld [smem:$0x3FAD]  }
0x31: {  	[smem:$0x3FB6] =	sst s10  }
0x32: {  	s10 =	sld [smem:$0x3FB4];
	_ =	sdelay $0x3  }
0x33: {  	p0 =	seq.s32 s10, $0x1;
	s10 =	sld [smem:$0x3FB6];
	_ =	sdelay $0x3  }
0x34: {  	[smem:$0x3FB6] =	sst s10  }
0x35: {  	s10 =	sld [smem:$0x3FB5];
	_ =	sdelay $0x3  }
0x36: {  	p1 =	seq.s32 s10, $0x1;
	s10 =	sld [smem:$0x3FB6];
	_ =	sdelay $0x3  }
0x37: {  	[smem:$0x3FB6] =	sst s10  }
0x38: {  	s10 =	sld [smem:$0x3FB7]  }
0x39: {  	_ = 	snop;
	(pc) =	sbr.ind lr, $3  }
0x3a: {  	_ = 	snop  }
0x3b: {  	_ = 	snop  }
0x3c: {  	p2 =	seq.s32 s10, $0x1;
	s10 =	sld [smem:$0x3FB6]  }
0x3d: {  	_ =	shalt  }
0x3e: {  	_ =	shalt  }
0x3f: {  	_ =	shalt  }
0x40: {  	_ =	shalt  }
0x41: {  	_ =	shalt  }
0x42: {  	_ =	shalt  }
0x43: {  	_ =	shalt  }
0x44: {  	_ =	shalt  }
0x45: {  	_ =	shalt  }
0x46: {  	_ =	shalt  }
0x47: {  	_ =	shalt  }
0x48: {  	_ =	shalt  }
0x49: {  	_ =	shalt  }
0x4a: {  	_ =	shalt  }
0x4b: {  	_ =	shalt  }
0x4c: {  	_ =	shalt  }
0x4d: {  	_ =	shalt  }
0x4e: {  	_ =	shalt  }
0x4f: {  	_ =	shalt  }
0x50: {  	_ =	shalt  }
0x51: {  	_ =	shalt  }
0x52: {  	_ =	shalt  }
0x53: {  	_ =	shalt  }
0x54: {  	_ =	shalt  }
0x55: {  	_ =	shalt  }
0x56: {  	_ =	shalt  }
0x57: {  	_ =	shalt  }
0x58: {  	_ =	shalt  }
0x59: {  	_ =	shalt  }
0x5a: {  	_ =	shalt  }
0x5b: {  	_ =	shalt  }
0x5c: {  	_ =	shalt  }
0x5d: {  	_ =	shalt  }
0x5e: {  	_ =	shalt  }
0x5f: {  	_ =	shalt  }
0x60: {  	_ =	shalt  }
0x61: {  	_ =	shalt  }
0x62: {  	_ =	shalt  }
0x63: {  	_ =	shalt  }
0x64: {  	_ =	shalt  }
0x65: {  	_ =	shalt  }
0x66: {  	_ =	shalt  }
0x67: {  	_ =	shalt  }
0x68: {  	_ =	shalt  }
0x69: {  	_ =	shalt  }
0x6a: {  	_ =	shalt  }
0x6b: {  	_ =	shalt  }
0x6c: {  	_ =	shalt  }
0x6d: {  	_ =	shalt  }
0x6e: {  	_ =	shalt  }
0x6f: {  	_ =	shalt  }
0x70: {  	_ =	shalt  }
0x71: {  	_ =	shalt  }
0x72: {  	_ =	shalt  }
0x73: {  	_ =	shalt  }
0x74: {  	_ =	shalt  }
0x75: {  	_ =	shalt  }
0x76: {  	_ =	shalt  }
0x77: {  	_ =	shalt  }
0x78: {  	_ =	shalt  }
0x79: {  	_ =	shalt  }
0x7a: {  	_ =	shalt  }
0x7b: {  	_ =	shalt  }
0x7c: {  	_ =	shalt  }
0x7d: {  	_ =	shalt  }
0x7e: {  	_ =	shalt  }
0x7f: {  	_ =	shalt  }
0x80: {  	_ =	shalt  }
0x81: {  	_ =	shalt  }
0x82: {  	_ =	shalt  }
0x83: {  	_ =	shalt  }
0x84: {  	_ =	shalt  }
0x85: {  	_ =	shalt  }
0x86: {  	_ =	shalt  }
0x87: {  	_ =	shalt  }
.Lfunc_end0:
.L_simem_size_0:
called_computation.5_lowered:
.L_overlay_start_0:
0x88: {  	s2 =	sld [smem:$0x3FD9]  }
0x89: {  	s3 =	sld [smem:$0x3FFE];
	_ =	sdelay $0x1  }
0x8a: {  	s1 =	srdreg.scid  }
0x8b: {  	s0 =	sand.u32 $0x1, s1  }
0x8c: {  	s17 =	sshll.u32 s0, $0xA;
	s2 =	sadd.s32 s3, s2  }
0x8d: {  	s2 =	sadd.s32 s2, s17  }
0x8e: {  	[smem:$0x3FC2] =	sst s2  }
0x8f: {  	_ = 	snop  }
0x90: {  	(tm) =	ssettm $0x1  }
0x91: {  	s18 =	sld [smem:$0x3FFB];
	_ =	sdelay $0x3  }
0x92: {  	_ =	strace s18  }
0x93: {  	s2 =	sld [smem:$0x3FFC];
	_ =	sdelay $0x3  }
0x94: {  	_ =	strace s2  }
0x95: {  	s2 =	sld [smem:$0x3FFD];
	_ =	sdelay $0x3  }
0x96: {  	_ =	strace s2  }
0x97: {  	_ =	strace $0x8FFFFFFF  }
0x98: {  	s19 =	sld [smem:$0x3FDB];
	_ =	sdelay $0x1  }
0x99: {  	s20 =	simm.s32 $_scs_section_size  }
0x9a: {  	s4 =	simm.s32 $_size__tile_overlayer_lowered;
	s5 =	simm.s32 $_tile_overlayer_lowered  }
0x9b: {  	s6 =	simm.s32 $0x1BFF;
	s21 =	sshll.u32 s5, $0x1;
	s3 =	sadd.s32 s20, s19  }
0x9c: {  	s22 =	simm.s32 $0x0;
	s4 =	sshll.u32 s4, $0x1;
	s5 =	sadd.s32 s21, s3  }
0x9d: {  	[timem:s22], [sflag:s6] =	dma.local [hbm:s5], s4  }
0x9e: {  	_ =	swait.ge [sflag:s6], s4  }
0x9f: {  	s4 =	ssub.s32 $0x0, s4;
	[sflag:s6] =	ssyncset.done $0x0  }
0xa0: {  	[sflag:s6] =	ssyncadd.s32 s4;
	_ =	sdelay $0x1  }
0xa1: {  	s23 =	simm.s32 $0x1B8B  }
0xa2: {  	_ =	swait.ge [sflag:s23], $0x1  }
0xa3: {  	[sflag:s23] =	ssyncset.done $0x0  }
0xa4: {  	[sflag:s23] =	ssyncadd.s32 $0xFFFFFFFF  }
0xa5: {  	s4 =	sld [smem:$0x0]  }
0xa6: {  	s5 =	sand.u32 $0xFFFFFFFE, s1  }
0xa7: {  	p0 =	sne.s32 s1, s5  }
0xa8: {  	s5 =	sshll.u32 @p0 s5, $0xE  }
0xa9: {  	s5 =	sadd.s32 @p0 $0x11B8D, s5;
	s6 =	sshll.u32 @p0 s4, $0x11  }
0xaa: {  	s5 =	sor.u32 @p0 s6, s5  }
0xab: {  	[sflag:s5] =	ssyncadd.remote.s32 @p0 $0x1;
	_ =	sdelay $0x1  }
0xac: {  	s5 =	simm.s32 @p0 $0x1B8D  }
0xad: {  	_ =	swait.eq @p0 [sflag:s5], $0x1  }
0xae: {  	[sflag:s5] =	ssyncadd.s32 @p0 $0xFFFFFFFF  }
0xaf: {  	s6 =	sshll.u32 @!p0 s1, $0xE  }
0xb0: {  	s6 =	sor.u32 @!p0 $0x4000, s6;
	s5 =	simm.s32 @!p0 $0x1B8D  }
0xb1: {  	s4 =	sshll.u32 @!p0 s4, $0x11;
	s6 =	sadd.s32 @!p0 $0x11B8D, s6;
	_ =	swait.eq @!p0 [sflag:s5], $0x1  }
0xb2: {  	s4 =	sor.u32 @!p0 s4, s6;
	[sflag:s5] =	ssyncadd.s32 @!p0 $0xFFFFFFFF  }
0xb3: {  	s25 =	simm.s32 $0x1B8E;
	s24 =	sld [smem:$0x3FFE];
	[sflag:s4] =	ssyncadd.remote.s32 @!p0 $0x1  }
0xb4: {  	s26 =	simm.s32 $execute0_lowered;
	[smem:$0x3FD2] =	sst s25  }
0xb5: {  	s5 =	sshll.u32 s26, $0x1;
	_ =	strace $0x80000052;
	[dreg:$0x1] =	wrdreg $0xFFFFFFFF  }
0xb6: {  	s28 =	simm.s32 $_size_execute0_lowered;
	s3 =	sadd.s32 s3, s5;
	[dreg:$0x0] =	wrdreg $0x0  }
0xb7: {  	s5 =	sshll.u32 s28, $0x1;
	[dreg:$0x2] =	wrdreg s3  }
0xb8: {  	[dreg:$0x3] =	wrdreg s5  }
0xb9: {  	[dreg:$0x4] =	wrdreg $0xC0  }
0xba: {  	_ =	task [dreg:s22], $0x5FFFF  }
0xbb: {  	[dreg:$0x1] =	wrdreg $0xFFFFFFFF  }
0xbc: {  	[dreg:$0x0] =	wrdreg $0x60  }
0xbd: {  	[dreg:$0x2] =	wrdreg s24  }
0xbe: {  	[dreg:$0x3] =	wrdreg $0xA  }
0xbf: {  	_ =	task.clear_ibuf [dreg:s22], $0x4FFFF;
	_ =	strace $0x90000052  }
0xc0: {  	s29 =	simm.s32 $0xA;
	_ =	strace $0x80000054  }
0xc1: {  	_ =	swait.ge [sflag:s29], $0x1  }
0xc2: {  	[sflag:s29] =	ssyncadd.s32 $0xFFFFFFFF  }
0xc3: {  	_ =	strace $0x90000054  }
0xc4: {  	_ =	sfence  }
0xc5: {  	s30 =	sld [smem:$0x0];
	_ =	sdelay $0x2  }
0xc6: {  	s31 =	sshll.u32 s1, $0xD;
	s1 =	sshrl.u32 s1, $0x2  }
0xc7: {  	s4 =	sand.u32 $0x4000, s31;
	s1 =	sadd.s32 s1, s30  }
0xc8: {  	s0 =	sor.u32 s4, s0;
	s1 =	sshll.u32 s1, $0x11  }
0xc9: {  	s0 =	sor.u32 s1, s0  }
0xca: {  	s0 =	sadd.s32 $0x8F2B, s0  }
0xcb: {  	[sflag:s0] =	ssyncadd.remote.s32 $0x1  }
0xcc: {  	_ =	sfence.sel $0xFFFF  }
0xcd: {  	[dreg:$0x0] =	wrdreg $0xFFFFFFFF;
	(pc) =	sbr.abs _section_cstart, $3  }
0xce: {  	[dreg:$0x1] =	wrdreg $0xFFFFFFFF  }
0xcf: {  	_ =	task.clear_ibuf [dreg:s22], $0x2FFFF;
	_ =	strace $0x9FFFFFFF  }
0xd0: {  	(tm) =	ssettm $0x7FFFFFFF  }
0xd1: {  	_ =	shalt  }
tec
execute0_lowered:
.L_overlay_start_1:
0x0: {  	(tag) =	ssettag $0x1  }
0x1: {  	s1 =	srdreg.scid;
	s0 =	stileid.u32  }
0x2: {  	s6 =	sand.u32 $0x1, s1;
	s30 =	sshll.u32 s0, $0x1  }
0x3: {  	s8 =	rddreg [dreg:$0x0];
	s7 =	sor.u32 s6, s30  }
0x4: {  	s2 =	simm.s32 $0x0;
	s1 =	rddreg [dreg:$0x1];
	s3 =	smul.u32 $0x90, s7  }
0x5: {  	[smem:$0x7FF] =	sst s2;
	s5 =	sadd.s32 $0x1A000, s8  }
0x6: {  	_ =	strace $0x80000053;
	s10 =	ssub.s32 $0x2, s6;
	s3 =	sadd.s32 s3, s8  }
0x7: {  	s6 =	simm.s32 $0x480;
	s4 =	sadd.s32 $0x2E00, s3;
	s3 =	simm.s32 $0x2  }
0x8: {  	[tilespmem:s2], [sflag:$0x2] =	stream.linear.gather [hbm4b:s4+s2], $0x480, $0x38;
	[tilespmem:$0x4C80] =	vst v63  }
0x9: {  	s9 =	smul.u32 $0x900, s7;
	s11 =	sshrl.u32 s10, $0x1;
	_ =	swait.ge [sflag:s3], $0x480  }
0xa: {  	s7 =	simm.s32 $0x1;
	s31 =	ssub.s32 s10, s11;
	[sflag:s3] =	ssyncset.done $0x0  }
0xb: {  	s8 =	sadd.s32 s9, s8;
	s9 =	smax.u32 s31, $0x1;
	[sflag:s3] =	ssyncadd.s32 $0xFFFFFB80  }
0xc: {  	[tilespmem:s6], [sflag:$0x1] =	stream.indirect.gather [hbm4b:s5+s6], $0x10, s2, s6, $0xb8;
	[tilespmem:$0x4C80] =	vst v63  }
0xd: {  	p0 =	sne.s32 s9, $0x1;
	_ =	swait.ge [sflag:s7], $0x4800  }
.Ltmp0:
0xe: {  	[sflag:s7] =	ssyncset.done $0x0;
	(pc) =	sbr.rel @!p0 .LBB2_2-.Ltmp0, $4  }
0xf: {  	s8 =	sadd.s32 $0x2C000, s8;
	[sflag:s7] =	ssyncadd.s32 $0xFFFFB800  }
0x10: {  	[hbm4b:s8+s2] =	stream.linear.scatter [tilespmem:s6], [sflag:$0x2], $0x4800, $0x38;
	[tilespmem:$0x4C80] =	vst v63  }
0x11: {  	_ =	swait.ge [sflag:s3], $0x4800  }
0x12: {  	s9 =	sadd.s32 $0xFFFFFFFF, s9;
	[sflag:s3] =	ssyncset.done $0x0  }
.LBB2_1:
0x13: {  	p0 =	sne.s32 s9, $0x1;
	s9 =	sadd.s32 $0xFFFFFFFF, s9;
	[sflag:s3] =	ssyncadd.s32 $0xFFFFB800  }
0x14: {  	[tilespmem:s2], [sflag:$0x2] =	stream.linear.gather [hbm4b:s4+s2], $0x480, $0x38;
	[tilespmem:$0x4C80] =	vst v63  }
0x15: {  	_ =	swait.ge [sflag:s3], $0x480  }
0x16: {  	[sflag:s3] =	ssyncset.done $0x0  }
0x17: {  	[sflag:s3] =	ssyncadd.s32 $0xFFFFFB80  }
0x18: {  	[tilespmem:s6], [sflag:$0x1] =	stream.indirect.gather [hbm4b:s5+s6], $0x10, s2, s6, $0xb8;
	[tilespmem:$0x4C80] =	vst v63  }
0x19: {  	_ =	swait.ge [sflag:s7], $0x4800  }
.Ltmp1:
0x1a: {  	[sflag:s7] =	ssyncset.done $0x0;
	(pc) =	sbr.rel @p0 .LBB2_1-.Ltmp1, $4  }
0x1b: {  	[sflag:s7] =	ssyncadd.s32 $0xFFFFB800  }
0x1c: {  	[hbm4b:s8+s2] =	stream.linear.scatter [tilespmem:s6], [sflag:$0x2], $0x4800, $0x38;
	[tilespmem:$0x4C80] =	vst v63  }
0x1d: {  	_ =	swait.ge [sflag:s3], $0x4800  }
0x1e: {  	[sflag:s3] =	ssyncset.done $0x0  }
.LBB2_2:
0x1f: {  	[sflag:s3] =	ssyncadd.s32 $0xFFFFB800  }
0x20: {  	_ =	sfence.sel $0x180000  }
0x21: {  	[bflag:$0x0] =	sbarrier.arrive $0xFFFF  }
0x22: {  	p0 =	sne.s32 s0, $0x0;
	_ =	strace $0x90000053  }
0x23: {  	s0 =	sadd.s32 @!p0 $0x100000, s1;
	[bflag:$0x2] =	sbarrier.arrive $0xFFFF  }
0x24: {  	[sflag:s0] =	ssyncadd.tile.s32 @!p0 $0x1;
	_ =	shalt  }
.Lfunc_end2:
_tile_overlayer_lowered:
.L_overlay_start_2:
0x25: {  	(tag) =	ssettag $0x2  }
0x26: {  	s0 =	rddreg [dreg:$0x0];
	s2 =	stileid.u32  }
0x27: {  	s1 =	rddreg [dreg:$0x1];
	p0 =	sne.s32 s2, $0x0  }
0x28: {  	s3 =	rddreg [dreg:$0x2];
	[bflag:$0x3] =	sbarrier.arrive $0xFFFF;
	s2 =	simm.s32 @!p0 $0x1C02  }
0x29: {  	[timem:s3], [sflag:s2] =	dma.local @!p0 [hbm:s0], s1  }
0x2a: {  	s0 =	simm.s32 @!p0 $0x2  }
0x2b: {  	_ =	swait.ge @!p0 [sflag:s0], s1  }
0x2c: {  	s1 =	ssub.s32 @!p0 $0x0, s1;
	[sflag:s0] =	ssyncset.done @!p0 $0x0  }
0x2d: {  	[sflag:s0] =	ssyncadd.s32 @!p0 s1  }
0x2e: {  	[bflag:$0x3] =	sbarrier.arrive $0xFFFF  }
0x2f: {  	_ =	shalt  }

</sc_bundles>
